<compile_context>
chip_gen: v7x
topology: tpu7x:2x2x1
jax: 0.10.2.dev20260603
libtpu: 0.0.44.dev20260713+nightly
codegen_flags: <defaults>
</compile_context>

<pallas_src>
import jax
import jax.numpy as jnp
from jax import lax
from jax.experimental import pallas as pl
from jax.experimental.pallas import tpu as pltpu
from jax.experimental.pallas import tpu_sc as plsc

F = 128
N = 10000
MAX_NEIGH = 33
LANES = 16
NC = 2
NS = 16
NW = NC * NS
F_PER_W = F // NW
JPACK = (MAX_NEIGH + 1) // 2
CHUNK = 400
NCHUNKS = N // CHUNK
GROUPS = CHUNK // LANES
NPAIRS = (NCHUNKS - 1) // 2


def _sc_body(x_hbm, nbc_hbm, w_hbm, out_hbm,
             x_t, xp_t, idx0, idx1, out0, out1, w_t,
             isem0, isem1, osem0, osem1):
    wid = lax.axis_index("s") * NC + lax.axis_index("c")
    f0 = wid * F_PER_W
    npairs_f = F_PER_W // 2

    idx_t = (idx0, idx1)
    out_t = (out0, out1)
    isem = (isem0, isem1)
    osem = (osem0, osem1)

    pltpu.async_copy(nbc_hbm.at[0], idx0, isem0)
    pltpu.async_copy(nbc_hbm.at[1], idx1, isem1)
    pltpu.sync_copy(x_hbm.at[0, pl.ds(f0, F_PER_W)], x_t)
    pltpu.sync_copy(w_hbm, w_t)
    w0 = w_t[0, :]
    w1 = w_t[1, :]

    def packrow(base, carry):
        for p in range(npairs_f):
            a = x_t[2 * p, pl.ds(base, LANES)]
            b = x_t[2 * p + 1, pl.ds(base, LANES)]
            pk = plsc.pack(a, b, format=plsc.PackFormat.INTERLEAVED)
            xp_t[p, pl.ds(base, LANES)] = plsc.bitcast(pk, jnp.int32)
        return carry

    plsc.parallel_loop(0, N, LANES, unroll=1, carry=jnp.int32(0))(packrow)

    def compute_chunk(ci, ib, ob):
        c0 = ci * CHUNK

        def group(base, carry):
            words = [ib[j2, pl.ds(base, LANES)] for j2 in range(JPACK)]
            idxv = []
            for j2 in range(JPACK):
                idxv.append(words[j2] & 0xFFFF)
                if 2 * j2 + 1 < MAX_NEIGH:
                    idxv.append(lax.shift_right_logical(words[j2], 16))
            for p in range(npairs_f):
                pvec = jnp.full((LANES,), p, jnp.int32)

                def gat(j):
                    word = plsc.load_gather(xp_t, [pvec, idxv[j]])
                    return plsc.bitcast(word, jnp.bfloat16)

                acc_a = gat(0)
                acc_b = gat(1)
                for j in range(2, MAX_NEIGH):
                    if j % 2 == 0:
                        acc_a = jnp.maximum(acc_a, gat(j))
                    else:
                        acc_b = jnp.maximum(acc_b, gat(j))
                m_lo, m_hi = plsc.unpack(
                    jnp.maximum(acc_a, acc_b), format=plsc.PackFormat.INTERLEAVED
                )
                sw = xp_t[p, pl.ds(c0 + base, LANES)]
                xs_lo, xs_hi = plsc.unpack(
                    plsc.bitcast(sw, jnp.bfloat16), format=plsc.PackFormat.INTERLEAVED
                )
                for s, m, xs in ((0, m_lo, xs_lo), (1, m_hi, xs_hi)):
                    f = 2 * p + s
                    ob[f, pl.ds(base, LANES)] = w0 * xs + w1 * m
            return carry

        plsc.parallel_loop(0, CHUNK, LANES, unroll=1, carry=jnp.int32(0))(group)

    def store_chunk(ci, ob, sem):
        c0 = ci * CHUNK
        for f in range(F_PER_W):
            pltpu.async_copy(ob.at[f], out_hbm.at[0, f0 + f, pl.ds(c0, CHUNK)], sem)

    def drain_store(ob, sem):
        for f in range(F_PER_W):
            pltpu.make_async_copy(ob.at[f], out_hbm.at[0, f0 + f, pl.ds(0, CHUNK)], sem).wait()

    def pair(i, carry):
        for par in (0, 1):
            ci = 2 * i + par
            pltpu.make_async_copy(nbc_hbm.at[0], idx_t[par], isem[par]).wait()
            @pl.when(i >= 1)
            def _():
                drain_store(out_t[par], osem[par])
            compute_chunk(ci, idx_t[par], out_t[par])
            if par == 0:
                pltpu.async_copy(nbc_hbm.at[ci + 2], idx_t[0], isem[0])
            else:
                @pl.when(i < NPAIRS - 1)
                def _():
                    pltpu.async_copy(nbc_hbm.at[ci + 2], idx_t[1], isem[1])
            store_chunk(ci, out_t[par], osem[par])
        return carry

    lax.fori_loop(0, NPAIRS, pair, 0, unroll=False)

    ci = NCHUNKS - 1
    pltpu.make_async_copy(nbc_hbm.at[0], idx_t[0], isem[0]).wait()
    drain_store(out_t[0], osem[0])
    compute_chunk(ci, idx_t[0], out_t[0])
    store_chunk(ci, out_t[0], osem[0])
    drain_store(out_t[0], osem[0])
    drain_store(out_t[1], osem[1])


@jax.jit
def _run(x3, nbc, w2):
    mesh = plsc.VectorSubcoreMesh(
        core_axis_name="c", subcore_axis_name="s", num_cores=NC, num_subcores=NS
    )
    k = pl.kernel(
        _sc_body,
        out_type=jax.ShapeDtypeStruct((1, F, N), jnp.float32),
        mesh=mesh,
        scratch_types=[
            pltpu.VMEM((F_PER_W, N), jnp.float32),
            pltpu.VMEM((F_PER_W // 2, N), jnp.int32),
            pltpu.VMEM((JPACK, CHUNK), jnp.int32),
            pltpu.VMEM((JPACK, CHUNK), jnp.int32),
            pltpu.VMEM((F_PER_W, CHUNK), jnp.float32),
            pltpu.VMEM((F_PER_W, CHUNK), jnp.float32),
            pltpu.VMEM((2, LANES), jnp.float32),
            pltpu.SemaphoreType.DMA,
            pltpu.SemaphoreType.DMA,
            pltpu.SemaphoreType.DMA,
            pltpu.SemaphoreType.DMA,
        ],
        compiler_params=pltpu.CompilerParams(
            use_tc_tiling_on_sc=False, needs_layout_passes=False
        ),
    )
    return k(x3, nbc, w2)


def kernel(x, neighborhood, weight):
    nb34 = jnp.concatenate([neighborhood, neighborhood[:, -1:]], axis=1)
    nb17 = jax.lax.bitcast_convert_type(
        nb34.astype(jnp.uint16).reshape(N, JPACK, 2), jnp.int32
    )
    nbc = nb17.reshape(NCHUNKS, CHUNK, JPACK).transpose(0, 2, 1)
    w2 = jnp.broadcast_to(weight.reshape(2, 1), (2, LANES))
    return _run(x, nbc, w2)

# --- scband reference (transcript-rebuilt; emitter-appended) ---
"""Pipeline reference for scband-max-local-activation-506806141061 (READ-ONLY COPY).

The authoritative reference and input builder live on the scoring server;
editing this copy changes nothing except your own understanding.
"""

import jax, jax.numpy as jnp
import numpy as np

B = 1
F = 128
N = 10000
MAX_NEIGH = 33
K = 1


def setup_inputs(seed: int = 0) -> dict:
    key = jax.random.key(seed)
    k1, k2, k3 = jax.random.split(key, 3)
    x = jax.random.normal(k1, (B, F, N), dtype=jnp.float32)
    # neighborhood[n, j] = index of j-th (padded) 1-hop neighbor of node n (self included)
    neighborhood = jax.random.randint(k2, (N, MAX_NEIGH), 0, N, dtype=jnp.int32)
    # learned parameter: weight shape (1, K+1), uniform(-1/sqrt(K), 1/sqrt(K))
    stdv = 1.0 / np.sqrt(K)
    weight = jax.random.uniform(k3, (1, K + 1), minval=-stdv, maxval=stdv, dtype=jnp.float32)
    return {"x": x, "neighborhood": neighborhood, "weight": weight}


def reference(x, neighborhood, weight):
    batchSize, dimNodeSignals, n_nodes = x.shape
    xK = x[..., None]  # [B, F, N, 1]
    # K hops of localized max: gather neighbor values then max over neighborhood
    for k in range(K):
        # xNeighbors[b, f, n, j] = x[b, f, neighborhood[n, j]]
        xNeighbors = jnp.take(x, neighborhood, axis=2)  # [B, F, N, MAX_NEIGH]
        v = jnp.max(xNeighbors, axis=3, keepdims=True)  # [B, F, N, 1]
        xK = jnp.concatenate([xK, v], axis=3)  # [B, F, N, k+2]
    # out = xK @ weight^T per node: weight [1, K+1] -> [1, K+1, 1]
    out = jnp.matmul(xK, weight[..., None])  # [B, F, N, 1]
    out = out.reshape(batchSize, dimNodeSignals, n_nodes)
    return out

if __name__ == "__main__":
    import jax
    _d = setup_inputs()
    print(jax.jit(kernel)(*tuple(_d.values())))

</pallas_src>

<mosaic_0001>
#map = affine_map<(d0, d1) -> (0, 0, 0)>
#map1 = affine_map<(d0, d1) -> (0, 0)>
module attributes {stable_mosaic.version = 14 : i64} {
  func.func @_sc_body(%arg0: i32, %arg1: i32, %arg2: memref<1x128x10000xf32, #tpu.memory_space<hbm>>, %arg3: memref<25x17x400xi32, #tpu.memory_space<hbm>>, %arg4: memref<2x16xf32, #tpu.memory_space<hbm>>, %arg5: memref<1x128x10000xf32, #tpu.memory_space<hbm>>, %arg6: memref<4x10000xf32, #tpu.memory_space<vmem>>, %arg7: memref<2x10000xi32, #tpu.memory_space<vmem>>, %arg8: memref<17x400xi32, #tpu.memory_space<vmem>>, %arg9: memref<17x400xi32, #tpu.memory_space<vmem>>, %arg10: memref<4x400xf32, #tpu.memory_space<vmem>>, %arg11: memref<4x400xf32, #tpu.memory_space<vmem>>, %arg12: memref<2x16xf32, #tpu.memory_space<vmem>>, %arg13: memref<!tpu.dma_semaphore, #tpu.memory_space<semaphore_mem>>, %arg14: memref<!tpu.dma_semaphore, #tpu.memory_space<semaphore_mem>>, %arg15: memref<!tpu.dma_semaphore, #tpu.memory_space<semaphore_mem>>, %arg16: memref<!tpu.dma_semaphore, #tpu.memory_space<semaphore_mem>>) attributes {dimension_semantics = [#tpu.dimension_semantics<core_parallel>, #tpu.dimension_semantics<subcore_parallel>], iteration_bounds = array<i64: 2, 16>, scalar_prefetch = 0 : i64, scratch_operands = 11 : i64, tpu.core_type = #tpu.core_type<sc_vector_subcore>, window_params = [{transform_indices = #map}, {transform_indices = #map}, {transform_indices = #map1}, {transform_indices = #map}]} {
    %mul3A = arith.constant 2 : i32
    %mul3A_0 = arith.muli %arg1, %mul3A : i32
    %add3A = arith.addi %mul3A_0, %arg0 : i32
    %mul3A_1 = arith.constant 4 : i32
    %mul3A_2 = arith.muli %add3A, %mul3A_1 : i32
    %dma_start3A = arith.constant 0 : i32
    %dma_start3A_3 = arith.constant 0 : i32
    %dma_start3A_4 = arith.constant 0 : i32
    %dma_start3A_5 = tpu.memref_slice %arg3[%dma_start3A, %dma_start3A_3, %dma_start3A_4] : memref<25x17x400xi32, #tpu.memory_space<hbm>> -> memref<1x17x400xi32, #tpu.memory_space<hbm>>
    %dma_start3A_6 = tpu.memref_squeeze %dma_start3A_5 : memref<1x17x400xi32, #tpu.memory_space<hbm>> -> memref<17x400xi32, #tpu.memory_space<hbm>>
    %dma_start3A_7 = arith.constant 0 : i32
    %dma_start3A_8 = arith.constant 0 : i32
    %dma_start3A_9 = tpu.memref_slice %arg3[%dma_start3A, %dma_start3A_7, %dma_start3A_8] : memref<25x17x400xi32, #tpu.memory_space<hbm>> -> memref<1x17x400xi32, #tpu.memory_space<hbm>>
    %dma_start3A_10 = tpu.memref_squeeze %dma_start3A_9 : memref<1x17x400xi32, #tpu.memory_space<hbm>> -> memref<17x400xi32, #tpu.memory_space<hbm>>
    tpu.enqueue_dma source(%dma_start3A_10 : memref<17x400xi32, #tpu.memory_space<hbm>>) target(%arg8 : memref<17x400xi32, #tpu.memory_space<vmem>>) target_semaphore(%arg13 : memref<!tpu.dma_semaphore, #tpu.memory_space<semaphore_mem>>)
    %dma_start3A_11 = arith.constant 1 : i32
    %dma_start3A_12 = arith.constant 0 : i32
    %dma_start3A_13 = arith.constant 0 : i32
    %dma_start3A_14 = tpu.memref_slice %arg3[%dma_start3A_11, %dma_start3A_12, %dma_start3A_13] : memref<25x17x400xi32, #tpu.memory_space<hbm>> -> memref<1x17x400xi32, #tpu.memory_space<hbm>>
    %dma_start3A_15 = tpu.memref_squeeze %dma_start3A_14 : memref<1x17x400xi32, #tpu.memory_space<hbm>> -> memref<17x400xi32, #tpu.memory_space<hbm>>
    %dma_start3A_16 = arith.constant 0 : i32
    %dma_start3A_17 = arith.constant 0 : i32
    %dma_start3A_18 = tpu.memref_slice %arg3[%dma_start3A_11, %dma_start3A_16, %dma_start3A_17] : memref<25x17x400xi32, #tpu.memory_space<hbm>> -> memref<1x17x400xi32, #tpu.memory_space<hbm>>
    %dma_start3A_19 = tpu.memref_squeeze %dma_start3A_18 : memref<1x17x400xi32, #tpu.memory_space<hbm>> -> memref<17x400xi32, #tpu.memory_space<hbm>>
    tpu.enqueue_dma source(%dma_start3A_19 : memref<17x400xi32, #tpu.memory_space<hbm>>) target(%arg9 : memref<17x400xi32, #tpu.memory_space<vmem>>) target_semaphore(%arg14 : memref<!tpu.dma_semaphore, #tpu.memory_space<semaphore_mem>>)
    %run_scoped3A = arith.constant 0 : i32
    "tpu.region"() ({
      %run_scoped3A_305 = tpu.sem_alloc : memref<!tpu.dma_semaphore, #tpu.memory_space<semaphore_mem>>
      %dma_start3A_306 = arith.constant 0 : i32
      %dma_start3A_307 = tpu.memref_slice %arg2[%run_scoped3A, %mul3A_2, %dma_start3A_306] : memref<1x128x10000xf32, #tpu.memory_space<hbm>> -> memref<1x4x10000xf32, #tpu.memory_space<hbm>>
      %dma_start3A_308 = tpu.memref_squeeze %dma_start3A_307 : memref<1x4x10000xf32, #tpu.memory_space<hbm>> -> memref<4x10000xf32, #tpu.memory_space<hbm>>
      %dma_start3A_309 = arith.constant 0 : i32
      %dma_start3A_310 = tpu.memref_slice %arg2[%run_scoped3A, %mul3A_2, %dma_start3A_309] : memref<1x128x10000xf32, #tpu.memory_space<hbm>> -> memref<1x4x10000xf32, #tpu.memory_space<hbm>>
      %dma_start3A_311 = tpu.memref_squeeze %dma_start3A_310 : memref<1x4x10000xf32, #tpu.memory_space<hbm>> -> memref<4x10000xf32, #tpu.memory_space<hbm>>
      tpu.enqueue_dma source(%dma_start3A_311 : memref<4x10000xf32, #tpu.memory_space<hbm>>) target(%arg6 : memref<4x10000xf32, #tpu.memory_space<vmem>>) target_semaphore(%run_scoped3A_305 : memref<!tpu.dma_semaphore, #tpu.memory_space<semaphore_mem>>)
      %dma_wait3A_312 = arith.constant 0 : i32
      %dma_wait3A_313 = tpu.memref_slice %arg2[%run_scoped3A, %mul3A_2, %dma_wait3A_312] : memref<1x128x10000xf32, #tpu.memory_space<hbm>> -> memref<1x4x10000xf32, #tpu.memory_space<hbm>>
      %dma_wait3A_314 = tpu.memref_squeeze %dma_wait3A_313 : memref<1x4x10000xf32, #tpu.memory_space<hbm>> -> memref<4x10000xf32, #tpu.memory_space<hbm>>
      %dma_wait3A_315 = arith.constant 0 : i32
      %dma_wait3A_316 = tpu.memref_slice %arg2[%run_scoped3A, %mul3A_2, %dma_wait3A_315] : memref<1x128x10000xf32, #tpu.memory_space<hbm>> -> memref<1x4x10000xf32, #tpu.memory_space<hbm>>
      %dma_wait3A_317 = tpu.memref_squeeze %dma_wait3A_316 : memref<1x4x10000xf32, #tpu.memory_space<hbm>> -> memref<4x10000xf32, #tpu.memory_space<hbm>>
      tpu.wait_dma2 semaphore(%run_scoped3A_305 : memref<!tpu.dma_semaphore, #tpu.memory_space<semaphore_mem>>) src(%dma_wait3A_317 : memref<4x10000xf32, #tpu.memory_space<hbm>>) dst(%arg6 : memref<4x10000xf32, #tpu.memory_space<vmem>>)
      tpu.yield
    }) : () -> ()
    "tpu.region"() ({
      %run_scoped3A_305 = tpu.sem_alloc : memref<!tpu.dma_semaphore, #tpu.memory_space<semaphore_mem>>
      tpu.enqueue_dma source(%arg4 : memref<2x16xf32, #tpu.memory_space<hbm>>) target(%arg12 : memref<2x16xf32, #tpu.memory_space<vmem>>) target_semaphore(%run_scoped3A_305 : memref<!tpu.dma_semaphore, #tpu.memory_space<semaphore_mem>>)
      tpu.wait_dma2 semaphore(%run_scoped3A_305 : memref<!tpu.dma_semaphore, #tpu.memory_space<semaphore_mem>>) src(%arg4 : memref<2x16xf32, #tpu.memory_space<hbm>>) dst(%arg12 : memref<2x16xf32, #tpu.memory_space<vmem>>)
      tpu.yield
    }) : () -> ()
    %get3A = arith.constant 0 : i32
    %get3A_20 = arith.index_cast %get3A : i32 to index
    %get3A_21 = arith.constant 0 : index
    %get3A_22 = tpu.vector_load %arg12[%get3A_20, %get3A_21] {strides = array<i32>} : memref<2x16xf32, #tpu.memory_space<vmem>>, vector<16xf32>,
    %get3A_23 = arith.constant 1 : i32
    %get3A_24 = arith.index_cast %get3A_23 : i32 to index
    %get3A_25 = arith.constant 0 : index
    %get3A_26 = tpu.vector_load %arg12[%get3A_24, %get3A_25] {strides = array<i32>} : memref<2x16xf32, #tpu.memory_space<vmem>>, vector<16xf32>,
    %parallel_loop3A = arith.constant 0 : i32
    %parallel_loop3A_27 = arith.constant 10000 : i32
    %parallel_loop3A_28 = arith.constant 16 : i32
    %parallel_loop3A_29 = arith.constant 0 : i32
    %parallel_loop3A_30 = scf.for %parallel_loop3A_305 = %parallel_loop3A to %parallel_loop3A_27 step %parallel_loop3A_28 iter_args(%parallel_loop3A_306 = %parallel_loop3A_29) -> (i32)  : i32 {
      %parallel_loop3A_307 = arith.constant 0 : i32
      %parallel_loop3A_308 = arith.index_cast %parallel_loop3A_307 : i32 to index
      %parallel_loop3A_309 = arith.index_cast %parallel_loop3A_305 : i32 to index
      %parallel_loop3A_310 = tpu.vector_load %arg6[%parallel_loop3A_308, %parallel_loop3A_309] {strides = array<i32>} : memref<4x10000xf32, #tpu.memory_space<vmem>>, vector<16xf32>,
      %parallel_loop3A_311 = arith.constant 1 : i32
      %parallel_loop3A_312 = arith.index_cast %parallel_loop3A_311 : i32 to index
      %parallel_loop3A_313 = arith.index_cast %parallel_loop3A_305 : i32 to index
      %parallel_loop3A_314 = tpu.vector_load %arg6[%parallel_loop3A_312, %parallel_loop3A_313] {strides = array<i32>} : memref<4x10000xf32, #tpu.memory_space<vmem>>, vector<16xf32>,
      %parallel_loop3A_315 = tpu.pack_subelements %parallel_loop3A_310, %parallel_loop3A_314 {pack_format = #tpu.pack_format<interleaved>, positions = array<i32: 0, 1>} : vector<16xf32>, vector<16xf32> -> vector<32xbf16>
      %parallel_loop3A_316 = vector.bitcast %parallel_loop3A_315 : vector<32xbf16> to vector<16xi32>
      %parallel_loop3A_317 = arith.constant 0 : i32
      %parallel_loop3A_318 = arith.index_cast %parallel_loop3A_317 : i32 to index
      %parallel_loop3A_319 = arith.index_cast %parallel_loop3A_305 : i32 to index
      %parallel_loop3A_320 = tpu.vector_load %arg7[%parallel_loop3A_318, %parallel_loop3A_319] {strides = array<i32>} : memref<2x10000xi32, #tpu.memory_space<vmem>>, vector<16xi32>,
      tpu.vector_store %arg7[%parallel_loop3A_318, %parallel_loop3A_319], %parallel_loop3A_316 {strides = array<i32>} : memref<2x10000xi32, #tpu.memory_space<vmem>>, vector<16xi32>,
      %parallel_loop3A_321 = arith.constant 2 : i32
      %parallel_loop3A_322 = arith.index_cast %parallel_loop3A_321 : i32 to index
      %parallel_loop3A_323 = arith.index_cast %parallel_loop3A_305 : i32 to index
      %parallel_loop3A_324 = tpu.vector_load %arg6[%parallel_loop3A_322, %parallel_loop3A_323] {strides = array<i32>} : memref<4x10000xf32, #tpu.memory_space<vmem>>, vector<16xf32>,
      %parallel_loop3A_325 = arith.constant 3 : i32
      %parallel_loop3A_326 = arith.index_cast %parallel_loop3A_325 : i32 to index
      %parallel_loop3A_327 = arith.index_cast %parallel_loop3A_305 : i32 to index
      %parallel_loop3A_328 = tpu.vector_load %arg6[%parallel_loop3A_326, %parallel_loop3A_327] {strides = array<i32>} : memref<4x10000xf32, #tpu.memory_space<vmem>>, vector<16xf32>,
      %parallel_loop3A_329 = tpu.pack_subelements %parallel_loop3A_324, %parallel_loop3A_328 {pack_format = #tpu.pack_format<interleaved>, positions = array<i32: 0, 1>} : vector<16xf32>, vector<16xf32> -> vector<32xbf16>
      %parallel_loop3A_330 = vector.bitcast %parallel_loop3A_329 : vector<32xbf16> to vector<16xi32>
      %parallel_loop3A_331 = arith.constant 1 : i32
      %parallel_loop3A_332 = arith.index_cast %parallel_loop3A_331 : i32 to index
      %parallel_loop3A_333 = arith.index_cast %parallel_loop3A_305 : i32 to index
      %parallel_loop3A_334 = tpu.vector_load %arg7[%parallel_loop3A_332, %parallel_loop3A_333] {strides = array<i32>} : memref<2x10000xi32, #tpu.memory_space<vmem>>, vector<16xi32>,
      tpu.vector_store %arg7[%parallel_loop3A_332, %parallel_loop3A_333], %parallel_loop3A_330 {strides = array<i32>} : memref<2x10000xi32, #tpu.memory_space<vmem>>, vector<16xi32>,
      scf.yield %parallel_loop3A_306 : i32
    } {sc.loop_unroll_factor = 1 : i64, sc.parallel_access}
    %scan3A = arith.constant 0 : i32
    %scan3A_31 = arith.constant 0 : i32
    %scan3A_32 = arith.constant 12 : i32
    %scan3A_33 = arith.addi %scan3A_31, %scan3A_32 : i32
    %scan3A_34 = arith.constant 1 : i32
    scf.for %scan3A_305 = %scan3A_31 to %scan3A_33 step %scan3A_34  : i32 {
      %mul3A_306 = arith.constant 2 : i32
      %mul3A_307 = arith.muli %mul3A_306, %scan3A_305 : i32
      %add3A_308 = arith.constant 0 : i32
      %add3A_309 = arith.addi %mul3A_307, %add3A_308 : i32
      %dma_wait3A_310 = arith.constant 0 : i32
      %dma_wait3A_311 = arith.constant 0 : i32
      %dma_wait3A_312 = arith.constant 0 : i32
      %dma_wait3A_313 = tpu.memref_slice %arg3[%dma_wait3A_310, %dma_wait3A_311, %dma_wait3A_312] : memref<25x17x400xi32, #tpu.memory_space<hbm>> -> memref<1x17x400xi32, #tpu.memory_space<hbm>>
      %dma_wait3A_314 = tpu.memref_squeeze %dma_wait3A_313 : memref<1x17x400xi32, #tpu.memory_space<hbm>> -> memref<17x400xi32, #tpu.memory_space<hbm>>
      %dma_wait3A_315 = arith.constant 0 : i32
      %dma_wait3A_316 = arith.constant 0 : i32
      %dma_wait3A_317 = tpu.memref_slice %arg3[%dma_wait3A_310, %dma_wait3A_315, %dma_wait3A_316] : memref<25x17x400xi32, #tpu.memory_space<hbm>> -> memref<1x17x400xi32, #tpu.memory_space<hbm>>
      %dma_wait3A_318 = tpu.memref_squeeze %dma_wait3A_317 : memref<1x17x400xi32, #tpu.memory_space<hbm>> -> memref<17x400xi32, #tpu.memory_space<hbm>>
      tpu.wait_dma2 semaphore(%arg13 : memref<!tpu.dma_semaphore, #tpu.memory_space<semaphore_mem>>) src(%dma_wait3A_318 : memref<17x400xi32, #tpu.memory_space<hbm>>) dst(%arg8 : memref<17x400xi32, #tpu.memory_space<vmem>>)
      %ge3A = arith.constant 1 : i32
      %ge3A_319 = arith.cmpi sge, %scan3A_305, %ge3A : i32
      %convert_element_type3A = arith.extui %ge3A_319 : i1 to i32
      %cond3A = arith.constant 0 : i32
      %cond3A_320 = arith.cmpi ne, %convert_element_type3A, %cond3A : i32
      scf.if %cond3A_320 {
        %add3A_483 = arith.constant 0 : i32
        %add3A_484 = arith.addi %mul3A_2, %add3A_483 : i32
        %dma_wait3A_485 = arith.constant 0 : i32
        %dma_wait3A_486 = arith.constant 0 : i32
        %dma_wait3A_487 = arith.constant 0 : i32
        %dma_wait3A_488 = tpu.memref_slice %arg10[%dma_wait3A_485, %dma_wait3A_487] : memref<4x400xf32, #tpu.memory_space<vmem>> -> memref<1x400xf32, #tpu.memory_space<vmem>>
        %dma_wait3A_489 = tpu.memref_squeeze %dma_wait3A_488 : memref<1x400xf32, #tpu.memory_space<vmem>> -> memref<400xf32, #tpu.memory_space<vmem>>
        %dma_wait3A_490 = arith.constant 0 : i32
        %dma_wait3A_491 = tpu.memref_slice %arg5[%dma_wait3A_486, %add3A_484, %dma_wait3A_490] : memref<1x128x10000xf32, #tpu.memory_space<hbm>> -> memref<1x1x400xf32, #tpu.memory_space<hbm>>
        %dma_wait3A_492 = tpu.memref_squeeze %dma_wait3A_491 : memref<1x1x400xf32, #tpu.memory_space<hbm>> -> memref<400xf32, #tpu.memory_space<hbm>>
        %dma_wait3A_493 = arith.constant 0 : i32
        %dma_wait3A_494 = tpu.memref_slice %arg5[%dma_wait3A_486, %add3A_484, %dma_wait3A_493] : memref<1x128x10000xf32, #tpu.memory_space<hbm>> -> memref<1x1x400xf32, #tpu.memory_space<hbm>>
        %dma_wait3A_495 = tpu.memref_squeeze %dma_wait3A_494 : memref<1x1x400xf32, #tpu.memory_space<hbm>> -> memref<400xf32, #tpu.memory_space<hbm>>
        %dma_wait3A_496 = arith.constant 0 : i32
        %dma_wait3A_497 = tpu.memref_slice %arg10[%dma_wait3A_485, %dma_wait3A_496] : memref<4x400xf32, #tpu.memory_space<vmem>> -> memref<1x400xf32, #tpu.memory_space<vmem>>
        %dma_wait3A_498 = tpu.memref_squeeze %dma_wait3A_497 : memref<1x400xf32, #tpu.memory_space<vmem>> -> memref<400xf32, #tpu.memory_space<vmem>>
        tpu.wait_dma2 semaphore(%arg15 : memref<!tpu.dma_semaphore, #tpu.memory_space<semaphore_mem>>) src(%dma_wait3A_498 : memref<400xf32, #tpu.memory_space<vmem>>) dst(%dma_wait3A_495 : memref<400xf32, #tpu.memory_space<hbm>>)
        %add3A_499 = arith.constant 1 : i32
        %add3A_500 = arith.addi %mul3A_2, %add3A_499 : i32
        %dma_wait3A_501 = arith.constant 1 : i32
        %dma_wait3A_502 = arith.constant 0 : i32
        %dma_wait3A_503 = arith.constant 0 : i32
        %dma_wait3A_504 = tpu.memref_slice %arg10[%dma_wait3A_501, %dma_wait3A_503] : memref<4x400xf32, #tpu.memory_space<vmem>> -> memref<1x400xf32, #tpu.memory_space<vmem>>
        %dma_wait3A_505 = tpu.memref_squeeze %dma_wait3A_504 : memref<1x400xf32, #tpu.memory_space<vmem>> -> memref<400xf32, #tpu.memory_space<vmem>>
        %dma_wait3A_506 = arith.constant 0 : i32
        %dma_wait3A_507 = tpu.memref_slice %arg5[%dma_wait3A_502, %add3A_500, %dma_wait3A_506] : memref<1x128x10000xf32, #tpu.memory_space<hbm>> -> memref<1x1x400xf32, #tpu.memory_space<hbm>>
        %dma_wait3A_508 = tpu.memref_squeeze %dma_wait3A_507 : memref<1x1x400xf32, #tpu.memory_space<hbm>> -> memref<400xf32, #tpu.memory_space<hbm>>
        %dma_wait3A_509 = arith.constant 0 : i32
        %dma_wait3A_510 = tpu.memref_slice %arg5[%dma_wait3A_502, %add3A_500, %dma_wait3A_509] : memref<1x128x10000xf32, #tpu.memory_space<hbm>> -> memref<1x1x400xf32, #tpu.memory_space<hbm>>
        %dma_wait3A_511 = tpu.memref_squeeze %dma_wait3A_510 : memref<1x1x400xf32, #tpu.memory_space<hbm>> -> memref<400xf32, #tpu.memory_space<hbm>>
        %dma_wait3A_512 = arith.constant 0 : i32
        %dma_wait3A_513 = tpu.memref_slice %arg10[%dma_wait3A_501, %dma_wait3A_512] : memref<4x400xf32, #tpu.memory_space<vmem>> -> memref<1x400xf32, #tpu.memory_space<vmem>>
        %dma_wait3A_514 = tpu.memref_squeeze %dma_wait3A_513 : memref<1x400xf32, #tpu.memory_space<vmem>> -> memref<400xf32, #tpu.memory_space<vmem>>
        tpu.wait_dma2 semaphore(%arg15 : memref<!tpu.dma_semaphore, #tpu.memory_space<semaphore_mem>>) src(%dma_wait3A_514 : memref<400xf32, #tpu.memory_space<vmem>>) dst(%dma_wait3A_511 : memref<400xf32, #tpu.memory_space<hbm>>)
        %add3A_515 = arith.constant 2 : i32
        %add3A_516 = arith.addi %mul3A_2, %add3A_515 : i32
        %dma_wait3A_517 = arith.constant 2 : i32
        %dma_wait3A_518 = arith.constant 0 : i32
        %dma_wait3A_519 = arith.constant 0 : i32
        %dma_wait3A_520 = tpu.memref_slice %arg10[%dma_wait3A_517, %dma_wait3A_519] : memref<4x400xf32, #tpu.memory_space<vmem>> -> memref<1x400xf32, #tpu.memory_space<vmem>>
        %dma_wait3A_521 = tpu.memref_squeeze %dma_wait3A_520 : memref<1x400xf32, #tpu.memory_space<vmem>> -> memref<400xf32, #tpu.memory_space<vmem>>
        %dma_wait3A_522 = arith.constant 0 : i32
        %dma_wait3A_523 = tpu.memref_slice %arg5[%dma_wait3A_518, %add3A_516, %dma_wait3A_522] : memref<1x128x10000xf32, #tpu.memory_space<hbm>> -> memref<1x1x400xf32, #tpu.memory_space<hbm>>
        %dma_wait3A_524 = tpu.memref_squeeze %dma_wait3A_523 : memref<1x1x400xf32, #tpu.memory_space<hbm>> -> memref<400xf32, #tpu.memory_space<hbm>>
        %dma_wait3A_525 = arith.constant 0 : i32
        %dma_wait3A_526 = tpu.memref_slice %arg5[%dma_wait3A_518, %add3A_516, %dma_wait3A_525] : memref<1x128x10000xf32, #tpu.memory_space<hbm>> -> memref<1x1x400xf32, #tpu.memory_space<hbm>>
        %dma_wait3A_527 = tpu.memref_squeeze %dma_wait3A_526 : memref<1x1x400xf32, #tpu.memory_space<hbm>> -> memref<400xf32, #tpu.memory_space<hbm>>
        %dma_wait3A_528 = arith.constant 0 : i32
        %dma_wait3A_529 = tpu.memref_slice %arg10[%dma_wait3A_517, %dma_wait3A_528] : memref<4x400xf32, #tpu.memory_space<vmem>> -> memref<1x400xf32, #tpu.memory_space<vmem>>
        %dma_wait3A_530 = tpu.memref_squeeze %dma_wait3A_529 : memref<1x400xf32, #tpu.memory_space<vmem>> -> memref<400xf32, #tpu.memory_space<vmem>>
        tpu.wait_dma2 semaphore(%arg15 : memref<!tpu.dma_semaphore, #tpu.memory_space<semaphore_mem>>) src(%dma_wait3A_530 : memref<400xf32, #tpu.memory_space<vmem>>) dst(%dma_wait3A_527 : memref<400xf32, #tpu.memory_space<hbm>>)
        %add3A_531 = arith.constant 3 : i32
        %add3A_532 = arith.addi %mul3A_2, %add3A_531 : i32
        %dma_wait3A_533 = arith.constant 3 : i32
        %dma_wait3A_534 = arith.constant 0 : i32
        %dma_wait3A_535 = arith.constant 0 : i32
        %dma_wait3A_536 = tpu.memref_slice %arg10[%dma_wait3A_533, %dma_wait3A_535] : memref<4x400xf32, #tpu.memory_space<vmem>> -> memref<1x400xf32, #tpu.memory_space<vmem>>
        %dma_wait3A_537 = tpu.memref_squeeze %dma_wait3A_536 : memref<1x400xf32, #tpu.memory_space<vmem>> -> memref<400xf32, #tpu.memory_space<vmem>>
        %dma_wait3A_538 = arith.constant 0 : i32
        %dma_wait3A_539 = tpu.memref_slice %arg5[%dma_wait3A_534, %add3A_532, %dma_wait3A_538] : memref<1x128x10000xf32, #tpu.memory_space<hbm>> -> memref<1x1x400xf32, #tpu.memory_space<hbm>>
        %dma_wait3A_540 = tpu.memref_squeeze %dma_wait3A_539 : memref<1x1x400xf32, #tpu.memory_space<hbm>> -> memref<400xf32, #tpu.memory_space<hbm>>
        %dma_wait3A_541 = arith.constant 0 : i32
        %dma_wait3A_542 = tpu.memref_slice %arg5[%dma_wait3A_534, %add3A_532, %dma_wait3A_541] : memref<1x128x10000xf32, #tpu.memory_space<hbm>> -> memref<1x1x400xf32, #tpu.memory_space<hbm>>
        %dma_wait3A_543 = tpu.memref_squeeze %dma_wait3A_542 : memref<1x1x400xf32, #tpu.memory_space<hbm>> -> memref<400xf32, #tpu.memory_space<hbm>>
        %dma_wait3A_544 = arith.constant 0 : i32
        %dma_wait3A_545 = tpu.memref_slice %arg10[%dma_wait3A_533, %dma_wait3A_544] : memref<4x400xf32, #tpu.memory_space<vmem>> -> memref<1x400xf32, #tpu.memory_space<vmem>>
        %dma_wait3A_546 = tpu.memref_squeeze %dma_wait3A_545 : memref<1x400xf32, #tpu.memory_space<vmem>> -> memref<400xf32, #tpu.memory_space<vmem>>
        tpu.wait_dma2 semaphore(%arg15 : memref<!tpu.dma_semaphore, #tpu.memory_space<semaphore_mem>>) src(%dma_wait3A_546 : memref<400xf32, #tpu.memory_space<vmem>>) dst(%dma_wait3A_543 : memref<400xf32, #tpu.memory_space<hbm>>)
      } else {
      }
      %mul3A_321 = arith.constant 400 : i32
      %mul3A_322 = arith.muli %add3A_309, %mul3A_321 : i32
      %parallel_loop3A_323 = arith.constant 0 : i32
      %parallel_loop3A_324 = arith.constant 400 : i32
      %parallel_loop3A_325 = arith.constant 16 : i32
      %parallel_loop3A_326 = arith.constant 0 : i32
      %parallel_loop3A_327 = scf.for %parallel_loop3A_483 = %parallel_loop3A_323 to %parallel_loop3A_324 step %parallel_loop3A_325 iter_args(%parallel_loop3A_484 = %parallel_loop3A_326) -> (i32)  : i32 {
        %parallel_loop3A_485 = arith.constant 0 : i32
        %parallel_loop3A_486 = arith.index_cast %parallel_loop3A_485 : i32 to index
        %parallel_loop3A_487 = arith.index_cast %parallel_loop3A_483 : i32 to index
        %parallel_loop3A_488 = tpu.vector_load %arg8[%parallel_loop3A_486, %parallel_loop3A_487] {strides = array<i32>} : memref<17x400xi32, #tpu.memory_space<vmem>>, vector<16xi32>,
        %parallel_loop3A_489 = arith.constant 1 : i32
        %parallel_loop3A_490 = arith.index_cast %parallel_loop3A_489 : i32 to index
        %parallel_loop3A_491 = arith.index_cast %parallel_loop3A_483 : i32 to index
        %parallel_loop3A_492 = tpu.vector_load %arg8[%parallel_loop3A_490, %parallel_loop3A_491] {strides = array<i32>} : memref<17x400xi32, #tpu.memory_space<vmem>>, vector<16xi32>,
        %parallel_loop3A_493 = arith.constant 2 : i32
        %parallel_loop3A_494 = arith.index_cast %parallel_loop3A_493 : i32 to index
        %parallel_loop3A_495 = arith.index_cast %parallel_loop3A_483 : i32 to index
        %parallel_loop3A_496 = tpu.vector_load %arg8[%parallel_loop3A_494, %parallel_loop3A_495] {strides = array<i32>} : memref<17x400xi32, #tpu.memory_space<vmem>>, vector<16xi32>,
        %parallel_loop3A_497 = arith.constant 3 : i32
        %parallel_loop3A_498 = arith.index_cast %parallel_loop3A_497 : i32 to index
        %parallel_loop3A_499 = arith.index_cast %parallel_loop3A_483 : i32 to index
        %parallel_loop3A_500 = tpu.vector_load %arg8[%parallel_loop3A_498, %parallel_loop3A_499] {strides = array<i32>} : memref<17x400xi32, #tpu.memory_space<vmem>>, vector<16xi32>,
        %parallel_loop3A_501 = arith.constant 4 : i32
        %parallel_loop3A_502 = arith.index_cast %parallel_loop3A_501 : i32 to index
        %parallel_loop3A_503 = arith.index_cast %parallel_loop3A_483 : i32 to index
        %parallel_loop3A_504 = tpu.vector_load %arg8[%parallel_loop3A_502, %parallel_loop3A_503] {strides = array<i32>} : memref<17x400xi32, #tpu.memory_space<vmem>>, vector<16xi32>,
        %parallel_loop3A_505 = arith.constant 5 : i32
        %parallel_loop3A_506 = arith.index_cast %parallel_loop3A_505 : i32 to index
        %parallel_loop3A_507 = arith.index_cast %parallel_loop3A_483 : i32 to index
        %parallel_loop3A_508 = tpu.vector_load %arg8[%parallel_loop3A_506, %parallel_loop3A_507] {strides = array<i32>} : memref<17x400xi32, #tpu.memory_space<vmem>>, vector<16xi32>,
        %parallel_loop3A_509 = arith.constant 6 : i32
        %parallel_loop3A_510 = arith.index_cast %parallel_loop3A_509 : i32 to index
        %parallel_loop3A_511 = arith.index_cast %parallel_loop3A_483 : i32 to index
        %parallel_loop3A_512 = tpu.vector_load %arg8[%parallel_loop3A_510, %parallel_loop3A_511] {strides = array<i32>} : memref<17x400xi32, #tpu.memory_space<vmem>>, vector<16xi32>,
        %parallel_loop3A_513 = arith.constant 7 : i32
        %parallel_loop3A_514 = arith.index_cast %parallel_loop3A_513 : i32 to index
        %parallel_loop3A_515 = arith.index_cast %parallel_loop3A_483 : i32 to index
        %parallel_loop3A_516 = tpu.vector_load %arg8[%parallel_loop3A_514, %parallel_loop3A_515] {strides = array<i32>} : memref<17x400xi32, #tpu.memory_space<vmem>>, vector<16xi32>,
        %parallel_loop3A_517 = arith.constant 8 : i32
        %parallel_loop3A_518 = arith.index_cast %parallel_loop3A_517 : i32 to index
        %parallel_loop3A_519 = arith.index_cast %parallel_loop3A_483 : i32 to index
        %parallel_loop3A_520 = tpu.vector_load %arg8[%parallel_loop3A_518, %parallel_loop3A_519] {strides = array<i32>} : memref<17x400xi32, #tpu.memory_space<vmem>>, vector<16xi32>,
        %parallel_loop3A_521 = arith.constant 9 : i32
        %parallel_loop3A_522 = arith.index_cast %parallel_loop3A_521 : i32 to index
        %parallel_loop3A_523 = arith.index_cast %parallel_loop3A_483 : i32 to index
        %parallel_loop3A_524 = tpu.vector_load %arg8[%parallel_loop3A_522, %parallel_loop3A_523] {strides = array<i32>} : memref<17x400xi32, #tpu.memory_space<vmem>>, vector<16xi32>,
        %parallel_loop3A_525 = arith.constant 10 : i32
        %parallel_loop3A_526 = arith.index_cast %parallel_loop3A_525 : i32 to index
        %parallel_loop3A_527 = arith.index_cast %parallel_loop3A_483 : i32 to index
        %parallel_loop3A_528 = tpu.vector_load %arg8[%parallel_loop3A_526, %parallel_loop3A_527] {strides = array<i32>} : memref<17x400xi32, #tpu.memory_space<vmem>>, vector<16xi32>,
        %parallel_loop3A_529 = arith.constant 11 : i32
        %parallel_loop3A_530 = arith.index_cast %parallel_loop3A_529 : i32 to index
        %parallel_loop3A_531 = arith.index_cast %parallel_loop3A_483 : i32 to index
        %parallel_loop3A_532 = tpu.vector_load %arg8[%parallel_loop3A_530, %parallel_loop3A_531] {strides = array<i32>} : memref<17x400xi32, #tpu.memory_space<vmem>>, vector<16xi32>,
        %parallel_loop3A_533 = arith.constant 12 : i32
        %parallel_loop3A_534 = arith.index_cast %parallel_loop3A_533 : i32 to index
        %parallel_loop3A_535 = arith.index_cast %parallel_loop3A_483 : i32 to index
        %parallel_loop3A_536 = tpu.vector_load %arg8[%parallel_loop3A_534, %parallel_loop3A_535] {strides = array<i32>} : memref<17x400xi32, #tpu.memory_space<vmem>>, vector<16xi32>,
        %parallel_loop3A_537 = arith.constant 13 : i32
        %parallel_loop3A_538 = arith.index_cast %parallel_loop3A_537 : i32 to index
        %parallel_loop3A_539 = arith.index_cast %parallel_loop3A_483 : i32 to index
        %parallel_loop3A_540 = tpu.vector_load %arg8[%parallel_loop3A_538, %parallel_loop3A_539] {strides = array<i32>} : memref<17x400xi32, #tpu.memory_space<vmem>>, vector<16xi32>,
        %parallel_loop3A_541 = arith.constant 14 : i32
        %parallel_loop3A_542 = arith.index_cast %parallel_loop3A_541 : i32 to index
        %parallel_loop3A_543 = arith.index_cast %parallel_loop3A_483 : i32 to index
        %parallel_loop3A_544 = tpu.vector_load %arg8[%parallel_loop3A_542, %parallel_loop3A_543] {strides = array<i32>} : memref<17x400xi32, #tpu.memory_space<vmem>>, vector<16xi32>,
        %parallel_loop3A_545 = arith.constant 15 : i32
        %parallel_loop3A_546 = arith.index_cast %parallel_loop3A_545 : i32 to index
        %parallel_loop3A_547 = arith.index_cast %parallel_loop3A_483 : i32 to index
        %parallel_loop3A_548 = tpu.vector_load %arg8[%parallel_loop3A_546, %parallel_loop3A_547] {strides = array<i32>} : memref<17x400xi32, #tpu.memory_space<vmem>>, vector<16xi32>,
        %parallel_loop3A_549 = arith.constant 16 : i32
        %parallel_loop3A_550 = arith.index_cast %parallel_loop3A_549 : i32 to index
        %parallel_loop3A_551 = arith.index_cast %parallel_loop3A_483 : i32 to index
        %parallel_loop3A_552 = tpu.vector_load %arg8[%parallel_loop3A_550, %parallel_loop3A_551] {strides = array<i32>} : memref<17x400xi32, #tpu.memory_space<vmem>>, vector<16xi32>,
        %parallel_loop3A_553 = arith.constant 65535 : i32
        %parallel_loop3A_554 = vector.broadcast %parallel_loop3A_553 : i32 to vector<16xi32>
        %parallel_loop3A_555 = arith.andi %parallel_loop3A_488, %parallel_loop3A_554 : vector<16xi32>
        %parallel_loop3A_556 = arith.constant 16 : i32
        %parallel_loop3A_557 = vector.broadcast %parallel_loop3A_556 : i32 to vector<16xi32>
        %parallel_loop3A_558 = arith.shrui %parallel_loop3A_488, %parallel_loop3A_557 : vector<16xi32>
        %parallel_loop3A_559 = arith.constant 65535 : i32
        %parallel_loop3A_560 = vector.broadcast %parallel_loop3A_559 : i32 to vector<16xi32>
        %parallel_loop3A_561 = arith.andi %parallel_loop3A_492, %parallel_loop3A_560 : vector<16xi32>
        %parallel_loop3A_562 = arith.constant 16 : i32
        %parallel_loop3A_563 = vector.broadcast %parallel_loop3A_562 : i32 to vector<16xi32>
        %parallel_loop3A_564 = arith.shrui %parallel_loop3A_492, %parallel_loop3A_563 : vector<16xi32>
        %parallel_loop3A_565 = arith.constant 65535 : i32
        %parallel_loop3A_566 = vector.broadcast %parallel_loop3A_565 : i32 to vector<16xi32>
        %parallel_loop3A_567 = arith.andi %parallel_loop3A_496, %parallel_loop3A_566 : vector<16xi32>
        %parallel_loop3A_568 = arith.constant 16 : i32
        %parallel_loop3A_569 = vector.broadcast %parallel_loop3A_568 : i32 to vector<16xi32>
        %parallel_loop3A_570 = arith.shrui %parallel_loop3A_496, %parallel_loop3A_569 : vector<16xi32>
        %parallel_loop3A_571 = arith.constant 65535 : i32
        %parallel_loop3A_572 = vector.broadcast %parallel_loop3A_571 : i32 to vector<16xi32>
        %parallel_loop3A_573 = arith.andi %parallel_loop3A_500, %parallel_loop3A_572 : vector<16xi32>
        %parallel_loop3A_574 = arith.constant 16 : i32
        %parallel_loop3A_575 = vector.broadcast %parallel_loop3A_574 : i32 to vector<16xi32>
        %parallel_loop3A_576 = arith.shrui %parallel_loop3A_500, %parallel_loop3A_575 : vector<16xi32>
        %parallel_loop3A_577 = arith.constant 65535 : i32
        %parallel_loop3A_578 = vector.broadcast %parallel_loop3A_577 : i32 to vector<16xi32>
        %parallel_loop3A_579 = arith.andi %parallel_loop3A_504, %parallel_loop3A_578 : vector<16xi32>
        %parallel_loop3A_580 = arith.constant 16 : i32
        %parallel_loop3A_581 = vector.broadcast %parallel_loop3A_580 : i32 to vector<16xi32>
        %parallel_loop3A_582 = arith.shrui %parallel_loop3A_504, %parallel_loop3A_581 : vector<16xi32>
        %parallel_loop3A_583 = arith.constant 65535 : i32
        %parallel_loop3A_584 = vector.broadcast %parallel_loop3A_583 : i32 to vector<16xi32>
        %parallel_loop3A_585 = arith.andi %parallel_loop3A_508, %parallel_loop3A_584 : vector<16xi32>
        %parallel_loop3A_586 = arith.constant 16 : i32
        %parallel_loop3A_587 = vector.broadcast %parallel_loop3A_586 : i32 to vector<16xi32>
        %parallel_loop3A_588 = arith.shrui %parallel_loop3A_508, %parallel_loop3A_587 : vector<16xi32>
        %parallel_loop3A_589 = arith.constant 65535 : i32
        %parallel_loop3A_590 = vector.broadcast %parallel_loop3A_589 : i32 to vector<16xi32>
        %parallel_loop3A_591 = arith.andi %parallel_loop3A_512, %parallel_loop3A_590 : vector<16xi32>
        %parallel_loop3A_592 = arith.constant 16 : i32
        %parallel_loop3A_593 = vector.broadcast %parallel_loop3A_592 : i32 to vector<16xi32>
        %parallel_loop3A_594 = arith.shrui %parallel_loop3A_512, %parallel_loop3A_593 : vector<16xi32>
        %parallel_loop3A_595 = arith.constant 65535 : i32
        %parallel_loop3A_596 = vector.broadcast %parallel_loop3A_595 : i32 to vector<16xi32>
        %parallel_loop3A_597 = arith.andi %parallel_loop3A_516, %parallel_loop3A_596 : vector<16xi32>
        %parallel_loop3A_598 = arith.constant 16 : i32
        %parallel_loop3A_599 = vector.broadcast %parallel_loop3A_598 : i32 to vector<16xi32>
        %parallel_loop3A_600 = arith.shrui %parallel_loop3A_516, %parallel_loop3A_599 : vector<16xi32>
        %parallel_loop3A_601 = arith.constant 65535 : i32
        %parallel_loop3A_602 = vector.broadcast %parallel_loop3A_601 : i32 to vector<16xi32>
        %parallel_loop3A_603 = arith.andi %parallel_loop3A_520, %parallel_loop3A_602 : vector<16xi32>
        %parallel_loop3A_604 = arith.constant 16 : i32
        %parallel_loop3A_605 = vector.broadcast %parallel_loop3A_604 : i32 to vector<16xi32>
        %parallel_loop3A_606 = arith.shrui %parallel_loop3A_520, %parallel_loop3A_605 : vector<16xi32>
        %parallel_loop3A_607 = arith.constant 65535 : i32
        %parallel_loop3A_608 = vector.broadcast %parallel_loop3A_607 : i32 to vector<16xi32>
        %parallel_loop3A_609 = arith.andi %parallel_loop3A_524, %parallel_loop3A_608 : vector<16xi32>
        %parallel_loop3A_610 = arith.constant 16 : i32
        %parallel_loop3A_611 = vector.broadcast %parallel_loop3A_610 : i32 to vector<16xi32>
        %parallel_loop3A_612 = arith.shrui %parallel_loop3A_524, %parallel_loop3A_611 : vector<16xi32>
        %parallel_loop3A_613 = arith.constant 65535 : i32
        %parallel_loop3A_614 = vector.broadcast %parallel_loop3A_613 : i32 to vector<16xi32>
        %parallel_loop3A_615 = arith.andi %parallel_loop3A_528, %parallel_loop3A_614 : vector<16xi32>
        %parallel_loop3A_616 = arith.constant 16 : i32
        %parallel_loop3A_617 = vector.broadcast %parallel_loop3A_616 : i32 to vector<16xi32>
        %parallel_loop3A_618 = arith.shrui %parallel_loop3A_528, %parallel_loop3A_617 : vector<16xi32>
        %parallel_loop3A_619 = arith.constant 65535 : i32
        %parallel_loop3A_620 = vector.broadcast %parallel_loop3A_619 : i32 to vector<16xi32>
        %parallel_loop3A_621 = arith.andi %parallel_loop3A_532, %parallel_loop3A_620 : vector<16xi32>
        %parallel_loop3A_622 = arith.constant 16 : i32
        %parallel_loop3A_623 = vector.broadcast %parallel_loop3A_622 : i32 to vector<16xi32>
        %parallel_loop3A_624 = arith.shrui %parallel_loop3A_532, %parallel_loop3A_623 : vector<16xi32>
        %parallel_loop3A_625 = arith.constant 65535 : i32
        %parallel_loop3A_626 = vector.broadcast %parallel_loop3A_625 : i32 to vector<16xi32>
        %parallel_loop3A_627 = arith.andi %parallel_loop3A_536, %parallel_loop3A_626 : vector<16xi32>
        %parallel_loop3A_628 = arith.constant 16 : i32
        %parallel_loop3A_629 = vector.broadcast %parallel_loop3A_628 : i32 to vector<16xi32>
        %parallel_loop3A_630 = arith.shrui %parallel_loop3A_536, %parallel_loop3A_629 : vector<16xi32>
        %parallel_loop3A_631 = arith.constant 65535 : i32
        %parallel_loop3A_632 = vector.broadcast %parallel_loop3A_631 : i32 to vector<16xi32>
        %parallel_loop3A_633 = arith.andi %parallel_loop3A_540, %parallel_loop3A_632 : vector<16xi32>
        %parallel_loop3A_634 = arith.constant 16 : i32
        %parallel_loop3A_635 = vector.broadcast %parallel_loop3A_634 : i32 to vector<16xi32>
        %parallel_loop3A_636 = arith.shrui %parallel_loop3A_540, %parallel_loop3A_635 : vector<16xi32>
        %parallel_loop3A_637 = arith.constant 65535 : i32
        %parallel_loop3A_638 = vector.broadcast %parallel_loop3A_637 : i32 to vector<16xi32>
        %parallel_loop3A_639 = arith.andi %parallel_loop3A_544, %parallel_loop3A_638 : vector<16xi32>
        %parallel_loop3A_640 = arith.constant 16 : i32
        %parallel_loop3A_641 = vector.broadcast %parallel_loop3A_640 : i32 to vector<16xi32>
        %parallel_loop3A_642 = arith.shrui %parallel_loop3A_544, %parallel_loop3A_641 : vector<16xi32>
        %parallel_loop3A_643 = arith.constant 65535 : i32
        %parallel_loop3A_644 = vector.broadcast %parallel_loop3A_643 : i32 to vector<16xi32>
        %parallel_loop3A_645 = arith.andi %parallel_loop3A_548, %parallel_loop3A_644 : vector<16xi32>
        %parallel_loop3A_646 = arith.constant 16 : i32
        %parallel_loop3A_647 = vector.broadcast %parallel_loop3A_646 : i32 to vector<16xi32>
        %parallel_loop3A_648 = arith.shrui %parallel_loop3A_548, %parallel_loop3A_647 : vector<16xi32>
        %parallel_loop3A_649 = arith.constant 65535 : i32
        %parallel_loop3A_650 = vector.broadcast %parallel_loop3A_649 : i32 to vector<16xi32>
        %parallel_loop3A_651 = arith.andi %parallel_loop3A_552, %parallel_loop3A_650 : vector<16xi32>
        %parallel_loop3A_652 = arith.constant 0 : i32
        %parallel_loop3A_653 = vector.broadcast %parallel_loop3A_652 : i32 to vector<16xi32>
        %parallel_loop3A_654 = tpu.vector_load_idx %arg7[%parallel_loop3A_653, %parallel_loop3A_555] : memref<2x10000xi32, #tpu.memory_space<vmem>>[vector<16xi32>, vector<16xi32>], vector<16xi32>,
        %parallel_loop3A_655 = vector.bitcast %parallel_loop3A_654 : vector<16xi32> to vector<32xbf16>
        %parallel_loop3A_656 = tpu.vector_load_idx %arg7[%parallel_loop3A_653, %parallel_loop3A_558] : memref<2x10000xi32, #tpu.memory_space<vmem>>[vector<16xi32>, vector<16xi32>], vector<16xi32>,
        %parallel_loop3A_657 = vector.bitcast %parallel_loop3A_656 : vector<16xi32> to vector<32xbf16>
        %parallel_loop3A_658 = tpu.vector_load_idx %arg7[%parallel_loop3A_653, %parallel_loop3A_561] : memref<2x10000xi32, #tpu.memory_space<vmem>>[vector<16xi32>, vector<16xi32>], vector<16xi32>,
        %parallel_loop3A_659 = vector.bitcast %parallel_loop3A_658 : vector<16xi32> to vector<32xbf16>
        %parallel_loop3A_660 = arith.maximumf %parallel_loop3A_655, %parallel_loop3A_659 : vector<32xbf16>
        %parallel_loop3A_661 = tpu.vector_load_idx %arg7[%parallel_loop3A_653, %parallel_loop3A_564] : memref<2x10000xi32, #tpu.memory_space<vmem>>[vector<16xi32>, vector<16xi32>], vector<16xi32>,
        %parallel_loop3A_662 = vector.bitcast %parallel_loop3A_661 : vector<16xi32> to vector<32xbf16>
        %parallel_loop3A_663 = arith.maximumf %parallel_loop3A_657, %parallel_loop3A_662 : vector<32xbf16>
        %parallel_loop3A_664 = tpu.vector_load_idx %arg7[%parallel_loop3A_653, %parallel_loop3A_567] : memref<2x10000xi32, #tpu.memory_space<vmem>>[vector<16xi32>, vector<16xi32>], vector<16xi32>,
        %parallel_loop3A_665 = vector.bitcast %parallel_loop3A_664 : vector<16xi32> to vector<32xbf16>
        %parallel_loop3A_666 = arith.maximumf %parallel_loop3A_660, %parallel_loop3A_665 : vector<32xbf16>
        %parallel_loop3A_667 = tpu.vector_load_idx %arg7[%parallel_loop3A_653, %parallel_loop3A_570] : memref<2x10000xi32, #tpu.memory_space<vmem>>[vector<16xi32>, vector<16xi32>], vector<16xi32>,
        %parallel_loop3A_668 = vector.bitcast %parallel_loop3A_667 : vector<16xi32> to vector<32xbf16>
        %parallel_loop3A_669 = arith.maximumf %parallel_loop3A_663, %parallel_loop3A_668 : vector<32xbf16>
        %parallel_loop3A_670 = tpu.vector_load_idx %arg7[%parallel_loop3A_653, %parallel_loop3A_573] : memref<2x10000xi32, #tpu.memory_space<vmem>>[vector<16xi32>, vector<16xi32>], vector<16xi32>,
        %parallel_loop3A_671 = vector.bitcast %parallel_loop3A_670 : vector<16xi32> to vector<32xbf16>
        %parallel_loop3A_672 = arith.maximumf %parallel_loop3A_666, %parallel_loop3A_671 : vector<32xbf16>
        %parallel_loop3A_673 = tpu.vector_load_idx %arg7[%parallel_loop3A_653, %parallel_loop3A_576] : memref<2x10000xi32, #tpu.memory_space<vmem>>[vector<16xi32>, vector<16xi32>], vector<16xi32>,
        %parallel_loop3A_674 = vector.bitcast %parallel_loop3A_673 : vector<16xi32> to vector<32xbf16>
        %parallel_loop3A_675 = arith.maximumf %parallel_loop3A_669, %parallel_loop3A_674 : vector<32xbf16>
        %parallel_loop3A_676 = tpu.vector_load_idx %arg7[%parallel_loop3A_653, %parallel_loop3A_579] : memref<2x10000xi32, #tpu.memory_space<vmem>>[vector<16xi32>, vector<16xi32>], vector<16xi32>,
        %parallel_loop3A_677 = vector.bitcast %parallel_loop3A_676 : vector<16xi32> to vector<32xbf16>
        %parallel_loop3A_678 = arith.maximumf %parallel_loop3A_672, %parallel_loop3A_677 : vector<32xbf16>
        %parallel_loop3A_679 = tpu.vector_load_idx %arg7[%parallel_loop3A_653, %parallel_loop3A_582] : memref<2x10000xi32, #tpu.memory_space<vmem>>[vector<16xi32>, vector<16xi32>], vector<16xi32>,
        %parallel_loop3A_680 = vector.bitcast %parallel_loop3A_679 : vector<16xi32> to vector<32xbf16>
        %parallel_loop3A_681 = arith.maximumf %parallel_loop3A_675, %parallel_loop3A_680 : vector<32xbf16>
        %parallel_loop3A_682 = tpu.vector_load_idx %arg7[%parallel_loop3A_653, %parallel_loop3A_585] : memref<2x10000xi32, #tpu.memory_space<vmem>>[vector<16xi32>, vector<16xi32>], vector<16xi32>,
        %parallel_loop3A_683 = vector.bitcast %parallel_loop3A_682 : vector<16xi32> to vector<32xbf16>
        %parallel_loop3A_684 = arith.maximumf %parallel_loop3A_678, %parallel_loop3A_683 : vector<32xbf16>
        %parallel_loop3A_685 = tpu.vector_load_idx %arg7[%parallel_loop3A_653, %parallel_loop3A_588] : memref<2x10000xi32, #tpu.memory_space<vmem>>[vector<16xi32>, vector<16xi32>], vector<16xi32>,
        %parallel_loop3A_686 = vector.bitcast %parallel_loop3A_685 : vector<16xi32> to vector<32xbf16>
        %parallel_loop3A_687 = arith.maximumf %parallel_loop3A_681, %parallel_loop3A_686 : vector<32xbf16>
        %parallel_loop3A_688 = tpu.vector_load_idx %arg7[%parallel_loop3A_653, %parallel_loop3A_591] : memref<2x10000xi32, #tpu.memory_space<vmem>>[vector<16xi32>, vector<16xi32>], vector<16xi32>,
        %parallel_loop3A_689 = vector.bitcast %parallel_loop3A_688 : vector<16xi32> to vector<32xbf16>
        %parallel_loop3A_690 = arith.maximumf %parallel_loop3A_684, %parallel_loop3A_689 : vector<32xbf16>
        %parallel_loop3A_691 = tpu.vector_load_idx %arg7[%parallel_loop3A_653, %parallel_loop3A_594] : memref<2x10000xi32, #tpu.memory_space<vmem>>[vector<16xi32>, vector<16xi32>], vector<16xi32>,
        %parallel_loop3A_692 = vector.bitcast %parallel_loop3A_691 : vector<16xi32> to vector<32xbf16>
        %parallel_loop3A_693 = arith.maximumf %parallel_loop3A_687, %parallel_loop3A_692 : vector<32xbf16>
        %parallel_loop3A_694 = tpu.vector_load_idx %arg7[%parallel_loop3A_653, %parallel_loop3A_597] : memref<2x10000xi32, #tpu.memory_space<vmem>>[vector<16xi32>, vector<16xi32>], vector<16xi32>,
        %parallel_loop3A_695 = vector.bitcast %parallel_loop3A_694 : vector<16xi32> to vector<32xbf16>
        %parallel_loop3A_696 = arith.maximumf %parallel_loop3A_690, %parallel_loop3A_695 : vector<32xbf16>
        %parallel_loop3A_697 = tpu.vector_load_idx %arg7[%parallel_loop3A_653, %parallel_loop3A_600] : memref<2x10000xi32, #tpu.memory_space<vmem>>[vector<16xi32>, vector<16xi32>], vector<16xi32>,
        %parallel_loop3A_698 = vector.bitcast %parallel_loop3A_697 : vector<16xi32> to vector<32xbf16>
        %parallel_loop3A_699 = arith.maximumf %parallel_loop3A_693, %parallel_loop3A_698 : vector<32xbf16>
        %parallel_loop3A_700 = tpu.vector_load_idx %arg7[%parallel_loop3A_653, %parallel_loop3A_603] : memref<2x10000xi32, #tpu.memory_space<vmem>>[vector<16xi32>, vector<16xi32>], vector<16xi32>,
        %parallel_loop3A_701 = vector.bitcast %parallel_loop3A_700 : vector<16xi32> to vector<32xbf16>
        %parallel_loop3A_702 = arith.maximumf %parallel_loop3A_696, %parallel_loop3A_701 : vector<32xbf16>
        %parallel_loop3A_703 = tpu.vector_load_idx %arg7[%parallel_loop3A_653, %parallel_loop3A_606] : memref<2x10000xi32, #tpu.memory_space<vmem>>[vector<16xi32>, vector<16xi32>], vector<16xi32>,
        %parallel_loop3A_704 = vector.bitcast %parallel_loop3A_703 : vector<16xi32> to vector<32xbf16>
        %parallel_loop3A_705 = arith.maximumf %parallel_loop3A_699, %parallel_loop3A_704 : vector<32xbf16>
        %parallel_loop3A_706 = tpu.vector_load_idx %arg7[%parallel_loop3A_653, %parallel_loop3A_609] : memref<2x10000xi32, #tpu.memory_space<vmem>>[vector<16xi32>, vector<16xi32>], vector<16xi32>,
        %parallel_loop3A_707 = vector.bitcast %parallel_loop3A_706 : vector<16xi32> to vector<32xbf16>
        %parallel_loop3A_708 = arith.maximumf %parallel_loop3A_702, %parallel_loop3A_707 : vector<32xbf16>
        %parallel_loop3A_709 = tpu.vector_load_idx %arg7[%parallel_loop3A_653, %parallel_loop3A_612] : memref<2x10000xi32, #tpu.memory_space<vmem>>[vector<16xi32>, vector<16xi32>], vector<16xi32>,
        %parallel_loop3A_710 = vector.bitcast %parallel_loop3A_709 : vector<16xi32> to vector<32xbf16>
        %parallel_loop3A_711 = arith.maximumf %parallel_loop3A_705, %parallel_loop3A_710 : vector<32xbf16>
        %parallel_loop3A_712 = tpu.vector_load_idx %arg7[%parallel_loop3A_653, %parallel_loop3A_615] : memref<2x10000xi32, #tpu.memory_space<vmem>>[vector<16xi32>, vector<16xi32>], vector<16xi32>,
        %parallel_loop3A_713 = vector.bitcast %parallel_loop3A_712 : vector<16xi32> to vector<32xbf16>
        %parallel_loop3A_714 = arith.maximumf %parallel_loop3A_708, %parallel_loop3A_713 : vector<32xbf16>
        %parallel_loop3A_715 = tpu.vector_load_idx %arg7[%parallel_loop3A_653, %parallel_loop3A_618] : memref<2x10000xi32, #tpu.memory_space<vmem>>[vector<16xi32>, vector<16xi32>], vector<16xi32>,
        %parallel_loop3A_716 = vector.bitcast %parallel_loop3A_715 : vector<16xi32> to vector<32xbf16>
        %parallel_loop3A_717 = arith.maximumf %parallel_loop3A_711, %parallel_loop3A_716 : vector<32xbf16>
        %parallel_loop3A_718 = tpu.vector_load_idx %arg7[%parallel_loop3A_653, %parallel_loop3A_621] : memref<2x10000xi32, #tpu.memory_space<vmem>>[vector<16xi32>, vector<16xi32>], vector<16xi32>,
        %parallel_loop3A_719 = vector.bitcast %parallel_loop3A_718 : vector<16xi32> to vector<32xbf16>
        %parallel_loop3A_720 = arith.maximumf %parallel_loop3A_714, %parallel_loop3A_719 : vector<32xbf16>
        %parallel_loop3A_721 = tpu.vector_load_idx %arg7[%parallel_loop3A_653, %parallel_loop3A_624] : memref<2x10000xi32, #tpu.memory_space<vmem>>[vector<16xi32>, vector<16xi32>], vector<16xi32>,
        %parallel_loop3A_722 = vector.bitcast %parallel_loop3A_721 : vector<16xi32> to vector<32xbf16>
        %parallel_loop3A_723 = arith.maximumf %parallel_loop3A_717, %parallel_loop3A_722 : vector<32xbf16>
        %parallel_loop3A_724 = tpu.vector_load_idx %arg7[%parallel_loop3A_653, %parallel_loop3A_627] : memref<2x10000xi32, #tpu.memory_space<vmem>>[vector<16xi32>, vector<16xi32>], vector<16xi32>,
        %parallel_loop3A_725 = vector.bitcast %parallel_loop3A_724 : vector<16xi32> to vector<32xbf16>
        %parallel_loop3A_726 = arith.maximumf %parallel_loop3A_720, %parallel_loop3A_725 : vector<32xbf16>
        %parallel_loop3A_727 = tpu.vector_load_idx %arg7[%parallel_loop3A_653, %parallel_loop3A_630] : memref<2x10000xi32, #tpu.memory_space<vmem>>[vector<16xi32>, vector<16xi32>], vector<16xi32>,
        %parallel_loop3A_728 = vector.bitcast %parallel_loop3A_727 : vector<16xi32> to vector<32xbf16>
        %parallel_loop3A_729 = arith.maximumf %parallel_loop3A_723, %parallel_loop3A_728 : vector<32xbf16>
        %parallel_loop3A_730 = tpu.vector_load_idx %arg7[%parallel_loop3A_653, %parallel_loop3A_633] : memref<2x10000xi32, #tpu.memory_space<vmem>>[vector<16xi32>, vector<16xi32>], vector<16xi32>,
        %parallel_loop3A_731 = vector.bitcast %parallel_loop3A_730 : vector<16xi32> to vector<32xbf16>
        %parallel_loop3A_732 = arith.maximumf %parallel_loop3A_726, %parallel_loop3A_731 : vector<32xbf16>
        %parallel_loop3A_733 = tpu.vector_load_idx %arg7[%parallel_loop3A_653, %parallel_loop3A_636] : memref<2x10000xi32, #tpu.memory_space<vmem>>[vector<16xi32>, vector<16xi32>], vector<16xi32>,
        %parallel_loop3A_734 = vector.bitcast %parallel_loop3A_733 : vector<16xi32> to vector<32xbf16>
        %parallel_loop3A_735 = arith.maximumf %parallel_loop3A_729, %parallel_loop3A_734 : vector<32xbf16>
        %parallel_loop3A_736 = tpu.vector_load_idx %arg7[%parallel_loop3A_653, %parallel_loop3A_639] : memref<2x10000xi32, #tpu.memory_space<vmem>>[vector<16xi32>, vector<16xi32>], vector<16xi32>,
        %parallel_loop3A_737 = vector.bitcast %parallel_loop3A_736 : vector<16xi32> to vector<32xbf16>
        %parallel_loop3A_738 = arith.maximumf %parallel_loop3A_732, %parallel_loop3A_737 : vector<32xbf16>
        %parallel_loop3A_739 = tpu.vector_load_idx %arg7[%parallel_loop3A_653, %parallel_loop3A_642] : memref<2x10000xi32, #tpu.memory_space<vmem>>[vector<16xi32>, vector<16xi32>], vector<16xi32>,
        %parallel_loop3A_740 = vector.bitcast %parallel_loop3A_739 : vector<16xi32> to vector<32xbf16>
        %parallel_loop3A_741 = arith.maximumf %parallel_loop3A_735, %parallel_loop3A_740 : vector<32xbf16>
        %parallel_loop3A_742 = tpu.vector_load_idx %arg7[%parallel_loop3A_653, %parallel_loop3A_645] : memref<2x10000xi32, #tpu.memory_space<vmem>>[vector<16xi32>, vector<16xi32>], vector<16xi32>,
        %parallel_loop3A_743 = vector.bitcast %parallel_loop3A_742 : vector<16xi32> to vector<32xbf16>
        %parallel_loop3A_744 = arith.maximumf %parallel_loop3A_738, %parallel_loop3A_743 : vector<32xbf16>
        %parallel_loop3A_745 = tpu.vector_load_idx %arg7[%parallel_loop3A_653, %parallel_loop3A_648] : memref<2x10000xi32, #tpu.memory_space<vmem>>[vector<16xi32>, vector<16xi32>], vector<16xi32>,
        %parallel_loop3A_746 = vector.bitcast %parallel_loop3A_745 : vector<16xi32> to vector<32xbf16>
        %parallel_loop3A_747 = arith.maximumf %parallel_loop3A_741, %parallel_loop3A_746 : vector<32xbf16>
        %parallel_loop3A_748 = tpu.vector_load_idx %arg7[%parallel_loop3A_653, %parallel_loop3A_651] : memref<2x10000xi32, #tpu.memory_space<vmem>>[vector<16xi32>, vector<16xi32>], vector<16xi32>,
        %parallel_loop3A_749 = vector.bitcast %parallel_loop3A_748 : vector<16xi32> to vector<32xbf16>
        %parallel_loop3A_750 = arith.maximumf %parallel_loop3A_744, %parallel_loop3A_749 : vector<32xbf16>
        %parallel_loop3A_751 = arith.maximumf %parallel_loop3A_750, %parallel_loop3A_747 : vector<32xbf16>
        %parallel_loop3A_752 = tpu.unpack_subelements %parallel_loop3A_751, 0 {pack_format = #tpu.pack_format<interleaved>} : vector<32xbf16> -> vector<16xf32>
        %parallel_loop3A_753 = tpu.unpack_subelements %parallel_loop3A_751, 1 {pack_format = #tpu.pack_format<interleaved>} : vector<32xbf16> -> vector<16xf32>
        %parallel_loop3A_754 = arith.addi %mul3A_322, %parallel_loop3A_483 : i32
        %parallel_loop3A_755 = arith.constant 0 : i32
        %parallel_loop3A_756 = arith.index_cast %parallel_loop3A_755 : i32 to index
        %parallel_loop3A_757 = arith.index_cast %parallel_loop3A_754 : i32 to index
        %parallel_loop3A_758 = tpu.vector_load %arg7[%parallel_loop3A_756, %parallel_loop3A_757] {strides = array<i32>} : memref<2x10000xi32, #tpu.memory_space<vmem>>, vector<16xi32>,
        %parallel_loop3A_759 = vector.bitcast %parallel_loop3A_758 : vector<16xi32> to vector<32xbf16>
        %parallel_loop3A_760 = tpu.unpack_subelements %parallel_loop3A_759, 0 {pack_format = #tpu.pack_format<interleaved>} : vector<32xbf16> -> vector<16xf32>
        %parallel_loop3A_761 = tpu.unpack_subelements %parallel_loop3A_759, 1 {pack_format = #tpu.pack_format<interleaved>} : vector<32xbf16> -> vector<16xf32>
        %parallel_loop3A_762 = arith.mulf %get3A_22, %parallel_loop3A_760 : vector<16xf32>
        %parallel_loop3A_763 = arith.mulf %get3A_26, %parallel_loop3A_752 : vector<16xf32>
        %parallel_loop3A_764 = arith.addf %parallel_loop3A_762, %parallel_loop3A_763 : vector<16xf32>
        %parallel_loop3A_765 = arith.constant 0 : i32
        %parallel_loop3A_766 = arith.index_cast %parallel_loop3A_765 : i32 to index
        %parallel_loop3A_767 = arith.index_cast %parallel_loop3A_483 : i32 to index
        %parallel_loop3A_768 = tpu.vector_load %arg10[%parallel_loop3A_766, %parallel_loop3A_767] {strides = array<i32>} : memref<4x400xf32, #tpu.memory_space<vmem>>, vector<16xf32>,
        tpu.vector_store %arg10[%parallel_loop3A_766, %parallel_loop3A_767], %parallel_loop3A_764 {strides = array<i32>} : memref<4x400xf32, #tpu.memory_space<vmem>>, vector<16xf32>,
        %parallel_loop3A_769 = arith.mulf %get3A_22, %parallel_loop3A_761 : vector<16xf32>
        %parallel_loop3A_770 = arith.mulf %get3A_26, %parallel_loop3A_753 : vector<16xf32>
        %parallel_loop3A_771 = arith.addf %parallel_loop3A_769, %parallel_loop3A_770 : vector<16xf32>
        %parallel_loop3A_772 = arith.constant 1 : i32
        %parallel_loop3A_773 = arith.index_cast %parallel_loop3A_772 : i32 to index
        %parallel_loop3A_774 = arith.index_cast %parallel_loop3A_483 : i32 to index
        %parallel_loop3A_775 = tpu.vector_load %arg10[%parallel_loop3A_773, %parallel_loop3A_774] {strides = array<i32>} : memref<4x400xf32, #tpu.memory_space<vmem>>, vector<16xf32>,
        tpu.vector_store %arg10[%parallel_loop3A_773, %parallel_loop3A_774], %parallel_loop3A_771 {strides = array<i32>} : memref<4x400xf32, #tpu.memory_space<vmem>>, vector<16xf32>,
        %parallel_loop3A_776 = arith.constant 1 : i32
        %parallel_loop3A_777 = vector.broadcast %parallel_loop3A_776 : i32 to vector<16xi32>
        %parallel_loop3A_778 = tpu.vector_load_idx %arg7[%parallel_loop3A_777, %parallel_loop3A_555] : memref<2x10000xi32, #tpu.memory_space<vmem>>[vector<16xi32>, vector<16xi32>], vector<16xi32>,
        %parallel_loop3A_779 = vector.bitcast %parallel_loop3A_778 : vector<16xi32> to vector<32xbf16>
        %parallel_loop3A_780 = tpu.vector_load_idx %arg7[%parallel_loop3A_777, %parallel_loop3A_558] : memref<2x10000xi32, #tpu.memory_space<vmem>>[vector<16xi32>, vector<16xi32>], vector<16xi32>,
        %parallel_loop3A_781 = vector.bitcast %parallel_loop3A_780 : vector<16xi32> to vector<32xbf16>
        %parallel_loop3A_782 = tpu.vector_load_idx %arg7[%parallel_loop3A_777, %parallel_loop3A_561] : memref<2x10000xi32, #tpu.memory_space<vmem>>[vector<16xi32>, vector<16xi32>], vector<16xi32>,
        %parallel_loop3A_783 = vector.bitcast %parallel_loop3A_782 : vector<16xi32> to vector<32xbf16>
        %parallel_loop3A_784 = arith.maximumf %parallel_loop3A_779, %parallel_loop3A_783 : vector<32xbf16>
        %parallel_loop3A_785 = tpu.vector_load_idx %arg7[%parallel_loop3A_777, %parallel_loop3A_564] : memref<2x10000xi32, #tpu.memory_space<vmem>>[vector<16xi32>, vector<16xi32>], vector<16xi32>,
        %parallel_loop3A_786 = vector.bitcast %parallel_loop3A_785 : vector<16xi32> to vector<32xbf16>
        %parallel_loop3A_787 = arith.maximumf %parallel_loop3A_781, %parallel_loop3A_786 : vector<32xbf16>
        %parallel_loop3A_788 = tpu.vector_load_idx %arg7[%parallel_loop3A_777, %parallel_loop3A_567] : memref<2x10000xi32, #tpu.memory_space<vmem>>[vector<16xi32>, vector<16xi32>], vector<16xi32>,
        %parallel_loop3A_789 = vector.bitcast %parallel_loop3A_788 : vector<16xi32> to vector<32xbf16>
        %parallel_loop3A_790 = arith.maximumf %parallel_loop3A_784, %parallel_loop3A_789 : vector<32xbf16>
        %parallel_loop3A_791 = tpu.vector_load_idx %arg7[%parallel_loop3A_777, %parallel_loop3A_570] : memref<2x10000xi32, #tpu.memory_space<vmem>>[vector<16xi32>, vector<16xi32>], vector<16xi32>,
        %parallel_loop3A_792 = vector.bitcast %parallel_loop3A_791 : vector<16xi32> to vector<32xbf16>
        %parallel_loop3A_793 = arith.maximumf %parallel_loop3A_787, %parallel_loop3A_792 : vector<32xbf16>
        %parallel_loop3A_794 = tpu.vector_load_idx %arg7[%parallel_loop3A_777, %parallel_loop3A_573] : memref<2x10000xi32, #tpu.memory_space<vmem>>[vector<16xi32>, vector<16xi32>], vector<16xi32>,
        %parallel_loop3A_795 = vector.bitcast %parallel_loop3A_794 : vector<16xi32> to vector<32xbf16>
        %parallel_loop3A_796 = arith.maximumf %parallel_loop3A_790, %parallel_loop3A_795 : vector<32xbf16>
        %parallel_loop3A_797 = tpu.vector_load_idx %arg7[%parallel_loop3A_777, %parallel_loop3A_576] : memref<2x10000xi32, #tpu.memory_space<vmem>>[vector<16xi32>, vector<16xi32>], vector<16xi32>,
        %parallel_loop3A_798 = vector.bitcast %parallel_loop3A_797 : vector<16xi32> to vector<32xbf16>
        %parallel_loop3A_799 = arith.maximumf %parallel_loop3A_793, %parallel_loop3A_798 : vector<32xbf16>
        %parallel_loop3A_800 = tpu.vector_load_idx %arg7[%parallel_loop3A_777, %parallel_loop3A_579] : memref<2x10000xi32, #tpu.memory_space<vmem>>[vector<16xi32>, vector<16xi32>], vector<16xi32>,
        %parallel_loop3A_801 = vector.bitcast %parallel_loop3A_800 : vector<16xi32> to vector<32xbf16>
        %parallel_loop3A_802 = arith.maximumf %parallel_loop3A_796, %parallel_loop3A_801 : vector<32xbf16>
        %parallel_loop3A_803 = tpu.vector_load_idx %arg7[%parallel_loop3A_777, %parallel_loop3A_582] : memref<2x10000xi32, #tpu.memory_space<vmem>>[vector<16xi32>, vector<16xi32>], vector<16xi32>,
        %parallel_loop3A_804 = vector.bitcast %parallel_loop3A_803 : vector<16xi32> to vector<32xbf16>
        %parallel_loop3A_805 = arith.maximumf %parallel_loop3A_799, %parallel_loop3A_804 : vector<32xbf16>
        %parallel_loop3A_806 = tpu.vector_load_idx %arg7[%parallel_loop3A_777, %parallel_loop3A_585] : memref<2x10000xi32, #tpu.memory_space<vmem>>[vector<16xi32>, vector<16xi32>], vector<16xi32>,
        %parallel_loop3A_807 = vector.bitcast %parallel_loop3A_806 : vector<16xi32> to vector<32xbf16>
        %parallel_loop3A_808 = arith.maximumf %parallel_loop3A_802, %parallel_loop3A_807 : vector<32xbf16>
        %parallel_loop3A_809 = tpu.vector_load_idx %arg7[%parallel_loop3A_777, %parallel_loop3A_588] : memref<2x10000xi32, #tpu.memory_space<vmem>>[vector<16xi32>, vector<16xi32>], vector<16xi32>,
        %parallel_loop3A_810 = vector.bitcast %parallel_loop3A_809 : vector<16xi32> to vector<32xbf16>
        %parallel_loop3A_811 = arith.maximumf %parallel_loop3A_805, %parallel_loop3A_810 : vector<32xbf16>
        %parallel_loop3A_812 = tpu.vector_load_idx %arg7[%parallel_loop3A_777, %parallel_loop3A_591] : memref<2x10000xi32, #tpu.memory_space<vmem>>[vector<16xi32>, vector<16xi32>], vector<16xi32>,
        %parallel_loop3A_813 = vector.bitcast %parallel_loop3A_812 : vector<16xi32> to vector<32xbf16>
        %parallel_loop3A_814 = arith.maximumf %parallel_loop3A_808, %parallel_loop3A_813 : vector<32xbf16>
        %parallel_loop3A_815 = tpu.vector_load_idx %arg7[%parallel_loop3A_777, %parallel_loop3A_594] : memref<2x10000xi32, #tpu.memory_space<vmem>>[vector<16xi32>, vector<16xi32>], vector<16xi32>,
        %parallel_loop3A_816 = vector.bitcast %parallel_loop3A_815 : vector<16xi32> to vector<32xbf16>
        %parallel_loop3A_817 = arith.maximumf %parallel_loop3A_811, %parallel_loop3A_816 : vector<32xbf16>
        %parallel_loop3A_818 = tpu.vector_load_idx %arg7[%parallel_loop3A_777, %parallel_loop3A_597] : memref<2x10000xi32, #tpu.memory_space<vmem>>[vector<16xi32>, vector<16xi32>], vector<16xi32>,
        %parallel_loop3A_819 = vector.bitcast %parallel_loop3A_818 : vector<16xi32> to vector<32xbf16>
        %parallel_loop3A_820 = arith.maximumf %parallel_loop3A_814, %parallel_loop3A_819 : vector<32xbf16>
        %parallel_loop3A_821 = tpu.vector_load_idx %arg7[%parallel_loop3A_777, %parallel_loop3A_600] : memref<2x10000xi32, #tpu.memory_space<vmem>>[vector<16xi32>, vector<16xi32>], vector<16xi32>,
        %parallel_loop3A_822 = vector.bitcast %parallel_loop3A_821 : vector<16xi32> to vector<32xbf16>
        %parallel_loop3A_823 = arith.maximumf %parallel_loop3A_817, %parallel_loop3A_822 : vector<32xbf16>
        %parallel_loop3A_824 = tpu.vector_load_idx %arg7[%parallel_loop3A_777, %parallel_loop3A_603] : memref<2x10000xi32, #tpu.memory_space<vmem>>[vector<16xi32>, vector<16xi32>], vector<16xi32>,
        %parallel_loop3A_825 = vector.bitcast %parallel_loop3A_824 : vector<16xi32> to vector<32xbf16>
        %parallel_loop3A_826 = arith.maximumf %parallel_loop3A_820, %parallel_loop3A_825 : vector<32xbf16>
        %parallel_loop3A_827 = tpu.vector_load_idx %arg7[%parallel_loop3A_777, %parallel_loop3A_606] : memref<2x10000xi32, #tpu.memory_space<vmem>>[vector<16xi32>, vector<16xi32>], vector<16xi32>,
        %parallel_loop3A_828 = vector.bitcast %parallel_loop3A_827 : vector<16xi32> to vector<32xbf16>
        %parallel_loop3A_829 = arith.maximumf %parallel_loop3A_823, %parallel_loop3A_828 : vector<32xbf16>
        %parallel_loop3A_830 = tpu.vector_load_idx %arg7[%parallel_loop3A_777, %parallel_loop3A_609] : memref<2x10000xi32, #tpu.memory_space<vmem>>[vector<16xi32>, vector<16xi32>], vector<16xi32>,
        %parallel_loop3A_831 = vector.bitcast %parallel_loop3A_830 : vector<16xi32> to vector<32xbf16>
        %parallel_loop3A_832 = arith.maximumf %parallel_loop3A_826, %parallel_loop3A_831 : vector<32xbf16>
        %parallel_loop3A_833 = tpu.vector_load_idx %arg7[%parallel_loop3A_777, %parallel_loop3A_612] : memref<2x10000xi32, #tpu.memory_space<vmem>>[vector<16xi32>, vector<16xi32>], vector<16xi32>,
        %parallel_loop3A_834 = vector.bitcast %parallel_loop3A_833 : vector<16xi32> to vector<32xbf16>
        %parallel_loop3A_835 = arith.maximumf %parallel_loop3A_829, %parallel_loop3A_834 : vector<32xbf16>
        %parallel_loop3A_836 = tpu.vector_load_idx %arg7[%parallel_loop3A_777, %parallel_loop3A_615] : memref<2x10000xi32, #tpu.memory_space<vmem>>[vector<16xi32>, vector<16xi32>], vector<16xi32>,
        %parallel_loop3A_837 = vector.bitcast %parallel_loop3A_836 : vector<16xi32> to vector<32xbf16>
        %parallel_loop3A_838 = arith.maximumf %parallel_loop3A_832, %parallel_loop3A_837 : vector<32xbf16>
        %parallel_loop3A_839 = tpu.vector_load_idx %arg7[%parallel_loop3A_777, %parallel_loop3A_618] : memref<2x10000xi32, #tpu.memory_space<vmem>>[vector<16xi32>, vector<16xi32>], vector<16xi32>,
        %parallel_loop3A_840 = vector.bitcast %parallel_loop3A_839 : vector<16xi32> to vector<32xbf16>
        %parallel_loop3A_841 = arith.maximumf %parallel_loop3A_835, %parallel_loop3A_840 : vector<32xbf16>
        %parallel_loop3A_842 = tpu.vector_load_idx %arg7[%parallel_loop3A_777, %parallel_loop3A_621] : memref<2x10000xi32, #tpu.memory_space<vmem>>[vector<16xi32>, vector<16xi32>], vector<16xi32>,
        %parallel_loop3A_843 = vector.bitcast %parallel_loop3A_842 : vector<16xi32> to vector<32xbf16>
        %parallel_loop3A_844 = arith.maximumf %parallel_loop3A_838, %parallel_loop3A_843 : vector<32xbf16>
        %parallel_loop3A_845 = tpu.vector_load_idx %arg7[%parallel_loop3A_777, %parallel_loop3A_624] : memref<2x10000xi32, #tpu.memory_space<vmem>>[vector<16xi32>, vector<16xi32>], vector<16xi32>,
        %parallel_loop3A_846 = vector.bitcast %parallel_loop3A_845 : vector<16xi32> to vector<32xbf16>
        %parallel_loop3A_847 = arith.maximumf %parallel_loop3A_841, %parallel_loop3A_846 : vector<32xbf16>
        %parallel_loop3A_848 = tpu.vector_load_idx %arg7[%parallel_loop3A_777, %parallel_loop3A_627] : memref<2x10000xi32, #tpu.memory_space<vmem>>[vector<16xi32>, vector<16xi32>], vector<16xi32>,
        %parallel_loop3A_849 = vector.bitcast %parallel_loop3A_848 : vector<16xi32> to vector<32xbf16>
        %parallel_loop3A_850 = arith.maximumf %parallel_loop3A_844, %parallel_loop3A_849 : vector<32xbf16>
        %parallel_loop3A_851 = tpu.vector_load_idx %arg7[%parallel_loop3A_777, %parallel_loop3A_630] : memref<2x10000xi32, #tpu.memory_space<vmem>>[vector<16xi32>, vector<16xi32>], vector<16xi32>,
        %parallel_loop3A_852 = vector.bitcast %parallel_loop3A_851 : vector<16xi32> to vector<32xbf16>
        %parallel_loop3A_853 = arith.maximumf %parallel_loop3A_847, %parallel_loop3A_852 : vector<32xbf16>
        %parallel_loop3A_854 = tpu.vector_load_idx %arg7[%parallel_loop3A_777, %parallel_loop3A_633] : memref<2x10000xi32, #tpu.memory_space<vmem>>[vector<16xi32>, vector<16xi32>], vector<16xi32>,
        %parallel_loop3A_855 = vector.bitcast %parallel_loop3A_854 : vector<16xi32> to vector<32xbf16>
        %parallel_loop3A_856 = arith.maximumf %parallel_loop3A_850, %parallel_loop3A_855 : vector<32xbf16>
        %parallel_loop3A_857 = tpu.vector_load_idx %arg7[%parallel_loop3A_777, %parallel_loop3A_636] : memref<2x10000xi32, #tpu.memory_space<vmem>>[vector<16xi32>, vector<16xi32>], vector<16xi32>,
        %parallel_loop3A_858 = vector.bitcast %parallel_loop3A_857 : vector<16xi32> to vector<32xbf16>
        %parallel_loop3A_859 = arith.maximumf %parallel_loop3A_853, %parallel_loop3A_858 : vector<32xbf16>
        %parallel_loop3A_860 = tpu.vector_load_idx %arg7[%parallel_loop3A_777, %parallel_loop3A_639] : memref<2x10000xi32, #tpu.memory_space<vmem>>[vector<16xi32>, vector<16xi32>], vector<16xi32>,
        %parallel_loop3A_861 = vector.bitcast %parallel_loop3A_860 : vector<16xi32> to vector<32xbf16>
        %parallel_loop3A_862 = arith.maximumf %parallel_loop3A_856, %parallel_loop3A_861 : vector<32xbf16>
        %parallel_loop3A_863 = tpu.vector_load_idx %arg7[%parallel_loop3A_777, %parallel_loop3A_642] : memref<2x10000xi32, #tpu.memory_space<vmem>>[vector<16xi32>, vector<16xi32>], vector<16xi32>,
        %parallel_loop3A_864 = vector.bitcast %parallel_loop3A_863 : vector<16xi32> to vector<32xbf16>
        %parallel_loop3A_865 = arith.maximumf %parallel_loop3A_859, %parallel_loop3A_864 : vector<32xbf16>
        %parallel_loop3A_866 = tpu.vector_load_idx %arg7[%parallel_loop3A_777, %parallel_loop3A_645] : memref<2x10000xi32, #tpu.memory_space<vmem>>[vector<16xi32>, vector<16xi32>], vector<16xi32>,
        %parallel_loop3A_867 = vector.bitcast %parallel_loop3A_866 : vector<16xi32> to vector<32xbf16>
        %parallel_loop3A_868 = arith.maximumf %parallel_loop3A_862, %parallel_loop3A_867 : vector<32xbf16>
        %parallel_loop3A_869 = tpu.vector_load_idx %arg7[%parallel_loop3A_777, %parallel_loop3A_648] : memref<2x10000xi32, #tpu.memory_space<vmem>>[vector<16xi32>, vector<16xi32>], vector<16xi32>,
        %parallel_loop3A_870 = vector.bitcast %parallel_loop3A_869 : vector<16xi32> to vector<32xbf16>
        %parallel_loop3A_871 = arith.maximumf %parallel_loop3A_865, %parallel_loop3A_870 : vector<32xbf16>
        %parallel_loop3A_872 = tpu.vector_load_idx %arg7[%parallel_loop3A_777, %parallel_loop3A_651] : memref<2x10000xi32, #tpu.memory_space<vmem>>[vector<16xi32>, vector<16xi32>], vector<16xi32>,
        %parallel_loop3A_873 = vector.bitcast %parallel_loop3A_872 : vector<16xi32> to vector<32xbf16>
        %parallel_loop3A_874 = arith.maximumf %parallel_loop3A_868, %parallel_loop3A_873 : vector<32xbf16>
        %parallel_loop3A_875 = arith.maximumf %parallel_loop3A_874, %parallel_loop3A_871 : vector<32xbf16>
        %parallel_loop3A_876 = tpu.unpack_subelements %parallel_loop3A_875, 0 {pack_format = #tpu.pack_format<interleaved>} : vector<32xbf16> -> vector<16xf32>
        %parallel_loop3A_877 = tpu.unpack_subelements %parallel_loop3A_875, 1 {pack_format = #tpu.pack_format<interleaved>} : vector<32xbf16> -> vector<16xf32>
        %parallel_loop3A_878 = arith.addi %mul3A_322, %parallel_loop3A_483 : i32
        %parallel_loop3A_879 = arith.constant 1 : i32
        %parallel_loop3A_880 = arith.index_cast %parallel_loop3A_879 : i32 to index
        %parallel_loop3A_881 = arith.index_cast %parallel_loop3A_878 : i32 to index
        %parallel_loop3A_882 = tpu.vector_load %arg7[%parallel_loop3A_880, %parallel_loop3A_881] {strides = array<i32>} : memref<2x10000xi32, #tpu.memory_space<vmem>>, vector<16xi32>,
        %parallel_loop3A_883 = vector.bitcast %parallel_loop3A_882 : vector<16xi32> to vector<32xbf16>
        %parallel_loop3A_884 = tpu.unpack_subelements %parallel_loop3A_883, 0 {pack_format = #tpu.pack_format<interleaved>} : vector<32xbf16> -> vector<16xf32>
        %parallel_loop3A_885 = tpu.unpack_subelements %parallel_loop3A_883, 1 {pack_format = #tpu.pack_format<interleaved>} : vector<32xbf16> -> vector<16xf32>
        %parallel_loop3A_886 = arith.mulf %get3A_22, %parallel_loop3A_884 : vector<16xf32>
        %parallel_loop3A_887 = arith.mulf %get3A_26, %parallel_loop3A_876 : vector<16xf32>
        %parallel_loop3A_888 = arith.addf %parallel_loop3A_886, %parallel_loop3A_887 : vector<16xf32>
        %parallel_loop3A_889 = arith.constant 2 : i32
        %parallel_loop3A_890 = arith.index_cast %parallel_loop3A_889 : i32 to index
        %parallel_loop3A_891 = arith.index_cast %parallel_loop3A_483 : i32 to index
        %parallel_loop3A_892 = tpu.vector_load %arg10[%parallel_loop3A_890, %parallel_loop3A_891] {strides = array<i32>} : memref<4x400xf32, #tpu.memory_space<vmem>>, vector<16xf32>,
        tpu.vector_store %arg10[%parallel_loop3A_890, %parallel_loop3A_891], %parallel_loop3A_888 {strides = array<i32>} : memref<4x400xf32, #tpu.memory_space<vmem>>, vector<16xf32>,
        %parallel_loop3A_893 = arith.mulf %get3A_22, %parallel_loop3A_885 : vector<16xf32>
        %parallel_loop3A_894 = arith.mulf %get3A_26, %parallel_loop3A_877 : vector<16xf32>
        %parallel_loop3A_895 = arith.addf %parallel_loop3A_893, %parallel_loop3A_894 : vector<16xf32>
        %parallel_loop3A_896 = arith.constant 3 : i32
        %parallel_loop3A_897 = arith.index_cast %parallel_loop3A_896 : i32 to index
        %parallel_loop3A_898 = arith.index_cast %parallel_loop3A_483 : i32 to index
        %parallel_loop3A_899 = tpu.vector_load %arg10[%parallel_loop3A_897, %parallel_loop3A_898] {strides = array<i32>} : memref<4x400xf32, #tpu.memory_space<vmem>>, vector<16xf32>,
        tpu.vector_store %arg10[%parallel_loop3A_897, %parallel_loop3A_898], %parallel_loop3A_895 {strides = array<i32>} : memref<4x400xf32, #tpu.memory_space<vmem>>, vector<16xf32>,
        scf.yield %parallel_loop3A_484 : i32
      } {sc.loop_unroll_factor = 1 : i64, sc.parallel_access}
      %add3A_328 = arith.constant 2 : i32
      %add3A_329 = arith.addi %add3A_309, %add3A_328 : i32
      %dma_start3A_330 = arith.constant 0 : i32
      %dma_start3A_331 = arith.constant 0 : i32
      %dma_start3A_332 = tpu.memref_slice %arg3[%add3A_329, %dma_start3A_330, %dma_start3A_331] : memref<25x17x400xi32, #tpu.memory_space<hbm>> -> memref<1x17x400xi32, #tpu.memory_space<hbm>>
      %dma_start3A_333 = tpu.memref_squeeze %dma_start3A_332 : memref<1x17x400xi32, #tpu.memory_space<hbm>> -> memref<17x400xi32, #tpu.memory_space<hbm>>
      %dma_start3A_334 = arith.constant 0 : i32
      %dma_start3A_335 = arith.constant 0 : i32
      %dma_start3A_336 = tpu.memref_slice %arg3[%add3A_329, %dma_start3A_334, %dma_start3A_335] : memref<25x17x400xi32, #tpu.memory_space<hbm>> -> memref<1x17x400xi32, #tpu.memory_space<hbm>>
      %dma_start3A_337 = tpu.memref_squeeze %dma_start3A_336 : memref<1x17x400xi32, #tpu.memory_space<hbm>> -> memref<17x400xi32, #tpu.memory_space<hbm>>
      tpu.enqueue_dma source(%dma_start3A_337 : memref<17x400xi32, #tpu.memory_space<hbm>>) target(%arg8 : memref<17x400xi32, #tpu.memory_space<vmem>>) target_semaphore(%arg13 : memref<!tpu.dma_semaphore, #tpu.memory_space<semaphore_mem>>)
      %mul3A_338 = arith.constant 400 : i32
      %mul3A_339 = arith.muli %add3A_309, %mul3A_338 : i32
      %add3A_340 = arith.constant 0 : i32
      %add3A_341 = arith.addi %mul3A_2, %add3A_340 : i32
      %dma_start3A_342 = arith.constant 0 : i32
      %dma_start3A_343 = arith.constant 0 : i32
      %dma_start3A_344 = arith.constant 0 : i32
      %dma_start3A_345 = tpu.memref_slice %arg10[%dma_start3A_342, %dma_start3A_344] : memref<4x400xf32, #tpu.memory_space<vmem>> -> memref<1x400xf32, #tpu.memory_space<vmem>>
      %dma_start3A_346 = tpu.memref_squeeze %dma_start3A_345 : memref<1x400xf32, #tpu.memory_space<vmem>> -> memref<400xf32, #tpu.memory_space<vmem>>
      %dma_start3A_347 = tpu.memref_slice %arg5[%dma_start3A_343, %add3A_341, %mul3A_339] : memref<1x128x10000xf32, #tpu.memory_space<hbm>> -> memref<1x1x400xf32, #tpu.memory_space<hbm>>
      %dma_start3A_348 = tpu.memref_squeeze %dma_start3A_347 : memref<1x1x400xf32, #tpu.memory_space<hbm>> -> memref<400xf32, #tpu.memory_space<hbm>>
      %dma_start3A_349 = tpu.memref_slice %arg5[%dma_start3A_343, %add3A_341, %mul3A_339] : memref<1x128x10000xf32, #tpu.memory_space<hbm>> -> memref<1x1x400xf32, #tpu.memory_space<hbm>>
      %dma_start3A_350 = tpu.memref_squeeze %dma_start3A_349 : memref<1x1x400xf32, #tpu.memory_space<hbm>> -> memref<400xf32, #tpu.memory_space<hbm>>
      %dma_start3A_351 = arith.constant 0 : i32
      %dma_start3A_352 = tpu.memref_slice %arg10[%dma_start3A_342, %dma_start3A_351] : memref<4x400xf32, #tpu.memory_space<vmem>> -> memref<1x400xf32, #tpu.memory_space<vmem>>
      %dma_start3A_353 = tpu.memref_squeeze %dma_start3A_352 : memref<1x400xf32, #tpu.memory_space<vmem>> -> memref<400xf32, #tpu.memory_space<vmem>>
      tpu.enqueue_dma source(%dma_start3A_353 : memref<400xf32, #tpu.memory_space<vmem>>) target(%dma_start3A_350 : memref<400xf32, #tpu.memory_space<hbm>>) target_semaphore(%arg15 : memref<!tpu.dma_semaphore, #tpu.memory_space<semaphore_mem>>)
      %add3A_354 = arith.constant 1 : i32
      %add3A_355 = arith.addi %mul3A_2, %add3A_354 : i32
      %dma_start3A_356 = arith.constant 1 : i32
      %dma_start3A_357 = arith.constant 0 : i32
      %dma_start3A_358 = arith.constant 0 : i32
      %dma_start3A_359 = tpu.memref_slice %arg10[%dma_start3A_356, %dma_start3A_358] : memref<4x400xf32, #tpu.memory_space<vmem>> -> memref<1x400xf32, #tpu.memory_space<vmem>>
      %dma_start3A_360 = tpu.memref_squeeze %dma_start3A_359 : memref<1x400xf32, #tpu.memory_space<vmem>> -> memref<400xf32, #tpu.memory_space<vmem>>
      %dma_start3A_361 = tpu.memref_slice %arg5[%dma_start3A_357, %add3A_355, %mul3A_339] : memref<1x128x10000xf32, #tpu.memory_space<hbm>> -> memref<1x1x400xf32, #tpu.memory_space<hbm>>
      %dma_start3A_362 = tpu.memref_squeeze %dma_start3A_361 : memref<1x1x400xf32, #tpu.memory_space<hbm>> -> memref<400xf32, #tpu.memory_space<hbm>>
      %dma_start3A_363 = tpu.memref_slice %arg5[%dma_start3A_357, %add3A_355, %mul3A_339] : memref<1x128x10000xf32, #tpu.memory_space<hbm>> -> memref<1x1x400xf32, #tpu.memory_space<hbm>>
      %dma_start3A_364 = tpu.memref_squeeze %dma_start3A_363 : memref<1x1x400xf32, #tpu.memory_space<hbm>> -> memref<400xf32, #tpu.memory_space<hbm>>
      %dma_start3A_365 = arith.constant 0 : i32
      %dma_start3A_366 = tpu.memref_slice %arg10[%dma_start3A_356, %dma_start3A_365] : memref<4x400xf32, #tpu.memory_space<vmem>> -> memref<1x400xf32, #tpu.memory_space<vmem>>
      %dma_start3A_367 = tpu.memref_squeeze %dma_start3A_366 : memref<1x400xf32, #tpu.memory_space<vmem>> -> memref<400xf32, #tpu.memory_space<vmem>>
      tpu.enqueue_dma source(%dma_start3A_367 : memref<400xf32, #tpu.memory_space<vmem>>) target(%dma_start3A_364 : memref<400xf32, #tpu.memory_space<hbm>>) target_semaphore(%arg15 : memref<!tpu.dma_semaphore, #tpu.memory_space<semaphore_mem>>)
      %add3A_368 = arith.constant 2 : i32
      %add3A_369 = arith.addi %mul3A_2, %add3A_368 : i32
      %dma_start3A_370 = arith.constant 2 : i32
      %dma_start3A_371 = arith.constant 0 : i32
      %dma_start3A_372 = arith.constant 0 : i32
      %dma_start3A_373 = tpu.memref_slice %arg10[%dma_start3A_370, %dma_start3A_372] : memref<4x400xf32, #tpu.memory_space<vmem>> -> memref<1x400xf32, #tpu.memory_space<vmem>>
      %dma_start3A_374 = tpu.memref_squeeze %dma_start3A_373 : memref<1x400xf32, #tpu.memory_space<vmem>> -> memref<400xf32, #tpu.memory_space<vmem>>
      %dma_start3A_375 = tpu.memref_slice %arg5[%dma_start3A_371, %add3A_369, %mul3A_339] : memref<1x128x10000xf32, #tpu.memory_space<hbm>> -> memref<1x1x400xf32, #tpu.memory_space<hbm>>
      %dma_start3A_376 = tpu.memref_squeeze %dma_start3A_375 : memref<1x1x400xf32, #tpu.memory_space<hbm>> -> memref<400xf32, #tpu.memory_space<hbm>>
      %dma_start3A_377 = tpu.memref_slice %arg5[%dma_start3A_371, %add3A_369, %mul3A_339] : memref<1x128x10000xf32, #tpu.memory_space<hbm>> -> memref<1x1x400xf32, #tpu.memory_space<hbm>>
      %dma_start3A_378 = tpu.memref_squeeze %dma_start3A_377 : memref<1x1x400xf32, #tpu.memory_space<hbm>> -> memref<400xf32, #tpu.memory_space<hbm>>
      %dma_start3A_379 = arith.constant 0 : i32
      %dma_start3A_380 = tpu.memref_slice %arg10[%dma_start3A_370, %dma_start3A_379] : memref<4x400xf32, #tpu.memory_space<vmem>> -> memref<1x400xf32, #tpu.memory_space<vmem>>
      %dma_start3A_381 = tpu.memref_squeeze %dma_start3A_380 : memref<1x400xf32, #tpu.memory_space<vmem>> -> memref<400xf32, #tpu.memory_space<vmem>>
      tpu.enqueue_dma source(%dma_start3A_381 : memref<400xf32, #tpu.memory_space<vmem>>) target(%dma_start3A_378 : memref<400xf32, #tpu.memory_space<hbm>>) target_semaphore(%arg15 : memref<!tpu.dma_semaphore, #tpu.memory_space<semaphore_mem>>)
      %add3A_382 = arith.constant 3 : i32
      %add3A_383 = arith.addi %mul3A_2, %add3A_382 : i32
      %dma_start3A_384 = arith.constant 3 : i32
      %dma_start3A_385 = arith.constant 0 : i32
      %dma_start3A_386 = arith.constant 0 : i32
      %dma_start3A_387 = tpu.memref_slice %arg10[%dma_start3A_384, %dma_start3A_386] : memref<4x400xf32, #tpu.memory_space<vmem>> -> memref<1x400xf32, #tpu.memory_space<vmem>>
      %dma_start3A_388 = tpu.memref_squeeze %dma_start3A_387 : memref<1x400xf32, #tpu.memory_space<vmem>> -> memref<400xf32, #tpu.memory_space<vmem>>
      %dma_start3A_389 = tpu.memref_slice %arg5[%dma_start3A_385, %add3A_383, %mul3A_339] : memref<1x128x10000xf32, #tpu.memory_space<hbm>> -> memref<1x1x400xf32, #tpu.memory_space<hbm>>
      %dma_start3A_390 = tpu.memref_squeeze %dma_start3A_389 : memref<1x1x400xf32, #tpu.memory_space<hbm>> -> memref<400xf32, #tpu.memory_space<hbm>>
      %dma_start3A_391 = tpu.memref_slice %arg5[%dma_start3A_385, %add3A_383, %mul3A_339] : memref<1x128x10000xf32, #tpu.memory_space<hbm>> -> memref<1x1x400xf32, #tpu.memory_space<hbm>>
      %dma_start3A_392 = tpu.memref_squeeze %dma_start3A_391 : memref<1x1x400xf32, #tpu.memory_space<hbm>> -> memref<400xf32, #tpu.memory_space<hbm>>
      %dma_start3A_393 = arith.constant 0 : i32
      %dma_start3A_394 = tpu.memref_slice %arg10[%dma_start3A_384, %dma_start3A_393] : memref<4x400xf32, #tpu.memory_space<vmem>> -> memref<1x400xf32, #tpu.memory_space<vmem>>
      %dma_start3A_395 = tpu.memref_squeeze %dma_start3A_394 : memref<1x400xf32, #tpu.memory_space<vmem>> -> memref<400xf32, #tpu.memory_space<vmem>>
      tpu.enqueue_dma source(%dma_start3A_395 : memref<400xf32, #tpu.memory_space<vmem>>) target(%dma_start3A_392 : memref<400xf32, #tpu.memory_space<hbm>>) target_semaphore(%arg15 : memref<!tpu.dma_semaphore, #tpu.memory_space<semaphore_mem>>)
      %mul3A_396 = arith.constant 2 : i32
      %mul3A_397 = arith.muli %mul3A_396, %scan3A_305 : i32
      %add3A_398 = arith.constant 1 : i32
      %add3A_399 = arith.addi %mul3A_397, %add3A_398 : i32
      %dma_wait3A_400 = arith.constant 0 : i32
      %dma_wait3A_401 = arith.constant 0 : i32
      %dma_wait3A_402 = arith.constant 0 : i32
      %dma_wait3A_403 = tpu.memref_slice %arg3[%dma_wait3A_400, %dma_wait3A_401, %dma_wait3A_402] : memref<25x17x400xi32, #tpu.memory_space<hbm>> -> memref<1x17x400xi32, #tpu.memory_space<hbm>>
      %dma_wait3A_404 = tpu.memref_squeeze %dma_wait3A_403 : memref<1x17x400xi32, #tpu.memory_space<hbm>> -> memref<17x400xi32, #tpu.memory_space<hbm>>
      %dma_wait3A_405 = arith.constant 0 : i32
      %dma_wait3A_406 = arith.constant 0 : i32
      %dma_wait3A_407 = tpu.memref_slice %arg3[%dma_wait3A_400, %dma_wait3A_405, %dma_wait3A_406] : memref<25x17x400xi32, #tpu.memory_space<hbm>> -> memref<1x17x400xi32, #tpu.memory_space<hbm>>
      %dma_wait3A_408 = tpu.memref_squeeze %dma_wait3A_407 : memref<1x17x400xi32, #tpu.memory_space<hbm>> -> memref<17x400xi32, #tpu.memory_space<hbm>>
      tpu.wait_dma2 semaphore(%arg14 : memref<!tpu.dma_semaphore, #tpu.memory_space<semaphore_mem>>) src(%dma_wait3A_408 : memref<17x400xi32, #tpu.memory_space<hbm>>) dst(%arg9 : memref<17x400xi32, #tpu.memory_space<vmem>>)
      %ge3A_409 = arith.constant 1 : i32
      %ge3A_410 = arith.cmpi sge, %scan3A_305, %ge3A_409 : i32
      %convert_element_type3A_411 = arith.extui %ge3A_410 : i1 to i32
      %cond3A_412 = arith.constant 0 : i32
      %cond3A_413 = arith.cmpi ne, %convert_element_type3A_411, %cond3A_412 : i32
      scf.if %cond3A_413 {
        %add3A_483 = arith.constant 0 : i32
        %add3A_484 = arith.addi %mul3A_2, %add3A_483 : i32
        %dma_wait3A_485 = arith.constant 0 : i32
        %dma_wait3A_486 = arith.constant 0 : i32
        %dma_wait3A_487 = arith.constant 0 : i32
        %dma_wait3A_488 = tpu.memref_slice %arg11[%dma_wait3A_485, %dma_wait3A_487] : memref<4x400xf32, #tpu.memory_space<vmem>> -> memref<1x400xf32, #tpu.memory_space<vmem>>
        %dma_wait3A_489 = tpu.memref_squeeze %dma_wait3A_488 : memref<1x400xf32, #tpu.memory_space<vmem>> -> memref<400xf32, #tpu.memory_space<vmem>>
        %dma_wait3A_490 = arith.constant 0 : i32
        %dma_wait3A_491 = tpu.memref_slice %arg5[%dma_wait3A_486, %add3A_484, %dma_wait3A_490] : memref<1x128x10000xf32, #tpu.memory_space<hbm>> -> memref<1x1x400xf32, #tpu.memory_space<hbm>>
        %dma_wait3A_492 = tpu.memref_squeeze %dma_wait3A_491 : memref<1x1x400xf32, #tpu.memory_space<hbm>> -> memref<400xf32, #tpu.memory_space<hbm>>
        %dma_wait3A_493 = arith.constant 0 : i32
        %dma_wait3A_494 = tpu.memref_slice %arg5[%dma_wait3A_486, %add3A_484, %dma_wait3A_493] : memref<1x128x10000xf32, #tpu.memory_space<hbm>> -> memref<1x1x400xf32, #tpu.memory_space<hbm>>
        %dma_wait3A_495 = tpu.memref_squeeze %dma_wait3A_494 : memref<1x1x400xf32, #tpu.memory_space<hbm>> -> memref<400xf32, #tpu.memory_space<hbm>>
        %dma_wait3A_496 = arith.constant 0 : i32
        %dma_wait3A_497 = tpu.memref_slice %arg11[%dma_wait3A_485, %dma_wait3A_496] : memref<4x400xf32, #tpu.memory_space<vmem>> -> memref<1x400xf32, #tpu.memory_space<vmem>>
        %dma_wait3A_498 = tpu.memref_squeeze %dma_wait3A_497 : memref<1x400xf32, #tpu.memory_space<vmem>> -> memref<400xf32, #tpu.memory_space<vmem>>
        tpu.wait_dma2 semaphore(%arg16 : memref<!tpu.dma_semaphore, #tpu.memory_space<semaphore_mem>>) src(%dma_wait3A_498 : memref<400xf32, #tpu.memory_space<vmem>>) dst(%dma_wait3A_495 : memref<400xf32, #tpu.memory_space<hbm>>)
        %add3A_499 = arith.constant 1 : i32
        %add3A_500 = arith.addi %mul3A_2, %add3A_499 : i32
        %dma_wait3A_501 = arith.constant 1 : i32
        %dma_wait3A_502 = arith.constant 0 : i32
        %dma_wait3A_503 = arith.constant 0 : i32
        %dma_wait3A_504 = tpu.memref_slice %arg11[%dma_wait3A_501, %dma_wait3A_503] : memref<4x400xf32, #tpu.memory_space<vmem>> -> memref<1x400xf32, #tpu.memory_space<vmem>>
        %dma_wait3A_505 = tpu.memref_squeeze %dma_wait3A_504 : memref<1x400xf32, #tpu.memory_space<vmem>> -> memref<400xf32, #tpu.memory_space<vmem>>
        %dma_wait3A_506 = arith.constant 0 : i32
        %dma_wait3A_507 = tpu.memref_slice %arg5[%dma_wait3A_502, %add3A_500, %dma_wait3A_506] : memref<1x128x10000xf32, #tpu.memory_space<hbm>> -> memref<1x1x400xf32, #tpu.memory_space<hbm>>
        %dma_wait3A_508 = tpu.memref_squeeze %dma_wait3A_507 : memref<1x1x400xf32, #tpu.memory_space<hbm>> -> memref<400xf32, #tpu.memory_space<hbm>>
        %dma_wait3A_509 = arith.constant 0 : i32
        %dma_wait3A_510 = tpu.memref_slice %arg5[%dma_wait3A_502, %add3A_500, %dma_wait3A_509] : memref<1x128x10000xf32, #tpu.memory_space<hbm>> -> memref<1x1x400xf32, #tpu.memory_space<hbm>>
        %dma_wait3A_511 = tpu.memref_squeeze %dma_wait3A_510 : memref<1x1x400xf32, #tpu.memory_space<hbm>> -> memref<400xf32, #tpu.memory_space<hbm>>
        %dma_wait3A_512 = arith.constant 0 : i32
        %dma_wait3A_513 = tpu.memref_slice %arg11[%dma_wait3A_501, %dma_wait3A_512] : memref<4x400xf32, #tpu.memory_space<vmem>> -> memref<1x400xf32, #tpu.memory_space<vmem>>
        %dma_wait3A_514 = tpu.memref_squeeze %dma_wait3A_513 : memref<1x400xf32, #tpu.memory_space<vmem>> -> memref<400xf32, #tpu.memory_space<vmem>>
        tpu.wait_dma2 semaphore(%arg16 : memref<!tpu.dma_semaphore, #tpu.memory_space<semaphore_mem>>) src(%dma_wait3A_514 : memref<400xf32, #tpu.memory_space<vmem>>) dst(%dma_wait3A_511 : memref<400xf32, #tpu.memory_space<hbm>>)
        %add3A_515 = arith.constant 2 : i32
        %add3A_516 = arith.addi %mul3A_2, %add3A_515 : i32
        %dma_wait3A_517 = arith.constant 2 : i32
        %dma_wait3A_518 = arith.constant 0 : i32
        %dma_wait3A_519 = arith.constant 0 : i32
        %dma_wait3A_520 = tpu.memref_slice %arg11[%dma_wait3A_517, %dma_wait3A_519] : memref<4x400xf32, #tpu.memory_space<vmem>> -> memref<1x400xf32, #tpu.memory_space<vmem>>
        %dma_wait3A_521 = tpu.memref_squeeze %dma_wait3A_520 : memref<1x400xf32, #tpu.memory_space<vmem>> -> memref<400xf32, #tpu.memory_space<vmem>>
        %dma_wait3A_522 = arith.constant 0 : i32
        %dma_wait3A_523 = tpu.memref_slice %arg5[%dma_wait3A_518, %add3A_516, %dma_wait3A_522] : memref<1x128x10000xf32, #tpu.memory_space<hbm>> -> memref<1x1x400xf32, #tpu.memory_space<hbm>>
        %dma_wait3A_524 = tpu.memref_squeeze %dma_wait3A_523 : memref<1x1x400xf32, #tpu.memory_space<hbm>> -> memref<400xf32, #tpu.memory_space<hbm>>
        %dma_wait3A_525 = arith.constant 0 : i32
        %dma_wait3A_526 = tpu.memref_slice %arg5[%dma_wait3A_518, %add3A_516, %dma_wait3A_525] : memref<1x128x10000xf32, #tpu.memory_space<hbm>> -> memref<1x1x400xf32, #tpu.memory_space<hbm>>
        %dma_wait3A_527 = tpu.memref_squeeze %dma_wait3A_526 : memref<1x1x400xf32, #tpu.memory_space<hbm>> -> memref<400xf32, #tpu.memory_space<hbm>>
        %dma_wait3A_528 = arith.constant 0 : i32
        %dma_wait3A_529 = tpu.memref_slice %arg11[%dma_wait3A_517, %dma_wait3A_528] : memref<4x400xf32, #tpu.memory_space<vmem>> -> memref<1x400xf32, #tpu.memory_space<vmem>>
        %dma_wait3A_530 = tpu.memref_squeeze %dma_wait3A_529 : memref<1x400xf32, #tpu.memory_space<vmem>> -> memref<400xf32, #tpu.memory_space<vmem>>
        tpu.wait_dma2 semaphore(%arg16 : memref<!tpu.dma_semaphore, #tpu.memory_space<semaphore_mem>>) src(%dma_wait3A_530 : memref<400xf32, #tpu.memory_space<vmem>>) dst(%dma_wait3A_527 : memref<400xf32, #tpu.memory_space<hbm>>)
        %add3A_531 = arith.constant 3 : i32
        %add3A_532 = arith.addi %mul3A_2, %add3A_531 : i32
        %dma_wait3A_533 = arith.constant 3 : i32
        %dma_wait3A_534 = arith.constant 0 : i32
        %dma_wait3A_535 = arith.constant 0 : i32
        %dma_wait3A_536 = tpu.memref_slice %arg11[%dma_wait3A_533, %dma_wait3A_535] : memref<4x400xf32, #tpu.memory_space<vmem>> -> memref<1x400xf32, #tpu.memory_space<vmem>>
        %dma_wait3A_537 = tpu.memref_squeeze %dma_wait3A_536 : memref<1x400xf32, #tpu.memory_space<vmem>> -> memref<400xf32, #tpu.memory_space<vmem>>
        %dma_wait3A_538 = arith.constant 0 : i32
        %dma_wait3A_539 = tpu.memref_slice %arg5[%dma_wait3A_534, %add3A_532, %dma_wait3A_538] : memref<1x128x10000xf32, #tpu.memory_space<hbm>> -> memref<1x1x400xf32, #tpu.memory_space<hbm>>
        %dma_wait3A_540 = tpu.memref_squeeze %dma_wait3A_539 : memref<1x1x400xf32, #tpu.memory_space<hbm>> -> memref<400xf32, #tpu.memory_space<hbm>>
        %dma_wait3A_541 = arith.constant 0 : i32
        %dma_wait3A_542 = tpu.memref_slice %arg5[%dma_wait3A_534, %add3A_532, %dma_wait3A_541] : memref<1x128x10000xf32, #tpu.memory_space<hbm>> -> memref<1x1x400xf32, #tpu.memory_space<hbm>>
        %dma_wait3A_543 = tpu.memref_squeeze %dma_wait3A_542 : memref<1x1x400xf32, #tpu.memory_space<hbm>> -> memref<400xf32, #tpu.memory_space<hbm>>
        %dma_wait3A_544 = arith.constant 0 : i32
        %dma_wait3A_545 = tpu.memref_slice %arg11[%dma_wait3A_533, %dma_wait3A_544] : memref<4x400xf32, #tpu.memory_space<vmem>> -> memref<1x400xf32, #tpu.memory_space<vmem>>
        %dma_wait3A_546 = tpu.memref_squeeze %dma_wait3A_545 : memref<1x400xf32, #tpu.memory_space<vmem>> -> memref<400xf32, #tpu.memory_space<vmem>>
        tpu.wait_dma2 semaphore(%arg16 : memref<!tpu.dma_semaphore, #tpu.memory_space<semaphore_mem>>) src(%dma_wait3A_546 : memref<400xf32, #tpu.memory_space<vmem>>) dst(%dma_wait3A_543 : memref<400xf32, #tpu.memory_space<hbm>>)
      } else {
      }
      %mul3A_414 = arith.constant 400 : i32
      %mul3A_415 = arith.muli %add3A_399, %mul3A_414 : i32
      %parallel_loop3A_416 = arith.constant 0 : i32
      %parallel_loop3A_417 = arith.constant 400 : i32
      %parallel_loop3A_418 = arith.constant 16 : i32
      %parallel_loop3A_419 = arith.constant 0 : i32
      %parallel_loop3A_420 = scf.for %parallel_loop3A_483 = %parallel_loop3A_416 to %parallel_loop3A_417 step %parallel_loop3A_418 iter_args(%parallel_loop3A_484 = %parallel_loop3A_419) -> (i32)  : i32 {
        %parallel_loop3A_485 = arith.constant 0 : i32
        %parallel_loop3A_486 = arith.index_cast %parallel_loop3A_485 : i32 to index
        %parallel_loop3A_487 = arith.index_cast %parallel_loop3A_483 : i32 to index
        %parallel_loop3A_488 = tpu.vector_load %arg9[%parallel_loop3A_486, %parallel_loop3A_487] {strides = array<i32>} : memref<17x400xi32, #tpu.memory_space<vmem>>, vector<16xi32>,
        %parallel_loop3A_489 = arith.constant 1 : i32
        %parallel_loop3A_490 = arith.index_cast %parallel_loop3A_489 : i32 to index
        %parallel_loop3A_491 = arith.index_cast %parallel_loop3A_483 : i32 to index
        %parallel_loop3A_492 = tpu.vector_load %arg9[%parallel_loop3A_490, %parallel_loop3A_491] {strides = array<i32>} : memref<17x400xi32, #tpu.memory_space<vmem>>, vector<16xi32>,
        %parallel_loop3A_493 = arith.constant 2 : i32
        %parallel_loop3A_494 = arith.index_cast %parallel_loop3A_493 : i32 to index
        %parallel_loop3A_495 = arith.index_cast %parallel_loop3A_483 : i32 to index
        %parallel_loop3A_496 = tpu.vector_load %arg9[%parallel_loop3A_494, %parallel_loop3A_495] {strides = array<i32>} : memref<17x400xi32, #tpu.memory_space<vmem>>, vector<16xi32>,
        %parallel_loop3A_497 = arith.constant 3 : i32
        %parallel_loop3A_498 = arith.index_cast %parallel_loop3A_497 : i32 to index
        %parallel_loop3A_499 = arith.index_cast %parallel_loop3A_483 : i32 to index
        %parallel_loop3A_500 = tpu.vector_load %arg9[%parallel_loop3A_498, %parallel_loop3A_499] {strides = array<i32>} : memref<17x400xi32, #tpu.memory_space<vmem>>, vector<16xi32>,
        %parallel_loop3A_501 = arith.constant 4 : i32
        %parallel_loop3A_502 = arith.index_cast %parallel_loop3A_501 : i32 to index
        %parallel_loop3A_503 = arith.index_cast %parallel_loop3A_483 : i32 to index
        %parallel_loop3A_504 = tpu.vector_load %arg9[%parallel_loop3A_502, %parallel_loop3A_503] {strides = array<i32>} : memref<17x400xi32, #tpu.memory_space<vmem>>, vector<16xi32>,
        %parallel_loop3A_505 = arith.constant 5 : i32
        %parallel_loop3A_506 = arith.index_cast %parallel_loop3A_505 : i32 to index
        %parallel_loop3A_507 = arith.index_cast %parallel_loop3A_483 : i32 to index
        %parallel_loop3A_508 = tpu.vector_load %arg9[%parallel_loop3A_506, %parallel_loop3A_507] {strides = array<i32>} : memref<17x400xi32, #tpu.memory_space<vmem>>, vector<16xi32>,
        %parallel_loop3A_509 = arith.constant 6 : i32
        %parallel_loop3A_510 = arith.index_cast %parallel_loop3A_509 : i32 to index
        %parallel_loop3A_511 = arith.index_cast %parallel_loop3A_483 : i32 to index
        %parallel_loop3A_512 = tpu.vector_load %arg9[%parallel_loop3A_510, %parallel_loop3A_511] {strides = array<i32>} : memref<17x400xi32, #tpu.memory_space<vmem>>, vector<16xi32>,
        %parallel_loop3A_513 = arith.constant 7 : i32
        %parallel_loop3A_514 = arith.index_cast %parallel_loop3A_513 : i32 to index
        %parallel_loop3A_515 = arith.index_cast %parallel_loop3A_483 : i32 to index
        %parallel_loop3A_516 = tpu.vector_load %arg9[%parallel_loop3A_514, %parallel_loop3A_515] {strides = array<i32>} : memref<17x400xi32, #tpu.memory_space<vmem>>, vector<16xi32>,
        %parallel_loop3A_517 = arith.constant 8 : i32
        %parallel_loop3A_518 = arith.index_cast %parallel_loop3A_517 : i32 to index
        %parallel_loop3A_519 = arith.index_cast %parallel_loop3A_483 : i32 to index
        %parallel_loop3A_520 = tpu.vector_load %arg9[%parallel_loop3A_518, %parallel_loop3A_519] {strides = array<i32>} : memref<17x400xi32, #tpu.memory_space<vmem>>, vector<16xi32>,
        %parallel_loop3A_521 = arith.constant 9 : i32
        %parallel_loop3A_522 = arith.index_cast %parallel_loop3A_521 : i32 to index
        %parallel_loop3A_523 = arith.index_cast %parallel_loop3A_483 : i32 to index
        %parallel_loop3A_524 = tpu.vector_load %arg9[%parallel_loop3A_522, %parallel_loop3A_523] {strides = array<i32>} : memref<17x400xi32, #tpu.memory_space<vmem>>, vector<16xi32>,
        %parallel_loop3A_525 = arith.constant 10 : i32
        %parallel_loop3A_526 = arith.index_cast %parallel_loop3A_525 : i32 to index
        %parallel_loop3A_527 = arith.index_cast %parallel_loop3A_483 : i32 to index
        %parallel_loop3A_528 = tpu.vector_load %arg9[%parallel_loop3A_526, %parallel_loop3A_527] {strides = array<i32>} : memref<17x400xi32, #tpu.memory_space<vmem>>, vector<16xi32>,
        %parallel_loop3A_529 = arith.constant 11 : i32
        %parallel_loop3A_530 = arith.index_cast %parallel_loop3A_529 : i32 to index
        %parallel_loop3A_531 = arith.index_cast %parallel_loop3A_483 : i32 to index
        %parallel_loop3A_532 = tpu.vector_load %arg9[%parallel_loop3A_530, %parallel_loop3A_531] {strides = array<i32>} : memref<17x400xi32, #tpu.memory_space<vmem>>, vector<16xi32>,
        %parallel_loop3A_533 = arith.constant 12 : i32
        %parallel_loop3A_534 = arith.index_cast %parallel_loop3A_533 : i32 to index
        %parallel_loop3A_535 = arith.index_cast %parallel_loop3A_483 : i32 to index
        %parallel_loop3A_536 = tpu.vector_load %arg9[%parallel_loop3A_534, %parallel_loop3A_535] {strides = array<i32>} : memref<17x400xi32, #tpu.memory_space<vmem>>, vector<16xi32>,
        %parallel_loop3A_537 = arith.constant 13 : i32
        %parallel_loop3A_538 = arith.index_cast %parallel_loop3A_537 : i32 to index
        %parallel_loop3A_539 = arith.index_cast %parallel_loop3A_483 : i32 to index
        %parallel_loop3A_540 = tpu.vector_load %arg9[%parallel_loop3A_538, %parallel_loop3A_539] {strides = array<i32>} : memref<17x400xi32, #tpu.memory_space<vmem>>, vector<16xi32>,
        %parallel_loop3A_541 = arith.constant 14 : i32
        %parallel_loop3A_542 = arith.index_cast %parallel_loop3A_541 : i32 to index
        %parallel_loop3A_543 = arith.index_cast %parallel_loop3A_483 : i32 to index
        %parallel_loop3A_544 = tpu.vector_load %arg9[%parallel_loop3A_542, %parallel_loop3A_543] {strides = array<i32>} : memref<17x400xi32, #tpu.memory_space<vmem>>, vector<16xi32>,
        %parallel_loop3A_545 = arith.constant 15 : i32
        %parallel_loop3A_546 = arith.index_cast %parallel_loop3A_545 : i32 to index
        %parallel_loop3A_547 = arith.index_cast %parallel_loop3A_483 : i32 to index
        %parallel_loop3A_548 = tpu.vector_load %arg9[%parallel_loop3A_546, %parallel_loop3A_547] {strides = array<i32>} : memref<17x400xi32, #tpu.memory_space<vmem>>, vector<16xi32>,
        %parallel_loop3A_549 = arith.constant 16 : i32
        %parallel_loop3A_550 = arith.index_cast %parallel_loop3A_549 : i32 to index
        %parallel_loop3A_551 = arith.index_cast %parallel_loop3A_483 : i32 to index
        %parallel_loop3A_552 = tpu.vector_load %arg9[%parallel_loop3A_550, %parallel_loop3A_551] {strides = array<i32>} : memref<17x400xi32, #tpu.memory_space<vmem>>, vector<16xi32>,
        %parallel_loop3A_553 = arith.constant 65535 : i32
        %parallel_loop3A_554 = vector.broadcast %parallel_loop3A_553 : i32 to vector<16xi32>
        %parallel_loop3A_555 = arith.andi %parallel_loop3A_488, %parallel_loop3A_554 : vector<16xi32>
        %parallel_loop3A_556 = arith.constant 16 : i32
        %parallel_loop3A_557 = vector.broadcast %parallel_loop3A_556 : i32 to vector<16xi32>
        %parallel_loop3A_558 = arith.shrui %parallel_loop3A_488, %parallel_loop3A_557 : vector<16xi32>
        %parallel_loop3A_559 = arith.constant 65535 : i32
        %parallel_loop3A_560 = vector.broadcast %parallel_loop3A_559 : i32 to vector<16xi32>
        %parallel_loop3A_561 = arith.andi %parallel_loop3A_492, %parallel_loop3A_560 : vector<16xi32>
        %parallel_loop3A_562 = arith.constant 16 : i32
        %parallel_loop3A_563 = vector.broadcast %parallel_loop3A_562 : i32 to vector<16xi32>
        %parallel_loop3A_564 = arith.shrui %parallel_loop3A_492, %parallel_loop3A_563 : vector<16xi32>
        %parallel_loop3A_565 = arith.constant 65535 : i32
        %parallel_loop3A_566 = vector.broadcast %parallel_loop3A_565 : i32 to vector<16xi32>
        %parallel_loop3A_567 = arith.andi %parallel_loop3A_496, %parallel_loop3A_566 : vector<16xi32>
        %parallel_loop3A_568 = arith.constant 16 : i32
        %parallel_loop3A_569 = vector.broadcast %parallel_loop3A_568 : i32 to vector<16xi32>
        %parallel_loop3A_570 = arith.shrui %parallel_loop3A_496, %parallel_loop3A_569 : vector<16xi32>
        %parallel_loop3A_571 = arith.constant 65535 : i32
        %parallel_loop3A_572 = vector.broadcast %parallel_loop3A_571 : i32 to vector<16xi32>
        %parallel_loop3A_573 = arith.andi %parallel_loop3A_500, %parallel_loop3A_572 : vector<16xi32>
        %parallel_loop3A_574 = arith.constant 16 : i32
        %parallel_loop3A_575 = vector.broadcast %parallel_loop3A_574 : i32 to vector<16xi32>
        %parallel_loop3A_576 = arith.shrui %parallel_loop3A_500, %parallel_loop3A_575 : vector<16xi32>
        %parallel_loop3A_577 = arith.constant 65535 : i32
        %parallel_loop3A_578 = vector.broadcast %parallel_loop3A_577 : i32 to vector<16xi32>
        %parallel_loop3A_579 = arith.andi %parallel_loop3A_504, %parallel_loop3A_578 : vector<16xi32>
        %parallel_loop3A_580 = arith.constant 16 : i32
        %parallel_loop3A_581 = vector.broadcast %parallel_loop3A_580 : i32 to vector<16xi32>
        %parallel_loop3A_582 = arith.shrui %parallel_loop3A_504, %parallel_loop3A_581 : vector<16xi32>
        %parallel_loop3A_583 = arith.constant 65535 : i32
        %parallel_loop3A_584 = vector.broadcast %parallel_loop3A_583 : i32 to vector<16xi32>
        %parallel_loop3A_585 = arith.andi %parallel_loop3A_508, %parallel_loop3A_584 : vector<16xi32>
        %parallel_loop3A_586 = arith.constant 16 : i32
        %parallel_loop3A_587 = vector.broadcast %parallel_loop3A_586 : i32 to vector<16xi32>
        %parallel_loop3A_588 = arith.shrui %parallel_loop3A_508, %parallel_loop3A_587 : vector<16xi32>
        %parallel_loop3A_589 = arith.constant 65535 : i32
        %parallel_loop3A_590 = vector.broadcast %parallel_loop3A_589 : i32 to vector<16xi32>
        %parallel_loop3A_591 = arith.andi %parallel_loop3A_512, %parallel_loop3A_590 : vector<16xi32>
        %parallel_loop3A_592 = arith.constant 16 : i32
        %parallel_loop3A_593 = vector.broadcast %parallel_loop3A_592 : i32 to vector<16xi32>
        %parallel_loop3A_594 = arith.shrui %parallel_loop3A_512, %parallel_loop3A_593 : vector<16xi32>
        %parallel_loop3A_595 = arith.constant 65535 : i32
        %parallel_loop3A_596 = vector.broadcast %parallel_loop3A_595 : i32 to vector<16xi32>
        %parallel_loop3A_597 = arith.andi %parallel_loop3A_516, %parallel_loop3A_596 : vector<16xi32>
        %parallel_loop3A_598 = arith.constant 16 : i32
        %parallel_loop3A_599 = vector.broadcast %parallel_loop3A_598 : i32 to vector<16xi32>
        %parallel_loop3A_600 = arith.shrui %parallel_loop3A_516, %parallel_loop3A_599 : vector<16xi32>
        %parallel_loop3A_601 = arith.constant 65535 : i32
        %parallel_loop3A_602 = vector.broadcast %parallel_loop3A_601 : i32 to vector<16xi32>
        %parallel_loop3A_603 = arith.andi %parallel_loop3A_520, %parallel_loop3A_602 : vector<16xi32>
        %parallel_loop3A_604 = arith.constant 16 : i32
        %parallel_loop3A_605 = vector.broadcast %parallel_loop3A_604 : i32 to vector<16xi32>
        %parallel_loop3A_606 = arith.shrui %parallel_loop3A_520, %parallel_loop3A_605 : vector<16xi32>
        %parallel_loop3A_607 = arith.constant 65535 : i32
        %parallel_loop3A_608 = vector.broadcast %parallel_loop3A_607 : i32 to vector<16xi32>
        %parallel_loop3A_609 = arith.andi %parallel_loop3A_524, %parallel_loop3A_608 : vector<16xi32>
        %parallel_loop3A_610 = arith.constant 16 : i32
        %parallel_loop3A_611 = vector.broadcast %parallel_loop3A_610 : i32 to vector<16xi32>
        %parallel_loop3A_612 = arith.shrui %parallel_loop3A_524, %parallel_loop3A_611 : vector<16xi32>
        %parallel_loop3A_613 = arith.constant 65535 : i32
        %parallel_loop3A_614 = vector.broadcast %parallel_loop3A_613 : i32 to vector<16xi32>
        %parallel_loop3A_615 = arith.andi %parallel_loop3A_528, %parallel_loop3A_614 : vector<16xi32>
        %parallel_loop3A_616 = arith.constant 16 : i32
        %parallel_loop3A_617 = vector.broadcast %parallel_loop3A_616 : i32 to vector<16xi32>
        %parallel_loop3A_618 = arith.shrui %parallel_loop3A_528, %parallel_loop3A_617 : vector<16xi32>
        %parallel_loop3A_619 = arith.constant 65535 : i32
        %parallel_loop3A_620 = vector.broadcast %parallel_loop3A_619 : i32 to vector<16xi32>
        %parallel_loop3A_621 = arith.andi %parallel_loop3A_532, %parallel_loop3A_620 : vector<16xi32>
        %parallel_loop3A_622 = arith.constant 16 : i32
        %parallel_loop3A_623 = vector.broadcast %parallel_loop3A_622 : i32 to vector<16xi32>
        %parallel_loop3A_624 = arith.shrui %parallel_loop3A_532, %parallel_loop3A_623 : vector<16xi32>
        %parallel_loop3A_625 = arith.constant 65535 : i32
        %parallel_loop3A_626 = vector.broadcast %parallel_loop3A_625 : i32 to vector<16xi32>
        %parallel_loop3A_627 = arith.andi %parallel_loop3A_536, %parallel_loop3A_626 : vector<16xi32>
        %parallel_loop3A_628 = arith.constant 16 : i32
        %parallel_loop3A_629 = vector.broadcast %parallel_loop3A_628 : i32 to vector<16xi32>
        %parallel_loop3A_630 = arith.shrui %parallel_loop3A_536, %parallel_loop3A_629 : vector<16xi32>
        %parallel_loop3A_631 = arith.constant 65535 : i32
        %parallel_loop3A_632 = vector.broadcast %parallel_loop3A_631 : i32 to vector<16xi32>
        %parallel_loop3A_633 = arith.andi %parallel_loop3A_540, %parallel_loop3A_632 : vector<16xi32>
        %parallel_loop3A_634 = arith.constant 16 : i32
        %parallel_loop3A_635 = vector.broadcast %parallel_loop3A_634 : i32 to vector<16xi32>
        %parallel_loop3A_636 = arith.shrui %parallel_loop3A_540, %parallel_loop3A_635 : vector<16xi32>
        %parallel_loop3A_637 = arith.constant 65535 : i32
        %parallel_loop3A_638 = vector.broadcast %parallel_loop3A_637 : i32 to vector<16xi32>
        %parallel_loop3A_639 = arith.andi %parallel_loop3A_544, %parallel_loop3A_638 : vector<16xi32>
        %parallel_loop3A_640 = arith.constant 16 : i32
        %parallel_loop3A_641 = vector.broadcast %parallel_loop3A_640 : i32 to vector<16xi32>
        %parallel_loop3A_642 = arith.shrui %parallel_loop3A_544, %parallel_loop3A_641 : vector<16xi32>
        %parallel_loop3A_643 = arith.constant 65535 : i32
        %parallel_loop3A_644 = vector.broadcast %parallel_loop3A_643 : i32 to vector<16xi32>
        %parallel_loop3A_645 = arith.andi %parallel_loop3A_548, %parallel_loop3A_644 : vector<16xi32>
        %parallel_loop3A_646 = arith.constant 16 : i32
        %parallel_loop3A_647 = vector.broadcast %parallel_loop3A_646 : i32 to vector<16xi32>
        %parallel_loop3A_648 = arith.shrui %parallel_loop3A_548, %parallel_loop3A_647 : vector<16xi32>
        %parallel_loop3A_649 = arith.constant 65535 : i32
        %parallel_loop3A_650 = vector.broadcast %parallel_loop3A_649 : i32 to vector<16xi32>
        %parallel_loop3A_651 = arith.andi %parallel_loop3A_552, %parallel_loop3A_650 : vector<16xi32>
        %parallel_loop3A_652 = arith.constant 0 : i32
        %parallel_loop3A_653 = vector.broadcast %parallel_loop3A_652 : i32 to vector<16xi32>
        %parallel_loop3A_654 = tpu.vector_load_idx %arg7[%parallel_loop3A_653, %parallel_loop3A_555] : memref<2x10000xi32, #tpu.memory_space<vmem>>[vector<16xi32>, vector<16xi32>], vector<16xi32>,
        %parallel_loop3A_655 = vector.bitcast %parallel_loop3A_654 : vector<16xi32> to vector<32xbf16>
        %parallel_loop3A_656 = tpu.vector_load_idx %arg7[%parallel_loop3A_653, %parallel_loop3A_558] : memref<2x10000xi32, #tpu.memory_space<vmem>>[vector<16xi32>, vector<16xi32>], vector<16xi32>,
        %parallel_loop3A_657 = vector.bitcast %parallel_loop3A_656 : vector<16xi32> to vector<32xbf16>
        %parallel_loop3A_658 = tpu.vector_load_idx %arg7[%parallel_loop3A_653, %parallel_loop3A_561] : memref<2x10000xi32, #tpu.memory_space<vmem>>[vector<16xi32>, vector<16xi32>], vector<16xi32>,
        %parallel_loop3A_659 = vector.bitcast %parallel_loop3A_658 : vector<16xi32> to vector<32xbf16>
        %parallel_loop3A_660 = arith.maximumf %parallel_loop3A_655, %parallel_loop3A_659 : vector<32xbf16>
        %parallel_loop3A_661 = tpu.vector_load_idx %arg7[%parallel_loop3A_653, %parallel_loop3A_564] : memref<2x10000xi32, #tpu.memory_space<vmem>>[vector<16xi32>, vector<16xi32>], vector<16xi32>,
        %parallel_loop3A_662 = vector.bitcast %parallel_loop3A_661 : vector<16xi32> to vector<32xbf16>
        %parallel_loop3A_663 = arith.maximumf %parallel_loop3A_657, %parallel_loop3A_662 : vector<32xbf16>
        %parallel_loop3A_664 = tpu.vector_load_idx %arg7[%parallel_loop3A_653, %parallel_loop3A_567] : memref<2x10000xi32, #tpu.memory_space<vmem>>[vector<16xi32>, vector<16xi32>], vector<16xi32>,
        %parallel_loop3A_665 = vector.bitcast %parallel_loop3A_664 : vector<16xi32> to vector<32xbf16>
        %parallel_loop3A_666 = arith.maximumf %parallel_loop3A_660, %parallel_loop3A_665 : vector<32xbf16>
        %parallel_loop3A_667 = tpu.vector_load_idx %arg7[%parallel_loop3A_653, %parallel_loop3A_570] : memref<2x10000xi32, #tpu.memory_space<vmem>>[vector<16xi32>, vector<16xi32>], vector<16xi32>,
        %parallel_loop3A_668 = vector.bitcast %parallel_loop3A_667 : vector<16xi32> to vector<32xbf16>
        %parallel_loop3A_669 = arith.maximumf %parallel_loop3A_663, %parallel_loop3A_668 : vector<32xbf16>
        %parallel_loop3A_670 = tpu.vector_load_idx %arg7[%parallel_loop3A_653, %parallel_loop3A_573] : memref<2x10000xi32, #tpu.memory_space<vmem>>[vector<16xi32>, vector<16xi32>], vector<16xi32>,
        %parallel_loop3A_671 = vector.bitcast %parallel_loop3A_670 : vector<16xi32> to vector<32xbf16>
        %parallel_loop3A_672 = arith.maximumf %parallel_loop3A_666, %parallel_loop3A_671 : vector<32xbf16>
        %parallel_loop3A_673 = tpu.vector_load_idx %arg7[%parallel_loop3A_653, %parallel_loop3A_576] : memref<2x10000xi32, #tpu.memory_space<vmem>>[vector<16xi32>, vector<16xi32>], vector<16xi32>,
        %parallel_loop3A_674 = vector.bitcast %parallel_loop3A_673 : vector<16xi32> to vector<32xbf16>
        %parallel_loop3A_675 = arith.maximumf %parallel_loop3A_669, %parallel_loop3A_674 : vector<32xbf16>
        %parallel_loop3A_676 = tpu.vector_load_idx %arg7[%parallel_loop3A_653, %parallel_loop3A_579] : memref<2x10000xi32, #tpu.memory_space<vmem>>[vector<16xi32>, vector<16xi32>], vector<16xi32>,
        %parallel_loop3A_677 = vector.bitcast %parallel_loop3A_676 : vector<16xi32> to vector<32xbf16>
        %parallel_loop3A_678 = arith.maximumf %parallel_loop3A_672, %parallel_loop3A_677 : vector<32xbf16>
        %parallel_loop3A_679 = tpu.vector_load_idx %arg7[%parallel_loop3A_653, %parallel_loop3A_582] : memref<2x10000xi32, #tpu.memory_space<vmem>>[vector<16xi32>, vector<16xi32>], vector<16xi32>,
        %parallel_loop3A_680 = vector.bitcast %parallel_loop3A_679 : vector<16xi32> to vector<32xbf16>
        %parallel_loop3A_681 = arith.maximumf %parallel_loop3A_675, %parallel_loop3A_680 : vector<32xbf16>
        %parallel_loop3A_682 = tpu.vector_load_idx %arg7[%parallel_loop3A_653, %parallel_loop3A_585] : memref<2x10000xi32, #tpu.memory_space<vmem>>[vector<16xi32>, vector<16xi32>], vector<16xi32>,
        %parallel_loop3A_683 = vector.bitcast %parallel_loop3A_682 : vector<16xi32> to vector<32xbf16>
        %parallel_loop3A_684 = arith.maximumf %parallel_loop3A_678, %parallel_loop3A_683 : vector<32xbf16>
        %parallel_loop3A_685 = tpu.vector_load_idx %arg7[%parallel_loop3A_653, %parallel_loop3A_588] : memref<2x10000xi32, #tpu.memory_space<vmem>>[vector<16xi32>, vector<16xi32>], vector<16xi32>,
        %parallel_loop3A_686 = vector.bitcast %parallel_loop3A_685 : vector<16xi32> to vector<32xbf16>
        %parallel_loop3A_687 = arith.maximumf %parallel_loop3A_681, %parallel_loop3A_686 : vector<32xbf16>
        %parallel_loop3A_688 = tpu.vector_load_idx %arg7[%parallel_loop3A_653, %parallel_loop3A_591] : memref<2x10000xi32, #tpu.memory_space<vmem>>[vector<16xi32>, vector<16xi32>], vector<16xi32>,
        %parallel_loop3A_689 = vector.bitcast %parallel_loop3A_688 : vector<16xi32> to vector<32xbf16>
        %parallel_loop3A_690 = arith.maximumf %parallel_loop3A_684, %parallel_loop3A_689 : vector<32xbf16>
        %parallel_loop3A_691 = tpu.vector_load_idx %arg7[%parallel_loop3A_653, %parallel_loop3A_594] : memref<2x10000xi32, #tpu.memory_space<vmem>>[vector<16xi32>, vector<16xi32>], vector<16xi32>,
        %parallel_loop3A_692 = vector.bitcast %parallel_loop3A_691 : vector<16xi32> to vector<32xbf16>
        %parallel_loop3A_693 = arith.maximumf %parallel_loop3A_687, %parallel_loop3A_692 : vector<32xbf16>
        %parallel_loop3A_694 = tpu.vector_load_idx %arg7[%parallel_loop3A_653, %parallel_loop3A_597] : memref<2x10000xi32, #tpu.memory_space<vmem>>[vector<16xi32>, vector<16xi32>], vector<16xi32>,
        %parallel_loop3A_695 = vector.bitcast %parallel_loop3A_694 : vector<16xi32> to vector<32xbf16>
        %parallel_loop3A_696 = arith.maximumf %parallel_loop3A_690, %parallel_loop3A_695 : vector<32xbf16>
        %parallel_loop3A_697 = tpu.vector_load_idx %arg7[%parallel_loop3A_653, %parallel_loop3A_600] : memref<2x10000xi32, #tpu.memory_space<vmem>>[vector<16xi32>, vector<16xi32>], vector<16xi32>,
        %parallel_loop3A_698 = vector.bitcast %parallel_loop3A_697 : vector<16xi32> to vector<32xbf16>
        %parallel_loop3A_699 = arith.maximumf %parallel_loop3A_693, %parallel_loop3A_698 : vector<32xbf16>
        %parallel_loop3A_700 = tpu.vector_load_idx %arg7[%parallel_loop3A_653, %parallel_loop3A_603] : memref<2x10000xi32, #tpu.memory_space<vmem>>[vector<16xi32>, vector<16xi32>], vector<16xi32>,
        %parallel_loop3A_701 = vector.bitcast %parallel_loop3A_700 : vector<16xi32> to vector<32xbf16>
        %parallel_loop3A_702 = arith.maximumf %parallel_loop3A_696, %parallel_loop3A_701 : vector<32xbf16>
        %parallel_loop3A_703 = tpu.vector_load_idx %arg7[%parallel_loop3A_653, %parallel_loop3A_606] : memref<2x10000xi32, #tpu.memory_space<vmem>>[vector<16xi32>, vector<16xi32>], vector<16xi32>,
        %parallel_loop3A_704 = vector.bitcast %parallel_loop3A_703 : vector<16xi32> to vector<32xbf16>
        %parallel_loop3A_705 = arith.maximumf %parallel_loop3A_699, %parallel_loop3A_704 : vector<32xbf16>
        %parallel_loop3A_706 = tpu.vector_load_idx %arg7[%parallel_loop3A_653, %parallel_loop3A_609] : memref<2x10000xi32, #tpu.memory_space<vmem>>[vector<16xi32>, vector<16xi32>], vector<16xi32>,
        %parallel_loop3A_707 = vector.bitcast %parallel_loop3A_706 : vector<16xi32> to vector<32xbf16>
        %parallel_loop3A_708 = arith.maximumf %parallel_loop3A_702, %parallel_loop3A_707 : vector<32xbf16>
        %parallel_loop3A_709 = tpu.vector_load_idx %arg7[%parallel_loop3A_653, %parallel_loop3A_612] : memref<2x10000xi32, #tpu.memory_space<vmem>>[vector<16xi32>, vector<16xi32>], vector<16xi32>,
        %parallel_loop3A_710 = vector.bitcast %parallel_loop3A_709 : vector<16xi32> to vector<32xbf16>
        %parallel_loop3A_711 = arith.maximumf %parallel_loop3A_705, %parallel_loop3A_710 : vector<32xbf16>
        %parallel_loop3A_712 = tpu.vector_load_idx %arg7[%parallel_loop3A_653, %parallel_loop3A_615] : memref<2x10000xi32, #tpu.memory_space<vmem>>[vector<16xi32>, vector<16xi32>], vector<16xi32>,
        %parallel_loop3A_713 = vector.bitcast %parallel_loop3A_712 : vector<16xi32> to vector<32xbf16>
        %parallel_loop3A_714 = arith.maximumf %parallel_loop3A_708, %parallel_loop3A_713 : vector<32xbf16>
        %parallel_loop3A_715 = tpu.vector_load_idx %arg7[%parallel_loop3A_653, %parallel_loop3A_618] : memref<2x10000xi32, #tpu.memory_space<vmem>>[vector<16xi32>, vector<16xi32>], vector<16xi32>,
        %parallel_loop3A_716 = vector.bitcast %parallel_loop3A_715 : vector<16xi32> to vector<32xbf16>
        %parallel_loop3A_717 = arith.maximumf %parallel_loop3A_711, %parallel_loop3A_716 : vector<32xbf16>
        %parallel_loop3A_718 = tpu.vector_load_idx %arg7[%parallel_loop3A_653, %parallel_loop3A_621] : memref<2x10000xi32, #tpu.memory_space<vmem>>[vector<16xi32>, vector<16xi32>], vector<16xi32>,
        %parallel_loop3A_719 = vector.bitcast %parallel_loop3A_718 : vector<16xi32> to vector<32xbf16>
        %parallel_loop3A_720 = arith.maximumf %parallel_loop3A_714, %parallel_loop3A_719 : vector<32xbf16>
        %parallel_loop3A_721 = tpu.vector_load_idx %arg7[%parallel_loop3A_653, %parallel_loop3A_624] : memref<2x10000xi32, #tpu.memory_space<vmem>>[vector<16xi32>, vector<16xi32>], vector<16xi32>,
        %parallel_loop3A_722 = vector.bitcast %parallel_loop3A_721 : vector<16xi32> to vector<32xbf16>
        %parallel_loop3A_723 = arith.maximumf %parallel_loop3A_717, %parallel_loop3A_722 : vector<32xbf16>
        %parallel_loop3A_724 = tpu.vector_load_idx %arg7[%parallel_loop3A_653, %parallel_loop3A_627] : memref<2x10000xi32, #tpu.memory_space<vmem>>[vector<16xi32>, vector<16xi32>], vector<16xi32>,
        %parallel_loop3A_725 = vector.bitcast %parallel_loop3A_724 : vector<16xi32> to vector<32xbf16>
        %parallel_loop3A_726 = arith.maximumf %parallel_loop3A_720, %parallel_loop3A_725 : vector<32xbf16>
        %parallel_loop3A_727 = tpu.vector_load_idx %arg7[%parallel_loop3A_653, %parallel_loop3A_630] : memref<2x10000xi32, #tpu.memory_space<vmem>>[vector<16xi32>, vector<16xi32>], vector<16xi32>,
        %parallel_loop3A_728 = vector.bitcast %parallel_loop3A_727 : vector<16xi32> to vector<32xbf16>
        %parallel_loop3A_729 = arith.maximumf %parallel_loop3A_723, %parallel_loop3A_728 : vector<32xbf16>
        %parallel_loop3A_730 = tpu.vector_load_idx %arg7[%parallel_loop3A_653, %parallel_loop3A_633] : memref<2x10000xi32, #tpu.memory_space<vmem>>[vector<16xi32>, vector<16xi32>], vector<16xi32>,
        %parallel_loop3A_731 = vector.bitcast %parallel_loop3A_730 : vector<16xi32> to vector<32xbf16>
        %parallel_loop3A_732 = arith.maximumf %parallel_loop3A_726, %parallel_loop3A_731 : vector<32xbf16>
        %parallel_loop3A_733 = tpu.vector_load_idx %arg7[%parallel_loop3A_653, %parallel_loop3A_636] : memref<2x10000xi32, #tpu.memory_space<vmem>>[vector<16xi32>, vector<16xi32>], vector<16xi32>,
        %parallel_loop3A_734 = vector.bitcast %parallel_loop3A_733 : vector<16xi32> to vector<32xbf16>
        %parallel_loop3A_735 = arith.maximumf %parallel_loop3A_729, %parallel_loop3A_734 : vector<32xbf16>
        %parallel_loop3A_736 = tpu.vector_load_idx %arg7[%parallel_loop3A_653, %parallel_loop3A_639] : memref<2x10000xi32, #tpu.memory_space<vmem>>[vector<16xi32>, vector<16xi32>], vector<16xi32>,
        %parallel_loop3A_737 = vector.bitcast %parallel_loop3A_736 : vector<16xi32> to vector<32xbf16>
        %parallel_loop3A_738 = arith.maximumf %parallel_loop3A_732, %parallel_loop3A_737 : vector<32xbf16>
        %parallel_loop3A_739 = tpu.vector_load_idx %arg7[%parallel_loop3A_653, %parallel_loop3A_642] : memref<2x10000xi32, #tpu.memory_space<vmem>>[vector<16xi32>, vector<16xi32>], vector<16xi32>,
        %parallel_loop3A_740 = vector.bitcast %parallel_loop3A_739 : vector<16xi32> to vector<32xbf16>
        %parallel_loop3A_741 = arith.maximumf %parallel_loop3A_735, %parallel_loop3A_740 : vector<32xbf16>
        %parallel_loop3A_742 = tpu.vector_load_idx %arg7[%parallel_loop3A_653, %parallel_loop3A_645] : memref<2x10000xi32, #tpu.memory_space<vmem>>[vector<16xi32>, vector<16xi32>], vector<16xi32>,
        %parallel_loop3A_743 = vector.bitcast %parallel_loop3A_742 : vector<16xi32> to vector<32xbf16>
        %parallel_loop3A_744 = arith.maximumf %parallel_loop3A_738, %parallel_loop3A_743 : vector<32xbf16>
        %parallel_loop3A_745 = tpu.vector_load_idx %arg7[%parallel_loop3A_653, %parallel_loop3A_648] : memref<2x10000xi32, #tpu.memory_space<vmem>>[vector<16xi32>, vector<16xi32>], vector<16xi32>,
        %parallel_loop3A_746 = vector.bitcast %parallel_loop3A_745 : vector<16xi32> to vector<32xbf16>
        %parallel_loop3A_747 = arith.maximumf %parallel_loop3A_741, %parallel_loop3A_746 : vector<32xbf16>
        %parallel_loop3A_748 = tpu.vector_load_idx %arg7[%parallel_loop3A_653, %parallel_loop3A_651] : memref<2x10000xi32, #tpu.memory_space<vmem>>[vector<16xi32>, vector<16xi32>], vector<16xi32>,
        %parallel_loop3A_749 = vector.bitcast %parallel_loop3A_748 : vector<16xi32> to vector<32xbf16>
        %parallel_loop3A_750 = arith.maximumf %parallel_loop3A_744, %parallel_loop3A_749 : vector<32xbf16>
        %parallel_loop3A_751 = arith.maximumf %parallel_loop3A_750, %parallel_loop3A_747 : vector<32xbf16>
        %parallel_loop3A_752 = tpu.unpack_subelements %parallel_loop3A_751, 0 {pack_format = #tpu.pack_format<interleaved>} : vector<32xbf16> -> vector<16xf32>
        %parallel_loop3A_753 = tpu.unpack_subelements %parallel_loop3A_751, 1 {pack_format = #tpu.pack_format<interleaved>} : vector<32xbf16> -> vector<16xf32>
        %parallel_loop3A_754 = arith.addi %mul3A_415, %parallel_loop3A_483 : i32
        %parallel_loop3A_755 = arith.constant 0 : i32
        %parallel_loop3A_756 = arith.index_cast %parallel_loop3A_755 : i32 to index
        %parallel_loop3A_757 = arith.index_cast %parallel_loop3A_754 : i32 to index
        %parallel_loop3A_758 = tpu.vector_load %arg7[%parallel_loop3A_756, %parallel_loop3A_757] {strides = array<i32>} : memref<2x10000xi32, #tpu.memory_space<vmem>>, vector<16xi32>,
        %parallel_loop3A_759 = vector.bitcast %parallel_loop3A_758 : vector<16xi32> to vector<32xbf16>
        %parallel_loop3A_760 = tpu.unpack_subelements %parallel_loop3A_759, 0 {pack_format = #tpu.pack_format<interleaved>} : vector<32xbf16> -> vector<16xf32>
        %parallel_loop3A_761 = tpu.unpack_subelements %parallel_loop3A_759, 1 {pack_format = #tpu.pack_format<interleaved>} : vector<32xbf16> -> vector<16xf32>
        %parallel_loop3A_762 = arith.mulf %get3A_22, %parallel_loop3A_760 : vector<16xf32>
        %parallel_loop3A_763 = arith.mulf %get3A_26, %parallel_loop3A_752 : vector<16xf32>
        %parallel_loop3A_764 = arith.addf %parallel_loop3A_762, %parallel_loop3A_763 : vector<16xf32>
        %parallel_loop3A_765 = arith.constant 0 : i32
        %parallel_loop3A_766 = arith.index_cast %parallel_loop3A_765 : i32 to index
        %parallel_loop3A_767 = arith.index_cast %parallel_loop3A_483 : i32 to index
        %parallel_loop3A_768 = tpu.vector_load %arg11[%parallel_loop3A_766, %parallel_loop3A_767] {strides = array<i32>} : memref<4x400xf32, #tpu.memory_space<vmem>>, vector<16xf32>,
        tpu.vector_store %arg11[%parallel_loop3A_766, %parallel_loop3A_767], %parallel_loop3A_764 {strides = array<i32>} : memref<4x400xf32, #tpu.memory_space<vmem>>, vector<16xf32>,
        %parallel_loop3A_769 = arith.mulf %get3A_22, %parallel_loop3A_761 : vector<16xf32>
        %parallel_loop3A_770 = arith.mulf %get3A_26, %parallel_loop3A_753 : vector<16xf32>
        %parallel_loop3A_771 = arith.addf %parallel_loop3A_769, %parallel_loop3A_770 : vector<16xf32>
        %parallel_loop3A_772 = arith.constant 1 : i32
        %parallel_loop3A_773 = arith.index_cast %parallel_loop3A_772 : i32 to index
        %parallel_loop3A_774 = arith.index_cast %parallel_loop3A_483 : i32 to index
        %parallel_loop3A_775 = tpu.vector_load %arg11[%parallel_loop3A_773, %parallel_loop3A_774] {strides = array<i32>} : memref<4x400xf32, #tpu.memory_space<vmem>>, vector<16xf32>,
        tpu.vector_store %arg11[%parallel_loop3A_773, %parallel_loop3A_774], %parallel_loop3A_771 {strides = array<i32>} : memref<4x400xf32, #tpu.memory_space<vmem>>, vector<16xf32>,
        %parallel_loop3A_776 = arith.constant 1 : i32
        %parallel_loop3A_777 = vector.broadcast %parallel_loop3A_776 : i32 to vector<16xi32>
        %parallel_loop3A_778 = tpu.vector_load_idx %arg7[%parallel_loop3A_777, %parallel_loop3A_555] : memref<2x10000xi32, #tpu.memory_space<vmem>>[vector<16xi32>, vector<16xi32>], vector<16xi32>,
        %parallel_loop3A_779 = vector.bitcast %parallel_loop3A_778 : vector<16xi32> to vector<32xbf16>
        %parallel_loop3A_780 = tpu.vector_load_idx %arg7[%parallel_loop3A_777, %parallel_loop3A_558] : memref<2x10000xi32, #tpu.memory_space<vmem>>[vector<16xi32>, vector<16xi32>], vector<16xi32>,
        %parallel_loop3A_781 = vector.bitcast %parallel_loop3A_780 : vector<16xi32> to vector<32xbf16>
        %parallel_loop3A_782 = tpu.vector_load_idx %arg7[%parallel_loop3A_777, %parallel_loop3A_561] : memref<2x10000xi32, #tpu.memory_space<vmem>>[vector<16xi32>, vector<16xi32>], vector<16xi32>,
        %parallel_loop3A_783 = vector.bitcast %parallel_loop3A_782 : vector<16xi32> to vector<32xbf16>
        %parallel_loop3A_784 = arith.maximumf %parallel_loop3A_779, %parallel_loop3A_783 : vector<32xbf16>
        %parallel_loop3A_785 = tpu.vector_load_idx %arg7[%parallel_loop3A_777, %parallel_loop3A_564] : memref<2x10000xi32, #tpu.memory_space<vmem>>[vector<16xi32>, vector<16xi32>], vector<16xi32>,
        %parallel_loop3A_786 = vector.bitcast %parallel_loop3A_785 : vector<16xi32> to vector<32xbf16>
        %parallel_loop3A_787 = arith.maximumf %parallel_loop3A_781, %parallel_loop3A_786 : vector<32xbf16>
        %parallel_loop3A_788 = tpu.vector_load_idx %arg7[%parallel_loop3A_777, %parallel_loop3A_567] : memref<2x10000xi32, #tpu.memory_space<vmem>>[vector<16xi32>, vector<16xi32>], vector<16xi32>,
        %parallel_loop3A_789 = vector.bitcast %parallel_loop3A_788 : vector<16xi32> to vector<32xbf16>
        %parallel_loop3A_790 = arith.maximumf %parallel_loop3A_784, %parallel_loop3A_789 : vector<32xbf16>
        %parallel_loop3A_791 = tpu.vector_load_idx %arg7[%parallel_loop3A_777, %parallel_loop3A_570] : memref<2x10000xi32, #tpu.memory_space<vmem>>[vector<16xi32>, vector<16xi32>], vector<16xi32>,
        %parallel_loop3A_792 = vector.bitcast %parallel_loop3A_791 : vector<16xi32> to vector<32xbf16>
        %parallel_loop3A_793 = arith.maximumf %parallel_loop3A_787, %parallel_loop3A_792 : vector<32xbf16>
        %parallel_loop3A_794 = tpu.vector_load_idx %arg7[%parallel_loop3A_777, %parallel_loop3A_573] : memref<2x10000xi32, #tpu.memory_space<vmem>>[vector<16xi32>, vector<16xi32>], vector<16xi32>,
        %parallel_loop3A_795 = vector.bitcast %parallel_loop3A_794 : vector<16xi32> to vector<32xbf16>
        %parallel_loop3A_796 = arith.maximumf %parallel_loop3A_790, %parallel_loop3A_795 : vector<32xbf16>
        %parallel_loop3A_797 = tpu.vector_load_idx %arg7[%parallel_loop3A_777, %parallel_loop3A_576] : memref<2x10000xi32, #tpu.memory_space<vmem>>[vector<16xi32>, vector<16xi32>], vector<16xi32>,
        %parallel_loop3A_798 = vector.bitcast %parallel_loop3A_797 : vector<16xi32> to vector<32xbf16>
        %parallel_loop3A_799 = arith.maximumf %parallel_loop3A_793, %parallel_loop3A_798 : vector<32xbf16>
        %parallel_loop3A_800 = tpu.vector_load_idx %arg7[%parallel_loop3A_777, %parallel_loop3A_579] : memref<2x10000xi32, #tpu.memory_space<vmem>>[vector<16xi32>, vector<16xi32>], vector<16xi32>,
        %parallel_loop3A_801 = vector.bitcast %parallel_loop3A_800 : vector<16xi32> to vector<32xbf16>
        %parallel_loop3A_802 = arith.maximumf %parallel_loop3A_796, %parallel_loop3A_801 : vector<32xbf16>
        %parallel_loop3A_803 = tpu.vector_load_idx %arg7[%parallel_loop3A_777, %parallel_loop3A_582] : memref<2x10000xi32, #tpu.memory_space<vmem>>[vector<16xi32>, vector<16xi32>], vector<16xi32>,
        %parallel_loop3A_804 = vector.bitcast %parallel_loop3A_803 : vector<16xi32> to vector<32xbf16>
        %parallel_loop3A_805 = arith.maximumf %parallel_loop3A_799, %parallel_loop3A_804 : vector<32xbf16>
        %parallel_loop3A_806 = tpu.vector_load_idx %arg7[%parallel_loop3A_777, %parallel_loop3A_585] : memref<2x10000xi32, #tpu.memory_space<vmem>>[vector<16xi32>, vector<16xi32>], vector<16xi32>,
        %parallel_loop3A_807 = vector.bitcast %parallel_loop3A_806 : vector<16xi32> to vector<32xbf16>
        %parallel_loop3A_808 = arith.maximumf %parallel_loop3A_802, %parallel_loop3A_807 : vector<32xbf16>
        %parallel_loop3A_809 = tpu.vector_load_idx %arg7[%parallel_loop3A_777, %parallel_loop3A_588] : memref<2x10000xi32, #tpu.memory_space<vmem>>[vector<16xi32>, vector<16xi32>], vector<16xi32>,
        %parallel_loop3A_810 = vector.bitcast %parallel_loop3A_809 : vector<16xi32> to vector<32xbf16>
        %parallel_loop3A_811 = arith.maximumf %parallel_loop3A_805, %parallel_loop3A_810 : vector<32xbf16>
        %parallel_loop3A_812 = tpu.vector_load_idx %arg7[%parallel_loop3A_777, %parallel_loop3A_591] : memref<2x10000xi32, #tpu.memory_space<vmem>>[vector<16xi32>, vector<16xi32>], vector<16xi32>,
        %parallel_loop3A_813 = vector.bitcast %parallel_loop3A_812 : vector<16xi32> to vector<32xbf16>
        %parallel_loop3A_814 = arith.maximumf %parallel_loop3A_808, %parallel_loop3A_813 : vector<32xbf16>
        %parallel_loop3A_815 = tpu.vector_load_idx %arg7[%parallel_loop3A_777, %parallel_loop3A_594] : memref<2x10000xi32, #tpu.memory_space<vmem>>[vector<16xi32>, vector<16xi32>], vector<16xi32>,
        %parallel_loop3A_816 = vector.bitcast %parallel_loop3A_815 : vector<16xi32> to vector<32xbf16>
        %parallel_loop3A_817 = arith.maximumf %parallel_loop3A_811, %parallel_loop3A_816 : vector<32xbf16>
        %parallel_loop3A_818 = tpu.vector_load_idx %arg7[%parallel_loop3A_777, %parallel_loop3A_597] : memref<2x10000xi32, #tpu.memory_space<vmem>>[vector<16xi32>, vector<16xi32>], vector<16xi32>,
        %parallel_loop3A_819 = vector.bitcast %parallel_loop3A_818 : vector<16xi32> to vector<32xbf16>
        %parallel_loop3A_820 = arith.maximumf %parallel_loop3A_814, %parallel_loop3A_819 : vector<32xbf16>
        %parallel_loop3A_821 = tpu.vector_load_idx %arg7[%parallel_loop3A_777, %parallel_loop3A_600] : memref<2x10000xi32, #tpu.memory_space<vmem>>[vector<16xi32>, vector<16xi32>], vector<16xi32>,
        %parallel_loop3A_822 = vector.bitcast %parallel_loop3A_821 : vector<16xi32> to vector<32xbf16>
        %parallel_loop3A_823 = arith.maximumf %parallel_loop3A_817, %parallel_loop3A_822 : vector<32xbf16>
        %parallel_loop3A_824 = tpu.vector_load_idx %arg7[%parallel_loop3A_777, %parallel_loop3A_603] : memref<2x10000xi32, #tpu.memory_space<vmem>>[vector<16xi32>, vector<16xi32>], vector<16xi32>,
        %parallel_loop3A_825 = vector.bitcast %parallel_loop3A_824 : vector<16xi32> to vector<32xbf16>
        %parallel_loop3A_826 = arith.maximumf %parallel_loop3A_820, %parallel_loop3A_825 : vector<32xbf16>
        %parallel_loop3A_827 = tpu.vector_load_idx %arg7[%parallel_loop3A_777, %parallel_loop3A_606] : memref<2x10000xi32, #tpu.memory_space<vmem>>[vector<16xi32>, vector<16xi32>], vector<16xi32>,
        %parallel_loop3A_828 = vector.bitcast %parallel_loop3A_827 : vector<16xi32> to vector<32xbf16>
        %parallel_loop3A_829 = arith.maximumf %parallel_loop3A_823, %parallel_loop3A_828 : vector<32xbf16>
        %parallel_loop3A_830 = tpu.vector_load_idx %arg7[%parallel_loop3A_777, %parallel_loop3A_609] : memref<2x10000xi32, #tpu.memory_space<vmem>>[vector<16xi32>, vector<16xi32>], vector<16xi32>,
        %parallel_loop3A_831 = vector.bitcast %parallel_loop3A_830 : vector<16xi32> to vector<32xbf16>
        %parallel_loop3A_832 = arith.maximumf %parallel_loop3A_826, %parallel_loop3A_831 : vector<32xbf16>
        %parallel_loop3A_833 = tpu.vector_load_idx %arg7[%parallel_loop3A_777, %parallel_loop3A_612] : memref<2x10000xi32, #tpu.memory_space<vmem>>[vector<16xi32>, vector<16xi32>], vector<16xi32>,
        %parallel_loop3A_834 = vector.bitcast %parallel_loop3A_833 : vector<16xi32> to vector<32xbf16>
        %parallel_loop3A_835 = arith.maximumf %parallel_loop3A_829, %parallel_loop3A_834 : vector<32xbf16>
        %parallel_loop3A_836 = tpu.vector_load_idx %arg7[%parallel_loop3A_777, %parallel_loop3A_615] : memref<2x10000xi32, #tpu.memory_space<vmem>>[vector<16xi32>, vector<16xi32>], vector<16xi32>,
        %parallel_loop3A_837 = vector.bitcast %parallel_loop3A_836 : vector<16xi32> to vector<32xbf16>
        %parallel_loop3A_838 = arith.maximumf %parallel_loop3A_832, %parallel_loop3A_837 : vector<32xbf16>
        %parallel_loop3A_839 = tpu.vector_load_idx %arg7[%parallel_loop3A_777, %parallel_loop3A_618] : memref<2x10000xi32, #tpu.memory_space<vmem>>[vector<16xi32>, vector<16xi32>], vector<16xi32>,
        %parallel_loop3A_840 = vector.bitcast %parallel_loop3A_839 : vector<16xi32> to vector<32xbf16>
        %parallel_loop3A_841 = arith.maximumf %parallel_loop3A_835, %parallel_loop3A_840 : vector<32xbf16>
        %parallel_loop3A_842 = tpu.vector_load_idx %arg7[%parallel_loop3A_777, %parallel_loop3A_621] : memref<2x10000xi32, #tpu.memory_space<vmem>>[vector<16xi32>, vector<16xi32>], vector<16xi32>,
        %parallel_loop3A_843 = vector.bitcast %parallel_loop3A_842 : vector<16xi32> to vector<32xbf16>
        %parallel_loop3A_844 = arith.maximumf %parallel_loop3A_838, %parallel_loop3A_843 : vector<32xbf16>
        %parallel_loop3A_845 = tpu.vector_load_idx %arg7[%parallel_loop3A_777, %parallel_loop3A_624] : memref<2x10000xi32, #tpu.memory_space<vmem>>[vector<16xi32>, vector<16xi32>], vector<16xi32>,
        %parallel_loop3A_846 = vector.bitcast %parallel_loop3A_845 : vector<16xi32> to vector<32xbf16>
        %parallel_loop3A_847 = arith.maximumf %parallel_loop3A_841, %parallel_loop3A_846 : vector<32xbf16>
        %parallel_loop3A_848 = tpu.vector_load_idx %arg7[%parallel_loop3A_777, %parallel_loop3A_627] : memref<2x10000xi32, #tpu.memory_space<vmem>>[vector<16xi32>, vector<16xi32>], vector<16xi32>,
        %parallel_loop3A_849 = vector.bitcast %parallel_loop3A_848 : vector<16xi32> to vector<32xbf16>
        %parallel_loop3A_850 = arith.maximumf %parallel_loop3A_844, %parallel_loop3A_849 : vector<32xbf16>
        %parallel_loop3A_851 = tpu.vector_load_idx %arg7[%parallel_loop3A_777, %parallel_loop3A_630] : memref<2x10000xi32, #tpu.memory_space<vmem>>[vector<16xi32>, vector<16xi32>], vector<16xi32>,
        %parallel_loop3A_852 = vector.bitcast %parallel_loop3A_851 : vector<16xi32> to vector<32xbf16>
        %parallel_loop3A_853 = arith.maximumf %parallel_loop3A_847, %parallel_loop3A_852 : vector<32xbf16>
        %parallel_loop3A_854 = tpu.vector_load_idx %arg7[%parallel_loop3A_777, %parallel_loop3A_633] : memref<2x10000xi32, #tpu.memory_space<vmem>>[vector<16xi32>, vector<16xi32>], vector<16xi32>,
        %parallel_loop3A_855 = vector.bitcast %parallel_loop3A_854 : vector<16xi32> to vector<32xbf16>
        %parallel_loop3A_856 = arith.maximumf %parallel_loop3A_850, %parallel_loop3A_855 : vector<32xbf16>
        %parallel_loop3A_857 = tpu.vector_load_idx %arg7[%parallel_loop3A_777, %parallel_loop3A_636] : memref<2x10000xi32, #tpu.memory_space<vmem>>[vector<16xi32>, vector<16xi32>], vector<16xi32>,
        %parallel_loop3A_858 = vector.bitcast %parallel_loop3A_857 : vector<16xi32> to vector<32xbf16>
        %parallel_loop3A_859 = arith.maximumf %parallel_loop3A_853, %parallel_loop3A_858 : vector<32xbf16>
        %parallel_loop3A_860 = tpu.vector_load_idx %arg7[%parallel_loop3A_777, %parallel_loop3A_639] : memref<2x10000xi32, #tpu.memory_space<vmem>>[vector<16xi32>, vector<16xi32>], vector<16xi32>,
        %parallel_loop3A_861 = vector.bitcast %parallel_loop3A_860 : vector<16xi32> to vector<32xbf16>
        %parallel_loop3A_862 = arith.maximumf %parallel_loop3A_856, %parallel_loop3A_861 : vector<32xbf16>
        %parallel_loop3A_863 = tpu.vector_load_idx %arg7[%parallel_loop3A_777, %parallel_loop3A_642] : memref<2x10000xi32, #tpu.memory_space<vmem>>[vector<16xi32>, vector<16xi32>], vector<16xi32>,
        %parallel_loop3A_864 = vector.bitcast %parallel_loop3A_863 : vector<16xi32> to vector<32xbf16>
        %parallel_loop3A_865 = arith.maximumf %parallel_loop3A_859, %parallel_loop3A_864 : vector<32xbf16>
        %parallel_loop3A_866 = tpu.vector_load_idx %arg7[%parallel_loop3A_777, %parallel_loop3A_645] : memref<2x10000xi32, #tpu.memory_space<vmem>>[vector<16xi32>, vector<16xi32>], vector<16xi32>,
        %parallel_loop3A_867 = vector.bitcast %parallel_loop3A_866 : vector<16xi32> to vector<32xbf16>
        %parallel_loop3A_868 = arith.maximumf %parallel_loop3A_862, %parallel_loop3A_867 : vector<32xbf16>
        %parallel_loop3A_869 = tpu.vector_load_idx %arg7[%parallel_loop3A_777, %parallel_loop3A_648] : memref<2x10000xi32, #tpu.memory_space<vmem>>[vector<16xi32>, vector<16xi32>], vector<16xi32>,
        %parallel_loop3A_870 = vector.bitcast %parallel_loop3A_869 : vector<16xi32> to vector<32xbf16>
        %parallel_loop3A_871 = arith.maximumf %parallel_loop3A_865, %parallel_loop3A_870 : vector<32xbf16>
        %parallel_loop3A_872 = tpu.vector_load_idx %arg7[%parallel_loop3A_777, %parallel_loop3A_651] : memref<2x10000xi32, #tpu.memory_space<vmem>>[vector<16xi32>, vector<16xi32>], vector<16xi32>,
        %parallel_loop3A_873 = vector.bitcast %parallel_loop3A_872 : vector<16xi32> to vector<32xbf16>
        %parallel_loop3A_874 = arith.maximumf %parallel_loop3A_868, %parallel_loop3A_873 : vector<32xbf16>
        %parallel_loop3A_875 = arith.maximumf %parallel_loop3A_874, %parallel_loop3A_871 : vector<32xbf16>
        %parallel_loop3A_876 = tpu.unpack_subelements %parallel_loop3A_875, 0 {pack_format = #tpu.pack_format<interleaved>} : vector<32xbf16> -> vector<16xf32>
        %parallel_loop3A_877 = tpu.unpack_subelements %parallel_loop3A_875, 1 {pack_format = #tpu.pack_format<interleaved>} : vector<32xbf16> -> vector<16xf32>
        %parallel_loop3A_878 = arith.addi %mul3A_415, %parallel_loop3A_483 : i32
        %parallel_loop3A_879 = arith.constant 1 : i32
        %parallel_loop3A_880 = arith.index_cast %parallel_loop3A_879 : i32 to index
        %parallel_loop3A_881 = arith.index_cast %parallel_loop3A_878 : i32 to index
        %parallel_loop3A_882 = tpu.vector_load %arg7[%parallel_loop3A_880, %parallel_loop3A_881] {strides = array<i32>} : memref<2x10000xi32, #tpu.memory_space<vmem>>, vector<16xi32>,
        %parallel_loop3A_883 = vector.bitcast %parallel_loop3A_882 : vector<16xi32> to vector<32xbf16>
        %parallel_loop3A_884 = tpu.unpack_subelements %parallel_loop3A_883, 0 {pack_format = #tpu.pack_format<interleaved>} : vector<32xbf16> -> vector<16xf32>
        %parallel_loop3A_885 = tpu.unpack_subelements %parallel_loop3A_883, 1 {pack_format = #tpu.pack_format<interleaved>} : vector<32xbf16> -> vector<16xf32>
        %parallel_loop3A_886 = arith.mulf %get3A_22, %parallel_loop3A_884 : vector<16xf32>
        %parallel_loop3A_887 = arith.mulf %get3A_26, %parallel_loop3A_876 : vector<16xf32>
        %parallel_loop3A_888 = arith.addf %parallel_loop3A_886, %parallel_loop3A_887 : vector<16xf32>
        %parallel_loop3A_889 = arith.constant 2 : i32
        %parallel_loop3A_890 = arith.index_cast %parallel_loop3A_889 : i32 to index
        %parallel_loop3A_891 = arith.index_cast %parallel_loop3A_483 : i32 to index
        %parallel_loop3A_892 = tpu.vector_load %arg11[%parallel_loop3A_890, %parallel_loop3A_891] {strides = array<i32>} : memref<4x400xf32, #tpu.memory_space<vmem>>, vector<16xf32>,
        tpu.vector_store %arg11[%parallel_loop3A_890, %parallel_loop3A_891], %parallel_loop3A_888 {strides = array<i32>} : memref<4x400xf32, #tpu.memory_space<vmem>>, vector<16xf32>,
        %parallel_loop3A_893 = arith.mulf %get3A_22, %parallel_loop3A_885 : vector<16xf32>
        %parallel_loop3A_894 = arith.mulf %get3A_26, %parallel_loop3A_877 : vector<16xf32>
        %parallel_loop3A_895 = arith.addf %parallel_loop3A_893, %parallel_loop3A_894 : vector<16xf32>
        %parallel_loop3A_896 = arith.constant 3 : i32
        %parallel_loop3A_897 = arith.index_cast %parallel_loop3A_896 : i32 to index
        %parallel_loop3A_898 = arith.index_cast %parallel_loop3A_483 : i32 to index
        %parallel_loop3A_899 = tpu.vector_load %arg11[%parallel_loop3A_897, %parallel_loop3A_898] {strides = array<i32>} : memref<4x400xf32, #tpu.memory_space<vmem>>, vector<16xf32>,
        tpu.vector_store %arg11[%parallel_loop3A_897, %parallel_loop3A_898], %parallel_loop3A_895 {strides = array<i32>} : memref<4x400xf32, #tpu.memory_space<vmem>>, vector<16xf32>,
        scf.yield %parallel_loop3A_484 : i32
      } {sc.loop_unroll_factor = 1 : i64, sc.parallel_access}
      %lt3A = arith.constant 11 : i32
      %lt3A_421 = arith.cmpi slt, %scan3A_305, %lt3A : i32
      %convert_element_type3A_422 = arith.extui %lt3A_421 : i1 to i32
      %cond3A_423 = arith.constant 0 : i32
      %cond3A_424 = arith.cmpi ne, %convert_element_type3A_422, %cond3A_423 : i32
      scf.if %cond3A_424 {
        %add3A_483 = arith.constant 2 : i32
        %add3A_484 = arith.addi %add3A_399, %add3A_483 : i32
        %dma_start3A_485 = arith.constant 0 : i32
        %dma_start3A_486 = arith.constant 0 : i32
        %dma_start3A_487 = tpu.memref_slice %arg3[%add3A_484, %dma_start3A_485, %dma_start3A_486] : memref<25x17x400xi32, #tpu.memory_space<hbm>> -> memref<1x17x400xi32, #tpu.memory_space<hbm>>
        %dma_start3A_488 = tpu.memref_squeeze %dma_start3A_487 : memref<1x17x400xi32, #tpu.memory_space<hbm>> -> memref<17x400xi32, #tpu.memory_space<hbm>>
        %dma_start3A_489 = arith.constant 0 : i32
        %dma_start3A_490 = arith.constant 0 : i32
        %dma_start3A_491 = tpu.memref_slice %arg3[%add3A_484, %dma_start3A_489, %dma_start3A_490] : memref<25x17x400xi32, #tpu.memory_space<hbm>> -> memref<1x17x400xi32, #tpu.memory_space<hbm>>
        %dma_start3A_492 = tpu.memref_squeeze %dma_start3A_491 : memref<1x17x400xi32, #tpu.memory_space<hbm>> -> memref<17x400xi32, #tpu.memory_space<hbm>>
        tpu.enqueue_dma source(%dma_start3A_492 : memref<17x400xi32, #tpu.memory_space<hbm>>) target(%arg9 : memref<17x400xi32, #tpu.memory_space<vmem>>) target_semaphore(%arg14 : memref<!tpu.dma_semaphore, #tpu.memory_space<semaphore_mem>>)
      } else {
      }
      %mul3A_425 = arith.constant 400 : i32
      %mul3A_426 = arith.muli %add3A_399, %mul3A_425 : i32
      %add3A_427 = arith.constant 0 : i32
      %add3A_428 = arith.addi %mul3A_2, %add3A_427 : i32
      %dma_start3A_429 = arith.constant 0 : i32
      %dma_start3A_430 = arith.constant 0 : i32
      %dma_start3A_431 = arith.constant 0 : i32
      %dma_start3A_432 = tpu.memref_slice %arg11[%dma_start3A_429, %dma_start3A_431] : memref<4x400xf32, #tpu.memory_space<vmem>> -> memref<1x400xf32, #tpu.memory_space<vmem>>
      %dma_start3A_433 = tpu.memref_squeeze %dma_start3A_432 : memref<1x400xf32, #tpu.memory_space<vmem>> -> memref<400xf32, #tpu.memory_space<vmem>>
      %dma_start3A_434 = tpu.memref_slice %arg5[%dma_start3A_430, %add3A_428, %mul3A_426] : memref<1x128x10000xf32, #tpu.memory_space<hbm>> -> memref<1x1x400xf32, #tpu.memory_space<hbm>>
      %dma_start3A_435 = tpu.memref_squeeze %dma_start3A_434 : memref<1x1x400xf32, #tpu.memory_space<hbm>> -> memref<400xf32, #tpu.memory_space<hbm>>
      %dma_start3A_436 = tpu.memref_slice %arg5[%dma_start3A_430, %add3A_428, %mul3A_426] : memref<1x128x10000xf32, #tpu.memory_space<hbm>> -> memref<1x1x400xf32, #tpu.memory_space<hbm>>
      %dma_start3A_437 = tpu.memref_squeeze %dma_start3A_436 : memref<1x1x400xf32, #tpu.memory_space<hbm>> -> memref<400xf32, #tpu.memory_space<hbm>>
      %dma_start3A_438 = arith.constant 0 : i32
      %dma_start3A_439 = tpu.memref_slice %arg11[%dma_start3A_429, %dma_start3A_438] : memref<4x400xf32, #tpu.memory_space<vmem>> -> memref<1x400xf32, #tpu.memory_space<vmem>>
      %dma_start3A_440 = tpu.memref_squeeze %dma_start3A_439 : memref<1x400xf32, #tpu.memory_space<vmem>> -> memref<400xf32, #tpu.memory_space<vmem>>
      tpu.enqueue_dma source(%dma_start3A_440 : memref<400xf32, #tpu.memory_space<vmem>>) target(%dma_start3A_437 : memref<400xf32, #tpu.memory_space<hbm>>) target_semaphore(%arg16 : memref<!tpu.dma_semaphore, #tpu.memory_space<semaphore_mem>>)
      %add3A_441 = arith.constant 1 : i32
      %add3A_442 = arith.addi %mul3A_2, %add3A_441 : i32
      %dma_start3A_443 = arith.constant 1 : i32
      %dma_start3A_444 = arith.constant 0 : i32
      %dma_start3A_445 = arith.constant 0 : i32
      %dma_start3A_446 = tpu.memref_slice %arg11[%dma_start3A_443, %dma_start3A_445] : memref<4x400xf32, #tpu.memory_space<vmem>> -> memref<1x400xf32, #tpu.memory_space<vmem>>
      %dma_start3A_447 = tpu.memref_squeeze %dma_start3A_446 : memref<1x400xf32, #tpu.memory_space<vmem>> -> memref<400xf32, #tpu.memory_space<vmem>>
      %dma_start3A_448 = tpu.memref_slice %arg5[%dma_start3A_444, %add3A_442, %mul3A_426] : memref<1x128x10000xf32, #tpu.memory_space<hbm>> -> memref<1x1x400xf32, #tpu.memory_space<hbm>>
      %dma_start3A_449 = tpu.memref_squeeze %dma_start3A_448 : memref<1x1x400xf32, #tpu.memory_space<hbm>> -> memref<400xf32, #tpu.memory_space<hbm>>
      %dma_start3A_450 = tpu.memref_slice %arg5[%dma_start3A_444, %add3A_442, %mul3A_426] : memref<1x128x10000xf32, #tpu.memory_space<hbm>> -> memref<1x1x400xf32, #tpu.memory_space<hbm>>
      %dma_start3A_451 = tpu.memref_squeeze %dma_start3A_450 : memref<1x1x400xf32, #tpu.memory_space<hbm>> -> memref<400xf32, #tpu.memory_space<hbm>>
      %dma_start3A_452 = arith.constant 0 : i32
      %dma_start3A_453 = tpu.memref_slice %arg11[%dma_start3A_443, %dma_start3A_452] : memref<4x400xf32, #tpu.memory_space<vmem>> -> memref<1x400xf32, #tpu.memory_space<vmem>>
      %dma_start3A_454 = tpu.memref_squeeze %dma_start3A_453 : memref<1x400xf32, #tpu.memory_space<vmem>> -> memref<400xf32, #tpu.memory_space<vmem>>
      tpu.enqueue_dma source(%dma_start3A_454 : memref<400xf32, #tpu.memory_space<vmem>>) target(%dma_start3A_451 : memref<400xf32, #tpu.memory_space<hbm>>) target_semaphore(%arg16 : memref<!tpu.dma_semaphore, #tpu.memory_space<semaphore_mem>>)
      %add3A_455 = arith.constant 2 : i32
      %add3A_456 = arith.addi %mul3A_2, %add3A_455 : i32
      %dma_start3A_457 = arith.constant 2 : i32
      %dma_start3A_458 = arith.constant 0 : i32
      %dma_start3A_459 = arith.constant 0 : i32
      %dma_start3A_460 = tpu.memref_slice %arg11[%dma_start3A_457, %dma_start3A_459] : memref<4x400xf32, #tpu.memory_space<vmem>> -> memref<1x400xf32, #tpu.memory_space<vmem>>
      %dma_start3A_461 = tpu.memref_squeeze %dma_start3A_460 : memref<1x400xf32, #tpu.memory_space<vmem>> -> memref<400xf32, #tpu.memory_space<vmem>>
      %dma_start3A_462 = tpu.memref_slice %arg5[%dma_start3A_458, %add3A_456, %mul3A_426] : memref<1x128x10000xf32, #tpu.memory_space<hbm>> -> memref<1x1x400xf32, #tpu.memory_space<hbm>>
      %dma_start3A_463 = tpu.memref_squeeze %dma_start3A_462 : memref<1x1x400xf32, #tpu.memory_space<hbm>> -> memref<400xf32, #tpu.memory_space<hbm>>
      %dma_start3A_464 = tpu.memref_slice %arg5[%dma_start3A_458, %add3A_456, %mul3A_426] : memref<1x128x10000xf32, #tpu.memory_space<hbm>> -> memref<1x1x400xf32, #tpu.memory_space<hbm>>
      %dma_start3A_465 = tpu.memref_squeeze %dma_start3A_464 : memref<1x1x400xf32, #tpu.memory_space<hbm>> -> memref<400xf32, #tpu.memory_space<hbm>>
      %dma_start3A_466 = arith.constant 0 : i32
      %dma_start3A_467 = tpu.memref_slice %arg11[%dma_start3A_457, %dma_start3A_466] : memref<4x400xf32, #tpu.memory_space<vmem>> -> memref<1x400xf32, #tpu.memory_space<vmem>>
      %dma_start3A_468 = tpu.memref_squeeze %dma_start3A_467 : memref<1x400xf32, #tpu.memory_space<vmem>> -> memref<400xf32, #tpu.memory_space<vmem>>
      tpu.enqueue_dma source(%dma_start3A_468 : memref<400xf32, #tpu.memory_space<vmem>>) target(%dma_start3A_465 : memref<400xf32, #tpu.memory_space<hbm>>) target_semaphore(%arg16 : memref<!tpu.dma_semaphore, #tpu.memory_space<semaphore_mem>>)
      %add3A_469 = arith.constant 3 : i32
      %add3A_470 = arith.addi %mul3A_2, %add3A_469 : i32
      %dma_start3A_471 = arith.constant 3 : i32
      %dma_start3A_472 = arith.constant 0 : i32
      %dma_start3A_473 = arith.constant 0 : i32
      %dma_start3A_474 = tpu.memref_slice %arg11[%dma_start3A_471, %dma_start3A_473] : memref<4x400xf32, #tpu.memory_space<vmem>> -> memref<1x400xf32, #tpu.memory_space<vmem>>
      %dma_start3A_475 = tpu.memref_squeeze %dma_start3A_474 : memref<1x400xf32, #tpu.memory_space<vmem>> -> memref<400xf32, #tpu.memory_space<vmem>>
      %dma_start3A_476 = tpu.memref_slice %arg5[%dma_start3A_472, %add3A_470, %mul3A_426] : memref<1x128x10000xf32, #tpu.memory_space<hbm>> -> memref<1x1x400xf32, #tpu.memory_space<hbm>>
      %dma_start3A_477 = tpu.memref_squeeze %dma_start3A_476 : memref<1x1x400xf32, #tpu.memory_space<hbm>> -> memref<400xf32, #tpu.memory_space<hbm>>
      %dma_start3A_478 = tpu.memref_slice %arg5[%dma_start3A_472, %add3A_470, %mul3A_426] : memref<1x128x10000xf32, #tpu.memory_space<hbm>> -> memref<1x1x400xf32, #tpu.memory_space<hbm>>
      %dma_start3A_479 = tpu.memref_squeeze %dma_start3A_478 : memref<1x1x400xf32, #tpu.memory_space<hbm>> -> memref<400xf32, #tpu.memory_space<hbm>>
      %dma_start3A_480 = arith.constant 0 : i32
      %dma_start3A_481 = tpu.memref_slice %arg11[%dma_start3A_471, %dma_start3A_480] : memref<4x400xf32, #tpu.memory_space<vmem>> -> memref<1x400xf32, #tpu.memory_space<vmem>>
      %dma_start3A_482 = tpu.memref_squeeze %dma_start3A_481 : memref<1x400xf32, #tpu.memory_space<vmem>> -> memref<400xf32, #tpu.memory_space<vmem>>
      tpu.enqueue_dma source(%dma_start3A_482 : memref<400xf32, #tpu.memory_space<vmem>>) target(%dma_start3A_479 : memref<400xf32, #tpu.memory_space<hbm>>) target_semaphore(%arg16 : memref<!tpu.dma_semaphore, #tpu.memory_space<semaphore_mem>>)
    }
    %scan3A_35 = arith.constant 12 : i32
    %dma_wait3A = arith.constant 0 : i32
    %dma_wait3A_36 = arith.constant 0 : i32
    %dma_wait3A_37 = arith.constant 0 : i32
    %dma_wait3A_38 = tpu.memref_slice %arg3[%dma_wait3A, %dma_wait3A_36, %dma_wait3A_37] : memref<25x17x400xi32, #tpu.memory_space<hbm>> -> memref<1x17x400xi32, #tpu.memory_space<hbm>>
    %dma_wait3A_39 = tpu.memref_squeeze %dma_wait3A_38 : memref<1x17x400xi32, #tpu.memory_space<hbm>> -> memref<17x400xi32, #tpu.memory_space<hbm>>
    %dma_wait3A_40 = arith.constant 0 : i32
    %dma_wait3A_41 = arith.constant 0 : i32
    %dma_wait3A_42 = tpu.memref_slice %arg3[%dma_wait3A, %dma_wait3A_40, %dma_wait3A_41] : memref<25x17x400xi32, #tpu.memory_space<hbm>> -> memref<1x17x400xi32, #tpu.memory_space<hbm>>
    %dma_wait3A_43 = tpu.memref_squeeze %dma_wait3A_42 : memref<1x17x400xi32, #tpu.memory_space<hbm>> -> memref<17x400xi32, #tpu.memory_space<hbm>>
    tpu.wait_dma2 semaphore(%arg13 : memref<!tpu.dma_semaphore, #tpu.memory_space<semaphore_mem>>) src(%dma_wait3A_43 : memref<17x400xi32, #tpu.memory_space<hbm>>) dst(%arg8 : memref<17x400xi32, #tpu.memory_space<vmem>>)
    %add3A_44 = arith.constant 0 : i32
    %add3A_45 = arith.addi %mul3A_2, %add3A_44 : i32
    %dma_wait3A_46 = arith.constant 0 : i32
    %dma_wait3A_47 = arith.constant 0 : i32
    %dma_wait3A_48 = arith.constant 0 : i32
    %dma_wait3A_49 = tpu.memref_slice %arg10[%dma_wait3A_46, %dma_wait3A_48] : memref<4x400xf32, #tpu.memory_space<vmem>> -> memref<1x400xf32, #tpu.memory_space<vmem>>
    %dma_wait3A_50 = tpu.memref_squeeze %dma_wait3A_49 : memref<1x400xf32, #tpu.memory_space<vmem>> -> memref<400xf32, #tpu.memory_space<vmem>>
    %dma_wait3A_51 = arith.constant 0 : i32
    %dma_wait3A_52 = tpu.memref_slice %arg5[%dma_wait3A_47, %add3A_45, %dma_wait3A_51] : memref<1x128x10000xf32, #tpu.memory_space<hbm>> -> memref<1x1x400xf32, #tpu.memory_space<hbm>>
    %dma_wait3A_53 = tpu.memref_squeeze %dma_wait3A_52 : memref<1x1x400xf32, #tpu.memory_space<hbm>> -> memref<400xf32, #tpu.memory_space<hbm>>
    %dma_wait3A_54 = arith.constant 0 : i32
    %dma_wait3A_55 = tpu.memref_slice %arg5[%dma_wait3A_47, %add3A_45, %dma_wait3A_54] : memref<1x128x10000xf32, #tpu.memory_space<hbm>> -> memref<1x1x400xf32, #tpu.memory_space<hbm>>
    %dma_wait3A_56 = tpu.memref_squeeze %dma_wait3A_55 : memref<1x1x400xf32, #tpu.memory_space<hbm>> -> memref<400xf32, #tpu.memory_space<hbm>>
    %dma_wait3A_57 = arith.constant 0 : i32
    %dma_wait3A_58 = tpu.memref_slice %arg10[%dma_wait3A_46, %dma_wait3A_57] : memref<4x400xf32, #tpu.memory_space<vmem>> -> memref<1x400xf32, #tpu.memory_space<vmem>>
    %dma_wait3A_59 = tpu.memref_squeeze %dma_wait3A_58 : memref<1x400xf32, #tpu.memory_space<vmem>> -> memref<400xf32, #tpu.memory_space<vmem>>
    tpu.wait_dma2 semaphore(%arg15 : memref<!tpu.dma_semaphore, #tpu.memory_space<semaphore_mem>>) src(%dma_wait3A_59 : memref<400xf32, #tpu.memory_space<vmem>>) dst(%dma_wait3A_56 : memref<400xf32, #tpu.memory_space<hbm>>)
    %add3A_60 = arith.constant 1 : i32
    %add3A_61 = arith.addi %mul3A_2, %add3A_60 : i32
    %dma_wait3A_62 = arith.constant 1 : i32
    %dma_wait3A_63 = arith.constant 0 : i32
    %dma_wait3A_64 = arith.constant 0 : i32
    %dma_wait3A_65 = tpu.memref_slice %arg10[%dma_wait3A_62, %dma_wait3A_64] : memref<4x400xf32, #tpu.memory_space<vmem>> -> memref<1x400xf32, #tpu.memory_space<vmem>>
    %dma_wait3A_66 = tpu.memref_squeeze %dma_wait3A_65 : memref<1x400xf32, #tpu.memory_space<vmem>> -> memref<400xf32, #tpu.memory_space<vmem>>
    %dma_wait3A_67 = arith.constant 0 : i32
    %dma_wait3A_68 = tpu.memref_slice %arg5[%dma_wait3A_63, %add3A_61, %dma_wait3A_67] : memref<1x128x10000xf32, #tpu.memory_space<hbm>> -> memref<1x1x400xf32, #tpu.memory_space<hbm>>
    %dma_wait3A_69 = tpu.memref_squeeze %dma_wait3A_68 : memref<1x1x400xf32, #tpu.memory_space<hbm>> -> memref<400xf32, #tpu.memory_space<hbm>>
    %dma_wait3A_70 = arith.constant 0 : i32
    %dma_wait3A_71 = tpu.memref_slice %arg5[%dma_wait3A_63, %add3A_61, %dma_wait3A_70] : memref<1x128x10000xf32, #tpu.memory_space<hbm>> -> memref<1x1x400xf32, #tpu.memory_space<hbm>>
    %dma_wait3A_72 = tpu.memref_squeeze %dma_wait3A_71 : memref<1x1x400xf32, #tpu.memory_space<hbm>> -> memref<400xf32, #tpu.memory_space<hbm>>
    %dma_wait3A_73 = arith.constant 0 : i32
    %dma_wait3A_74 = tpu.memref_slice %arg10[%dma_wait3A_62, %dma_wait3A_73] : memref<4x400xf32, #tpu.memory_space<vmem>> -> memref<1x400xf32, #tpu.memory_space<vmem>>
    %dma_wait3A_75 = tpu.memref_squeeze %dma_wait3A_74 : memref<1x400xf32, #tpu.memory_space<vmem>> -> memref<400xf32, #tpu.memory_space<vmem>>
    tpu.wait_dma2 semaphore(%arg15 : memref<!tpu.dma_semaphore, #tpu.memory_space<semaphore_mem>>) src(%dma_wait3A_75 : memref<400xf32, #tpu.memory_space<vmem>>) dst(%dma_wait3A_72 : memref<400xf32, #tpu.memory_space<hbm>>)
    %add3A_76 = arith.constant 2 : i32
    %add3A_77 = arith.addi %mul3A_2, %add3A_76 : i32
    %dma_wait3A_78 = arith.constant 2 : i32
    %dma_wait3A_79 = arith.constant 0 : i32
    %dma_wait3A_80 = arith.constant 0 : i32
    %dma_wait3A_81 = tpu.memref_slice %arg10[%dma_wait3A_78, %dma_wait3A_80] : memref<4x400xf32, #tpu.memory_space<vmem>> -> memref<1x400xf32, #tpu.memory_space<vmem>>
    %dma_wait3A_82 = tpu.memref_squeeze %dma_wait3A_81 : memref<1x400xf32, #tpu.memory_space<vmem>> -> memref<400xf32, #tpu.memory_space<vmem>>
    %dma_wait3A_83 = arith.constant 0 : i32
    %dma_wait3A_84 = tpu.memref_slice %arg5[%dma_wait3A_79, %add3A_77, %dma_wait3A_83] : memref<1x128x10000xf32, #tpu.memory_space<hbm>> -> memref<1x1x400xf32, #tpu.memory_space<hbm>>
    %dma_wait3A_85 = tpu.memref_squeeze %dma_wait3A_84 : memref<1x1x400xf32, #tpu.memory_space<hbm>> -> memref<400xf32, #tpu.memory_space<hbm>>
    %dma_wait3A_86 = arith.constant 0 : i32
    %dma_wait3A_87 = tpu.memref_slice %arg5[%dma_wait3A_79, %add3A_77, %dma_wait3A_86] : memref<1x128x10000xf32, #tpu.memory_space<hbm>> -> memref<1x1x400xf32, #tpu.memory_space<hbm>>
    %dma_wait3A_88 = tpu.memref_squeeze %dma_wait3A_87 : memref<1x1x400xf32, #tpu.memory_space<hbm>> -> memref<400xf32, #tpu.memory_space<hbm>>
    %dma_wait3A_89 = arith.constant 0 : i32
    %dma_wait3A_90 = tpu.memref_slice %arg10[%dma_wait3A_78, %dma_wait3A_89] : memref<4x400xf32, #tpu.memory_space<vmem>> -> memref<1x400xf32, #tpu.memory_space<vmem>>
    %dma_wait3A_91 = tpu.memref_squeeze %dma_wait3A_90 : memref<1x400xf32, #tpu.memory_space<vmem>> -> memref<400xf32, #tpu.memory_space<vmem>>
    tpu.wait_dma2 semaphore(%arg15 : memref<!tpu.dma_semaphore, #tpu.memory_space<semaphore_mem>>) src(%dma_wait3A_91 : memref<400xf32, #tpu.memory_space<vmem>>) dst(%dma_wait3A_88 : memref<400xf32, #tpu.memory_space<hbm>>)
    %add3A_92 = arith.constant 3 : i32
    %add3A_93 = arith.addi %mul3A_2, %add3A_92 : i32
    %dma_wait3A_94 = arith.constant 3 : i32
    %dma_wait3A_95 = arith.constant 0 : i32
    %dma_wait3A_96 = arith.constant 0 : i32
    %dma_wait3A_97 = tpu.memref_slice %arg10[%dma_wait3A_94, %dma_wait3A_96] : memref<4x400xf32, #tpu.memory_space<vmem>> -> memref<1x400xf32, #tpu.memory_space<vmem>>
    %dma_wait3A_98 = tpu.memref_squeeze %dma_wait3A_97 : memref<1x400xf32, #tpu.memory_space<vmem>> -> memref<400xf32, #tpu.memory_space<vmem>>
    %dma_wait3A_99 = arith.constant 0 : i32
    %dma_wait3A_100 = tpu.memref_slice %arg5[%dma_wait3A_95, %add3A_93, %dma_wait3A_99] : memref<1x128x10000xf32, #tpu.memory_space<hbm>> -> memref<1x1x400xf32, #tpu.memory_space<hbm>>
    %dma_wait3A_101 = tpu.memref_squeeze %dma_wait3A_100 : memref<1x1x400xf32, #tpu.memory_space<hbm>> -> memref<400xf32, #tpu.memory_space<hbm>>
    %dma_wait3A_102 = arith.constant 0 : i32
    %dma_wait3A_103 = tpu.memref_slice %arg5[%dma_wait3A_95, %add3A_93, %dma_wait3A_102] : memref<1x128x10000xf32, #tpu.memory_space<hbm>> -> memref<1x1x400xf32, #tpu.memory_space<hbm>>
    %dma_wait3A_104 = tpu.memref_squeeze %dma_wait3A_103 : memref<1x1x400xf32, #tpu.memory_space<hbm>> -> memref<400xf32, #tpu.memory_space<hbm>>
    %dma_wait3A_105 = arith.constant 0 : i32
    %dma_wait3A_106 = tpu.memref_slice %arg10[%dma_wait3A_94, %dma_wait3A_105] : memref<4x400xf32, #tpu.memory_space<vmem>> -> memref<1x400xf32, #tpu.memory_space<vmem>>
    %dma_wait3A_107 = tpu.memref_squeeze %dma_wait3A_106 : memref<1x400xf32, #tpu.memory_space<vmem>> -> memref<400xf32, #tpu.memory_space<vmem>>
    tpu.wait_dma2 semaphore(%arg15 : memref<!tpu.dma_semaphore, #tpu.memory_space<semaphore_mem>>) src(%dma_wait3A_107 : memref<400xf32, #tpu.memory_space<vmem>>) dst(%dma_wait3A_104 : memref<400xf32, #tpu.memory_space<hbm>>)
    %parallel_loop3A_108 = arith.constant 0 : i32
    %parallel_loop3A_109 = arith.constant 400 : i32
    %parallel_loop3A_110 = arith.constant 16 : i32
    %parallel_loop3A_111 = arith.constant 0 : i32
    %parallel_loop3A_112 = scf.for %parallel_loop3A_305 = %parallel_loop3A_108 to %parallel_loop3A_109 step %parallel_loop3A_110 iter_args(%parallel_loop3A_306 = %parallel_loop3A_111) -> (i32)  : i32 {
      %parallel_loop3A_307 = arith.constant 0 : i32
      %parallel_loop3A_308 = arith.index_cast %parallel_loop3A_307 : i32 to index
      %parallel_loop3A_309 = arith.index_cast %parallel_loop3A_305 : i32 to index
      %parallel_loop3A_310 = tpu.vector_load %arg8[%parallel_loop3A_308, %parallel_loop3A_309] {strides = array<i32>} : memref<17x400xi32, #tpu.memory_space<vmem>>, vector<16xi32>,
      %parallel_loop3A_311 = arith.constant 1 : i32
      %parallel_loop3A_312 = arith.index_cast %parallel_loop3A_311 : i32 to index
      %parallel_loop3A_313 = arith.index_cast %parallel_loop3A_305 : i32 to index
      %parallel_loop3A_314 = tpu.vector_load %arg8[%parallel_loop3A_312, %parallel_loop3A_313] {strides = array<i32>} : memref<17x400xi32, #tpu.memory_space<vmem>>, vector<16xi32>,
      %parallel_loop3A_315 = arith.constant 2 : i32
      %parallel_loop3A_316 = arith.index_cast %parallel_loop3A_315 : i32 to index
      %parallel_loop3A_317 = arith.index_cast %parallel_loop3A_305 : i32 to index
      %parallel_loop3A_318 = tpu.vector_load %arg8[%parallel_loop3A_316, %parallel_loop3A_317] {strides = array<i32>} : memref<17x400xi32, #tpu.memory_space<vmem>>, vector<16xi32>,
      %parallel_loop3A_319 = arith.constant 3 : i32
      %parallel_loop3A_320 = arith.index_cast %parallel_loop3A_319 : i32 to index
      %parallel_loop3A_321 = arith.index_cast %parallel_loop3A_305 : i32 to index
      %parallel_loop3A_322 = tpu.vector_load %arg8[%parallel_loop3A_320, %parallel_loop3A_321] {strides = array<i32>} : memref<17x400xi32, #tpu.memory_space<vmem>>, vector<16xi32>,
      %parallel_loop3A_323 = arith.constant 4 : i32
      %parallel_loop3A_324 = arith.index_cast %parallel_loop3A_323 : i32 to index
      %parallel_loop3A_325 = arith.index_cast %parallel_loop3A_305 : i32 to index
      %parallel_loop3A_326 = tpu.vector_load %arg8[%parallel_loop3A_324, %parallel_loop3A_325] {strides = array<i32>} : memref<17x400xi32, #tpu.memory_space<vmem>>, vector<16xi32>,
      %parallel_loop3A_327 = arith.constant 5 : i32
      %parallel_loop3A_328 = arith.index_cast %parallel_loop3A_327 : i32 to index
      %parallel_loop3A_329 = arith.index_cast %parallel_loop3A_305 : i32 to index
      %parallel_loop3A_330 = tpu.vector_load %arg8[%parallel_loop3A_328, %parallel_loop3A_329] {strides = array<i32>} : memref<17x400xi32, #tpu.memory_space<vmem>>, vector<16xi32>,
      %parallel_loop3A_331 = arith.constant 6 : i32
      %parallel_loop3A_332 = arith.index_cast %parallel_loop3A_331 : i32 to index
      %parallel_loop3A_333 = arith.index_cast %parallel_loop3A_305 : i32 to index
      %parallel_loop3A_334 = tpu.vector_load %arg8[%parallel_loop3A_332, %parallel_loop3A_333] {strides = array<i32>} : memref<17x400xi32, #tpu.memory_space<vmem>>, vector<16xi32>,
      %parallel_loop3A_335 = arith.constant 7 : i32
      %parallel_loop3A_336 = arith.index_cast %parallel_loop3A_335 : i32 to index
      %parallel_loop3A_337 = arith.index_cast %parallel_loop3A_305 : i32 to index
      %parallel_loop3A_338 = tpu.vector_load %arg8[%parallel_loop3A_336, %parallel_loop3A_337] {strides = array<i32>} : memref<17x400xi32, #tpu.memory_space<vmem>>, vector<16xi32>,
      %parallel_loop3A_339 = arith.constant 8 : i32
      %parallel_loop3A_340 = arith.index_cast %parallel_loop3A_339 : i32 to index
      %parallel_loop3A_341 = arith.index_cast %parallel_loop3A_305 : i32 to index
      %parallel_loop3A_342 = tpu.vector_load %arg8[%parallel_loop3A_340, %parallel_loop3A_341] {strides = array<i32>} : memref<17x400xi32, #tpu.memory_space<vmem>>, vector<16xi32>,
      %parallel_loop3A_343 = arith.constant 9 : i32
      %parallel_loop3A_344 = arith.index_cast %parallel_loop3A_343 : i32 to index
      %parallel_loop3A_345 = arith.index_cast %parallel_loop3A_305 : i32 to index
      %parallel_loop3A_346 = tpu.vector_load %arg8[%parallel_loop3A_344, %parallel_loop3A_345] {strides = array<i32>} : memref<17x400xi32, #tpu.memory_space<vmem>>, vector<16xi32>,
      %parallel_loop3A_347 = arith.constant 10 : i32
      %parallel_loop3A_348 = arith.index_cast %parallel_loop3A_347 : i32 to index
      %parallel_loop3A_349 = arith.index_cast %parallel_loop3A_305 : i32 to index
      %parallel_loop3A_350 = tpu.vector_load %arg8[%parallel_loop3A_348, %parallel_loop3A_349] {strides = array<i32>} : memref<17x400xi32, #tpu.memory_space<vmem>>, vector<16xi32>,
      %parallel_loop3A_351 = arith.constant 11 : i32
      %parallel_loop3A_352 = arith.index_cast %parallel_loop3A_351 : i32 to index
      %parallel_loop3A_353 = arith.index_cast %parallel_loop3A_305 : i32 to index
      %parallel_loop3A_354 = tpu.vector_load %arg8[%parallel_loop3A_352, %parallel_loop3A_353] {strides = array<i32>} : memref<17x400xi32, #tpu.memory_space<vmem>>, vector<16xi32>,
      %parallel_loop3A_355 = arith.constant 12 : i32
      %parallel_loop3A_356 = arith.index_cast %parallel_loop3A_355 : i32 to index
      %parallel_loop3A_357 = arith.index_cast %parallel_loop3A_305 : i32 to index
      %parallel_loop3A_358 = tpu.vector_load %arg8[%parallel_loop3A_356, %parallel_loop3A_357] {strides = array<i32>} : memref<17x400xi32, #tpu.memory_space<vmem>>, vector<16xi32>,
      %parallel_loop3A_359 = arith.constant 13 : i32
      %parallel_loop3A_360 = arith.index_cast %parallel_loop3A_359 : i32 to index
      %parallel_loop3A_361 = arith.index_cast %parallel_loop3A_305 : i32 to index
      %parallel_loop3A_362 = tpu.vector_load %arg8[%parallel_loop3A_360, %parallel_loop3A_361] {strides = array<i32>} : memref<17x400xi32, #tpu.memory_space<vmem>>, vector<16xi32>,
      %parallel_loop3A_363 = arith.constant 14 : i32
      %parallel_loop3A_364 = arith.index_cast %parallel_loop3A_363 : i32 to index
      %parallel_loop3A_365 = arith.index_cast %parallel_loop3A_305 : i32 to index
      %parallel_loop3A_366 = tpu.vector_load %arg8[%parallel_loop3A_364, %parallel_loop3A_365] {strides = array<i32>} : memref<17x400xi32, #tpu.memory_space<vmem>>, vector<16xi32>,
      %parallel_loop3A_367 = arith.constant 15 : i32
      %parallel_loop3A_368 = arith.index_cast %parallel_loop3A_367 : i32 to index
      %parallel_loop3A_369 = arith.index_cast %parallel_loop3A_305 : i32 to index
      %parallel_loop3A_370 = tpu.vector_load %arg8[%parallel_loop3A_368, %parallel_loop3A_369] {strides = array<i32>} : memref<17x400xi32, #tpu.memory_space<vmem>>, vector<16xi32>,
      %parallel_loop3A_371 = arith.constant 16 : i32
      %parallel_loop3A_372 = arith.index_cast %parallel_loop3A_371 : i32 to index
      %parallel_loop3A_373 = arith.index_cast %parallel_loop3A_305 : i32 to index
      %parallel_loop3A_374 = tpu.vector_load %arg8[%parallel_loop3A_372, %parallel_loop3A_373] {strides = array<i32>} : memref<17x400xi32, #tpu.memory_space<vmem>>, vector<16xi32>,
      %parallel_loop3A_375 = arith.constant 65535 : i32
      %parallel_loop3A_376 = vector.broadcast %parallel_loop3A_375 : i32 to vector<16xi32>
      %parallel_loop3A_377 = arith.andi %parallel_loop3A_310, %parallel_loop3A_376 : vector<16xi32>
      %parallel_loop3A_378 = arith.constant 16 : i32
      %parallel_loop3A_379 = vector.broadcast %parallel_loop3A_378 : i32 to vector<16xi32>
      %parallel_loop3A_380 = arith.shrui %parallel_loop3A_310, %parallel_loop3A_379 : vector<16xi32>
      %parallel_loop3A_381 = arith.constant 65535 : i32
      %parallel_loop3A_382 = vector.broadcast %parallel_loop3A_381 : i32 to vector<16xi32>
      %parallel_loop3A_383 = arith.andi %parallel_loop3A_314, %parallel_loop3A_382 : vector<16xi32>
      %parallel_loop3A_384 = arith.constant 16 : i32
      %parallel_loop3A_385 = vector.broadcast %parallel_loop3A_384 : i32 to vector<16xi32>
      %parallel_loop3A_386 = arith.shrui %parallel_loop3A_314, %parallel_loop3A_385 : vector<16xi32>
      %parallel_loop3A_387 = arith.constant 65535 : i32
      %parallel_loop3A_388 = vector.broadcast %parallel_loop3A_387 : i32 to vector<16xi32>
      %parallel_loop3A_389 = arith.andi %parallel_loop3A_318, %parallel_loop3A_388 : vector<16xi32>
      %parallel_loop3A_390 = arith.constant 16 : i32
      %parallel_loop3A_391 = vector.broadcast %parallel_loop3A_390 : i32 to vector<16xi32>
      %parallel_loop3A_392 = arith.shrui %parallel_loop3A_318, %parallel_loop3A_391 : vector<16xi32>
      %parallel_loop3A_393 = arith.constant 65535 : i32
      %parallel_loop3A_394 = vector.broadcast %parallel_loop3A_393 : i32 to vector<16xi32>
      %parallel_loop3A_395 = arith.andi %parallel_loop3A_322, %parallel_loop3A_394 : vector<16xi32>
      %parallel_loop3A_396 = arith.constant 16 : i32
      %parallel_loop3A_397 = vector.broadcast %parallel_loop3A_396 : i32 to vector<16xi32>
      %parallel_loop3A_398 = arith.shrui %parallel_loop3A_322, %parallel_loop3A_397 : vector<16xi32>
      %parallel_loop3A_399 = arith.constant 65535 : i32
      %parallel_loop3A_400 = vector.broadcast %parallel_loop3A_399 : i32 to vector<16xi32>
      %parallel_loop3A_401 = arith.andi %parallel_loop3A_326, %parallel_loop3A_400 : vector<16xi32>
      %parallel_loop3A_402 = arith.constant 16 : i32
      %parallel_loop3A_403 = vector.broadcast %parallel_loop3A_402 : i32 to vector<16xi32>
      %parallel_loop3A_404 = arith.shrui %parallel_loop3A_326, %parallel_loop3A_403 : vector<16xi32>
      %parallel_loop3A_405 = arith.constant 65535 : i32
      %parallel_loop3A_406 = vector.broadcast %parallel_loop3A_405 : i32 to vector<16xi32>
      %parallel_loop3A_407 = arith.andi %parallel_loop3A_330, %parallel_loop3A_406 : vector<16xi32>
      %parallel_loop3A_408 = arith.constant 16 : i32
      %parallel_loop3A_409 = vector.broadcast %parallel_loop3A_408 : i32 to vector<16xi32>
      %parallel_loop3A_410 = arith.shrui %parallel_loop3A_330, %parallel_loop3A_409 : vector<16xi32>
      %parallel_loop3A_411 = arith.constant 65535 : i32
      %parallel_loop3A_412 = vector.broadcast %parallel_loop3A_411 : i32 to vector<16xi32>
      %parallel_loop3A_413 = arith.andi %parallel_loop3A_334, %parallel_loop3A_412 : vector<16xi32>
      %parallel_loop3A_414 = arith.constant 16 : i32
      %parallel_loop3A_415 = vector.broadcast %parallel_loop3A_414 : i32 to vector<16xi32>
      %parallel_loop3A_416 = arith.shrui %parallel_loop3A_334, %parallel_loop3A_415 : vector<16xi32>
      %parallel_loop3A_417 = arith.constant 65535 : i32
      %parallel_loop3A_418 = vector.broadcast %parallel_loop3A_417 : i32 to vector<16xi32>
      %parallel_loop3A_419 = arith.andi %parallel_loop3A_338, %parallel_loop3A_418 : vector<16xi32>
      %parallel_loop3A_420 = arith.constant 16 : i32
      %parallel_loop3A_421 = vector.broadcast %parallel_loop3A_420 : i32 to vector<16xi32>
      %parallel_loop3A_422 = arith.shrui %parallel_loop3A_338, %parallel_loop3A_421 : vector<16xi32>
      %parallel_loop3A_423 = arith.constant 65535 : i32
      %parallel_loop3A_424 = vector.broadcast %parallel_loop3A_423 : i32 to vector<16xi32>
      %parallel_loop3A_425 = arith.andi %parallel_loop3A_342, %parallel_loop3A_424 : vector<16xi32>
      %parallel_loop3A_426 = arith.constant 16 : i32
      %parallel_loop3A_427 = vector.broadcast %parallel_loop3A_426 : i32 to vector<16xi32>
      %parallel_loop3A_428 = arith.shrui %parallel_loop3A_342, %parallel_loop3A_427 : vector<16xi32>
      %parallel_loop3A_429 = arith.constant 65535 : i32
      %parallel_loop3A_430 = vector.broadcast %parallel_loop3A_429 : i32 to vector<16xi32>
      %parallel_loop3A_431 = arith.andi %parallel_loop3A_346, %parallel_loop3A_430 : vector<16xi32>
      %parallel_loop3A_432 = arith.constant 16 : i32
      %parallel_loop3A_433 = vector.broadcast %parallel_loop3A_432 : i32 to vector<16xi32>
      %parallel_loop3A_434 = arith.shrui %parallel_loop3A_346, %parallel_loop3A_433 : vector<16xi32>
      %parallel_loop3A_435 = arith.constant 65535 : i32
      %parallel_loop3A_436 = vector.broadcast %parallel_loop3A_435 : i32 to vector<16xi32>
      %parallel_loop3A_437 = arith.andi %parallel_loop3A_350, %parallel_loop3A_436 : vector<16xi32>
      %parallel_loop3A_438 = arith.constant 16 : i32
      %parallel_loop3A_439 = vector.broadcast %parallel_loop3A_438 : i32 to vector<16xi32>
      %parallel_loop3A_440 = arith.shrui %parallel_loop3A_350, %parallel_loop3A_439 : vector<16xi32>
      %parallel_loop3A_441 = arith.constant 65535 : i32
      %parallel_loop3A_442 = vector.broadcast %parallel_loop3A_441 : i32 to vector<16xi32>
      %parallel_loop3A_443 = arith.andi %parallel_loop3A_354, %parallel_loop3A_442 : vector<16xi32>
      %parallel_loop3A_444 = arith.constant 16 : i32
      %parallel_loop3A_445 = vector.broadcast %parallel_loop3A_444 : i32 to vector<16xi32>
      %parallel_loop3A_446 = arith.shrui %parallel_loop3A_354, %parallel_loop3A_445 : vector<16xi32>
      %parallel_loop3A_447 = arith.constant 65535 : i32
      %parallel_loop3A_448 = vector.broadcast %parallel_loop3A_447 : i32 to vector<16xi32>
      %parallel_loop3A_449 = arith.andi %parallel_loop3A_358, %parallel_loop3A_448 : vector<16xi32>
      %parallel_loop3A_450 = arith.constant 16 : i32
      %parallel_loop3A_451 = vector.broadcast %parallel_loop3A_450 : i32 to vector<16xi32>
      %parallel_loop3A_452 = arith.shrui %parallel_loop3A_358, %parallel_loop3A_451 : vector<16xi32>
      %parallel_loop3A_453 = arith.constant 65535 : i32
      %parallel_loop3A_454 = vector.broadcast %parallel_loop3A_453 : i32 to vector<16xi32>
      %parallel_loop3A_455 = arith.andi %parallel_loop3A_362, %parallel_loop3A_454 : vector<16xi32>
      %parallel_loop3A_456 = arith.constant 16 : i32
      %parallel_loop3A_457 = vector.broadcast %parallel_loop3A_456 : i32 to vector<16xi32>
      %parallel_loop3A_458 = arith.shrui %parallel_loop3A_362, %parallel_loop3A_457 : vector<16xi32>
      %parallel_loop3A_459 = arith.constant 65535 : i32
      %parallel_loop3A_460 = vector.broadcast %parallel_loop3A_459 : i32 to vector<16xi32>
      %parallel_loop3A_461 = arith.andi %parallel_loop3A_366, %parallel_loop3A_460 : vector<16xi32>
      %parallel_loop3A_462 = arith.constant 16 : i32
      %parallel_loop3A_463 = vector.broadcast %parallel_loop3A_462 : i32 to vector<16xi32>
      %parallel_loop3A_464 = arith.shrui %parallel_loop3A_366, %parallel_loop3A_463 : vector<16xi32>
      %parallel_loop3A_465 = arith.constant 65535 : i32
      %parallel_loop3A_466 = vector.broadcast %parallel_loop3A_465 : i32 to vector<16xi32>
      %parallel_loop3A_467 = arith.andi %parallel_loop3A_370, %parallel_loop3A_466 : vector<16xi32>
      %parallel_loop3A_468 = arith.constant 16 : i32
      %parallel_loop3A_469 = vector.broadcast %parallel_loop3A_468 : i32 to vector<16xi32>
      %parallel_loop3A_470 = arith.shrui %parallel_loop3A_370, %parallel_loop3A_469 : vector<16xi32>
      %parallel_loop3A_471 = arith.constant 65535 : i32
      %parallel_loop3A_472 = vector.broadcast %parallel_loop3A_471 : i32 to vector<16xi32>
      %parallel_loop3A_473 = arith.andi %parallel_loop3A_374, %parallel_loop3A_472 : vector<16xi32>
      %parallel_loop3A_474 = arith.constant 0 : i32
      %parallel_loop3A_475 = vector.broadcast %parallel_loop3A_474 : i32 to vector<16xi32>
      %parallel_loop3A_476 = tpu.vector_load_idx %arg7[%parallel_loop3A_475, %parallel_loop3A_377] : memref<2x10000xi32, #tpu.memory_space<vmem>>[vector<16xi32>, vector<16xi32>], vector<16xi32>,
      %parallel_loop3A_477 = vector.bitcast %parallel_loop3A_476 : vector<16xi32> to vector<32xbf16>
      %parallel_loop3A_478 = tpu.vector_load_idx %arg7[%parallel_loop3A_475, %parallel_loop3A_380] : memref<2x10000xi32, #tpu.memory_space<vmem>>[vector<16xi32>, vector<16xi32>], vector<16xi32>,
      %parallel_loop3A_479 = vector.bitcast %parallel_loop3A_478 : vector<16xi32> to vector<32xbf16>
      %parallel_loop3A_480 = tpu.vector_load_idx %arg7[%parallel_loop3A_475, %parallel_loop3A_383] : memref<2x10000xi32, #tpu.memory_space<vmem>>[vector<16xi32>, vector<16xi32>], vector<16xi32>,
      %parallel_loop3A_481 = vector.bitcast %parallel_loop3A_480 : vector<16xi32> to vector<32xbf16>
      %parallel_loop3A_482 = arith.maximumf %parallel_loop3A_477, %parallel_loop3A_481 : vector<32xbf16>
      %parallel_loop3A_483 = tpu.vector_load_idx %arg7[%parallel_loop3A_475, %parallel_loop3A_386] : memref<2x10000xi32, #tpu.memory_space<vmem>>[vector<16xi32>, vector<16xi32>], vector<16xi32>,
      %parallel_loop3A_484 = vector.bitcast %parallel_loop3A_483 : vector<16xi32> to vector<32xbf16>
      %parallel_loop3A_485 = arith.maximumf %parallel_loop3A_479, %parallel_loop3A_484 : vector<32xbf16>
      %parallel_loop3A_486 = tpu.vector_load_idx %arg7[%parallel_loop3A_475, %parallel_loop3A_389] : memref<2x10000xi32, #tpu.memory_space<vmem>>[vector<16xi32>, vector<16xi32>], vector<16xi32>,
      %parallel_loop3A_487 = vector.bitcast %parallel_loop3A_486 : vector<16xi32> to vector<32xbf16>
      %parallel_loop3A_488 = arith.maximumf %parallel_loop3A_482, %parallel_loop3A_487 : vector<32xbf16>
      %parallel_loop3A_489 = tpu.vector_load_idx %arg7[%parallel_loop3A_475, %parallel_loop3A_392] : memref<2x10000xi32, #tpu.memory_space<vmem>>[vector<16xi32>, vector<16xi32>], vector<16xi32>,
      %parallel_loop3A_490 = vector.bitcast %parallel_loop3A_489 : vector<16xi32> to vector<32xbf16>
      %parallel_loop3A_491 = arith.maximumf %parallel_loop3A_485, %parallel_loop3A_490 : vector<32xbf16>
      %parallel_loop3A_492 = tpu.vector_load_idx %arg7[%parallel_loop3A_475, %parallel_loop3A_395] : memref<2x10000xi32, #tpu.memory_space<vmem>>[vector<16xi32>, vector<16xi32>], vector<16xi32>,
      %parallel_loop3A_493 = vector.bitcast %parallel_loop3A_492 : vector<16xi32> to vector<32xbf16>
      %parallel_loop3A_494 = arith.maximumf %parallel_loop3A_488, %parallel_loop3A_493 : vector<32xbf16>
      %parallel_loop3A_495 = tpu.vector_load_idx %arg7[%parallel_loop3A_475, %parallel_loop3A_398] : memref<2x10000xi32, #tpu.memory_space<vmem>>[vector<16xi32>, vector<16xi32>], vector<16xi32>,
      %parallel_loop3A_496 = vector.bitcast %parallel_loop3A_495 : vector<16xi32> to vector<32xbf16>
      %parallel_loop3A_497 = arith.maximumf %parallel_loop3A_491, %parallel_loop3A_496 : vector<32xbf16>
      %parallel_loop3A_498 = tpu.vector_load_idx %arg7[%parallel_loop3A_475, %parallel_loop3A_401] : memref<2x10000xi32, #tpu.memory_space<vmem>>[vector<16xi32>, vector<16xi32>], vector<16xi32>,
      %parallel_loop3A_499 = vector.bitcast %parallel_loop3A_498 : vector<16xi32> to vector<32xbf16>
      %parallel_loop3A_500 = arith.maximumf %parallel_loop3A_494, %parallel_loop3A_499 : vector<32xbf16>
      %parallel_loop3A_501 = tpu.vector_load_idx %arg7[%parallel_loop3A_475, %parallel_loop3A_404] : memref<2x10000xi32, #tpu.memory_space<vmem>>[vector<16xi32>, vector<16xi32>], vector<16xi32>,
      %parallel_loop3A_502 = vector.bitcast %parallel_loop3A_501 : vector<16xi32> to vector<32xbf16>
      %parallel_loop3A_503 = arith.maximumf %parallel_loop3A_497, %parallel_loop3A_502 : vector<32xbf16>
      %parallel_loop3A_504 = tpu.vector_load_idx %arg7[%parallel_loop3A_475, %parallel_loop3A_407] : memref<2x10000xi32, #tpu.memory_space<vmem>>[vector<16xi32>, vector<16xi32>], vector<16xi32>,
      %parallel_loop3A_505 = vector.bitcast %parallel_loop3A_504 : vector<16xi32> to vector<32xbf16>
      %parallel_loop3A_506 = arith.maximumf %parallel_loop3A_500, %parallel_loop3A_505 : vector<32xbf16>
      %parallel_loop3A_507 = tpu.vector_load_idx %arg7[%parallel_loop3A_475, %parallel_loop3A_410] : memref<2x10000xi32, #tpu.memory_space<vmem>>[vector<16xi32>, vector<16xi32>], vector<16xi32>,
      %parallel_loop3A_508 = vector.bitcast %parallel_loop3A_507 : vector<16xi32> to vector<32xbf16>
      %parallel_loop3A_509 = arith.maximumf %parallel_loop3A_503, %parallel_loop3A_508 : vector<32xbf16>
      %parallel_loop3A_510 = tpu.vector_load_idx %arg7[%parallel_loop3A_475, %parallel_loop3A_413] : memref<2x10000xi32, #tpu.memory_space<vmem>>[vector<16xi32>, vector<16xi32>], vector<16xi32>,
      %parallel_loop3A_511 = vector.bitcast %parallel_loop3A_510 : vector<16xi32> to vector<32xbf16>
      %parallel_loop3A_512 = arith.maximumf %parallel_loop3A_506, %parallel_loop3A_511 : vector<32xbf16>
      %parallel_loop3A_513 = tpu.vector_load_idx %arg7[%parallel_loop3A_475, %parallel_loop3A_416] : memref<2x10000xi32, #tpu.memory_space<vmem>>[vector<16xi32>, vector<16xi32>], vector<16xi32>,
      %parallel_loop3A_514 = vector.bitcast %parallel_loop3A_513 : vector<16xi32> to vector<32xbf16>
      %parallel_loop3A_515 = arith.maximumf %parallel_loop3A_509, %parallel_loop3A_514 : vector<32xbf16>
      %parallel_loop3A_516 = tpu.vector_load_idx %arg7[%parallel_loop3A_475, %parallel_loop3A_419] : memref<2x10000xi32, #tpu.memory_space<vmem>>[vector<16xi32>, vector<16xi32>], vector<16xi32>,
      %parallel_loop3A_517 = vector.bitcast %parallel_loop3A_516 : vector<16xi32> to vector<32xbf16>
      %parallel_loop3A_518 = arith.maximumf %parallel_loop3A_512, %parallel_loop3A_517 : vector<32xbf16>
      %parallel_loop3A_519 = tpu.vector_load_idx %arg7[%parallel_loop3A_475, %parallel_loop3A_422] : memref<2x10000xi32, #tpu.memory_space<vmem>>[vector<16xi32>, vector<16xi32>], vector<16xi32>,
      %parallel_loop3A_520 = vector.bitcast %parallel_loop3A_519 : vector<16xi32> to vector<32xbf16>
      %parallel_loop3A_521 = arith.maximumf %parallel_loop3A_515, %parallel_loop3A_520 : vector<32xbf16>
      %parallel_loop3A_522 = tpu.vector_load_idx %arg7[%parallel_loop3A_475, %parallel_loop3A_425] : memref<2x10000xi32, #tpu.memory_space<vmem>>[vector<16xi32>, vector<16xi32>], vector<16xi32>,
      %parallel_loop3A_523 = vector.bitcast %parallel_loop3A_522 : vector<16xi32> to vector<32xbf16>
      %parallel_loop3A_524 = arith.maximumf %parallel_loop3A_518, %parallel_loop3A_523 : vector<32xbf16>
      %parallel_loop3A_525 = tpu.vector_load_idx %arg7[%parallel_loop3A_475, %parallel_loop3A_428] : memref<2x10000xi32, #tpu.memory_space<vmem>>[vector<16xi32>, vector<16xi32>], vector<16xi32>,
      %parallel_loop3A_526 = vector.bitcast %parallel_loop3A_525 : vector<16xi32> to vector<32xbf16>
      %parallel_loop3A_527 = arith.maximumf %parallel_loop3A_521, %parallel_loop3A_526 : vector<32xbf16>
      %parallel_loop3A_528 = tpu.vector_load_idx %arg7[%parallel_loop3A_475, %parallel_loop3A_431] : memref<2x10000xi32, #tpu.memory_space<vmem>>[vector<16xi32>, vector<16xi32>], vector<16xi32>,
      %parallel_loop3A_529 = vector.bitcast %parallel_loop3A_528 : vector<16xi32> to vector<32xbf16>
      %parallel_loop3A_530 = arith.maximumf %parallel_loop3A_524, %parallel_loop3A_529 : vector<32xbf16>
      %parallel_loop3A_531 = tpu.vector_load_idx %arg7[%parallel_loop3A_475, %parallel_loop3A_434] : memref<2x10000xi32, #tpu.memory_space<vmem>>[vector<16xi32>, vector<16xi32>], vector<16xi32>,
      %parallel_loop3A_532 = vector.bitcast %parallel_loop3A_531 : vector<16xi32> to vector<32xbf16>
      %parallel_loop3A_533 = arith.maximumf %parallel_loop3A_527, %parallel_loop3A_532 : vector<32xbf16>
      %parallel_loop3A_534 = tpu.vector_load_idx %arg7[%parallel_loop3A_475, %parallel_loop3A_437] : memref<2x10000xi32, #tpu.memory_space<vmem>>[vector<16xi32>, vector<16xi32>], vector<16xi32>,
      %parallel_loop3A_535 = vector.bitcast %parallel_loop3A_534 : vector<16xi32> to vector<32xbf16>
      %parallel_loop3A_536 = arith.maximumf %parallel_loop3A_530, %parallel_loop3A_535 : vector<32xbf16>
      %parallel_loop3A_537 = tpu.vector_load_idx %arg7[%parallel_loop3A_475, %parallel_loop3A_440] : memref<2x10000xi32, #tpu.memory_space<vmem>>[vector<16xi32>, vector<16xi32>], vector<16xi32>,
      %parallel_loop3A_538 = vector.bitcast %parallel_loop3A_537 : vector<16xi32> to vector<32xbf16>
      %parallel_loop3A_539 = arith.maximumf %parallel_loop3A_533, %parallel_loop3A_538 : vector<32xbf16>
      %parallel_loop3A_540 = tpu.vector_load_idx %arg7[%parallel_loop3A_475, %parallel_loop3A_443] : memref<2x10000xi32, #tpu.memory_space<vmem>>[vector<16xi32>, vector<16xi32>], vector<16xi32>,
      %parallel_loop3A_541 = vector.bitcast %parallel_loop3A_540 : vector<16xi32> to vector<32xbf16>
      %parallel_loop3A_542 = arith.maximumf %parallel_loop3A_536, %parallel_loop3A_541 : vector<32xbf16>
      %parallel_loop3A_543 = tpu.vector_load_idx %arg7[%parallel_loop3A_475, %parallel_loop3A_446] : memref<2x10000xi32, #tpu.memory_space<vmem>>[vector<16xi32>, vector<16xi32>], vector<16xi32>,
      %parallel_loop3A_544 = vector.bitcast %parallel_loop3A_543 : vector<16xi32> to vector<32xbf16>
      %parallel_loop3A_545 = arith.maximumf %parallel_loop3A_539, %parallel_loop3A_544 : vector<32xbf16>
      %parallel_loop3A_546 = tpu.vector_load_idx %arg7[%parallel_loop3A_475, %parallel_loop3A_449] : memref<2x10000xi32, #tpu.memory_space<vmem>>[vector<16xi32>, vector<16xi32>], vector<16xi32>,
      %parallel_loop3A_547 = vector.bitcast %parallel_loop3A_546 : vector<16xi32> to vector<32xbf16>
      %parallel_loop3A_548 = arith.maximumf %parallel_loop3A_542, %parallel_loop3A_547 : vector<32xbf16>
      %parallel_loop3A_549 = tpu.vector_load_idx %arg7[%parallel_loop3A_475, %parallel_loop3A_452] : memref<2x10000xi32, #tpu.memory_space<vmem>>[vector<16xi32>, vector<16xi32>], vector<16xi32>,
      %parallel_loop3A_550 = vector.bitcast %parallel_loop3A_549 : vector<16xi32> to vector<32xbf16>
      %parallel_loop3A_551 = arith.maximumf %parallel_loop3A_545, %parallel_loop3A_550 : vector<32xbf16>
      %parallel_loop3A_552 = tpu.vector_load_idx %arg7[%parallel_loop3A_475, %parallel_loop3A_455] : memref<2x10000xi32, #tpu.memory_space<vmem>>[vector<16xi32>, vector<16xi32>], vector<16xi32>,
      %parallel_loop3A_553 = vector.bitcast %parallel_loop3A_552 : vector<16xi32> to vector<32xbf16>
      %parallel_loop3A_554 = arith.maximumf %parallel_loop3A_548, %parallel_loop3A_553 : vector<32xbf16>
      %parallel_loop3A_555 = tpu.vector_load_idx %arg7[%parallel_loop3A_475, %parallel_loop3A_458] : memref<2x10000xi32, #tpu.memory_space<vmem>>[vector<16xi32>, vector<16xi32>], vector<16xi32>,
      %parallel_loop3A_556 = vector.bitcast %parallel_loop3A_555 : vector<16xi32> to vector<32xbf16>
      %parallel_loop3A_557 = arith.maximumf %parallel_loop3A_551, %parallel_loop3A_556 : vector<32xbf16>
      %parallel_loop3A_558 = tpu.vector_load_idx %arg7[%parallel_loop3A_475, %parallel_loop3A_461] : memref<2x10000xi32, #tpu.memory_space<vmem>>[vector<16xi32>, vector<16xi32>], vector<16xi32>,
      %parallel_loop3A_559 = vector.bitcast %parallel_loop3A_558 : vector<16xi32> to vector<32xbf16>
      %parallel_loop3A_560 = arith.maximumf %parallel_loop3A_554, %parallel_loop3A_559 : vector<32xbf16>
      %parallel_loop3A_561 = tpu.vector_load_idx %arg7[%parallel_loop3A_475, %parallel_loop3A_464] : memref<2x10000xi32, #tpu.memory_space<vmem>>[vector<16xi32>, vector<16xi32>], vector<16xi32>,
      %parallel_loop3A_562 = vector.bitcast %parallel_loop3A_561 : vector<16xi32> to vector<32xbf16>
      %parallel_loop3A_563 = arith.maximumf %parallel_loop3A_557, %parallel_loop3A_562 : vector<32xbf16>
      %parallel_loop3A_564 = tpu.vector_load_idx %arg7[%parallel_loop3A_475, %parallel_loop3A_467] : memref<2x10000xi32, #tpu.memory_space<vmem>>[vector<16xi32>, vector<16xi32>], vector<16xi32>,
      %parallel_loop3A_565 = vector.bitcast %parallel_loop3A_564 : vector<16xi32> to vector<32xbf16>
      %parallel_loop3A_566 = arith.maximumf %parallel_loop3A_560, %parallel_loop3A_565 : vector<32xbf16>
      %parallel_loop3A_567 = tpu.vector_load_idx %arg7[%parallel_loop3A_475, %parallel_loop3A_470] : memref<2x10000xi32, #tpu.memory_space<vmem>>[vector<16xi32>, vector<16xi32>], vector<16xi32>,
      %parallel_loop3A_568 = vector.bitcast %parallel_loop3A_567 : vector<16xi32> to vector<32xbf16>
      %parallel_loop3A_569 = arith.maximumf %parallel_loop3A_563, %parallel_loop3A_568 : vector<32xbf16>
      %parallel_loop3A_570 = tpu.vector_load_idx %arg7[%parallel_loop3A_475, %parallel_loop3A_473] : memref<2x10000xi32, #tpu.memory_space<vmem>>[vector<16xi32>, vector<16xi32>], vector<16xi32>,
      %parallel_loop3A_571 = vector.bitcast %parallel_loop3A_570 : vector<16xi32> to vector<32xbf16>
      %parallel_loop3A_572 = arith.maximumf %parallel_loop3A_566, %parallel_loop3A_571 : vector<32xbf16>
      %parallel_loop3A_573 = arith.maximumf %parallel_loop3A_572, %parallel_loop3A_569 : vector<32xbf16>
      %parallel_loop3A_574 = tpu.unpack_subelements %parallel_loop3A_573, 0 {pack_format = #tpu.pack_format<interleaved>} : vector<32xbf16> -> vector<16xf32>
      %parallel_loop3A_575 = tpu.unpack_subelements %parallel_loop3A_573, 1 {pack_format = #tpu.pack_format<interleaved>} : vector<32xbf16> -> vector<16xf32>
      %parallel_loop3A_576 = arith.constant 9600 : i32
      %parallel_loop3A_577 = arith.addi %parallel_loop3A_576, %parallel_loop3A_305 : i32
      %parallel_loop3A_578 = arith.constant 0 : i32
      %parallel_loop3A_579 = arith.index_cast %parallel_loop3A_578 : i32 to index
      %parallel_loop3A_580 = arith.index_cast %parallel_loop3A_577 : i32 to index
      %parallel_loop3A_581 = tpu.vector_load %arg7[%parallel_loop3A_579, %parallel_loop3A_580] {strides = array<i32>} : memref<2x10000xi32, #tpu.memory_space<vmem>>, vector<16xi32>,
      %parallel_loop3A_582 = vector.bitcast %parallel_loop3A_581 : vector<16xi32> to vector<32xbf16>
      %parallel_loop3A_583 = tpu.unpack_subelements %parallel_loop3A_582, 0 {pack_format = #tpu.pack_format<interleaved>} : vector<32xbf16> -> vector<16xf32>
      %parallel_loop3A_584 = tpu.unpack_subelements %parallel_loop3A_582, 1 {pack_format = #tpu.pack_format<interleaved>} : vector<32xbf16> -> vector<16xf32>
      %parallel_loop3A_585 = arith.mulf %get3A_22, %parallel_loop3A_583 : vector<16xf32>
      %parallel_loop3A_586 = arith.mulf %get3A_26, %parallel_loop3A_574 : vector<16xf32>
      %parallel_loop3A_587 = arith.addf %parallel_loop3A_585, %parallel_loop3A_586 : vector<16xf32>
      %parallel_loop3A_588 = arith.constant 0 : i32
      %parallel_loop3A_589 = arith.index_cast %parallel_loop3A_588 : i32 to index
      %parallel_loop3A_590 = arith.index_cast %parallel_loop3A_305 : i32 to index
      %parallel_loop3A_591 = tpu.vector_load %arg10[%parallel_loop3A_589, %parallel_loop3A_590] {strides = array<i32>} : memref<4x400xf32, #tpu.memory_space<vmem>>, vector<16xf32>,
      tpu.vector_store %arg10[%parallel_loop3A_589, %parallel_loop3A_590], %parallel_loop3A_587 {strides = array<i32>} : memref<4x400xf32, #tpu.memory_space<vmem>>, vector<16xf32>,
      %parallel_loop3A_592 = arith.mulf %get3A_22, %parallel_loop3A_584 : vector<16xf32>
      %parallel_loop3A_593 = arith.mulf %get3A_26, %parallel_loop3A_575 : vector<16xf32>
      %parallel_loop3A_594 = arith.addf %parallel_loop3A_592, %parallel_loop3A_593 : vector<16xf32>
      %parallel_loop3A_595 = arith.constant 1 : i32
      %parallel_loop3A_596 = arith.index_cast %parallel_loop3A_595 : i32 to index
      %parallel_loop3A_597 = arith.index_cast %parallel_loop3A_305 : i32 to index
      %parallel_loop3A_598 = tpu.vector_load %arg10[%parallel_loop3A_596, %parallel_loop3A_597] {strides = array<i32>} : memref<4x400xf32, #tpu.memory_space<vmem>>, vector<16xf32>,
      tpu.vector_store %arg10[%parallel_loop3A_596, %parallel_loop3A_597], %parallel_loop3A_594 {strides = array<i32>} : memref<4x400xf32, #tpu.memory_space<vmem>>, vector<16xf32>,
      %parallel_loop3A_599 = arith.constant 1 : i32
      %parallel_loop3A_600 = vector.broadcast %parallel_loop3A_599 : i32 to vector<16xi32>
      %parallel_loop3A_601 = tpu.vector_load_idx %arg7[%parallel_loop3A_600, %parallel_loop3A_377] : memref<2x10000xi32, #tpu.memory_space<vmem>>[vector<16xi32>, vector<16xi32>], vector<16xi32>,
      %parallel_loop3A_602 = vector.bitcast %parallel_loop3A_601 : vector<16xi32> to vector<32xbf16>
      %parallel_loop3A_603 = tpu.vector_load_idx %arg7[%parallel_loop3A_600, %parallel_loop3A_380] : memref<2x10000xi32, #tpu.memory_space<vmem>>[vector<16xi32>, vector<16xi32>], vector<16xi32>,
      %parallel_loop3A_604 = vector.bitcast %parallel_loop3A_603 : vector<16xi32> to vector<32xbf16>
      %parallel_loop3A_605 = tpu.vector_load_idx %arg7[%parallel_loop3A_600, %parallel_loop3A_383] : memref<2x10000xi32, #tpu.memory_space<vmem>>[vector<16xi32>, vector<16xi32>], vector<16xi32>,
      %parallel_loop3A_606 = vector.bitcast %parallel_loop3A_605 : vector<16xi32> to vector<32xbf16>
      %parallel_loop3A_607 = arith.maximumf %parallel_loop3A_602, %parallel_loop3A_606 : vector<32xbf16>
      %parallel_loop3A_608 = tpu.vector_load_idx %arg7[%parallel_loop3A_600, %parallel_loop3A_386] : memref<2x10000xi32, #tpu.memory_space<vmem>>[vector<16xi32>, vector<16xi32>], vector<16xi32>,
      %parallel_loop3A_609 = vector.bitcast %parallel_loop3A_608 : vector<16xi32> to vector<32xbf16>
      %parallel_loop3A_610 = arith.maximumf %parallel_loop3A_604, %parallel_loop3A_609 : vector<32xbf16>
      %parallel_loop3A_611 = tpu.vector_load_idx %arg7[%parallel_loop3A_600, %parallel_loop3A_389] : memref<2x10000xi32, #tpu.memory_space<vmem>>[vector<16xi32>, vector<16xi32>], vector<16xi32>,
      %parallel_loop3A_612 = vector.bitcast %parallel_loop3A_611 : vector<16xi32> to vector<32xbf16>
      %parallel_loop3A_613 = arith.maximumf %parallel_loop3A_607, %parallel_loop3A_612 : vector<32xbf16>
      %parallel_loop3A_614 = tpu.vector_load_idx %arg7[%parallel_loop3A_600, %parallel_loop3A_392] : memref<2x10000xi32, #tpu.memory_space<vmem>>[vector<16xi32>, vector<16xi32>], vector<16xi32>,
      %parallel_loop3A_615 = vector.bitcast %parallel_loop3A_614 : vector<16xi32> to vector<32xbf16>
      %parallel_loop3A_616 = arith.maximumf %parallel_loop3A_610, %parallel_loop3A_615 : vector<32xbf16>
      %parallel_loop3A_617 = tpu.vector_load_idx %arg7[%parallel_loop3A_600, %parallel_loop3A_395] : memref<2x10000xi32, #tpu.memory_space<vmem>>[vector<16xi32>, vector<16xi32>], vector<16xi32>,
      %parallel_loop3A_618 = vector.bitcast %parallel_loop3A_617 : vector<16xi32> to vector<32xbf16>
      %parallel_loop3A_619 = arith.maximumf %parallel_loop3A_613, %parallel_loop3A_618 : vector<32xbf16>
      %parallel_loop3A_620 = tpu.vector_load_idx %arg7[%parallel_loop3A_600, %parallel_loop3A_398] : memref<2x10000xi32, #tpu.memory_space<vmem>>[vector<16xi32>, vector<16xi32>], vector<16xi32>,
      %parallel_loop3A_621 = vector.bitcast %parallel_loop3A_620 : vector<16xi32> to vector<32xbf16>
      %parallel_loop3A_622 = arith.maximumf %parallel_loop3A_616, %parallel_loop3A_621 : vector<32xbf16>
      %parallel_loop3A_623 = tpu.vector_load_idx %arg7[%parallel_loop3A_600, %parallel_loop3A_401] : memref<2x10000xi32, #tpu.memory_space<vmem>>[vector<16xi32>, vector<16xi32>], vector<16xi32>,
      %parallel_loop3A_624 = vector.bitcast %parallel_loop3A_623 : vector<16xi32> to vector<32xbf16>
      %parallel_loop3A_625 = arith.maximumf %parallel_loop3A_619, %parallel_loop3A_624 : vector<32xbf16>
      %parallel_loop3A_626 = tpu.vector_load_idx %arg7[%parallel_loop3A_600, %parallel_loop3A_404] : memref<2x10000xi32, #tpu.memory_space<vmem>>[vector<16xi32>, vector<16xi32>], vector<16xi32>,
      %parallel_loop3A_627 = vector.bitcast %parallel_loop3A_626 : vector<16xi32> to vector<32xbf16>
      %parallel_loop3A_628 = arith.maximumf %parallel_loop3A_622, %parallel_loop3A_627 : vector<32xbf16>
      %parallel_loop3A_629 = tpu.vector_load_idx %arg7[%parallel_loop3A_600, %parallel_loop3A_407] : memref<2x10000xi32, #tpu.memory_space<vmem>>[vector<16xi32>, vector<16xi32>], vector<16xi32>,
      %parallel_loop3A_630 = vector.bitcast %parallel_loop3A_629 : vector<16xi32> to vector<32xbf16>
      %parallel_loop3A_631 = arith.maximumf %parallel_loop3A_625, %parallel_loop3A_630 : vector<32xbf16>
      %parallel_loop3A_632 = tpu.vector_load_idx %arg7[%parallel_loop3A_600, %parallel_loop3A_410] : memref<2x10000xi32, #tpu.memory_space<vmem>>[vector<16xi32>, vector<16xi32>], vector<16xi32>,
      %parallel_loop3A_633 = vector.bitcast %parallel_loop3A_632 : vector<16xi32> to vector<32xbf16>
      %parallel_loop3A_634 = arith.maximumf %parallel_loop3A_628, %parallel_loop3A_633 : vector<32xbf16>
      %parallel_loop3A_635 = tpu.vector_load_idx %arg7[%parallel_loop3A_600, %parallel_loop3A_413] : memref<2x10000xi32, #tpu.memory_space<vmem>>[vector<16xi32>, vector<16xi32>], vector<16xi32>,
      %parallel_loop3A_636 = vector.bitcast %parallel_loop3A_635 : vector<16xi32> to vector<32xbf16>
      %parallel_loop3A_637 = arith.maximumf %parallel_loop3A_631, %parallel_loop3A_636 : vector<32xbf16>
      %parallel_loop3A_638 = tpu.vector_load_idx %arg7[%parallel_loop3A_600, %parallel_loop3A_416] : memref<2x10000xi32, #tpu.memory_space<vmem>>[vector<16xi32>, vector<16xi32>], vector<16xi32>,
      %parallel_loop3A_639 = vector.bitcast %parallel_loop3A_638 : vector<16xi32> to vector<32xbf16>
      %parallel_loop3A_640 = arith.maximumf %parallel_loop3A_634, %parallel_loop3A_639 : vector<32xbf16>
      %parallel_loop3A_641 = tpu.vector_load_idx %arg7[%parallel_loop3A_600, %parallel_loop3A_419] : memref<2x10000xi32, #tpu.memory_space<vmem>>[vector<16xi32>, vector<16xi32>], vector<16xi32>,
      %parallel_loop3A_642 = vector.bitcast %parallel_loop3A_641 : vector<16xi32> to vector<32xbf16>
      %parallel_loop3A_643 = arith.maximumf %parallel_loop3A_637, %parallel_loop3A_642 : vector<32xbf16>
      %parallel_loop3A_644 = tpu.vector_load_idx %arg7[%parallel_loop3A_600, %parallel_loop3A_422] : memref<2x10000xi32, #tpu.memory_space<vmem>>[vector<16xi32>, vector<16xi32>], vector<16xi32>,
      %parallel_loop3A_645 = vector.bitcast %parallel_loop3A_644 : vector<16xi32> to vector<32xbf16>
      %parallel_loop3A_646 = arith.maximumf %parallel_loop3A_640, %parallel_loop3A_645 : vector<32xbf16>
      %parallel_loop3A_647 = tpu.vector_load_idx %arg7[%parallel_loop3A_600, %parallel_loop3A_425] : memref<2x10000xi32, #tpu.memory_space<vmem>>[vector<16xi32>, vector<16xi32>], vector<16xi32>,
      %parallel_loop3A_648 = vector.bitcast %parallel_loop3A_647 : vector<16xi32> to vector<32xbf16>
      %parallel_loop3A_649 = arith.maximumf %parallel_loop3A_643, %parallel_loop3A_648 : vector<32xbf16>
      %parallel_loop3A_650 = tpu.vector_load_idx %arg7[%parallel_loop3A_600, %parallel_loop3A_428] : memref<2x10000xi32, #tpu.memory_space<vmem>>[vector<16xi32>, vector<16xi32>], vector<16xi32>,
      %parallel_loop3A_651 = vector.bitcast %parallel_loop3A_650 : vector<16xi32> to vector<32xbf16>
      %parallel_loop3A_652 = arith.maximumf %parallel_loop3A_646, %parallel_loop3A_651 : vector<32xbf16>
      %parallel_loop3A_653 = tpu.vector_load_idx %arg7[%parallel_loop3A_600, %parallel_loop3A_431] : memref<2x10000xi32, #tpu.memory_space<vmem>>[vector<16xi32>, vector<16xi32>], vector<16xi32>,
      %parallel_loop3A_654 = vector.bitcast %parallel_loop3A_653 : vector<16xi32> to vector<32xbf16>
      %parallel_loop3A_655 = arith.maximumf %parallel_loop3A_649, %parallel_loop3A_654 : vector<32xbf16>
      %parallel_loop3A_656 = tpu.vector_load_idx %arg7[%parallel_loop3A_600, %parallel_loop3A_434] : memref<2x10000xi32, #tpu.memory_space<vmem>>[vector<16xi32>, vector<16xi32>], vector<16xi32>,
      %parallel_loop3A_657 = vector.bitcast %parallel_loop3A_656 : vector<16xi32> to vector<32xbf16>
      %parallel_loop3A_658 = arith.maximumf %parallel_loop3A_652, %parallel_loop3A_657 : vector<32xbf16>
      %parallel_loop3A_659 = tpu.vector_load_idx %arg7[%parallel_loop3A_600, %parallel_loop3A_437] : memref<2x10000xi32, #tpu.memory_space<vmem>>[vector<16xi32>, vector<16xi32>], vector<16xi32>,
      %parallel_loop3A_660 = vector.bitcast %parallel_loop3A_659 : vector<16xi32> to vector<32xbf16>
      %parallel_loop3A_661 = arith.maximumf %parallel_loop3A_655, %parallel_loop3A_660 : vector<32xbf16>
      %parallel_loop3A_662 = tpu.vector_load_idx %arg7[%parallel_loop3A_600, %parallel_loop3A_440] : memref<2x10000xi32, #tpu.memory_space<vmem>>[vector<16xi32>, vector<16xi32>], vector<16xi32>,
      %parallel_loop3A_663 = vector.bitcast %parallel_loop3A_662 : vector<16xi32> to vector<32xbf16>
      %parallel_loop3A_664 = arith.maximumf %parallel_loop3A_658, %parallel_loop3A_663 : vector<32xbf16>
      %parallel_loop3A_665 = tpu.vector_load_idx %arg7[%parallel_loop3A_600, %parallel_loop3A_443] : memref<2x10000xi32, #tpu.memory_space<vmem>>[vector<16xi32>, vector<16xi32>], vector<16xi32>,
      %parallel_loop3A_666 = vector.bitcast %parallel_loop3A_665 : vector<16xi32> to vector<32xbf16>
      %parallel_loop3A_667 = arith.maximumf %parallel_loop3A_661, %parallel_loop3A_666 : vector<32xbf16>
      %parallel_loop3A_668 = tpu.vector_load_idx %arg7[%parallel_loop3A_600, %parallel_loop3A_446] : memref<2x10000xi32, #tpu.memory_space<vmem>>[vector<16xi32>, vector<16xi32>], vector<16xi32>,
      %parallel_loop3A_669 = vector.bitcast %parallel_loop3A_668 : vector<16xi32> to vector<32xbf16>
      %parallel_loop3A_670 = arith.maximumf %parallel_loop3A_664, %parallel_loop3A_669 : vector<32xbf16>
      %parallel_loop3A_671 = tpu.vector_load_idx %arg7[%parallel_loop3A_600, %parallel_loop3A_449] : memref<2x10000xi32, #tpu.memory_space<vmem>>[vector<16xi32>, vector<16xi32>], vector<16xi32>,
      %parallel_loop3A_672 = vector.bitcast %parallel_loop3A_671 : vector<16xi32> to vector<32xbf16>
      %parallel_loop3A_673 = arith.maximumf %parallel_loop3A_667, %parallel_loop3A_672 : vector<32xbf16>
      %parallel_loop3A_674 = tpu.vector_load_idx %arg7[%parallel_loop3A_600, %parallel_loop3A_452] : memref<2x10000xi32, #tpu.memory_space<vmem>>[vector<16xi32>, vector<16xi32>], vector<16xi32>,
      %parallel_loop3A_675 = vector.bitcast %parallel_loop3A_674 : vector<16xi32> to vector<32xbf16>
      %parallel_loop3A_676 = arith.maximumf %parallel_loop3A_670, %parallel_loop3A_675 : vector<32xbf16>
      %parallel_loop3A_677 = tpu.vector_load_idx %arg7[%parallel_loop3A_600, %parallel_loop3A_455] : memref<2x10000xi32, #tpu.memory_space<vmem>>[vector<16xi32>, vector<16xi32>], vector<16xi32>,
      %parallel_loop3A_678 = vector.bitcast %parallel_loop3A_677 : vector<16xi32> to vector<32xbf16>
      %parallel_loop3A_679 = arith.maximumf %parallel_loop3A_673, %parallel_loop3A_678 : vector<32xbf16>
      %parallel_loop3A_680 = tpu.vector_load_idx %arg7[%parallel_loop3A_600, %parallel_loop3A_458] : memref<2x10000xi32, #tpu.memory_space<vmem>>[vector<16xi32>, vector<16xi32>], vector<16xi32>,
      %parallel_loop3A_681 = vector.bitcast %parallel_loop3A_680 : vector<16xi32> to vector<32xbf16>
      %parallel_loop3A_682 = arith.maximumf %parallel_loop3A_676, %parallel_loop3A_681 : vector<32xbf16>
      %parallel_loop3A_683 = tpu.vector_load_idx %arg7[%parallel_loop3A_600, %parallel_loop3A_461] : memref<2x10000xi32, #tpu.memory_space<vmem>>[vector<16xi32>, vector<16xi32>], vector<16xi32>,
      %parallel_loop3A_684 = vector.bitcast %parallel_loop3A_683 : vector<16xi32> to vector<32xbf16>
      %parallel_loop3A_685 = arith.maximumf %parallel_loop3A_679, %parallel_loop3A_684 : vector<32xbf16>
      %parallel_loop3A_686 = tpu.vector_load_idx %arg7[%parallel_loop3A_600, %parallel_loop3A_464] : memref<2x10000xi32, #tpu.memory_space<vmem>>[vector<16xi32>, vector<16xi32>], vector<16xi32>,
      %parallel_loop3A_687 = vector.bitcast %parallel_loop3A_686 : vector<16xi32> to vector<32xbf16>
      %parallel_loop3A_688 = arith.maximumf %parallel_loop3A_682, %parallel_loop3A_687 : vector<32xbf16>
      %parallel_loop3A_689 = tpu.vector_load_idx %arg7[%parallel_loop3A_600, %parallel_loop3A_467] : memref<2x10000xi32, #tpu.memory_space<vmem>>[vector<16xi32>, vector<16xi32>], vector<16xi32>,
      %parallel_loop3A_690 = vector.bitcast %parallel_loop3A_689 : vector<16xi32> to vector<32xbf16>
      %parallel_loop3A_691 = arith.maximumf %parallel_loop3A_685, %parallel_loop3A_690 : vector<32xbf16>
      %parallel_loop3A_692 = tpu.vector_load_idx %arg7[%parallel_loop3A_600, %parallel_loop3A_470] : memref<2x10000xi32, #tpu.memory_space<vmem>>[vector<16xi32>, vector<16xi32>], vector<16xi32>,
      %parallel_loop3A_693 = vector.bitcast %parallel_loop3A_692 : vector<16xi32> to vector<32xbf16>
      %parallel_loop3A_694 = arith.maximumf %parallel_loop3A_688, %parallel_loop3A_693 : vector<32xbf16>
      %parallel_loop3A_695 = tpu.vector_load_idx %arg7[%parallel_loop3A_600, %parallel_loop3A_473] : memref<2x10000xi32, #tpu.memory_space<vmem>>[vector<16xi32>, vector<16xi32>], vector<16xi32>,
      %parallel_loop3A_696 = vector.bitcast %parallel_loop3A_695 : vector<16xi32> to vector<32xbf16>
      %parallel_loop3A_697 = arith.maximumf %parallel_loop3A_691, %parallel_loop3A_696 : vector<32xbf16>
      %parallel_loop3A_698 = arith.maximumf %parallel_loop3A_697, %parallel_loop3A_694 : vector<32xbf16>
      %parallel_loop3A_699 = tpu.unpack_subelements %parallel_loop3A_698, 0 {pack_format = #tpu.pack_format<interleaved>} : vector<32xbf16> -> vector<16xf32>
      %parallel_loop3A_700 = tpu.unpack_subelements %parallel_loop3A_698, 1 {pack_format = #tpu.pack_format<interleaved>} : vector<32xbf16> -> vector<16xf32>
      %parallel_loop3A_701 = arith.constant 9600 : i32
      %parallel_loop3A_702 = arith.addi %parallel_loop3A_701, %parallel_loop3A_305 : i32
      %parallel_loop3A_703 = arith.constant 1 : i32
      %parallel_loop3A_704 = arith.index_cast %parallel_loop3A_703 : i32 to index
      %parallel_loop3A_705 = arith.index_cast %parallel_loop3A_702 : i32 to index
      %parallel_loop3A_706 = tpu.vector_load %arg7[%parallel_loop3A_704, %parallel_loop3A_705] {strides = array<i32>} : memref<2x10000xi32, #tpu.memory_space<vmem>>, vector<16xi32>,
      %parallel_loop3A_707 = vector.bitcast %parallel_loop3A_706 : vector<16xi32> to vector<32xbf16>
      %parallel_loop3A_708 = tpu.unpack_subelements %parallel_loop3A_707, 0 {pack_format = #tpu.pack_format<interleaved>} : vector<32xbf16> -> vector<16xf32>
      %parallel_loop3A_709 = tpu.unpack_subelements %parallel_loop3A_707, 1 {pack_format = #tpu.pack_format<interleaved>} : vector<32xbf16> -> vector<16xf32>
      %parallel_loop3A_710 = arith.mulf %get3A_22, %parallel_loop3A_708 : vector<16xf32>
      %parallel_loop3A_711 = arith.mulf %get3A_26, %parallel_loop3A_699 : vector<16xf32>
      %parallel_loop3A_712 = arith.addf %parallel_loop3A_710, %parallel_loop3A_711 : vector<16xf32>
      %parallel_loop3A_713 = arith.constant 2 : i32
      %parallel_loop3A_714 = arith.index_cast %parallel_loop3A_713 : i32 to index
      %parallel_loop3A_715 = arith.index_cast %parallel_loop3A_305 : i32 to index
      %parallel_loop3A_716 = tpu.vector_load %arg10[%parallel_loop3A_714, %parallel_loop3A_715] {strides = array<i32>} : memref<4x400xf32, #tpu.memory_space<vmem>>, vector<16xf32>,
      tpu.vector_store %arg10[%parallel_loop3A_714, %parallel_loop3A_715], %parallel_loop3A_712 {strides = array<i32>} : memref<4x400xf32, #tpu.memory_space<vmem>>, vector<16xf32>,
      %parallel_loop3A_717 = arith.mulf %get3A_22, %parallel_loop3A_709 : vector<16xf32>
      %parallel_loop3A_718 = arith.mulf %get3A_26, %parallel_loop3A_700 : vector<16xf32>
      %parallel_loop3A_719 = arith.addf %parallel_loop3A_717, %parallel_loop3A_718 : vector<16xf32>
      %parallel_loop3A_720 = arith.constant 3 : i32
      %parallel_loop3A_721 = arith.index_cast %parallel_loop3A_720 : i32 to index
      %parallel_loop3A_722 = arith.index_cast %parallel_loop3A_305 : i32 to index
      %parallel_loop3A_723 = tpu.vector_load %arg10[%parallel_loop3A_721, %parallel_loop3A_722] {strides = array<i32>} : memref<4x400xf32, #tpu.memory_space<vmem>>, vector<16xf32>,
      tpu.vector_store %arg10[%parallel_loop3A_721, %parallel_loop3A_722], %parallel_loop3A_719 {strides = array<i32>} : memref<4x400xf32, #tpu.memory_space<vmem>>, vector<16xf32>,
      scf.yield %parallel_loop3A_306 : i32
    } {sc.loop_unroll_factor = 1 : i64, sc.parallel_access}
    %add3A_113 = arith.constant 0 : i32
    %add3A_114 = arith.addi %mul3A_2, %add3A_113 : i32
    %dma_start3A_115 = arith.constant 0 : i32
    %dma_start3A_116 = arith.constant 0 : i32
    %dma_start3A_117 = arith.constant 0 : i32
    %dma_start3A_118 = tpu.memref_slice %arg10[%dma_start3A_115, %dma_start3A_117] : memref<4x400xf32, #tpu.memory_space<vmem>> -> memref<1x400xf32, #tpu.memory_space<vmem>>
    %dma_start3A_119 = tpu.memref_squeeze %dma_start3A_118 : memref<1x400xf32, #tpu.memory_space<vmem>> -> memref<400xf32, #tpu.memory_space<vmem>>
    %dma_start3A_120 = arith.constant 9600 : i32
    %dma_start3A_121 = tpu.memref_slice %arg5[%dma_start3A_116, %add3A_114, %dma_start3A_120] : memref<1x128x10000xf32, #tpu.memory_space<hbm>> -> memref<1x1x400xf32, #tpu.memory_space<hbm>>
    %dma_start3A_122 = tpu.memref_squeeze %dma_start3A_121 : memref<1x1x400xf32, #tpu.memory_space<hbm>> -> memref<400xf32, #tpu.memory_space<hbm>>
    %dma_start3A_123 = arith.constant 9600 : i32
    %dma_start3A_124 = tpu.memref_slice %arg5[%dma_start3A_116, %add3A_114, %dma_start3A_123] : memref<1x128x10000xf32, #tpu.memory_space<hbm>> -> memref<1x1x400xf32, #tpu.memory_space<hbm>>
    %dma_start3A_125 = tpu.memref_squeeze %dma_start3A_124 : memref<1x1x400xf32, #tpu.memory_space<hbm>> -> memref<400xf32, #tpu.memory_space<hbm>>
    %dma_start3A_126 = arith.constant 0 : i32
    %dma_start3A_127 = tpu.memref_slice %arg10[%dma_start3A_115, %dma_start3A_126] : memref<4x400xf32, #tpu.memory_space<vmem>> -> memref<1x400xf32, #tpu.memory_space<vmem>>
    %dma_start3A_128 = tpu.memref_squeeze %dma_start3A_127 : memref<1x400xf32, #tpu.memory_space<vmem>> -> memref<400xf32, #tpu.memory_space<vmem>>
    tpu.enqueue_dma source(%dma_start3A_128 : memref<400xf32, #tpu.memory_space<vmem>>) target(%dma_start3A_125 : memref<400xf32, #tpu.memory_space<hbm>>) target_semaphore(%arg15 : memref<!tpu.dma_semaphore, #tpu.memory_space<semaphore_mem>>)
    %add3A_129 = arith.constant 1 : i32
    %add3A_130 = arith.addi %mul3A_2, %add3A_129 : i32
    %dma_start3A_131 = arith.constant 1 : i32
    %dma_start3A_132 = arith.constant 0 : i32
    %dma_start3A_133 = arith.constant 0 : i32
    %dma_start3A_134 = tpu.memref_slice %arg10[%dma_start3A_131, %dma_start3A_133] : memref<4x400xf32, #tpu.memory_space<vmem>> -> memref<1x400xf32, #tpu.memory_space<vmem>>
    %dma_start3A_135 = tpu.memref_squeeze %dma_start3A_134 : memref<1x400xf32, #tpu.memory_space<vmem>> -> memref<400xf32, #tpu.memory_space<vmem>>
    %dma_start3A_136 = arith.constant 9600 : i32
    %dma_start3A_137 = tpu.memref_slice %arg5[%dma_start3A_132, %add3A_130, %dma_start3A_136] : memref<1x128x10000xf32, #tpu.memory_space<hbm>> -> memref<1x1x400xf32, #tpu.memory_space<hbm>>
    %dma_start3A_138 = tpu.memref_squeeze %dma_start3A_137 : memref<1x1x400xf32, #tpu.memory_space<hbm>> -> memref<400xf32, #tpu.memory_space<hbm>>
    %dma_start3A_139 = arith.constant 9600 : i32
    %dma_start3A_140 = tpu.memref_slice %arg5[%dma_start3A_132, %add3A_130, %dma_start3A_139] : memref<1x128x10000xf32, #tpu.memory_space<hbm>> -> memref<1x1x400xf32, #tpu.memory_space<hbm>>
    %dma_start3A_141 = tpu.memref_squeeze %dma_start3A_140 : memref<1x1x400xf32, #tpu.memory_space<hbm>> -> memref<400xf32, #tpu.memory_space<hbm>>
    %dma_start3A_142 = arith.constant 0 : i32
    %dma_start3A_143 = tpu.memref_slice %arg10[%dma_start3A_131, %dma_start3A_142] : memref<4x400xf32, #tpu.memory_space<vmem>> -> memref<1x400xf32, #tpu.memory_space<vmem>>
    %dma_start3A_144 = tpu.memref_squeeze %dma_start3A_143 : memref<1x400xf32, #tpu.memory_space<vmem>> -> memref<400xf32, #tpu.memory_space<vmem>>
    tpu.enqueue_dma source(%dma_start3A_144 : memref<400xf32, #tpu.memory_space<vmem>>) target(%dma_start3A_141 : memref<400xf32, #tpu.memory_space<hbm>>) target_semaphore(%arg15 : memref<!tpu.dma_semaphore, #tpu.memory_space<semaphore_mem>>)
    %add3A_145 = arith.constant 2 : i32
    %add3A_146 = arith.addi %mul3A_2, %add3A_145 : i32
    %dma_start3A_147 = arith.constant 2 : i32
    %dma_start3A_148 = arith.constant 0 : i32
    %dma_start3A_149 = arith.constant 0 : i32
    %dma_start3A_150 = tpu.memref_slice %arg10[%dma_start3A_147, %dma_start3A_149] : memref<4x400xf32, #tpu.memory_space<vmem>> -> memref<1x400xf32, #tpu.memory_space<vmem>>
    %dma_start3A_151 = tpu.memref_squeeze %dma_start3A_150 : memref<1x400xf32, #tpu.memory_space<vmem>> -> memref<400xf32, #tpu.memory_space<vmem>>
    %dma_start3A_152 = arith.constant 9600 : i32
    %dma_start3A_153 = tpu.memref_slice %arg5[%dma_start3A_148, %add3A_146, %dma_start3A_152] : memref<1x128x10000xf32, #tpu.memory_space<hbm>> -> memref<1x1x400xf32, #tpu.memory_space<hbm>>
    %dma_start3A_154 = tpu.memref_squeeze %dma_start3A_153 : memref<1x1x400xf32, #tpu.memory_space<hbm>> -> memref<400xf32, #tpu.memory_space<hbm>>
    %dma_start3A_155 = arith.constant 9600 : i32
    %dma_start3A_156 = tpu.memref_slice %arg5[%dma_start3A_148, %add3A_146, %dma_start3A_155] : memref<1x128x10000xf32, #tpu.memory_space<hbm>> -> memref<1x1x400xf32, #tpu.memory_space<hbm>>
    %dma_start3A_157 = tpu.memref_squeeze %dma_start3A_156 : memref<1x1x400xf32, #tpu.memory_space<hbm>> -> memref<400xf32, #tpu.memory_space<hbm>>
    %dma_start3A_158 = arith.constant 0 : i32
    %dma_start3A_159 = tpu.memref_slice %arg10[%dma_start3A_147, %dma_start3A_158] : memref<4x400xf32, #tpu.memory_space<vmem>> -> memref<1x400xf32, #tpu.memory_space<vmem>>
    %dma_start3A_160 = tpu.memref_squeeze %dma_start3A_159 : memref<1x400xf32, #tpu.memory_space<vmem>> -> memref<400xf32, #tpu.memory_space<vmem>>
    tpu.enqueue_dma source(%dma_start3A_160 : memref<400xf32, #tpu.memory_space<vmem>>) target(%dma_start3A_157 : memref<400xf32, #tpu.memory_space<hbm>>) target_semaphore(%arg15 : memref<!tpu.dma_semaphore, #tpu.memory_space<semaphore_mem>>)
    %add3A_161 = arith.constant 3 : i32
    %add3A_162 = arith.addi %mul3A_2, %add3A_161 : i32
    %dma_start3A_163 = arith.constant 3 : i32
    %dma_start3A_164 = arith.constant 0 : i32
    %dma_start3A_165 = arith.constant 0 : i32
    %dma_start3A_166 = tpu.memref_slice %arg10[%dma_start3A_163, %dma_start3A_165] : memref<4x400xf32, #tpu.memory_space<vmem>> -> memref<1x400xf32, #tpu.memory_space<vmem>>
    %dma_start3A_167 = tpu.memref_squeeze %dma_start3A_166 : memref<1x400xf32, #tpu.memory_space<vmem>> -> memref<400xf32, #tpu.memory_space<vmem>>
    %dma_start3A_168 = arith.constant 9600 : i32
    %dma_start3A_169 = tpu.memref_slice %arg5[%dma_start3A_164, %add3A_162, %dma_start3A_168] : memref<1x128x10000xf32, #tpu.memory_space<hbm>> -> memref<1x1x400xf32, #tpu.memory_space<hbm>>
    %dma_start3A_170 = tpu.memref_squeeze %dma_start3A_169 : memref<1x1x400xf32, #tpu.memory_space<hbm>> -> memref<400xf32, #tpu.memory_space<hbm>>
    %dma_start3A_171 = arith.constant 9600 : i32
    %dma_start3A_172 = tpu.memref_slice %arg5[%dma_start3A_164, %add3A_162, %dma_start3A_171] : memref<1x128x10000xf32, #tpu.memory_space<hbm>> -> memref<1x1x400xf32, #tpu.memory_space<hbm>>
    %dma_start3A_173 = tpu.memref_squeeze %dma_start3A_172 : memref<1x1x400xf32, #tpu.memory_space<hbm>> -> memref<400xf32, #tpu.memory_space<hbm>>
    %dma_start3A_174 = arith.constant 0 : i32
    %dma_start3A_175 = tpu.memref_slice %arg10[%dma_start3A_163, %dma_start3A_174] : memref<4x400xf32, #tpu.memory_space<vmem>> -> memref<1x400xf32, #tpu.memory_space<vmem>>
    %dma_start3A_176 = tpu.memref_squeeze %dma_start3A_175 : memref<1x400xf32, #tpu.memory_space<vmem>> -> memref<400xf32, #tpu.memory_space<vmem>>
    tpu.enqueue_dma source(%dma_start3A_176 : memref<400xf32, #tpu.memory_space<vmem>>) target(%dma_start3A_173 : memref<400xf32, #tpu.memory_space<hbm>>) target_semaphore(%arg15 : memref<!tpu.dma_semaphore, #tpu.memory_space<semaphore_mem>>)
    %add3A_177 = arith.constant 0 : i32
    %add3A_178 = arith.addi %mul3A_2, %add3A_177 : i32
    %dma_wait3A_179 = arith.constant 0 : i32
    %dma_wait3A_180 = arith.constant 0 : i32
    %dma_wait3A_181 = arith.constant 0 : i32
    %dma_wait3A_182 = tpu.memref_slice %arg10[%dma_wait3A_179, %dma_wait3A_181] : memref<4x400xf32, #tpu.memory_space<vmem>> -> memref<1x400xf32, #tpu.memory_space<vmem>>
    %dma_wait3A_183 = tpu.memref_squeeze %dma_wait3A_182 : memref<1x400xf32, #tpu.memory_space<vmem>> -> memref<400xf32, #tpu.memory_space<vmem>>
    %dma_wait3A_184 = arith.constant 0 : i32
    %dma_wait3A_185 = tpu.memref_slice %arg5[%dma_wait3A_180, %add3A_178, %dma_wait3A_184] : memref<1x128x10000xf32, #tpu.memory_space<hbm>> -> memref<1x1x400xf32, #tpu.memory_space<hbm>>
    %dma_wait3A_186 = tpu.memref_squeeze %dma_wait3A_185 : memref<1x1x400xf32, #tpu.memory_space<hbm>> -> memref<400xf32, #tpu.memory_space<hbm>>
    %dma_wait3A_187 = arith.constant 0 : i32
    %dma_wait3A_188 = tpu.memref_slice %arg5[%dma_wait3A_180, %add3A_178, %dma_wait3A_187] : memref<1x128x10000xf32, #tpu.memory_space<hbm>> -> memref<1x1x400xf32, #tpu.memory_space<hbm>>
    %dma_wait3A_189 = tpu.memref_squeeze %dma_wait3A_188 : memref<1x1x400xf32, #tpu.memory_space<hbm>> -> memref<400xf32, #tpu.memory_space<hbm>>
    %dma_wait3A_190 = arith.constant 0 : i32
    %dma_wait3A_191 = tpu.memref_slice %arg10[%dma_wait3A_179, %dma_wait3A_190] : memref<4x400xf32, #tpu.memory_space<vmem>> -> memref<1x400xf32, #tpu.memory_space<vmem>>
    %dma_wait3A_192 = tpu.memref_squeeze %dma_wait3A_191 : memref<1x400xf32, #tpu.memory_space<vmem>> -> memref<400xf32, #tpu.memory_space<vmem>>
    tpu.wait_dma2 semaphore(%arg15 : memref<!tpu.dma_semaphore, #tpu.memory_space<semaphore_mem>>) src(%dma_wait3A_192 : memref<400xf32, #tpu.memory_space<vmem>>) dst(%dma_wait3A_189 : memref<400xf32, #tpu.memory_space<hbm>>)
    %add3A_193 = arith.constant 1 : i32
    %add3A_194 = arith.addi %mul3A_2, %add3A_193 : i32
    %dma_wait3A_195 = arith.constant 1 : i32
    %dma_wait3A_196 = arith.constant 0 : i32
    %dma_wait3A_197 = arith.constant 0 : i32
    %dma_wait3A_198 = tpu.memref_slice %arg10[%dma_wait3A_195, %dma_wait3A_197] : memref<4x400xf32, #tpu.memory_space<vmem>> -> memref<1x400xf32, #tpu.memory_space<vmem>>
    %dma_wait3A_199 = tpu.memref_squeeze %dma_wait3A_198 : memref<1x400xf32, #tpu.memory_space<vmem>> -> memref<400xf32, #tpu.memory_space<vmem>>
    %dma_wait3A_200 = arith.constant 0 : i32
    %dma_wait3A_201 = tpu.memref_slice %arg5[%dma_wait3A_196, %add3A_194, %dma_wait3A_200] : memref<1x128x10000xf32, #tpu.memory_space<hbm>> -> memref<1x1x400xf32, #tpu.memory_space<hbm>>
    %dma_wait3A_202 = tpu.memref_squeeze %dma_wait3A_201 : memref<1x1x400xf32, #tpu.memory_space<hbm>> -> memref<400xf32, #tpu.memory_space<hbm>>
    %dma_wait3A_203 = arith.constant 0 : i32
    %dma_wait3A_204 = tpu.memref_slice %arg5[%dma_wait3A_196, %add3A_194, %dma_wait3A_203] : memref<1x128x10000xf32, #tpu.memory_space<hbm>> -> memref<1x1x400xf32, #tpu.memory_space<hbm>>
    %dma_wait3A_205 = tpu.memref_squeeze %dma_wait3A_204 : memref<1x1x400xf32, #tpu.memory_space<hbm>> -> memref<400xf32, #tpu.memory_space<hbm>>
    %dma_wait3A_206 = arith.constant 0 : i32
    %dma_wait3A_207 = tpu.memref_slice %arg10[%dma_wait3A_195, %dma_wait3A_206] : memref<4x400xf32, #tpu.memory_space<vmem>> -> memref<1x400xf32, #tpu.memory_space<vmem>>
    %dma_wait3A_208 = tpu.memref_squeeze %dma_wait3A_207 : memref<1x400xf32, #tpu.memory_space<vmem>> -> memref<400xf32, #tpu.memory_space<vmem>>
    tpu.wait_dma2 semaphore(%arg15 : memref<!tpu.dma_semaphore, #tpu.memory_space<semaphore_mem>>) src(%dma_wait3A_208 : memref<400xf32, #tpu.memory_space<vmem>>) dst(%dma_wait3A_205 : memref<400xf32, #tpu.memory_space<hbm>>)
    %add3A_209 = arith.constant 2 : i32
    %add3A_210 = arith.addi %mul3A_2, %add3A_209 : i32
    %dma_wait3A_211 = arith.constant 2 : i32
    %dma_wait3A_212 = arith.constant 0 : i32
    %dma_wait3A_213 = arith.constant 0 : i32
    %dma_wait3A_214 = tpu.memref_slice %arg10[%dma_wait3A_211, %dma_wait3A_213] : memref<4x400xf32, #tpu.memory_space<vmem>> -> memref<1x400xf32, #tpu.memory_space<vmem>>
    %dma_wait3A_215 = tpu.memref_squeeze %dma_wait3A_214 : memref<1x400xf32, #tpu.memory_space<vmem>> -> memref<400xf32, #tpu.memory_space<vmem>>
    %dma_wait3A_216 = arith.constant 0 : i32
    %dma_wait3A_217 = tpu.memref_slice %arg5[%dma_wait3A_212, %add3A_210, %dma_wait3A_216] : memref<1x128x10000xf32, #tpu.memory_space<hbm>> -> memref<1x1x400xf32, #tpu.memory_space<hbm>>
    %dma_wait3A_218 = tpu.memref_squeeze %dma_wait3A_217 : memref<1x1x400xf32, #tpu.memory_space<hbm>> -> memref<400xf32, #tpu.memory_space<hbm>>
    %dma_wait3A_219 = arith.constant 0 : i32
    %dma_wait3A_220 = tpu.memref_slice %arg5[%dma_wait3A_212, %add3A_210, %dma_wait3A_219] : memref<1x128x10000xf32, #tpu.memory_space<hbm>> -> memref<1x1x400xf32, #tpu.memory_space<hbm>>
    %dma_wait3A_221 = tpu.memref_squeeze %dma_wait3A_220 : memref<1x1x400xf32, #tpu.memory_space<hbm>> -> memref<400xf32, #tpu.memory_space<hbm>>
    %dma_wait3A_222 = arith.constant 0 : i32
    %dma_wait3A_223 = tpu.memref_slice %arg10[%dma_wait3A_211, %dma_wait3A_222] : memref<4x400xf32, #tpu.memory_space<vmem>> -> memref<1x400xf32, #tpu.memory_space<vmem>>
    %dma_wait3A_224 = tpu.memref_squeeze %dma_wait3A_223 : memref<1x400xf32, #tpu.memory_space<vmem>> -> memref<400xf32, #tpu.memory_space<vmem>>
    tpu.wait_dma2 semaphore(%arg15 : memref<!tpu.dma_semaphore, #tpu.memory_space<semaphore_mem>>) src(%dma_wait3A_224 : memref<400xf32, #tpu.memory_space<vmem>>) dst(%dma_wait3A_221 : memref<400xf32, #tpu.memory_space<hbm>>)
    %add3A_225 = arith.constant 3 : i32
    %add3A_226 = arith.addi %mul3A_2, %add3A_225 : i32
    %dma_wait3A_227 = arith.constant 3 : i32
    %dma_wait3A_228 = arith.constant 0 : i32
    %dma_wait3A_229 = arith.constant 0 : i32
    %dma_wait3A_230 = tpu.memref_slice %arg10[%dma_wait3A_227, %dma_wait3A_229] : memref<4x400xf32, #tpu.memory_space<vmem>> -> memref<1x400xf32, #tpu.memory_space<vmem>>
    %dma_wait3A_231 = tpu.memref_squeeze %dma_wait3A_230 : memref<1x400xf32, #tpu.memory_space<vmem>> -> memref<400xf32, #tpu.memory_space<vmem>>
    %dma_wait3A_232 = arith.constant 0 : i32
    %dma_wait3A_233 = tpu.memref_slice %arg5[%dma_wait3A_228, %add3A_226, %dma_wait3A_232] : memref<1x128x10000xf32, #tpu.memory_space<hbm>> -> memref<1x1x400xf32, #tpu.memory_space<hbm>>
    %dma_wait3A_234 = tpu.memref_squeeze %dma_wait3A_233 : memref<1x1x400xf32, #tpu.memory_space<hbm>> -> memref<400xf32, #tpu.memory_space<hbm>>
    %dma_wait3A_235 = arith.constant 0 : i32
    %dma_wait3A_236 = tpu.memref_slice %arg5[%dma_wait3A_228, %add3A_226, %dma_wait3A_235] : memref<1x128x10000xf32, #tpu.memory_space<hbm>> -> memref<1x1x400xf32, #tpu.memory_space<hbm>>
    %dma_wait3A_237 = tpu.memref_squeeze %dma_wait3A_236 : memref<1x1x400xf32, #tpu.memory_space<hbm>> -> memref<400xf32, #tpu.memory_space<hbm>>
    %dma_wait3A_238 = arith.constant 0 : i32
    %dma_wait3A_239 = tpu.memref_slice %arg10[%dma_wait3A_227, %dma_wait3A_238] : memref<4x400xf32, #tpu.memory_space<vmem>> -> memref<1x400xf32, #tpu.memory_space<vmem>>
    %dma_wait3A_240 = tpu.memref_squeeze %dma_wait3A_239 : memref<1x400xf32, #tpu.memory_space<vmem>> -> memref<400xf32, #tpu.memory_space<vmem>>
    tpu.wait_dma2 semaphore(%arg15 : memref<!tpu.dma_semaphore, #tpu.memory_space<semaphore_mem>>) src(%dma_wait3A_240 : memref<400xf32, #tpu.memory_space<vmem>>) dst(%dma_wait3A_237 : memref<400xf32, #tpu.memory_space<hbm>>)
    %add3A_241 = arith.constant 0 : i32
    %add3A_242 = arith.addi %mul3A_2, %add3A_241 : i32
    %dma_wait3A_243 = arith.constant 0 : i32
    %dma_wait3A_244 = arith.constant 0 : i32
    %dma_wait3A_245 = arith.constant 0 : i32
    %dma_wait3A_246 = tpu.memref_slice %arg11[%dma_wait3A_243, %dma_wait3A_245] : memref<4x400xf32, #tpu.memory_space<vmem>> -> memref<1x400xf32, #tpu.memory_space<vmem>>
    %dma_wait3A_247 = tpu.memref_squeeze %dma_wait3A_246 : memref<1x400xf32, #tpu.memory_space<vmem>> -> memref<400xf32, #tpu.memory_space<vmem>>
    %dma_wait3A_248 = arith.constant 0 : i32
    %dma_wait3A_249 = tpu.memref_slice %arg5[%dma_wait3A_244, %add3A_242, %dma_wait3A_248] : memref<1x128x10000xf32, #tpu.memory_space<hbm>> -> memref<1x1x400xf32, #tpu.memory_space<hbm>>
    %dma_wait3A_250 = tpu.memref_squeeze %dma_wait3A_249 : memref<1x1x400xf32, #tpu.memory_space<hbm>> -> memref<400xf32, #tpu.memory_space<hbm>>
    %dma_wait3A_251 = arith.constant 0 : i32
    %dma_wait3A_252 = tpu.memref_slice %arg5[%dma_wait3A_244, %add3A_242, %dma_wait3A_251] : memref<1x128x10000xf32, #tpu.memory_space<hbm>> -> memref<1x1x400xf32, #tpu.memory_space<hbm>>
    %dma_wait3A_253 = tpu.memref_squeeze %dma_wait3A_252 : memref<1x1x400xf32, #tpu.memory_space<hbm>> -> memref<400xf32, #tpu.memory_space<hbm>>
    %dma_wait3A_254 = arith.constant 0 : i32
    %dma_wait3A_255 = tpu.memref_slice %arg11[%dma_wait3A_243, %dma_wait3A_254] : memref<4x400xf32, #tpu.memory_space<vmem>> -> memref<1x400xf32, #tpu.memory_space<vmem>>
    %dma_wait3A_256 = tpu.memref_squeeze %dma_wait3A_255 : memref<1x400xf32, #tpu.memory_space<vmem>> -> memref<400xf32, #tpu.memory_space<vmem>>
    tpu.wait_dma2 semaphore(%arg16 : memref<!tpu.dma_semaphore, #tpu.memory_space<semaphore_mem>>) src(%dma_wait3A_256 : memref<400xf32, #tpu.memory_space<vmem>>) dst(%dma_wait3A_253 : memref<400xf32, #tpu.memory_space<hbm>>)
    %add3A_257 = arith.constant 1 : i32
    %add3A_258 = arith.addi %mul3A_2, %add3A_257 : i32
    %dma_wait3A_259 = arith.constant 1 : i32
    %dma_wait3A_260 = arith.constant 0 : i32
    %dma_wait3A_261 = arith.constant 0 : i32
    %dma_wait3A_262 = tpu.memref_slice %arg11[%dma_wait3A_259, %dma_wait3A_261] : memref<4x400xf32, #tpu.memory_space<vmem>> -> memref<1x400xf32, #tpu.memory_space<vmem>>
    %dma_wait3A_263 = tpu.memref_squeeze %dma_wait3A_262 : memref<1x400xf32, #tpu.memory_space<vmem>> -> memref<400xf32, #tpu.memory_space<vmem>>
    %dma_wait3A_264 = arith.constant 0 : i32
    %dma_wait3A_265 = tpu.memref_slice %arg5[%dma_wait3A_260, %add3A_258, %dma_wait3A_264] : memref<1x128x10000xf32, #tpu.memory_space<hbm>> -> memref<1x1x400xf32, #tpu.memory_space<hbm>>
    %dma_wait3A_266 = tpu.memref_squeeze %dma_wait3A_265 : memref<1x1x400xf32, #tpu.memory_space<hbm>> -> memref<400xf32, #tpu.memory_space<hbm>>
    %dma_wait3A_267 = arith.constant 0 : i32
    %dma_wait3A_268 = tpu.memref_slice %arg5[%dma_wait3A_260, %add3A_258, %dma_wait3A_267] : memref<1x128x10000xf32, #tpu.memory_space<hbm>> -> memref<1x1x400xf32, #tpu.memory_space<hbm>>
    %dma_wait3A_269 = tpu.memref_squeeze %dma_wait3A_268 : memref<1x1x400xf32, #tpu.memory_space<hbm>> -> memref<400xf32, #tpu.memory_space<hbm>>
    %dma_wait3A_270 = arith.constant 0 : i32
    %dma_wait3A_271 = tpu.memref_slice %arg11[%dma_wait3A_259, %dma_wait3A_270] : memref<4x400xf32, #tpu.memory_space<vmem>> -> memref<1x400xf32, #tpu.memory_space<vmem>>
    %dma_wait3A_272 = tpu.memref_squeeze %dma_wait3A_271 : memref<1x400xf32, #tpu.memory_space<vmem>> -> memref<400xf32, #tpu.memory_space<vmem>>
    tpu.wait_dma2 semaphore(%arg16 : memref<!tpu.dma_semaphore, #tpu.memory_space<semaphore_mem>>) src(%dma_wait3A_272 : memref<400xf32, #tpu.memory_space<vmem>>) dst(%dma_wait3A_269 : memref<400xf32, #tpu.memory_space<hbm>>)
    %add3A_273 = arith.constant 2 : i32
    %add3A_274 = arith.addi %mul3A_2, %add3A_273 : i32
    %dma_wait3A_275 = arith.constant 2 : i32
    %dma_wait3A_276 = arith.constant 0 : i32
    %dma_wait3A_277 = arith.constant 0 : i32
    %dma_wait3A_278 = tpu.memref_slice %arg11[%dma_wait3A_275, %dma_wait3A_277] : memref<4x400xf32, #tpu.memory_space<vmem>> -> memref<1x400xf32, #tpu.memory_space<vmem>>
    %dma_wait3A_279 = tpu.memref_squeeze %dma_wait3A_278 : memref<1x400xf32, #tpu.memory_space<vmem>> -> memref<400xf32, #tpu.memory_space<vmem>>
    %dma_wait3A_280 = arith.constant 0 : i32
    %dma_wait3A_281 = tpu.memref_slice %arg5[%dma_wait3A_276, %add3A_274, %dma_wait3A_280] : memref<1x128x10000xf32, #tpu.memory_space<hbm>> -> memref<1x1x400xf32, #tpu.memory_space<hbm>>
    %dma_wait3A_282 = tpu.memref_squeeze %dma_wait3A_281 : memref<1x1x400xf32, #tpu.memory_space<hbm>> -> memref<400xf32, #tpu.memory_space<hbm>>
    %dma_wait3A_283 = arith.constant 0 : i32
    %dma_wait3A_284 = tpu.memref_slice %arg5[%dma_wait3A_276, %add3A_274, %dma_wait3A_283] : memref<1x128x10000xf32, #tpu.memory_space<hbm>> -> memref<1x1x400xf32, #tpu.memory_space<hbm>>
    %dma_wait3A_285 = tpu.memref_squeeze %dma_wait3A_284 : memref<1x1x400xf32, #tpu.memory_space<hbm>> -> memref<400xf32, #tpu.memory_space<hbm>>
    %dma_wait3A_286 = arith.constant 0 : i32
    %dma_wait3A_287 = tpu.memref_slice %arg11[%dma_wait3A_275, %dma_wait3A_286] : memref<4x400xf32, #tpu.memory_space<vmem>> -> memref<1x400xf32, #tpu.memory_space<vmem>>
    %dma_wait3A_288 = tpu.memref_squeeze %dma_wait3A_287 : memref<1x400xf32, #tpu.memory_space<vmem>> -> memref<400xf32, #tpu.memory_space<vmem>>
    tpu.wait_dma2 semaphore(%arg16 : memref<!tpu.dma_semaphore, #tpu.memory_space<semaphore_mem>>) src(%dma_wait3A_288 : memref<400xf32, #tpu.memory_space<vmem>>) dst(%dma_wait3A_285 : memref<400xf32, #tpu.memory_space<hbm>>)
    %add3A_289 = arith.constant 3 : i32
    %add3A_290 = arith.addi %mul3A_2, %add3A_289 : i32
    %dma_wait3A_291 = arith.constant 3 : i32
    %dma_wait3A_292 = arith.constant 0 : i32
    %dma_wait3A_293 = arith.constant 0 : i32
    %dma_wait3A_294 = tpu.memref_slice %arg11[%dma_wait3A_291, %dma_wait3A_293] : memref<4x400xf32, #tpu.memory_space<vmem>> -> memref<1x400xf32, #tpu.memory_space<vmem>>
    %dma_wait3A_295 = tpu.memref_squeeze %dma_wait3A_294 : memref<1x400xf32, #tpu.memory_space<vmem>> -> memref<400xf32, #tpu.memory_space<vmem>>
    %dma_wait3A_296 = arith.constant 0 : i32
    %dma_wait3A_297 = tpu.memref_slice %arg5[%dma_wait3A_292, %add3A_290, %dma_wait3A_296] : memref<1x128x10000xf32, #tpu.memory_space<hbm>> -> memref<1x1x400xf32, #tpu.memory_space<hbm>>
    %dma_wait3A_298 = tpu.memref_squeeze %dma_wait3A_297 : memref<1x1x400xf32, #tpu.memory_space<hbm>> -> memref<400xf32, #tpu.memory_space<hbm>>
    %dma_wait3A_299 = arith.constant 0 : i32
    %dma_wait3A_300 = tpu.memref_slice %arg5[%dma_wait3A_292, %add3A_290, %dma_wait3A_299] : memref<1x128x10000xf32, #tpu.memory_space<hbm>> -> memref<1x1x400xf32, #tpu.memory_space<hbm>>
    %dma_wait3A_301 = tpu.memref_squeeze %dma_wait3A_300 : memref<1x1x400xf32, #tpu.memory_space<hbm>> -> memref<400xf32, #tpu.memory_space<hbm>>
    %dma_wait3A_302 = arith.constant 0 : i32
    %dma_wait3A_303 = tpu.memref_slice %arg11[%dma_wait3A_291, %dma_wait3A_302] : memref<4x400xf32, #tpu.memory_space<vmem>> -> memref<1x400xf32, #tpu.memory_space<vmem>>
    %dma_wait3A_304 = tpu.memref_squeeze %dma_wait3A_303 : memref<1x400xf32, #tpu.memory_space<vmem>> -> memref<400xf32, #tpu.memory_space<vmem>>
    tpu.wait_dma2 semaphore(%arg16 : memref<!tpu.dma_semaphore, #tpu.memory_space<semaphore_mem>>) src(%dma_wait3A_304 : memref<400xf32, #tpu.memory_space<vmem>>) dst(%dma_wait3A_301 : memref<400xf32, #tpu.memory_space<hbm>>)
    return
  }
}

</mosaic_0001>

<sc_bundles>
// kernel: _run.3.cloned.1.call-start
scs
__scs_entry_jumppad:
0x0: {  	(pc) =	sbr.rel $0x88, $3  }
0x1: {  	(tag) =	ssettag $0x0;
	lr =	simm.s32 $0x1  }
0x2: {  	[smem:$0x3F9E] =	sst lr;
	_ =	strace $0xD0000000  }
0x3: {  	_ = 	snop  }
0x4: {  	_ = 	snop  }
0x5: {  	_ = 	snop  }
0x6: {  	_ = 	snop  }
0x7: {  	_ = 	snop  }
__scs_overlays_trampoline_lowered:
0x8: {  	[smem:$0x3FAD] =	sst s0  }
0x9: {  	[smem:$0x3FAE] =	sst s1  }
0xa: {  	[smem:$0x3FAF] =	sst s2  }
0xb: {  	[smem:$0x3FB0] =	sst s3  }
0xc: {  	[smem:$0x3FB1] =	sst s4  }
0xd: {  	[smem:$0x3FB2] =	sst s5  }
0xe: {  	[smem:$0x3FB3] =	sst s6  }
0xf: {  	[smem:$0x3FB4] =	sst s7  }
0x10: {  	[smem:$0x3FB5] =	sst s8  }
0x11: {  	[smem:$0x3FB6] =	sst s9;
	s0 =	simm.s32 @!p0 $0x0  }
0x12: {  	s1 =	sld [smem:$0x3F9C];
	s0 =	simm.s32 @p0 $0x1  }
0x13: {  	[smem:$0x3FB7] =	sst s0;
	s0 =	simm.s32 @!p1 $0x0  }
0x14: {  	s2 =	sld [smem:$0x3F9B];
	s0 =	simm.s32 @p1 $0x1  }
0x15: {  	[smem:$0x3FB8] =	sst s0;
	s0 =	simm.s32 @!p2 $0x0  }
0x16: {  	s3 =	sld [smem:$0x3FDB];
	s0 =	simm.s32 @p2 $0x1  }
0x17: {  	s4 =	simm.s32 $0x1BF5;
	[smem:$0x3FBA] =	sst s0  }
0x18: {  	s0 =	sld [smem:$0x3F9D];
	_ =	swait.ge [sflag:s4], $0x0  }
0x19: {  	s7 =	sld [smem:$0x3F9E]  }
0x1a: {  	s8 =	sadd.s32 $0xFFFFE003, lr  }
0x1b: {  	s9 =	sadd.s32 $0xFFFFFEF7, lr;
	s5 =	simm.s32 $0xFFFFFFFF;
	p2 =	slt.u32 s8, $0xFFFFF086  }
0x1c: {  	p1 =	slt.u32 s9, $0xF7A;
	s5 =	simm.s32 @!p2 $0x0  }
0x1d: {  	s5 =	simm.s32 @p1 $0x1;
	p0 =	seq.s32 s7, s2  }
0x1e: {  	s7 =	smul.u32 @!p0 $0xF7A, s2;
	p2 =	seq.s32 @!p0 s5, $0x0  }
0x1f: {  	s9 =	smul.u32 $0xF7A, s1;
	s8 =	simm.s32 @!p0 $0x1BF5;
	p2 =	por !p2, p0  }
0x20: {  	[sflag:s8] =	ssyncset.s32 @!p0 $0xFFFFF086;
	s6 =	sadd.s32 @!p0 s3, s7;
	s7 =	simm.s32 @!p0 $0x108  }
0x21: {  	s3 =	sadd.s32 s3, s9;
	s6 =	sadd.s32 @!p0 $0x88, s6;
	s7 =	simm.s32 @p2 $0x1082  }
0x22: {  	[simem:s7], [sflag:s8] =	dma.local @!p0 [hbm:s6], $0xF7A  }
0x23: {  	s9 =	sor.u32 $0xD0000000, s2;
	s6 =	simm.s32 $0x108;
	_ =	swait.ge @!p0 [sflag:s8], $0x0  }
0x24: {  	s3 =	sadd.s32 $0x88, s3;
	s6 =	simm.s32 @!p1 $0x1082;
	[sflag:s4] =	ssyncset.s32 $0xFFFFF086  }
0x25: {  	[simem:s6], [sflag:s4] =	dma.local [hbm:s3], $0xF7A  }
0x26: {  	[smem:$0x3F9E] =	sst s1;
	(tag) =	ssettag s2;
	_ =	strace s9  }
0x27: {  	s1 =	sld [smem:$0x3FAE]  }
0x28: {  	s2 =	sld [smem:$0x3FAF]  }
0x29: {  	s4 =	sld [smem:$0x3FB1]  }
0x2a: {  	p0 =	seq.s32 s5, $0x0;
	s5 =	sld [smem:$0x3FB2]  }
0x2b: {  	s6 =	sld [smem:$0x3FB3]  }
0x2c: {  	s7 =	sld [smem:$0x3FB4]  }
0x2d: {  	s3 =	simm.s32 $0x108;
	s8 =	sld [smem:$0x3FB5]  }
0x2e: {  	s3 =	simm.s32 @!p0 $0x1082;
	s9 =	sld [smem:$0x3FB6]  }
0x2f: {  	lr =	sadd.s32 s0, s3;
	s0 =	sld [smem:$0x3FAD]  }
0x30: {  	s3 =	sld [smem:$0x3FB0]  }
0x31: {  	[smem:$0x3FB9] =	sst s10  }
0x32: {  	s10 =	sld [smem:$0x3FB7];
	_ =	sdelay $0x3  }
0x33: {  	p0 =	seq.s32 s10, $0x1;
	s10 =	sld [smem:$0x3FB9];
	_ =	sdelay $0x3  }
0x34: {  	[smem:$0x3FB9] =	sst s10  }
0x35: {  	s10 =	sld [smem:$0x3FB8];
	_ =	sdelay $0x3  }
0x36: {  	p1 =	seq.s32 s10, $0x1;
	s10 =	sld [smem:$0x3FB9];
	_ =	sdelay $0x3  }
0x37: {  	[smem:$0x3FB9] =	sst s10  }
0x38: {  	s10 =	sld [smem:$0x3FBA]  }
0x39: {  	_ = 	snop;
	(pc) =	sbr.ind lr, $3  }
0x3a: {  	_ = 	snop  }
0x3b: {  	_ = 	snop  }
0x3c: {  	p2 =	seq.s32 s10, $0x1;
	s10 =	sld [smem:$0x3FB9]  }
0x3d: {  	_ =	shalt  }
0x3e: {  	_ =	shalt  }
0x3f: {  	_ =	shalt  }
0x40: {  	_ =	shalt  }
0x41: {  	_ =	shalt  }
0x42: {  	_ =	shalt  }
0x43: {  	_ =	shalt  }
0x44: {  	_ =	shalt  }
0x45: {  	_ =	shalt  }
0x46: {  	_ =	shalt  }
0x47: {  	_ =	shalt  }
0x48: {  	_ =	shalt  }
0x49: {  	_ =	shalt  }
0x4a: {  	_ =	shalt  }
0x4b: {  	_ =	shalt  }
0x4c: {  	_ =	shalt  }
0x4d: {  	_ =	shalt  }
0x4e: {  	_ =	shalt  }
0x4f: {  	_ =	shalt  }
0x50: {  	_ =	shalt  }
0x51: {  	_ =	shalt  }
0x52: {  	_ =	shalt  }
0x53: {  	_ =	shalt  }
0x54: {  	_ =	shalt  }
0x55: {  	_ =	shalt  }
0x56: {  	_ =	shalt  }
0x57: {  	_ =	shalt  }
0x58: {  	_ =	shalt  }
0x59: {  	_ =	shalt  }
0x5a: {  	_ =	shalt  }
0x5b: {  	_ =	shalt  }
0x5c: {  	_ =	shalt  }
0x5d: {  	_ =	shalt  }
0x5e: {  	_ =	shalt  }
0x5f: {  	_ =	shalt  }
0x60: {  	_ =	shalt  }
0x61: {  	_ =	shalt  }
0x62: {  	_ =	shalt  }
0x63: {  	_ =	shalt  }
0x64: {  	_ =	shalt  }
0x65: {  	_ =	shalt  }
0x66: {  	_ =	shalt  }
0x67: {  	_ =	shalt  }
0x68: {  	_ =	shalt  }
0x69: {  	_ =	shalt  }
0x6a: {  	_ =	shalt  }
0x6b: {  	_ =	shalt  }
0x6c: {  	_ =	shalt  }
0x6d: {  	_ =	shalt  }
0x6e: {  	_ =	shalt  }
0x6f: {  	_ =	shalt  }
0x70: {  	_ =	shalt  }
0x71: {  	_ =	shalt  }
0x72: {  	_ =	shalt  }
0x73: {  	_ =	shalt  }
0x74: {  	_ =	shalt  }
0x75: {  	_ =	shalt  }
0x76: {  	_ =	shalt  }
0x77: {  	_ =	shalt  }
0x78: {  	_ =	shalt  }
0x79: {  	_ =	shalt  }
0x7a: {  	_ =	shalt  }
0x7b: {  	_ =	shalt  }
0x7c: {  	_ =	shalt  }
0x7d: {  	_ =	shalt  }
0x7e: {  	_ =	shalt  }
0x7f: {  	_ =	shalt  }
0x80: {  	_ =	shalt  }
0x81: {  	_ =	shalt  }
0x82: {  	_ =	shalt  }
0x83: {  	_ =	shalt  }
0x84: {  	_ =	shalt  }
0x85: {  	_ =	shalt  }
0x86: {  	_ =	shalt  }
0x87: {  	_ =	shalt  }
.Lfunc_end0:
.L_simem_size_0:
called_computation_lowered:
.L_overlay_start_0:
0x88: {  	s2 =	sld [smem:$0x3FD9]  }
0x89: {  	s3 =	sld [smem:$0x3FFE];
	_ =	sdelay $0x1  }
0x8a: {  	s1 =	srdreg.scid  }
0x8b: {  	s0 =	sand.u32 $0x1, s1  }
0x8c: {  	s17 =	sshll.u32 s0, $0xA;
	s2 =	sadd.s32 s3, s2  }
0x8d: {  	s2 =	sadd.s32 s2, s17  }
0x8e: {  	[smem:$0x3FC5] =	sst s2  }
0x8f: {  	_ = 	snop  }
0x90: {  	s2 =	sld [smem:$0x3FD0];
	(tm) =	ssettm $0x1  }
0x91: {  	s18 =	sld [smem:$0x3FFB];
	_ =	sdelay $0x3  }
0x92: {  	_ =	strace s18  }
0x93: {  	s3 =	sld [smem:$0x3FFC];
	_ =	sdelay $0x3  }
0x94: {  	_ =	strace s3  }
0x95: {  	s3 =	sld [smem:$0x3FFD];
	_ =	sdelay $0x3  }
0x96: {  	_ =	strace s3  }
0x97: {  	_ =	strace $0x8FFFFFFF  }
0x98: {  	s19 =	sld [smem:$0x3FDB];
	_ =	sdelay $0x1  }
0x99: {  	s4 =	simm.s32 $_scs_section_size  }
0x9a: {  	s5 =	simm.s32 $_size__tile_overlayer_lowered;
	s6 =	simm.s32 $_tile_overlayer_lowered  }
0x9b: {  	s22 =	simm.s32 $0x1BFF;
	s21 =	sshll.u32 s6, $0x1;
	s3 =	sadd.s32 s4, s19  }
0x9c: {  	s7 =	simm.s32 $0x0;
	s20 =	sshll.u32 s5, $0x1;
	s5 =	sadd.s32 s21, s3  }
0x9d: {  	[timem:s7], [sflag:s22] =	dma.local [hbm:s5], s20  }
0x9e: {  	_ =	swait.ge [sflag:s22], s20  }
0x9f: {  	s4 =	ssub.s32 $0x0, s20;
	[sflag:s22] =	ssyncset.done $0x0  }
0xa0: {  	[sflag:s22] =	ssyncadd.s32 s4;
	_ =	sdelay $0x1  }
0xa1: {  	s23 =	simm.s32 $0x1B8B  }
0xa2: {  	_ =	swait.ge [sflag:s23], $0x1  }
0xa3: {  	[sflag:s23] =	ssyncset.done $0x0  }
0xa4: {  	s25 =	simm.s32 $0x1B8E;
	s24 =	sld [smem:$0x3FFE];
	[sflag:s23] =	ssyncadd.s32 $0xFFFFFFFF  }
0xa5: {  	s26 =	simm.s32 $execute0_lowered;
	[smem:$0x3FD2] =	sst s25  }
0xa6: {  	s5 =	sshll.u32 s26, $0x1;
	_ =	strace $0x80000046;
	[dreg:$0x1] =	wrdreg $0xFFFFFFFF  }
0xa7: {  	s28 =	simm.s32 $_size_execute0_lowered;
	s3 =	sadd.s32 s3, s5;
	[dreg:$0x0] =	wrdreg $0x0  }
0xa8: {  	s5 =	sshll.u32 s28, $0x1;
	[dreg:$0x2] =	wrdreg s3  }
0xa9: {  	[dreg:$0x3] =	wrdreg s5  }
0xaa: {  	[dreg:$0x4] =	wrdreg $0xC0  }
0xab: {  	_ =	task [dreg:s7], $0x5FFFF  }
0xac: {  	[dreg:$0x1] =	wrdreg $0xFFFFFFFF  }
0xad: {  	[dreg:$0x0] =	wrdreg $0x60  }
0xae: {  	[dreg:$0x2] =	wrdreg s2  }
0xaf: {  	[dreg:$0x3] =	wrdreg s24  }
0xb0: {  	[dreg:$0x4] =	wrdreg $0x9  }
0xb1: {  	_ =	task.clear_ibuf [dreg:s7], $0x5FFFF;
	_ =	strace $0x90000046  }
0xb2: {  	s29 =	simm.s32 $0x9;
	_ =	strace $0x80000048  }
0xb3: {  	_ =	swait.ge [sflag:s29], $0x1  }
0xb4: {  	[sflag:s29] =	ssyncadd.s32 $0xFFFFFFFF  }
0xb5: {  	_ =	strace $0x90000048  }
0xb6: {  	_ =	sfence  }
0xb7: {  	s30 =	sld [smem:$0x0];
	_ =	sdelay $0x2  }
0xb8: {  	s31 =	sshll.u32 s1, $0xD;
	s1 =	sshrl.u32 s1, $0x2  }
0xb9: {  	s3 =	sand.u32 $0x4000, s31;
	s1 =	sadd.s32 s1, s30  }
0xba: {  	s0 =	sor.u32 s3, s0;
	s1 =	sshll.u32 s1, $0x11  }
0xbb: {  	s0 =	sor.u32 s1, s0  }
0xbc: {  	s0 =	sadd.s32 $0x8F2B, s0  }
0xbd: {  	[sflag:s0] =	ssyncadd.remote.s32 $0x1  }
0xbe: {  	_ =	sfence.sel $0xFFFF  }
0xbf: {  	[dreg:$0x0] =	wrdreg $0xFFFFFFFF;
	(pc) =	sbr.abs _section_cstart, $3  }
0xc0: {  	[dreg:$0x1] =	wrdreg $0xFFFFFFFF  }
0xc1: {  	_ =	task.clear_ibuf [dreg:s7], $0x2FFFF;
	_ =	strace $0x9FFFFFFF  }
0xc2: {  	(tm) =	ssettm $0x7FFFFFFF  }
0xc3: {  	_ =	shalt  }
tec
execute0_lowered:
.L_overlay_start_1:
0x0: {  	(tag) =	ssettag $0x1  }
0x1: {  	s0 =	rddreg [dreg:$0x0]  }
0x2: {  	s1 =	rddreg [dreg:$0x1]  }
0x3: {  	s2 =	srdreg.scid;
	s3 =	stileid.u32;
	s17 =	simm.s32 $0xEA60  }
0x4: {  	s21 =	simm.s32 $0x1;
	s28 =	simm.s32 $0x2;
	s29 =	simm.s32 $0x125C0  }
0x5: {  	s30 =	simm.s32 $0x12750;
	s31 =	simm.s32 $0x128E0;
	s18 =	simm.s32 $0x4  }
0x6: {  	s5 =	sand.u32 $0x1, s2;
	s2 =	simm.s32 $0x0;
	s3 =	sshll.u32 s3, $0x3  }
0x7: {  	s6 =	sadd.s32 $0x5C00, s1;
	s4 =	sshll.u32 s5, $0x2;
	[smem:$0x7FF] =	sst s2  }
0x8: {  	s5 =	ssub.s32 $0x2, s5;
	s3 =	sor.u32 s4, s3;
	_ =	strace $0x80000047  }
0x9: {  	s4 =	sadd.s32 $0x800, s1;
	[dreg:$0x3] =	wrdreg s6;
	s6 =	sadd.s32 $0x5E00, s1  }
0xa: {  	s7 =	sshrl.u32 s5, $0x1;
	s1 =	sadd.s32 $0xB52, s1;
	s3 =	smul.u32 $0x2710, s3  }
0xb: {  	s20 =	simm.s32 $0x0;
	s5 =	ssub.s32 s5, s7;
	[dreg:$0x4] =	wrdreg s1  }
0xc: {  	s1 =	simm.s32 $0x3;
	s26 =	smax.u32 s5, $0x1;
	s8 =	sshrl.u32 s3, $0x3  }
0xd: {  	[dreg:$0xa] =	wrdreg s26;
	s0 =	sadd.s32 s0, s8;
	s22 =	sadd.s32 s6, s8  }
0xe: {  	s9 =	sadd.s32 $0x2710, s3;
	[dreg:$0x5] =	wrdreg s0;
	s23 =	sadd.s32 $0x4B0, s22  }
0xf: {  	s10 =	sadd.s32 $0x4E20, s3;
	s24 =	sadd.s32 $0x992, s22;
	[dreg:$0x6] =	wrdreg s23  }
0x10: {  	s11 =	sadd.s32 $0x7530, s3;
	s25 =	sadd.s32 $0xE74, s22;
	[dreg:$0x7] =	wrdreg s24  }
0x11: {  	s26 =	simm.s32 $0x12430;
	s0 =	sadd.s32 $0x1356, s22;
	[dreg:$0x8] =	wrdreg s25  }
0x12: {  	s22 =	simm.s32 $0x9C40;
	[dreg:$0x9] =	wrdreg s0;
	s23 =	simm.s32 $0x11F80  }
0x13: {  	s24 =	simm.s32 $0x12110;
	s25 =	simm.s32 $0x122A0;
	s0 =	simm.s32 $0x12A70  }
.LBB2_1:
0x14: {  	[tilespmem:s17], [sflag:$0x1] =	stream.linear.gather [hbm4b:s4+s2], $0x1A90, $0x38;
	[tilespmem:$0x12C20] =	vst v63  }
0x15: {  	s5 =	rddreg [dreg:$0x4];
	s7 =	simm.s32 $0x104F0  }
0x16: {  	[tilespmem:s7], [sflag:$0x2] =	stream.linear.gather [hbm4b:s5+s2], $0x1A90, $0x38;
	[tilespmem:$0x12C20] =	vst v63  }
0x17: {  	s15 =	rddreg [dreg:$0x5];
	s16 =	simm.s32 $0x5  }
0x18: {  	[tilespmem:s2], [sflag:$0x5] =	stream.linear.gather [hbm4b:s15+s2], $0x9C40, $0x38;
	[tilespmem:$0x12C20] =	vst v63  }
0x19: {  	_ =	swait.ge [sflag:s16], $0x9C40  }
0x1a: {  	[sflag:s16] =	ssyncset.done $0x0  }
0x1b: {  	s8 =	simm.s32 $0x12C00;
	s19 =	rddreg [dreg:$0x3];
	[sflag:s16] =	ssyncadd.s32 $0xFFFF63C0  }
0x1c: {  	[tilespmem:s8], [sflag:$0x5] =	stream.linear.gather [hbm4b:s19+s2], $0x20, $0x38;
	[tilespmem:$0x12C20] =	vst v63  }
0x1d: {  	_ =	swait.ge [sflag:s16], $0x20  }
0x1e: {  	[sflag:s16] =	ssyncset.done $0x0  }
0x1f: {  	[sflag:s16] =	ssyncadd.s32 $0xFFFFFFE0  }
0x20: {  	v2 =	vld [tilespmem:s2+$0x0]  }
0x21: {  	v3 =	vld [tilespmem:s2+$0x2710];
	_ =	sdelay $0x2  }
0x22: {  	s5 =	simm.s32 $0x10;
	v0 =	vld [tilespmem:$0x12C00]  }
0x23: {  	v5 =	vld [tilespmem:s5+$0x0]  }
0x24: {  	v6 =	vld [tilespmem:s5+$0x2710];
	v2 =	vpack.i.f32.bf16 v3, v2  }
0x25: {  	v1 =	vld [tilespmem:$0x12C10];
	[tilespmem:s22+$0x0] =	vst v2  }
0x26: {  	v2 =	vld [tilespmem:s2+$0x7530]  }
0x27: {  	v3 =	vld [tilespmem:s2+$0x4E20]  }
0x28: {  	s8 =	simm.s32 $0x20  }
0x29: {  	s7 =	simm.s32 $0x9C50;
	v4 =	vld [tilespmem:s8+$0x0];
	v6 =	vpack.i.f32.bf16 v6, v5  }
0x2a: {  	s13 =	simm.s32 $0x20;
	s12 =	simm.s32 $0x9C40;
	v5 =	vld [tilespmem:s8+$0x2710];
	[tilespmem:s7+$0x0] =	vst v6  }
.LBB2_2:
0x2b: {  	s13 =	sadd.s32 $0x10, s13  }
0x2c: {  	v6 =	vpack.i.f32.bf16 v2, v3;
	v2 =	vld [tilespmem:s5+$0x7530];
	p0 =	slt.u32 s13, $0x2700  }
.Ltmp0:
0x2d: {  	v3 =	vld [tilespmem:s5+$0x4E20];
	[tilespmem:s12+$0x2710] =	vst v6;
	s5 =	smov.u32 s8;
	(pc) =	sbr.rel @p0 .LBB2_2-.Ltmp0, $4  }
0x2e: {  	s12 =	smov.u32 s7  }
0x2f: {  	s8 =	sadd.s32 $0x10, s8  }
0x30: {  	s7 =	sadd.s32 $0x10, s7;
	v6 =	vpack.i.f32.bf16 v5, v4;
	v4 =	vld [tilespmem:s8+$0x0]  }
0x31: {  	v5 =	vld [tilespmem:s8+$0x2710];
	[tilespmem:s7+$0x0] =	vst v6  }
0x32: {  	_ =	sdelay $0x3  }
0x33: {  	v6 =	vld [tilespmem:s5+$0x7530];
	s13 =	sadd.s32 $0x10, s7;
	v4 =	vpack.i.f32.bf16 v5, v4  }
0x34: {  	v63 =	vld [tilespmem:s5+$0x4E20];
	[tilespmem:s13+$0x0] =	vst v4  }
0x35: {  	v4 =	vld [tilespmem:s8+$0x7530]  }
0x36: {  	v7 =	vld [tilespmem:s8+$0x4E20];
	_ =	sdelay $0x2  }
0x37: {  	v2 =	vpack.i.f32.bf16 v2, v3  }
0x38: {  	[tilespmem:s12+$0x2710] =	vst v2;
	v2 =	vpack.i.f32.bf16 v6, v63  }
0x39: {  	[tilespmem:s7+$0x2710] =	vst v2;
	v2 =	vpack.i.f32.bf16 v4, v7  }
0x3a: {  	s5 =	simm.s32 $0xC4E0;
	s7 =	simm.s32 $0x0;
	s8 =	simm.s32 $0x9C40;
	[tilespmem:s13+$0x2710] =	vst v2  }
.LBB2_4:
0x3b: {  	_ =	swait.ge [sflag:s21], $0x1A90  }
0x3c: {  	p0 =	seq.s32 s7, $0x0;
	[sflag:s21] =	ssyncset.done $0x0  }
0x3d: {  	s12 =	simm.s32 @!p0 $0x3;
	[sflag:s21] =	ssyncadd.s32 $0xFFFFE570  }
0x3e: {  	_ =	swait.ge @!p0 [sflag:s12], $0x190  }
0x3f: {  	[sflag:s12] =	ssyncset.done @!p0 $0x0  }
0x40: {  	[sflag:s12] =	ssyncadd.s32 @!p0 $0xFFFFFE70  }
0x41: {  	_ =	swait.ge @!p0 [sflag:s12], $0x190  }
0x42: {  	[sflag:s12] =	ssyncset.done @!p0 $0x0  }
0x43: {  	[sflag:s12] =	ssyncadd.s32 @!p0 $0xFFFFFE70  }
0x44: {  	_ =	swait.ge @!p0 [sflag:s12], $0x190  }
0x45: {  	[sflag:s12] =	ssyncset.done @!p0 $0x0  }
0x46: {  	[sflag:s12] =	ssyncadd.s32 @!p0 $0xFFFFFE70  }
0x47: {  	_ =	swait.ge @!p0 [sflag:s12], $0x190  }
0x48: {  	[sflag:s12] =	ssyncset.done @!p0 $0x0  }
0x49: {  	s19 =	simm.s32 $0xF6E0;
	[sflag:s12] =	ssyncadd.s32 @!p0 $0xFFFFFE70  }
0x4a: {  	v2 =	vld [tilespmem:s19+$0xC80]  }
0x4b: {  	v3 =	vld [tilespmem:s19+$0xAF0]  }
0x4c: {  	v4 =	vld [tilespmem:s19+$0x960]  }
0x4d: {  	v5 =	vld [tilespmem:s19+$0x7D0]  }
0x4e: {  	v6 =	vld [tilespmem:s19+$0x640]  }
0x4f: {  	v7 =	vld [tilespmem:s19+$0x4B0]  }
0x50: {  	v8 =	vld [tilespmem:s19+$0x320]  }
0x51: {  	v9 =	vld [tilespmem:s19+$0x190]  }
0x52: {  	v10 =	vld [tilespmem:s19+$0x0]  }
0x53: {  	v11 =	vld [tilespmem:s19+$0xFFFFFE70]  }
0x54: {  	v12 =	vld [tilespmem:s19+$0xFFFFFCE0]  }
0x55: {  	v13 =	vld [tilespmem:s19+$0xFFFFFB50]  }
0x56: {  	v14 =	vld [tilespmem:s19+$0xFFFFF9C0];
	v15 =	vshrl.u32 v3, $0x10  }
0x57: {  	v16 =	vld [tilespmem:s19+$0xFFFFF830];
	v17 =	vshrl.u32 v4, $0x10  }
0x58: {  	v18 =	vld [tilespmem:s19+$0xFFFFF6A0];
	v35 =	vshrl.u32 v8, $0x10  }
0x59: {  	v20 =	vld [tilespmem:s19+$0xFFFFF380];
	v36 =	vshrl.u32 v9, $0x10  }
0x5a: {  	v22 =	vld [tilespmem:s19+$0xFFFFF510];
	v38 =	vshrl.u32 v10, $0x10  }
0x5b: {  	v39 =	vshrl.u32 v11, $0x10;
	v23 =	vld.idx.msk [tilespmem:v15+s22+$0x0], $0xffff  }
0x5c: {  	v40 =	vshrl.u32 v12, $0x10;
	v24 =	vld.idx.msk [tilespmem:v17+s22+$0x0], $0xffff  }
0x5d: {  	v41 =	vshrl.u32 v13, $0x10;
	v29 =	vld.idx.msk [tilespmem:v35+s22+$0x0], $0xffff  }
0x5e: {  	v59 =	vshrl.u32 v14, $0x10;
	v30 =	vld.idx.msk [tilespmem:v36+s22+$0x0], $0xffff  }
0x5f: {  	v58 =	vshrl.u32 v16, $0x10;
	v31 =	vld.idx.msk [tilespmem:v38+s22+$0x0], $0xffff  }
0x60: {  	v44 =	vshrl.u32 v18, $0x10;
	v32 =	vld.idx.msk [tilespmem:v39+s22+$0x0], $0xffff  }
0x61: {  	v45 =	vshrl.u32 v20, $0x10;
	v33 =	vld.idx.msk [tilespmem:v40+s22+$0x0], $0xffff  }
0x62: {  	v46 =	vshrl.u32 v22, $0x10;
	v34 =	vld.idx.msk [tilespmem:v41+s22+$0x0], $0xffff  }
0x63: {  	v20 =	vand.u32 $0xFFFF, v20;
	v37 =	vld.idx.msk [tilespmem:v59+s22+$0x0], $0xffff  }
0x64: {  	v47 =	vand.u32 $0xFFFF, v22;
	v22 =	vld.idx.msk [tilespmem:v58+s22+$0x0], $0xffff  }
0x65: {  	v18 =	vand.u32 $0xFFFF, v18;
	v48 =	vld.idx.msk [tilespmem:v44+s22+$0x0], $0xffff  }
0x66: {  	v16 =	vand.u32 $0xFFFF, v16;
	v49 =	vld.idx.msk [tilespmem:v45+s22+$0x0], $0xffff  }
0x67: {  	v14 =	vand.u32 $0xFFFF, v14;
	v50 =	vld.idx.msk [tilespmem:v46+s22+$0x0], $0xffff  }
0x68: {  	v13 =	vand.u32 $0xFFFF, v13;
	v51 =	vld.idx.msk [tilespmem:v20+s22+$0x0], $0xffff  }
0x69: {  	v12 =	vand.u32 $0xFFFF, v12;
	v52 =	vld.idx.msk [tilespmem:v47+s22+$0x0], $0xffff  }
0x6a: {  	v11 =	vand.u32 $0xFFFF, v11;
	v53 =	vld.idx.msk [tilespmem:v18+s22+$0x0], $0xffff  }
0x6b: {  	v10 =	vand.u32 $0xFFFF, v10;
	v54 =	vld.idx.msk [tilespmem:v16+s22+$0x0], $0xffff  }
0x6c: {  	v9 =	vand.u32 $0xFFFF, v9;
	v55 =	vld.idx.msk [tilespmem:v14+s22+$0x0], $0xffff  }
0x6d: {  	v8 =	vand.u32 $0xFFFF, v8;
	v56 =	vld.idx.msk [tilespmem:v13+s22+$0x0], $0xffff  }
0x6e: {  	v26 =	vshrl.u32 v7, $0x10;
	v7 =	vand.u32 $0xFFFF, v7;
	v57 =	vld.idx.msk [tilespmem:v12+s22+$0x0], $0xffff;
	v51 =	vmax.bf16 v51, v52  }
0x6f: {  	v19 =	vshrl.u32 v5, $0x10;
	v63 =	vld.idx.msk [tilespmem:v11+s22+$0x0], $0xffff;
	v49 =	vmax.bf16 v49, v50;
	v42 =	vmax.bf16 v51, v53  }
0x70: {  	v21 =	vshrl.u32 v6, $0x10;
	v43 =	vld.idx.msk [tilespmem:v10+s22+$0x0], $0xffff;
	v48 =	vmax.bf16 v49, v48;
	v54 =	vmax.bf16 v42, v54  }
0x71: {  	v50 =	vld.idx.msk [tilespmem:v9+s22+$0x0], $0xffff;
	v22 =	vmax.bf16 v48, v22;
	v55 =	vmax.bf16 v54, v55  }
0x72: {  	v6 =	vand.u32 $0xFFFF, v6;
	v49 =	vld.idx.msk [tilespmem:v8+s22+$0x0], $0xffff;
	v22 =	vmax.bf16 v22, v37;
	v56 =	vmax.bf16 v55, v56  }
0x73: {  	v60 =	vld.idx.msk [tilespmem:v7+s22+$0x0], $0xffff;
	v22 =	vmax.bf16 v22, v34;
	v61 =	vmax.bf16 v56, v57  }
0x74: {  	v5 =	vand.u32 $0xFFFF, v5;
	v25 =	vld.idx.msk [tilespmem:v19+s22+$0x0], $0xffff;
	v22 =	vmax.bf16 v22, v33;
	v63 =	vmax.bf16 v61, v63  }
0x75: {  	v4 =	vand.u32 $0xFFFF, v4;
	v27 =	vld.idx.msk [tilespmem:v21+s22+$0x0], $0xffff;
	v22 =	vmax.bf16 v22, v32;
	v43 =	vmax.bf16 v63, v43  }
0x76: {  	v3 =	vand.u32 $0xFFFF, v3;
	v28 =	vld.idx.msk [tilespmem:v26+s22+$0x0], $0xffff;
	v22 =	vmax.bf16 v22, v31;
	v31 =	vmax.bf16 v43, v50  }
0x77: {  	s13 =	simm.s32 $0xF6F0;
	v2 =	vand.u32 $0xFFFF, v2;
	v62 =	vld.idx.msk [tilespmem:v6+s22+$0x0], $0xffff;
	v22 =	vmax.bf16 v22, v30;
	v30 =	vmax.bf16 v31, v49  }
0x78: {  	v22 =	vmax.bf16 v22, v29;
	v29 =	vmax.bf16 v30, v60;
	v30 =	vld [tilespmem:s13+$0xC80]  }
0x79: {  	v42 =	vld.idx.msk [tilespmem:v5+s22+$0x0], $0xffff  }
0x7a: {  	v54 =	vld.idx.msk [tilespmem:v4+s22+$0x0], $0xffff  }
0x7b: {  	v55 =	vld.idx.msk [tilespmem:v3+s22+$0x0], $0xffff  }
0x7c: {  	v56 =	vld.idx.msk [tilespmem:v2+s22+$0x0], $0xffff  }
0x7d: {  	v57 =	vld [tilespmem:s8+$0x0];
	[tilespmem:$0x1FFE0] =	vst v30  }
0x7e: {  	v33 =	vld [tilespmem:s13+$0xAF0];
	_ =	sdelay $0x4  }
0x7f: {  	[tilespmem:$0x1FFD0] =	vst v33  }
0x80: {  	v34 =	vld [tilespmem:s13+$0x960];
	_ =	sdelay $0x4  }
0x81: {  	v22 =	vmax.bf16 v22, v28;
	v28 =	vmax.bf16 v29, v62;
	[tilespmem:$0x1FFC0] =	vst v34  }
0x82: {  	v22 =	vmax.bf16 v22, v27;
	v27 =	vmax.bf16 v28, v42;
	v42 =	vld [tilespmem:s13+$0x7D0];
	_ =	sdelay $0x3  }
0x83: {  	v22 =	vmax.bf16 v22, v25;
	v25 =	vmax.bf16 v27, v54  }
0x84: {  	v22 =	vmax.bf16 v22, v24;
	v24 =	vmax.bf16 v25, v55;
	[tilespmem:$0x1FFB0] =	vst v42  }
0x85: {  	v22 =	vmax.bf16 v22, v23;
	v23 =	vmax.bf16 v24, v56;
	v43 =	vld [tilespmem:s13+$0x640]  }
0x86: {  	v22 =	vmax.bf16 v23, v22  }
0x87: {  	v25 =	vunpack.i.l.bf16.f32 v57;
	v24 =	vunpack.i.u.bf16.f32 v57;
	v23 =	vunpack.i.l.bf16.f32 v22  }
0x88: {  	v60 =	vmul.f32 v25, v0;
	v22 =	vunpack.i.u.bf16.f32 v22;
	v23 =	vmul.f32 v23, v1  }
0x89: {  	v15 =	vadd.s32 $0x2710, v15;
	v61 =	vmul.f32 v24, v0;
	v22 =	vmul.f32 v22, v1  }
0x8a: {  	v37 =	vadd.f32 v60, v23;
	[tilespmem:$0x1FFA0] =	vst v43  }
0x8b: {  	s12 =	simm.s32 $0x122A0;
	v48 =	vadd.f32 v61, v22;
	v27 =	vld [tilespmem:s13+$0x4B0]  }
0x8c: {  	v30 =	vld [tilespmem:s13+$0x320];
	[tilespmem:s12+$0xFFFFFCE0] =	vst v37  }
0x8d: {  	v28 =	vld [tilespmem:s13+$0x190];
	[tilespmem:s12+$0xFFFFFE70] =	vst v48  }
0x8e: {  	v15 =	vld.idx.msk [tilespmem:v15+s22+$0x0], $0xffff  }
0x8f: {  	v17 =	vadd.s32 $0x2710, v17;
	v50 =	vld [tilespmem:s13+$0x0]  }
0x90: {  	v32 =	vld [tilespmem:s13+$0xFFFFFE70]  }
0x91: {  	v29 =	vld [tilespmem:s13+$0xFFFFFCE0]  }
0x92: {  	v24 =	vld [tilespmem:s13+$0xFFFFFB50]  }
0x93: {  	v49 =	vld [tilespmem:s13+$0xFFFFF9C0];
	[tilespmem:$0x1FF90] =	vst v15  }
0x94: {  	v17 =	vld.idx.msk [tilespmem:v17+s22+$0x0], $0xffff  }
0x95: {  	v19 =	vadd.s32 $0x2710, v19  }
0x96: {  	v21 =	vadd.s32 $0x2710, v21  }
0x97: {  	v26 =	vadd.s32 $0x2710, v26  }
0x98: {  	v62 =	vadd.s32 $0x2710, v35  }
0x99: {  	v15 =	vadd.s32 $0x2710, v36;
	[tilespmem:$0x1FF80] =	vst v17  }
0x9a: {  	v54 =	vadd.s32 $0x2710, v45;
	v17 =	vadd.s32 $0x2710, v38;
	v38 =	vld.idx.msk [tilespmem:v19+s22+$0x0], $0xffff  }
0x9b: {  	v55 =	vadd.s32 $0x2710, v46;
	v37 =	vld.idx.msk [tilespmem:v21+s22+$0x0], $0xffff  }
0x9c: {  	v56 =	vadd.s32 $0x2710, v47;
	v21 =	vadd.s32 $0x2710, v40;
	v40 =	vld.idx.msk [tilespmem:v26+s22+$0x0], $0xffff  }
0x9d: {  	v14 =	vadd.s32 $0x2710, v14;
	v48 =	vld.idx.msk [tilespmem:v62+s22+$0x0], $0xffff  }
0x9e: {  	v13 =	vadd.s32 $0x2710, v13;
	v35 =	vld.idx.msk [tilespmem:v15+s22+$0x0], $0xffff  }
0x9f: {  	v12 =	vadd.s32 $0x2710, v12;
	v45 =	vld.idx.msk [tilespmem:v54+s22+$0x0], $0xffff  }
0xa0: {  	v11 =	vadd.s32 $0x2710, v11;
	v47 =	vld.idx.msk [tilespmem:v55+s22+$0x0], $0xffff  }
0xa1: {  	v10 =	vadd.s32 $0x2710, v10;
	v46 =	vld.idx.msk [tilespmem:v56+s22+$0x0], $0xffff  }
0xa2: {  	v9 =	vadd.s32 $0x2710, v9;
	v14 =	vld.idx.msk [tilespmem:v14+s22+$0x0], $0xffff  }
0xa3: {  	v8 =	vadd.s32 $0x2710, v8;
	v52 =	vld.idx.msk [tilespmem:v13+s22+$0x0], $0xffff  }
0xa4: {  	v7 =	vadd.s32 $0x2710, v7;
	v53 =	vld.idx.msk [tilespmem:v12+s22+$0x0], $0xffff  }
0xa5: {  	v6 =	vadd.s32 $0x2710, v6;
	v54 =	vld.idx.msk [tilespmem:v11+s22+$0x0], $0xffff  }
0xa6: {  	v5 =	vadd.s32 $0x2710, v5;
	v55 =	vld.idx.msk [tilespmem:v10+s22+$0x0], $0xffff  }
0xa7: {  	v4 =	vadd.s32 $0x2710, v4;
	v56 =	vld.idx.msk [tilespmem:v9+s22+$0x0], $0xffff  }
0xa8: {  	v3 =	vadd.s32 $0x2710, v3;
	v57 =	vld.idx.msk [tilespmem:v8+s22+$0x0], $0xffff  }
0xa9: {  	v15 =	vadd.s32 $0x2710, v58;
	v58 =	vld.idx.msk [tilespmem:v7+s22+$0x0], $0xffff  }
0xaa: {  	v63 =	vadd.s32 $0x2710, v59;
	v59 =	vld.idx.msk [tilespmem:v6+s22+$0x0], $0xffff  }
0xab: {  	v60 =	vld.idx.msk [tilespmem:v5+s22+$0x0], $0xffff  }
0xac: {  	v61 =	vld.idx.msk [tilespmem:v4+s22+$0x0], $0xffff  }
0xad: {  	v2 =	vadd.s32 $0x2710, v2;
	v62 =	vld.idx.msk [tilespmem:v3+s22+$0x0], $0xffff  }
0xae: {  	v19 =	vadd.s32 $0x2710, v39;
	v3 =	vshrl.u32 v42, $0x10;
	v42 =	vld [tilespmem:s8+$0x2710]  }
0xaf: {  	v4 =	vshrl.u32 v34, $0x10;
	v6 =	vshrl.u32 v27, $0x10;
	v34 =	vmov v27;
	v27 =	vld [tilespmem:$0x1FF80]  }
0xb0: {  	v26 =	vadd.s32 $0x2710, v41;
	v51 =	vld.idx.msk [tilespmem:v17+s22+$0x0], $0xffff  }
0xb1: {  	v17 =	vadd.s32 $0x2710, v44;
	v44 =	vld.idx.msk [tilespmem:v63+s22+$0x0], $0xffff  }
0xb2: {  	v18 =	vadd.s32 $0x2710, v18;
	v63 =	vld.idx.msk [tilespmem:v2+s22+$0x0], $0xffff  }
0xb3: {  	v16 =	vadd.s32 $0x2710, v16;
	v31 =	vld.idx.msk [tilespmem:v19+s22+$0x0], $0xffff  }
0xb4: {  	v25 =	vld.idx.msk [tilespmem:v21+s22+$0x0], $0xffff  }
0xb5: {  	v20 =	vadd.s32 $0x2710, v20;
	v26 =	vld.idx.msk [tilespmem:v26+s22+$0x0], $0xffff  }
0xb6: {  	v23 =	vld.idx.msk [tilespmem:v15+s22+$0x0], $0xffff  }
0xb7: {  	v15 =	vld.idx.msk [tilespmem:v18+s22+$0x0], $0xffff  }
0xb8: {  	v19 =	vld.idx.msk [tilespmem:v16+s22+$0x0], $0xffff  }
0xb9: {  	v22 =	vld.idx.msk [tilespmem:v17+s22+$0x0], $0xffff  }
0xba: {  	v7 =	vshrl.u32 v30, $0x10;
	v17 =	vld.idx.msk [tilespmem:v20+s22+$0x0], $0xffff  }
0xbb: {  	v21 =	vld [tilespmem:s13+$0xFFFFF830]  }
0xbc: {  	v5 =	vshrl.u32 v43, $0x10;
	v16 =	vld [tilespmem:s13+$0xFFFFF380]  }
0xbd: {  	v18 =	vld [tilespmem:s13+$0xFFFFF510]  }
0xbe: {  	v2 =	vshrl.u32 v33, $0x10;
	v39 =	vld.idx.msk [tilespmem:v4+s22+$0x0], $0xffff  }
0xbf: {  	v12 =	vmax.bf16 v17, v46;
	v17 =	vld.idx.msk [tilespmem:v7+s22+$0x0], $0xffff  }
0xc0: {  	v8 =	vshrl.u32 v28, $0x10;
	v41 =	vld.idx.msk [tilespmem:v3+s22+$0x0], $0xffff  }
0xc1: {  	v9 =	vshrl.u32 v50, $0x10;
	v43 =	vld.idx.msk [tilespmem:v5+s22+$0x0], $0xffff  }
0xc2: {  	v11 =	vshrl.u32 v29, $0x10;
	v20 =	vld [tilespmem:s13+$0xFFFFF6A0];
	v15 =	vmax.bf16 v12, v15  }
0xc3: {  	v36 =	vld.idx.msk [tilespmem:v2+s22+$0x0], $0xffff;
	v12 =	vshrl.u32 v24, $0x10;
	v15 =	vmax.bf16 v15, v19  }
0xc4: {  	v10 =	vshrl.u32 v32, $0x10;
	v13 =	vmax.bf16 v45, v47;
	v46 =	vld.idx.msk [tilespmem:v6+s22+$0x0], $0xffff;
	v15 =	vmax.bf16 v15, v14;
	[tilespmem:$0x1FFF0] =	vst v17  }
0xc5: {  	v19 =	vmax.bf16 v15, v52;
	v15 =	vshrl.u32 v16, $0x10;
	v17 =	vmax.bf16 v13, v22;
	v47 =	vld.idx.msk [tilespmem:v8+s22+$0x0], $0xffff  }
0xc6: {  	v13 =	vshrl.u32 v49, $0x10;
	v17 =	vmax.bf16 v17, v23;
	v45 =	vld.idx.msk [tilespmem:v9+s22+$0x0], $0xffff  }
0xc7: {  	v16 =	vand.u32 $0xFFFF, v16;
	v19 =	vmax.bf16 v19, v53;
	v52 =	vld.idx.msk [tilespmem:v11+s22+$0x0], $0xffff;
	v17 =	vmax.bf16 v17, v44  }
0xc8: {  	v14 =	vshrl.u32 v20, $0x10;
	v19 =	vmax.bf16 v19, v54;
	v53 =	vld.idx.msk [tilespmem:v12+s22+$0x0], $0xffff;
	v17 =	vmax.bf16 v17, v26  }
0xc9: {  	v44 =	vld.idx.msk [tilespmem:v10+s22+$0x0], $0xffff;
	v23 =	vmax.bf16 v19, v55;
	v19 =	vshrl.u32 v18, $0x10;
	v22 =	vmax.bf16 v17, v25  }
0xca: {  	v33 =	vmovc v30;
	v30 =	vmov v28;
	v26 =	vshrl.u32 v21, $0x10;
	v28 =	vld.idx.msk [tilespmem:v15+s22+$0x0], $0xffff;
	v22 =	vmax.bf16 v22, v31  }
0xcb: {  	v23 =	vmax.bf16 v23, v56;
	v17 =	vand.u32 $0xFFFF, v18;
	v54 =	vld.idx.msk [tilespmem:v13+s22+$0x0], $0xffff;
	v22 =	vmax.bf16 v22, v51  }
0xcc: {  	v18 =	vand.u32 $0xFFFF, v20;
	v23 =	vmax.bf16 v23, v57;
	v31 =	vld.idx.msk [tilespmem:v16+s22+$0x0], $0xffff;
	v22 =	vmax.bf16 v22, v35  }
0xcd: {  	v20 =	vand.u32 $0xFFFF, v21;
	v23 =	vmax.bf16 v23, v58;
	v51 =	vld.idx.msk [tilespmem:v14+s22+$0x0], $0xffff;
	v22 =	vmax.bf16 v22, v48  }
0xce: {  	v21 =	vand.u32 $0xFFFF, v49;
	v23 =	vmax.bf16 v23, v59;
	v57 =	vld.idx.msk [tilespmem:v19+s22+$0x0], $0xffff;
	v22 =	vmax.bf16 v22, v40  }
0xcf: {  	v23 =	vmax.bf16 v23, v60;
	v59 =	vld.idx.msk [tilespmem:v26+s22+$0x0], $0xffff;
	v25 =	vmax.bf16 v22, v37;
	v22 =	vand.u32 $0xFFFF, v24  }
0xd0: {  	v24 =	vmax.bf16 v25, v38;
	v25 =	vmax.bf16 v23, v61;
	v23 =	vand.u32 $0xFFFF, v29;
	v29 =	vld [tilespmem:$0x1FF90]  }
0xd1: {  	v40 =	vld.idx.msk [tilespmem:v17+s22+$0x0], $0xffff  }
0xd2: {  	v58 =	vld.idx.msk [tilespmem:v18+s22+$0x0], $0xffff;
	v27 =	vmax.bf16 v24, v27;
	v24 =	vand.u32 $0xFFFF, v32  }
0xd3: {  	v37 =	vld.idx.msk [tilespmem:v20+s22+$0x0], $0xffff  }
0xd4: {  	v61 =	vld.idx.msk [tilespmem:v21+s22+$0x0], $0xffff;
	v25 =	vmax.bf16 v25, v62  }
0xd5: {  	v27 =	vmax.bf16 v27, v29;
	v29 =	vmax.bf16 v25, v63;
	v63 =	vld.idx.msk [tilespmem:v22+s22+$0x0], $0xffff  }
0xd6: {  	v25 =	vand.u32 $0xFFFF, v50;
	v38 =	vld.idx.msk [tilespmem:v23+s22+$0x0], $0xffff;
	v60 =	vmax.bf16 v29, v27;
	v27 =	vand.u32 $0xFFFF, v30  }
0xd7: {  	v29 =	vmax.bf16 v31, v40;
	v30 =	vmax.bf16 v28, v57;
	v28 =	vand.u32 $0xFFFF, v33;
	v50 =	vld.idx.msk [tilespmem:v24+s22+$0x0], $0xffff  }
0xd8: {  	v62 =	vunpack.i.u.bf16.f32 v60;
	v31 =	vmax.bf16 v29, v58;
	v57 =	vmax.bf16 v30, v51;
	v30 =	vld [tilespmem:$0x1FFA0]  }
0xd9: {  	v29 =	vand.u32 $0xFFFF, v34;
	v58 =	vunpack.i.u.bf16.f32 v42;
	v49 =	vunpack.i.l.bf16.f32 v60;
	v60 =	vld [tilespmem:$0x1FFD0]  }
0xda: {  	v37 =	vmax.bf16 v31, v37;
	v40 =	vmul.f32 v58, v0;
	v34 =	vmax.bf16 v57, v59;
	v31 =	vld [tilespmem:$0x1FFB0]  }
0xdb: {  	v51 =	vmul.f32 v62, v1;
	v59 =	vld [tilespmem:$0x1FFC0];
	v37 =	vmax.bf16 v37, v61;
	v61 =	vunpack.i.l.bf16.f32 v42  }
0xdc: {  	v49 =	vmul.f32 v49, v1;
	v37 =	vmax.bf16 v37, v63;
	v63 =	vld [tilespmem:$0x1FFE0];
	v33 =	vmul.f32 v61, v0  }
0xdd: {  	v48 =	vld.idx.msk [tilespmem:v25+s22+$0x0], $0xffff;
	v51 =	vadd.f32 v40, v51;
	v30 =	vand.u32 $0xFFFF, v30  }
0xde: {  	v54 =	vmax.bf16 v34, v54;
	v55 =	vld.idx.msk [tilespmem:v27+s22+$0x0], $0xffff;
	v34 =	vand.u32 $0xFFFF, v60;
	v33 =	vadd.f32 v33, v49  }
0xdf: {  	v56 =	vld.idx.msk [tilespmem:v28+s22+$0x0], $0xffff;
	[tilespmem:s12+$0x190] =	vst v51;
	v31 =	vand.u32 $0xFFFF, v31  }
0xe0: {  	v62 =	vld.idx.msk [tilespmem:v29+s22+$0x0], $0xffff;
	v32 =	vand.u32 $0xFFFF, v59;
	[tilespmem:s12+$0x0] =	vst v33  }
0xe1: {  	v35 =	vand.u32 $0xFFFF, v63;
	v33 =	vld [tilespmem:$0x1FFF0]  }
0xe2: {  	v53 =	vmax.bf16 v54, v53;
	v38 =	vmax.bf16 v37, v38;
	v37 =	vld.idx.msk [tilespmem:v30+s22+$0x0], $0xffff  }
0xe3: {  	v52 =	vmax.bf16 v53, v52;
	v50 =	vmax.bf16 v38, v50;
	v42 =	vld.idx.msk [tilespmem:v34+s22+$0x0], $0xffff  }
0xe4: {  	v44 =	vmax.bf16 v52, v44;
	v48 =	vmax.bf16 v50, v48;
	v38 =	vld.idx.msk [tilespmem:v31+s22+$0x0], $0xffff  }
0xe5: {  	v44 =	vmax.bf16 v44, v45;
	v48 =	vmax.bf16 v48, v55;
	v40 =	vld.idx.msk [tilespmem:v32+s22+$0x0], $0xffff  }
0xe6: {  	s14 =	sadd.s32 $0x10, s8;
	v47 =	vmax.bf16 v44, v47;
	v48 =	vmax.bf16 v48, v56;
	v44 =	vld.idx.msk [tilespmem:v35+s22+$0x0], $0xffff  }
0xe7: {  	s15 =	simm.s32 $0x10;
	s16 =	simm.s32 $0xF700;
	s13 =	smul.u32 $0x320, s7;
	v48 =	vmax.bf16 v48, v62;
	v45 =	vmax.bf16 v47, v33;
	v47 =	vld [tilespmem:s14+$0x0]  }
.LBB2_5:
0xe8: {  	v33 =	vld [tilespmem:s16+$0xC80];
	v45 =	vmax.bf16 v45, v46;
	v46 =	vmax.bf16 v48, v37  }
0xe9: {  	v37 =	vld [tilespmem:s16+$0xAF0];
	v43 =	vmax.bf16 v45, v43;
	v45 =	vmax.bf16 v46, v38  }
0xea: {  	v38 =	vld [tilespmem:s16+$0x960];
	v41 =	vmax.bf16 v43, v41;
	v43 =	vmax.bf16 v45, v40  }
0xeb: {  	v40 =	vld [tilespmem:s16+$0x7D0];
	v39 =	vmax.bf16 v41, v39;
	v41 =	vmax.bf16 v43, v42  }
0xec: {  	v42 =	vld [tilespmem:s16+$0x640];
	v36 =	vmax.bf16 v39, v36;
	v39 =	vmax.bf16 v41, v44  }
0xed: {  	v44 =	vld [tilespmem:s16+$0x4B0];
	v36 =	vmax.bf16 v39, v36  }
0xee: {  	v41 =	vunpack.i.u.bf16.f32 v47;
	v43 =	vunpack.i.l.bf16.f32 v47;
	v45 =	vld [tilespmem:s16+$0x320];
	v39 =	vunpack.i.l.bf16.f32 v36  }
0xef: {  	v43 =	vmul.f32 v43, v0;
	v36 =	vunpack.i.u.bf16.f32 v36;
	v47 =	vld [tilespmem:s16+$0x190];
	v39 =	vmul.f32 v39, v1  }
0xf0: {  	v2 =	vadd.s32 $0x2710, v2;
	v41 =	vmul.f32 v41, v0;
	v36 =	vmul.f32 v36, v1;
	v48 =	vld [tilespmem:s16+$0x0]  }
0xf1: {  	v4 =	vadd.s32 $0x2710, v4;
	v49 =	vld [tilespmem:s16+$0xFFFFFE70];
	v39 =	vadd.f32 v43, v39  }
0xf2: {  	v3 =	vadd.s32 $0x2710, v3;
	s12 =	sadd.s32 $0x10, s12;
	v36 =	vadd.f32 v41, v36;
	v50 =	vld [tilespmem:s16+$0xFFFFFCE0]  }
0xf3: {  	v5 =	vadd.s32 $0x2710, v5;
	v51 =	vld [tilespmem:s16+$0xFFFFFB50];
	[tilespmem:s12+$0xFFFFFCE0] =	vst v39  }
0xf4: {  	v6 =	vadd.s32 $0x2710, v6;
	v52 =	vld [tilespmem:s16+$0xFFFFF9C0];
	[tilespmem:s12+$0xFFFFFE70] =	vst v36  }
0xf5: {  	v36 =	vadd.s32 $0x2710, v7;
	v39 =	vld.idx.msk [tilespmem:v2+s22+$0x0], $0xffff  }
0xf6: {  	v2 =	vadd.s32 $0x2710, v8;
	v7 =	vld.idx.msk [tilespmem:v4+s22+$0x0], $0xffff  }
0xf7: {  	v4 =	vadd.s32 $0x2710, v9;
	v8 =	vld.idx.msk [tilespmem:v3+s22+$0x0], $0xffff  }
0xf8: {  	v3 =	vadd.s32 $0x2710, v10;
	v5 =	vld.idx.msk [tilespmem:v5+s22+$0x0], $0xffff  }
0xf9: {  	v9 =	vadd.s32 $0x2710, v11;
	v6 =	vld.idx.msk [tilespmem:v6+s22+$0x0], $0xffff  }
0xfa: {  	v10 =	vadd.s32 $0x2710, v12;
	v11 =	vld.idx.msk [tilespmem:v36+s22+$0x0], $0xffff  }
0xfb: {  	v12 =	vadd.s32 $0x2710, v13;
	v2 =	vld.idx.msk [tilespmem:v2+s22+$0x0], $0xffff  }
0xfc: {  	v13 =	vadd.s32 $0x2710, v26;
	v4 =	vld.idx.msk [tilespmem:v4+s22+$0x0], $0xffff  }
0xfd: {  	v14 =	vadd.s32 $0x2710, v14;
	v3 =	vld.idx.msk [tilespmem:v3+s22+$0x0], $0xffff  }
0xfe: {  	v15 =	vadd.s32 $0x2710, v15;
	v9 =	vld.idx.msk [tilespmem:v9+s22+$0x0], $0xffff  }
0xff: {  	v19 =	vadd.s32 $0x2710, v19;
	v10 =	vld.idx.msk [tilespmem:v10+s22+$0x0], $0xffff  }
0x100: {  	v16 =	vadd.s32 $0x2710, v16;
	v12 =	vld.idx.msk [tilespmem:v12+s22+$0x0], $0xffff  }
0x101: {  	v17 =	vadd.s32 $0x2710, v17;
	v13 =	vld.idx.msk [tilespmem:v13+s22+$0x0], $0xffff  }
0x102: {  	v18 =	vadd.s32 $0x2710, v18;
	v14 =	vld.idx.msk [tilespmem:v14+s22+$0x0], $0xffff  }
0x103: {  	v20 =	vadd.s32 $0x2710, v20;
	v15 =	vld.idx.msk [tilespmem:v15+s22+$0x0], $0xffff  }
0x104: {  	v21 =	vadd.s32 $0x2710, v21;
	v19 =	vld.idx.msk [tilespmem:v19+s22+$0x0], $0xffff  }
0x105: {  	v22 =	vadd.s32 $0x2710, v22;
	v16 =	vld.idx.msk [tilespmem:v16+s22+$0x0], $0xffff  }
0x106: {  	v23 =	vadd.s32 $0x2710, v23;
	v17 =	vld.idx.msk [tilespmem:v17+s22+$0x0], $0xffff  }
0x107: {  	v24 =	vadd.s32 $0x2710, v24;
	v18 =	vld.idx.msk [tilespmem:v18+s22+$0x0], $0xffff  }
0x108: {  	v25 =	vadd.s32 $0x2710, v25;
	v20 =	vld.idx.msk [tilespmem:v20+s22+$0x0], $0xffff  }
0x109: {  	v26 =	vadd.s32 $0x2710, v27;
	v21 =	vld.idx.msk [tilespmem:v21+s22+$0x0], $0xffff  }
0x10a: {  	v27 =	vadd.s32 $0x2710, v28;
	v22 =	vld.idx.msk [tilespmem:v22+s22+$0x0], $0xffff  }
0x10b: {  	v28 =	vadd.s32 $0x2710, v29;
	v23 =	vld.idx.msk [tilespmem:v23+s22+$0x0], $0xffff  }
0x10c: {  	v16 =	vmax.bf16 v16, v17;
	v17 =	vld.idx.msk [tilespmem:v24+s22+$0x0], $0xffff;
	v24 =	vadd.s32 $0x2710, v30  }
0x10d: {  	v15 =	vmax.bf16 v15, v19;
	v19 =	vadd.s32 $0x2710, v31;
	v16 =	vmax.bf16 v16, v18;
	v18 =	vld.idx.msk [tilespmem:v25+s22+$0x0], $0xffff  }
0x10e: {  	v14 =	vmax.bf16 v15, v14;
	v15 =	vmax.bf16 v16, v20;
	v20 =	vadd.s32 $0x2710, v32;
	v16 =	vld.idx.msk [tilespmem:v26+s22+$0x0], $0xffff  }
0x10f: {  	v13 =	vmax.bf16 v14, v13;
	v14 =	vmax.bf16 v15, v21;
	v21 =	vadd.s32 $0x2710, v34;
	v15 =	vld.idx.msk [tilespmem:v27+s22+$0x0], $0xffff  }
0x110: {  	v12 =	vmax.bf16 v13, v12;
	v13 =	vmax.bf16 v14, v22;
	v22 =	vadd.s32 $0x2710, v35;
	v14 =	vld.idx.msk [tilespmem:v28+s22+$0x0], $0xffff  }
0x111: {  	v10 =	vmax.bf16 v12, v10;
	v12 =	vmax.bf16 v13, v23;
	v13 =	vld.idx.msk [tilespmem:v24+s22+$0x0], $0xffff  }
0x112: {  	v9 =	vmax.bf16 v10, v9;
	v10 =	vmax.bf16 v12, v17;
	v12 =	vld.idx.msk [tilespmem:v19+s22+$0x0], $0xffff  }
0x113: {  	v3 =	vmax.bf16 v9, v3;
	v9 =	vmax.bf16 v10, v18;
	v10 =	vld.idx.msk [tilespmem:v20+s22+$0x0], $0xffff  }
0x114: {  	v3 =	vmax.bf16 v3, v4;
	v4 =	vmax.bf16 v9, v16;
	v9 =	vld.idx.msk [tilespmem:v21+s22+$0x0], $0xffff  }
0x115: {  	v3 =	vmax.bf16 v3, v2;
	v4 =	vmax.bf16 v4, v15;
	v15 =	vld.idx.msk [tilespmem:v22+s22+$0x0], $0xffff  }
0x116: {  	v2 =	vshrl.u32 v37, $0x10;
	v3 =	vmax.bf16 v3, v11;
	v11 =	vmax.bf16 v4, v14;
	v20 =	vld [tilespmem:s16+$0xFFFFF830]  }
0x117: {  	v6 =	vmax.bf16 v3, v6;
	v4 =	vshrl.u32 v38, $0x10;
	v11 =	vmax.bf16 v11, v13;
	v18 =	vld [tilespmem:s16+$0xFFFFF6A0]  }
0x118: {  	v3 =	vshrl.u32 v40, $0x10;
	v6 =	vmax.bf16 v6, v5;
	v11 =	vmax.bf16 v11, v12;
	v12 =	vld [tilespmem:s14+$0x2710]  }
0x119: {  	v5 =	vshrl.u32 v42, $0x10;
	v8 =	vmax.bf16 v6, v8;
	v10 =	vmax.bf16 v11, v10;
	v16 =	vld [tilespmem:s16+$0xFFFFF380]  }
0x11a: {  	v6 =	vshrl.u32 v44, $0x10;
	v8 =	vmax.bf16 v8, v7;
	v9 =	vmax.bf16 v10, v9;
	v17 =	vld [tilespmem:s16+$0xFFFFF510]  }
0x11b: {  	v7 =	vshrl.u32 v45, $0x10;
	v10 =	vmax.bf16 v8, v39;
	v9 =	vmax.bf16 v9, v15;
	v36 =	vld.idx.msk [tilespmem:v2+s22+$0x0], $0xffff  }
0x11c: {  	v8 =	vshrl.u32 v47, $0x10;
	v13 =	vmax.bf16 v9, v10;
	v39 =	vld.idx.msk [tilespmem:v4+s22+$0x0], $0xffff  }
0x11d: {  	v9 =	vshrl.u32 v48, $0x10;
	v11 =	vunpack.i.u.bf16.f32 v13;
	v41 =	vld.idx.msk [tilespmem:v3+s22+$0x0], $0xffff;
	v14 =	vunpack.i.u.bf16.f32 v12  }
0x11e: {  	v10 =	vshrl.u32 v49, $0x10;
	v15 =	vmul.f32 v11, v1;
	v43 =	vld.idx.msk [tilespmem:v5+s22+$0x0], $0xffff;
	v14 =	vmul.f32 v14, v0  }
0x11f: {  	v13 =	vunpack.i.l.bf16.f32 v13;
	v11 =	vshrl.u32 v50, $0x10;
	v19 =	vunpack.i.l.bf16.f32 v12;
	v46 =	vld.idx.msk [tilespmem:v6+s22+$0x0], $0xffff  }
0x120: {  	v12 =	vshrl.u32 v51, $0x10;
	v21 =	vmul.f32 v13, v1;
	v53 =	vld.idx.msk [tilespmem:v7+s22+$0x0], $0xffff;
	v14 =	vadd.f32 v14, v15  }
0x121: {  	v13 =	vshrl.u32 v52, $0x10;
	v15 =	vmul.f32 v19, v0;
	v54 =	vld.idx.msk [tilespmem:v8+s22+$0x0], $0xffff  }
0x122: {  	v26 =	vshrl.u32 v20, $0x10;
	v55 =	vld.idx.msk [tilespmem:v9+s22+$0x0], $0xffff;
	[tilespmem:s12+$0x190] =	vst v14  }
0x123: {  	v14 =	vshrl.u32 v18, $0x10;
	v21 =	vadd.f32 v15, v21;
	v56 =	vld.idx.msk [tilespmem:v10+s22+$0x0], $0xffff  }
0x124: {  	v15 =	vshrl.u32 v16, $0x10;
	v57 =	vld.idx.msk [tilespmem:v11+s22+$0x0], $0xffff  }
0x125: {  	v19 =	vshrl.u32 v17, $0x10;
	v58 =	vld.idx.msk [tilespmem:v12+s22+$0x0], $0xffff;
	[tilespmem:s12+$0x0] =	vst v21  }
0x126: {  	v16 =	vand.u32 $0xFFFF, v16;
	v35 =	vld.idx.msk [tilespmem:v13+s22+$0x0], $0xffff  }
0x127: {  	v17 =	vand.u32 $0xFFFF, v17;
	v34 =	vld.idx.msk [tilespmem:v26+s22+$0x0], $0xffff  }
0x128: {  	v18 =	vand.u32 $0xFFFF, v18;
	v32 =	vld.idx.msk [tilespmem:v14+s22+$0x0], $0xffff  }
0x129: {  	v20 =	vand.u32 $0xFFFF, v20;
	v31 =	vld.idx.msk [tilespmem:v15+s22+$0x0], $0xffff  }
0x12a: {  	v21 =	vand.u32 $0xFFFF, v52;
	v59 =	vld.idx.msk [tilespmem:v19+s22+$0x0], $0xffff  }
0x12b: {  	v22 =	vand.u32 $0xFFFF, v51;
	v30 =	vld.idx.msk [tilespmem:v16+s22+$0x0], $0xffff  }
0x12c: {  	v23 =	vand.u32 $0xFFFF, v50;
	v51 =	vld.idx.msk [tilespmem:v17+s22+$0x0], $0xffff  }
0x12d: {  	v24 =	vand.u32 $0xFFFF, v49;
	v50 =	vld.idx.msk [tilespmem:v18+s22+$0x0], $0xffff  }
0x12e: {  	v25 =	vand.u32 $0xFFFF, v48;
	v49 =	vld.idx.msk [tilespmem:v20+s22+$0x0], $0xffff  }
0x12f: {  	v27 =	vand.u32 $0xFFFF, v47;
	v48 =	vld.idx.msk [tilespmem:v21+s22+$0x0], $0xffff  }
0x130: {  	v28 =	vand.u32 $0xFFFF, v45;
	v47 =	vld.idx.msk [tilespmem:v22+s22+$0x0], $0xffff  }
0x131: {  	v29 =	vand.u32 $0xFFFF, v44;
	v45 =	vld.idx.msk [tilespmem:v23+s22+$0x0], $0xffff  }
0x132: {  	v44 =	vmax.bf16 v30, v51;
	v30 =	vand.u32 $0xFFFF, v42;
	v51 =	vld.idx.msk [tilespmem:v24+s22+$0x0], $0xffff  }
0x133: {  	v42 =	vmax.bf16 v31, v59;
	v31 =	vand.u32 $0xFFFF, v40;
	v44 =	vmax.bf16 v44, v50;
	v50 =	vld.idx.msk [tilespmem:v25+s22+$0x0], $0xffff  }
0x134: {  	s15 =	sadd.s32 $0x10, s15;
	v40 =	vmax.bf16 v42, v32;
	v32 =	vand.u32 $0xFFFF, v38;
	v42 =	vmax.bf16 v44, v49;
	v44 =	vld.idx.msk [tilespmem:v27+s22+$0x0], $0xffff  }
0x135: {  	p1 =	slt.u32 s15, $0x180;
	v38 =	vmax.bf16 v40, v34;
	v34 =	vand.u32 $0xFFFF, v37;
	v40 =	vmax.bf16 v42, v48;
	v48 =	vld.idx.msk [tilespmem:v28+s22+$0x0], $0xffff  }
0x136: {  	v37 =	vmax.bf16 v38, v35;
	v35 =	vand.u32 $0xFFFF, v33;
	v38 =	vmax.bf16 v40, v47;
	v47 =	vld.idx.msk [tilespmem:v29+s22+$0x0], $0xffff  }
0x137: {  	v33 =	vmax.bf16 v37, v58;
	v38 =	vmax.bf16 v38, v45;
	v37 =	vld.idx.msk [tilespmem:v30+s22+$0x0], $0xffff  }
.Ltmp1:
0x138: {  	v33 =	vmax.bf16 v33, v57;
	v40 =	vmax.bf16 v38, v51;
	v38 =	vld.idx.msk [tilespmem:v31+s22+$0x0], $0xffff;
	(pc) =	sbr.rel @p1 .LBB2_5-.Ltmp1, $4  }
0x139: {  	v33 =	vmax.bf16 v33, v56;
	v42 =	vmax.bf16 v40, v50;
	v40 =	vld.idx.msk [tilespmem:v32+s22+$0x0], $0xffff  }
0x13a: {  	v33 =	vmax.bf16 v33, v55;
	v44 =	vmax.bf16 v42, v44;
	v42 =	vld.idx.msk [tilespmem:v34+s22+$0x0], $0xffff  }
0x13b: {  	s14 =	sadd.s32 $0x10, s14;
	v33 =	vmax.bf16 v33, v54;
	v48 =	vmax.bf16 v44, v48;
	v44 =	vld.idx.msk [tilespmem:v35+s22+$0x0], $0xffff  }
0x13c: {  	s16 =	sadd.s32 $0x10, s16;
	v45 =	vmax.bf16 v33, v53;
	v48 =	vmax.bf16 v48, v47;
	v47 =	vld [tilespmem:s14+$0x0]  }
0x13d: {  	v33 =	vmax.bf16 v45, v46;
	v37 =	vmax.bf16 v48, v37  }
0x13e: {  	v33 =	vmax.bf16 v33, v43;
	v37 =	vmax.bf16 v37, v38  }
0x13f: {  	v33 =	vmax.bf16 v33, v41;
	v37 =	vmax.bf16 v37, v40  }
0x140: {  	v33 =	vmax.bf16 v33, v39;
	v37 =	vmax.bf16 v37, v42  }
0x141: {  	v33 =	vmax.bf16 v33, v36;
	v58 =	vmax.bf16 v37, v44  }
0x142: {  	v33 =	vmax.bf16 v58, v33  }
0x143: {  	v59 =	vunpack.i.u.bf16.f32 v47;
	v60 =	vunpack.i.l.bf16.f32 v47;
	v36 =	vunpack.i.l.bf16.f32 v33  }
0x144: {  	v38 =	vmul.f32 v60, v0;
	v33 =	vunpack.i.u.bf16.f32 v33;
	v36 =	vmul.f32 v36, v1  }
0x145: {  	v2 =	vadd.s32 $0x2710, v2;
	v37 =	vmul.f32 v59, v0;
	v33 =	vmul.f32 v33, v1  }
0x146: {  	v4 =	vadd.s32 $0x2710, v4;
	v36 =	vadd.f32 v38, v36  }
0x147: {  	v3 =	vadd.s32 $0x2710, v3;
	s15 =	sadd.s32 $0x10, s12;
	v33 =	vadd.f32 v37, v33  }
0x148: {  	v5 =	vadd.s32 $0x2710, v5;
	[tilespmem:s15+$0xFFFFFCE0] =	vst v36  }
0x149: {  	v6 =	vadd.s32 $0x2710, v6;
	[tilespmem:s15+$0xFFFFFE70] =	vst v33  }
0x14a: {  	v7 =	vadd.s32 $0x2710, v7;
	v2 =	vld.idx.msk [tilespmem:v2+s22+$0x0], $0xffff  }
0x14b: {  	v8 =	vadd.s32 $0x2710, v8;
	v4 =	vld.idx.msk [tilespmem:v4+s22+$0x0], $0xffff  }
0x14c: {  	v9 =	vadd.s32 $0x2710, v9;
	v3 =	vld.idx.msk [tilespmem:v3+s22+$0x0], $0xffff  }
0x14d: {  	v10 =	vadd.s32 $0x2710, v10;
	v5 =	vld.idx.msk [tilespmem:v5+s22+$0x0], $0xffff  }
0x14e: {  	v11 =	vadd.s32 $0x2710, v11;
	v6 =	vld.idx.msk [tilespmem:v6+s22+$0x0], $0xffff  }
0x14f: {  	v12 =	vadd.s32 $0x2710, v12;
	v7 =	vld.idx.msk [tilespmem:v7+s22+$0x0], $0xffff  }
0x150: {  	v13 =	vadd.s32 $0x2710, v13;
	v8 =	vld.idx.msk [tilespmem:v8+s22+$0x0], $0xffff  }
0x151: {  	v26 =	vadd.s32 $0x2710, v26;
	v9 =	vld.idx.msk [tilespmem:v9+s22+$0x0], $0xffff  }
0x152: {  	v14 =	vadd.s32 $0x2710, v14;
	v10 =	vld.idx.msk [tilespmem:v10+s22+$0x0], $0xffff  }
0x153: {  	v15 =	vadd.s32 $0x2710, v15;
	v11 =	vld.idx.msk [tilespmem:v11+s22+$0x0], $0xffff  }
0x154: {  	v19 =	vadd.s32 $0x2710, v19;
	v12 =	vld.idx.msk [tilespmem:v12+s22+$0x0], $0xffff  }
0x155: {  	v16 =	vadd.s32 $0x2710, v16;
	v13 =	vld.idx.msk [tilespmem:v13+s22+$0x0], $0xffff  }
0x156: {  	v17 =	vadd.s32 $0x2710, v17;
	v26 =	vld.idx.msk [tilespmem:v26+s22+$0x0], $0xffff  }
0x157: {  	v18 =	vadd.s32 $0x2710, v18;
	v14 =	vld.idx.msk [tilespmem:v14+s22+$0x0], $0xffff  }
0x158: {  	v20 =	vadd.s32 $0x2710, v20;
	v15 =	vld.idx.msk [tilespmem:v15+s22+$0x0], $0xffff  }
0x159: {  	v21 =	vadd.s32 $0x2710, v21;
	v19 =	vld.idx.msk [tilespmem:v19+s22+$0x0], $0xffff  }
0x15a: {  	v22 =	vadd.s32 $0x2710, v22;
	v16 =	vld.idx.msk [tilespmem:v16+s22+$0x0], $0xffff  }
0x15b: {  	v23 =	vadd.s32 $0x2710, v23;
	v17 =	vld.idx.msk [tilespmem:v17+s22+$0x0], $0xffff  }
0x15c: {  	v24 =	vadd.s32 $0x2710, v24;
	v18 =	vld.idx.msk [tilespmem:v18+s22+$0x0], $0xffff  }
0x15d: {  	v25 =	vadd.s32 $0x2710, v25;
	v20 =	vld.idx.msk [tilespmem:v20+s22+$0x0], $0xffff  }
0x15e: {  	v27 =	vadd.s32 $0x2710, v27;
	v21 =	vld.idx.msk [tilespmem:v21+s22+$0x0], $0xffff  }
0x15f: {  	v28 =	vadd.s32 $0x2710, v28;
	v22 =	vld.idx.msk [tilespmem:v22+s22+$0x0], $0xffff  }
0x160: {  	v29 =	vadd.s32 $0x2710, v29;
	v23 =	vld.idx.msk [tilespmem:v23+s22+$0x0], $0xffff;
	v16 =	vmax.bf16 v16, v17  }
0x161: {  	v17 =	vld.idx.msk [tilespmem:v24+s22+$0x0], $0xffff;
	v24 =	vadd.s32 $0x2710, v30;
	v15 =	vmax.bf16 v15, v19;
	v16 =	vmax.bf16 v16, v18  }
0x162: {  	v19 =	vadd.s32 $0x2710, v31;
	v18 =	vld.idx.msk [tilespmem:v25+s22+$0x0], $0xffff;
	v14 =	vmax.bf16 v15, v14;
	v15 =	vmax.bf16 v16, v20  }
0x163: {  	v16 =	vld.idx.msk [tilespmem:v27+s22+$0x0], $0xffff;
	v20 =	vadd.s32 $0x2710, v32;
	v14 =	vmax.bf16 v14, v26;
	v15 =	vmax.bf16 v15, v21  }
0x164: {  	v25 =	vadd.s32 $0x2710, v34;
	v21 =	vld.idx.msk [tilespmem:v28+s22+$0x0], $0xffff;
	v13 =	vmax.bf16 v14, v13;
	v14 =	vmax.bf16 v15, v22  }
0x165: {  	v15 =	vld.idx.msk [tilespmem:v29+s22+$0x0], $0xffff;
	v22 =	vadd.s32 $0x2710, v35;
	v12 =	vmax.bf16 v13, v12;
	v13 =	vmax.bf16 v14, v23  }
0x166: {  	v14 =	vld.idx.msk [tilespmem:v24+s22+$0x0], $0xffff;
	v11 =	vmax.bf16 v12, v11;
	v12 =	vmax.bf16 v13, v17  }
0x167: {  	v13 =	vld.idx.msk [tilespmem:v19+s22+$0x0], $0xffff;
	v10 =	vmax.bf16 v11, v10;
	v11 =	vmax.bf16 v12, v18  }
0x168: {  	v12 =	vld.idx.msk [tilespmem:v20+s22+$0x0], $0xffff;
	v9 =	vmax.bf16 v10, v9;
	v10 =	vmax.bf16 v11, v16  }
0x169: {  	v11 =	vld.idx.msk [tilespmem:v25+s22+$0x0], $0xffff;
	v8 =	vmax.bf16 v9, v8;
	v9 =	vmax.bf16 v10, v21  }
0x16a: {  	v10 =	vld.idx.msk [tilespmem:v22+s22+$0x0], $0xffff;
	v7 =	vmax.bf16 v8, v7;
	v8 =	vmax.bf16 v9, v15  }
0x16b: {  	v6 =	vmax.bf16 v7, v6;
	v7 =	vmax.bf16 v8, v14  }
0x16c: {  	v8 =	vld [tilespmem:s14+$0x2710];
	v5 =	vmax.bf16 v6, v5;
	v6 =	vmax.bf16 v7, v13  }
0x16d: {  	v3 =	vmax.bf16 v5, v3;
	v5 =	vmax.bf16 v6, v12  }
0x16e: {  	v3 =	vmax.bf16 v3, v4;
	v4 =	vmax.bf16 v5, v11  }
0x16f: {  	v2 =	vmax.bf16 v3, v2;
	v3 =	vmax.bf16 v4, v10  }
0x170: {  	v2 =	vmax.bf16 v3, v2  }
0x171: {  	v3 =	vunpack.i.u.bf16.f32 v8;
	v5 =	vunpack.i.l.bf16.f32 v8;
	v4 =	vunpack.i.u.bf16.f32 v2  }
0x172: {  	v3 =	vmul.f32 v3, v0;
	v2 =	vunpack.i.l.bf16.f32 v2;
	v4 =	vmul.f32 v4, v1  }
0x173: {  	s12 =	smul.u32 $0x3520, s7;
	v5 =	vmul.f32 v5, v0;
	v2 =	vmul.f32 v2, v1  }
0x174: {  	v3 =	vadd.f32 v3, v4  }
0x175: {  	s19 =	sshrl.u32 s12, $0x3;
	v2 =	vadd.f32 v5, v2  }
0x176: {  	s14 =	sadd.s32 s4, s19;
	[tilespmem:s15+$0x190] =	vst v3  }
0x177: {  	s14 =	sadd.s32 $0x6A4, s14;
	[tilespmem:s15+$0x0] =	vst v2;
	s15 =	sadd.s32 s3, s13  }
0x178: {  	[tilespmem:s17], [sflag:$0x1] =	stream.linear.gather [hbm4b:s14+s2], $0x1A90, $0x38;
	[tilespmem:$0x12C20] =	vst v63  }
0x179: {  	s14 =	sshrl.u32 s15, $0x3  }
0x17a: {  	s16 =	sadd.s32 s9, s13;
	s14 =	sadd.s32 s6, s14  }
0x17b: {  	[hbm4b:s14+s2] =	stream.linear.scatter [tilespmem:s23], [sflag:$0x3], $0x190, $0x38;
	[tilespmem:$0x12C20] =	vst v63  }
0x17c: {  	s14 =	sshrl.u32 s16, $0x3  }
0x17d: {  	s19 =	sadd.s32 s10, s13;
	s14 =	sadd.s32 s6, s14  }
0x17e: {  	[hbm4b:s14+s2] =	stream.linear.scatter [tilespmem:s24], [sflag:$0x3], $0x190, $0x38;
	[tilespmem:$0x12C20] =	vst v63  }
0x17f: {  	s14 =	sshrl.u32 s19, $0x3  }
0x180: {  	s15 =	sadd.s32 s11, s13;
	s14 =	sadd.s32 s6, s14  }
0x181: {  	[hbm4b:s14+s2] =	stream.linear.scatter [tilespmem:s25], [sflag:$0x3], $0x190, $0x38;
	[tilespmem:$0x12C20] =	vst v63  }
0x182: {  	s14 =	sshrl.u32 s15, $0x3  }
0x183: {  	s14 =	sadd.s32 s6, s14  }
0x184: {  	[hbm4b:s14+s2] =	stream.linear.scatter [tilespmem:s26], [sflag:$0x3], $0x190, $0x38;
	[tilespmem:$0x12C20] =	vst v63  }
0x185: {  	_ =	swait.ge [sflag:s28], $0x1A90  }
0x186: {  	[sflag:s28] =	ssyncset.done $0x0  }
0x187: {  	s14 =	simm.s32 @!p0 $0x4;
	[sflag:s28] =	ssyncadd.s32 $0xFFFFE570  }
0x188: {  	_ =	swait.ge @!p0 [sflag:s14], $0x190  }
0x189: {  	[sflag:s14] =	ssyncset.done @!p0 $0x0  }
0x18a: {  	[sflag:s14] =	ssyncadd.s32 @!p0 $0xFFFFFE70  }
0x18b: {  	_ =	swait.ge @!p0 [sflag:s14], $0x190  }
0x18c: {  	[sflag:s14] =	ssyncset.done @!p0 $0x0  }
0x18d: {  	[sflag:s14] =	ssyncadd.s32 @!p0 $0xFFFFFE70  }
0x18e: {  	_ =	swait.ge @!p0 [sflag:s14], $0x190  }
0x18f: {  	[sflag:s14] =	ssyncset.done @!p0 $0x0  }
0x190: {  	[sflag:s14] =	ssyncadd.s32 @!p0 $0xFFFFFE70  }
0x191: {  	_ =	swait.ge @!p0 [sflag:s14], $0x190  }
0x192: {  	[sflag:s14] =	ssyncset.done @!p0 $0x0  }
0x193: {  	s16 =	simm.s32 $0x11170;
	[sflag:s14] =	ssyncadd.s32 @!p0 $0xFFFFFE70  }
0x194: {  	v2 =	vld [tilespmem:s16+$0xC80]  }
0x195: {  	v3 =	vld [tilespmem:s16+$0xAF0]  }
0x196: {  	v4 =	vld [tilespmem:s16+$0x960]  }
0x197: {  	v5 =	vld [tilespmem:s16+$0x7D0]  }
0x198: {  	v6 =	vld [tilespmem:s16+$0x640]  }
0x199: {  	v7 =	vld [tilespmem:s16+$0x4B0]  }
0x19a: {  	v8 =	vld [tilespmem:s16+$0x320]  }
0x19b: {  	v9 =	vld [tilespmem:s16+$0x190]  }
0x19c: {  	v10 =	vld [tilespmem:s16+$0x0]  }
0x19d: {  	v11 =	vld [tilespmem:s16+$0xFFFFFE70]  }
0x19e: {  	v12 =	vld [tilespmem:s16+$0xFFFFFCE0]  }
0x19f: {  	v13 =	vld [tilespmem:s16+$0xFFFFFB50]  }
0x1a0: {  	v14 =	vld [tilespmem:s16+$0xFFFFF9C0];
	v15 =	vshrl.u32 v3, $0x10  }
0x1a1: {  	v16 =	vld [tilespmem:s16+$0xFFFFF830];
	v17 =	vshrl.u32 v4, $0x10  }
0x1a2: {  	v18 =	vld [tilespmem:s16+$0xFFFFF6A0];
	v35 =	vshrl.u32 v8, $0x10  }
0x1a3: {  	v20 =	vld [tilespmem:s16+$0xFFFFF380];
	v36 =	vshrl.u32 v9, $0x10  }
0x1a4: {  	v22 =	vld [tilespmem:s16+$0xFFFFF510];
	v38 =	vshrl.u32 v10, $0x10  }
0x1a5: {  	v39 =	vshrl.u32 v11, $0x10;
	v23 =	vld.idx.msk [tilespmem:v15+s22+$0x0], $0xffff  }
0x1a6: {  	v40 =	vshrl.u32 v12, $0x10;
	v24 =	vld.idx.msk [tilespmem:v17+s22+$0x0], $0xffff  }
0x1a7: {  	v41 =	vshrl.u32 v13, $0x10;
	v29 =	vld.idx.msk [tilespmem:v35+s22+$0x0], $0xffff  }
0x1a8: {  	v59 =	vshrl.u32 v14, $0x10;
	v30 =	vld.idx.msk [tilespmem:v36+s22+$0x0], $0xffff  }
0x1a9: {  	v58 =	vshrl.u32 v16, $0x10;
	v31 =	vld.idx.msk [tilespmem:v38+s22+$0x0], $0xffff  }
0x1aa: {  	v44 =	vshrl.u32 v18, $0x10;
	v32 =	vld.idx.msk [tilespmem:v39+s22+$0x0], $0xffff  }
0x1ab: {  	v45 =	vshrl.u32 v20, $0x10;
	v33 =	vld.idx.msk [tilespmem:v40+s22+$0x0], $0xffff  }
0x1ac: {  	v46 =	vshrl.u32 v22, $0x10;
	v34 =	vld.idx.msk [tilespmem:v41+s22+$0x0], $0xffff  }
0x1ad: {  	v20 =	vand.u32 $0xFFFF, v20;
	v61 =	vld.idx.msk [tilespmem:v59+s22+$0x0], $0xffff  }
0x1ae: {  	v47 =	vand.u32 $0xFFFF, v22;
	v22 =	vld.idx.msk [tilespmem:v58+s22+$0x0], $0xffff  }
0x1af: {  	v18 =	vand.u32 $0xFFFF, v18;
	v62 =	vld.idx.msk [tilespmem:v44+s22+$0x0], $0xffff  }
0x1b0: {  	v16 =	vand.u32 $0xFFFF, v16;
	v49 =	vld.idx.msk [tilespmem:v45+s22+$0x0], $0xffff  }
0x1b1: {  	v14 =	vand.u32 $0xFFFF, v14;
	v50 =	vld.idx.msk [tilespmem:v46+s22+$0x0], $0xffff  }
0x1b2: {  	v13 =	vand.u32 $0xFFFF, v13;
	v51 =	vld.idx.msk [tilespmem:v20+s22+$0x0], $0xffff  }
0x1b3: {  	v12 =	vand.u32 $0xFFFF, v12;
	v52 =	vld.idx.msk [tilespmem:v47+s22+$0x0], $0xffff  }
0x1b4: {  	v11 =	vand.u32 $0xFFFF, v11;
	v53 =	vld.idx.msk [tilespmem:v18+s22+$0x0], $0xffff  }
0x1b5: {  	v10 =	vand.u32 $0xFFFF, v10;
	v54 =	vld.idx.msk [tilespmem:v16+s22+$0x0], $0xffff  }
0x1b6: {  	v9 =	vand.u32 $0xFFFF, v9;
	v55 =	vld.idx.msk [tilespmem:v14+s22+$0x0], $0xffff  }
0x1b7: {  	v8 =	vand.u32 $0xFFFF, v8;
	v56 =	vld.idx.msk [tilespmem:v13+s22+$0x0], $0xffff  }
0x1b8: {  	v26 =	vshrl.u32 v7, $0x10;
	v7 =	vand.u32 $0xFFFF, v7;
	v57 =	vld.idx.msk [tilespmem:v12+s22+$0x0], $0xffff;
	v51 =	vmax.bf16 v51, v52  }
0x1b9: {  	v19 =	vshrl.u32 v5, $0x10;
	v63 =	vld.idx.msk [tilespmem:v11+s22+$0x0], $0xffff;
	v49 =	vmax.bf16 v49, v50;
	v42 =	vmax.bf16 v51, v53  }
0x1ba: {  	v21 =	vshrl.u32 v6, $0x10;
	v43 =	vld.idx.msk [tilespmem:v10+s22+$0x0], $0xffff;
	v48 =	vmax.bf16 v49, v62;
	v54 =	vmax.bf16 v42, v54  }
0x1bb: {  	v50 =	vld.idx.msk [tilespmem:v9+s22+$0x0], $0xffff;
	v22 =	vmax.bf16 v48, v22;
	v55 =	vmax.bf16 v54, v55  }
0x1bc: {  	v6 =	vand.u32 $0xFFFF, v6;
	v49 =	vld.idx.msk [tilespmem:v8+s22+$0x0], $0xffff;
	v22 =	vmax.bf16 v22, v61;
	v56 =	vmax.bf16 v55, v56  }
0x1bd: {  	v60 =	vld.idx.msk [tilespmem:v7+s22+$0x0], $0xffff;
	v22 =	vmax.bf16 v22, v34;
	v61 =	vmax.bf16 v56, v57  }
0x1be: {  	v5 =	vand.u32 $0xFFFF, v5;
	v25 =	vld.idx.msk [tilespmem:v19+s22+$0x0], $0xffff;
	v22 =	vmax.bf16 v22, v33;
	v63 =	vmax.bf16 v61, v63  }
0x1bf: {  	v4 =	vand.u32 $0xFFFF, v4;
	v27 =	vld.idx.msk [tilespmem:v21+s22+$0x0], $0xffff;
	v22 =	vmax.bf16 v22, v32;
	v43 =	vmax.bf16 v63, v43  }
0x1c0: {  	v3 =	vand.u32 $0xFFFF, v3;
	v28 =	vld.idx.msk [tilespmem:v26+s22+$0x0], $0xffff;
	v22 =	vmax.bf16 v22, v31;
	v31 =	vmax.bf16 v43, v50  }
0x1c1: {  	s19 =	simm.s32 $0x11180;
	v2 =	vand.u32 $0xFFFF, v2;
	v62 =	vld.idx.msk [tilespmem:v6+s22+$0x0], $0xffff;
	v22 =	vmax.bf16 v22, v30;
	v30 =	vmax.bf16 v31, v49  }
0x1c2: {  	v22 =	vmax.bf16 v22, v29;
	v29 =	vmax.bf16 v30, v60;
	v30 =	vld [tilespmem:s19+$0xC80]  }
0x1c3: {  	v42 =	vld.idx.msk [tilespmem:v5+s22+$0x0], $0xffff  }
0x1c4: {  	v54 =	vld.idx.msk [tilespmem:v4+s22+$0x0], $0xffff  }
0x1c5: {  	v55 =	vld.idx.msk [tilespmem:v3+s22+$0x0], $0xffff  }
0x1c6: {  	v56 =	vld.idx.msk [tilespmem:v2+s22+$0x0], $0xffff  }
0x1c7: {  	v57 =	vld [tilespmem:s5+$0xFFFFD8F0];
	[tilespmem:$0x1FF60] =	vst v30  }
0x1c8: {  	v33 =	vld [tilespmem:s19+$0xAF0];
	_ =	sdelay $0x4  }
0x1c9: {  	[tilespmem:$0x1FF50] =	vst v33  }
0x1ca: {  	v34 =	vld [tilespmem:s19+$0x960];
	_ =	sdelay $0x4  }
0x1cb: {  	v22 =	vmax.bf16 v22, v28;
	v28 =	vmax.bf16 v29, v62;
	[tilespmem:$0x1FF40] =	vst v34  }
0x1cc: {  	v22 =	vmax.bf16 v22, v27;
	v27 =	vmax.bf16 v28, v42;
	v42 =	vld [tilespmem:s19+$0x7D0];
	_ =	sdelay $0x3  }
0x1cd: {  	v22 =	vmax.bf16 v22, v25;
	v25 =	vmax.bf16 v27, v54  }
0x1ce: {  	v22 =	vmax.bf16 v22, v24;
	v24 =	vmax.bf16 v25, v55;
	[tilespmem:$0x1FF30] =	vst v42  }
0x1cf: {  	v22 =	vmax.bf16 v22, v23;
	v23 =	vmax.bf16 v24, v56;
	v43 =	vld [tilespmem:s19+$0x640]  }
0x1d0: {  	v22 =	vmax.bf16 v23, v22  }
0x1d1: {  	v25 =	vunpack.i.l.bf16.f32 v57;
	v24 =	vunpack.i.u.bf16.f32 v57;
	v23 =	vunpack.i.l.bf16.f32 v22  }
0x1d2: {  	v60 =	vmul.f32 v25, v0;
	v22 =	vunpack.i.u.bf16.f32 v22;
	v23 =	vmul.f32 v23, v1  }
0x1d3: {  	v15 =	vadd.s32 $0x2710, v15;
	v61 =	vmul.f32 v24, v0;
	v22 =	vmul.f32 v22, v1  }
0x1d4: {  	v37 =	vadd.f32 v60, v23;
	[tilespmem:$0x1FF20] =	vst v43  }
0x1d5: {  	s14 =	simm.s32 $0x128E0;
	v48 =	vadd.f32 v61, v22;
	v27 =	vld [tilespmem:s19+$0x4B0]  }
0x1d6: {  	v30 =	vld [tilespmem:s19+$0x320];
	[tilespmem:s14+$0xFFFFFCE0] =	vst v37  }
0x1d7: {  	v28 =	vld [tilespmem:s19+$0x190];
	[tilespmem:s14+$0xFFFFFE70] =	vst v48  }
0x1d8: {  	v15 =	vld.idx.msk [tilespmem:v15+s22+$0x0], $0xffff  }
0x1d9: {  	v17 =	vadd.s32 $0x2710, v17;
	v50 =	vld [tilespmem:s19+$0x0]  }
0x1da: {  	v32 =	vld [tilespmem:s19+$0xFFFFFE70]  }
0x1db: {  	v29 =	vld [tilespmem:s19+$0xFFFFFCE0]  }
0x1dc: {  	v24 =	vld [tilespmem:s19+$0xFFFFFB50]  }
0x1dd: {  	v49 =	vld [tilespmem:s19+$0xFFFFF9C0];
	[tilespmem:$0x1FF10] =	vst v15  }
0x1de: {  	v17 =	vld.idx.msk [tilespmem:v17+s22+$0x0], $0xffff  }
0x1df: {  	v19 =	vadd.s32 $0x2710, v19  }
0x1e0: {  	v21 =	vadd.s32 $0x2710, v21  }
0x1e1: {  	v26 =	vadd.s32 $0x2710, v26  }
0x1e2: {  	v62 =	vadd.s32 $0x2710, v35  }
0x1e3: {  	v15 =	vadd.s32 $0x2710, v36;
	[tilespmem:$0x1FF00] =	vst v17  }
0x1e4: {  	v54 =	vadd.s32 $0x2710, v45;
	v17 =	vadd.s32 $0x2710, v38;
	v38 =	vld.idx.msk [tilespmem:v19+s22+$0x0], $0xffff  }
0x1e5: {  	v55 =	vadd.s32 $0x2710, v46;
	v37 =	vld.idx.msk [tilespmem:v21+s22+$0x0], $0xffff  }
0x1e6: {  	v56 =	vadd.s32 $0x2710, v47;
	v21 =	vadd.s32 $0x2710, v40;
	v40 =	vld.idx.msk [tilespmem:v26+s22+$0x0], $0xffff  }
0x1e7: {  	v14 =	vadd.s32 $0x2710, v14;
	v48 =	vld.idx.msk [tilespmem:v62+s22+$0x0], $0xffff  }
0x1e8: {  	v13 =	vadd.s32 $0x2710, v13;
	v35 =	vld.idx.msk [tilespmem:v15+s22+$0x0], $0xffff  }
0x1e9: {  	v12 =	vadd.s32 $0x2710, v12;
	v45 =	vld.idx.msk [tilespmem:v54+s22+$0x0], $0xffff  }
0x1ea: {  	v11 =	vadd.s32 $0x2710, v11;
	v47 =	vld.idx.msk [tilespmem:v55+s22+$0x0], $0xffff  }
0x1eb: {  	v10 =	vadd.s32 $0x2710, v10;
	v46 =	vld.idx.msk [tilespmem:v56+s22+$0x0], $0xffff  }
0x1ec: {  	v9 =	vadd.s32 $0x2710, v9;
	v14 =	vld.idx.msk [tilespmem:v14+s22+$0x0], $0xffff  }
0x1ed: {  	v8 =	vadd.s32 $0x2710, v8;
	v52 =	vld.idx.msk [tilespmem:v13+s22+$0x0], $0xffff  }
0x1ee: {  	v7 =	vadd.s32 $0x2710, v7;
	v53 =	vld.idx.msk [tilespmem:v12+s22+$0x0], $0xffff  }
0x1ef: {  	v6 =	vadd.s32 $0x2710, v6;
	v54 =	vld.idx.msk [tilespmem:v11+s22+$0x0], $0xffff  }
0x1f0: {  	v5 =	vadd.s32 $0x2710, v5;
	v55 =	vld.idx.msk [tilespmem:v10+s22+$0x0], $0xffff  }
0x1f1: {  	v4 =	vadd.s32 $0x2710, v4;
	v56 =	vld.idx.msk [tilespmem:v9+s22+$0x0], $0xffff  }
0x1f2: {  	v3 =	vadd.s32 $0x2710, v3;
	v57 =	vld.idx.msk [tilespmem:v8+s22+$0x0], $0xffff  }
0x1f3: {  	v15 =	vadd.s32 $0x2710, v58;
	v58 =	vld.idx.msk [tilespmem:v7+s22+$0x0], $0xffff  }
0x1f4: {  	v63 =	vadd.s32 $0x2710, v59;
	v59 =	vld.idx.msk [tilespmem:v6+s22+$0x0], $0xffff  }
0x1f5: {  	v60 =	vld.idx.msk [tilespmem:v5+s22+$0x0], $0xffff  }
0x1f6: {  	v61 =	vld.idx.msk [tilespmem:v4+s22+$0x0], $0xffff  }
0x1f7: {  	v2 =	vadd.s32 $0x2710, v2;
	v62 =	vld.idx.msk [tilespmem:v3+s22+$0x0], $0xffff  }
0x1f8: {  	v19 =	vadd.s32 $0x2710, v39;
	v3 =	vshrl.u32 v42, $0x10;
	v42 =	vld [tilespmem:s5+$0x0]  }
0x1f9: {  	v4 =	vshrl.u32 v34, $0x10;
	v6 =	vshrl.u32 v27, $0x10;
	v34 =	vmov v27;
	v27 =	vld [tilespmem:$0x1FF00]  }
0x1fa: {  	v26 =	vadd.s32 $0x2710, v41;
	v51 =	vld.idx.msk [tilespmem:v17+s22+$0x0], $0xffff  }
0x1fb: {  	v17 =	vadd.s32 $0x2710, v44;
	v44 =	vld.idx.msk [tilespmem:v63+s22+$0x0], $0xffff  }
0x1fc: {  	v18 =	vadd.s32 $0x2710, v18;
	v63 =	vld.idx.msk [tilespmem:v2+s22+$0x0], $0xffff  }
0x1fd: {  	v16 =	vadd.s32 $0x2710, v16;
	v31 =	vld.idx.msk [tilespmem:v19+s22+$0x0], $0xffff  }
0x1fe: {  	v25 =	vld.idx.msk [tilespmem:v21+s22+$0x0], $0xffff  }
0x1ff: {  	v20 =	vadd.s32 $0x2710, v20;
	v26 =	vld.idx.msk [tilespmem:v26+s22+$0x0], $0xffff  }
0x200: {  	v23 =	vld.idx.msk [tilespmem:v15+s22+$0x0], $0xffff  }
0x201: {  	v15 =	vld.idx.msk [tilespmem:v18+s22+$0x0], $0xffff  }
0x202: {  	v19 =	vld.idx.msk [tilespmem:v16+s22+$0x0], $0xffff  }
0x203: {  	v22 =	vld.idx.msk [tilespmem:v17+s22+$0x0], $0xffff  }
0x204: {  	v7 =	vshrl.u32 v30, $0x10;
	v17 =	vld.idx.msk [tilespmem:v20+s22+$0x0], $0xffff  }
0x205: {  	v21 =	vld [tilespmem:s19+$0xFFFFF830]  }
0x206: {  	v5 =	vshrl.u32 v43, $0x10;
	v16 =	vld [tilespmem:s19+$0xFFFFF380]  }
0x207: {  	v18 =	vld [tilespmem:s19+$0xFFFFF510]  }
0x208: {  	v2 =	vshrl.u32 v33, $0x10;
	v39 =	vld.idx.msk [tilespmem:v4+s22+$0x0], $0xffff  }
0x209: {  	v12 =	vmax.bf16 v17, v46;
	v17 =	vld.idx.msk [tilespmem:v7+s22+$0x0], $0xffff  }
0x20a: {  	v8 =	vshrl.u32 v28, $0x10;
	v41 =	vld.idx.msk [tilespmem:v3+s22+$0x0], $0xffff  }
0x20b: {  	v9 =	vshrl.u32 v50, $0x10;
	v43 =	vld.idx.msk [tilespmem:v5+s22+$0x0], $0xffff  }
0x20c: {  	v11 =	vshrl.u32 v29, $0x10;
	v20 =	vld [tilespmem:s19+$0xFFFFF6A0];
	v15 =	vmax.bf16 v12, v15  }
0x20d: {  	v36 =	vld.idx.msk [tilespmem:v2+s22+$0x0], $0xffff;
	v12 =	vshrl.u32 v24, $0x10;
	v15 =	vmax.bf16 v15, v19  }
0x20e: {  	v10 =	vshrl.u32 v32, $0x10;
	v13 =	vmax.bf16 v45, v47;
	v46 =	vld.idx.msk [tilespmem:v6+s22+$0x0], $0xffff;
	v15 =	vmax.bf16 v15, v14;
	[tilespmem:$0x1FF70] =	vst v17  }
0x20f: {  	v19 =	vmax.bf16 v15, v52;
	v15 =	vshrl.u32 v16, $0x10;
	v17 =	vmax.bf16 v13, v22;
	v47 =	vld.idx.msk [tilespmem:v8+s22+$0x0], $0xffff  }
0x210: {  	v13 =	vshrl.u32 v49, $0x10;
	v17 =	vmax.bf16 v17, v23;
	v45 =	vld.idx.msk [tilespmem:v9+s22+$0x0], $0xffff  }
0x211: {  	v16 =	vand.u32 $0xFFFF, v16;
	v19 =	vmax.bf16 v19, v53;
	v52 =	vld.idx.msk [tilespmem:v11+s22+$0x0], $0xffff;
	v17 =	vmax.bf16 v17, v44  }
0x212: {  	v14 =	vshrl.u32 v20, $0x10;
	v19 =	vmax.bf16 v19, v54;
	v53 =	vld.idx.msk [tilespmem:v12+s22+$0x0], $0xffff;
	v17 =	vmax.bf16 v17, v26  }
0x213: {  	v44 =	vld.idx.msk [tilespmem:v10+s22+$0x0], $0xffff;
	v23 =	vmax.bf16 v19, v55;
	v19 =	vshrl.u32 v18, $0x10;
	v22 =	vmax.bf16 v17, v25  }
0x214: {  	v33 =	vmovc v30;
	v30 =	vmov v28;
	v26 =	vshrl.u32 v21, $0x10;
	v28 =	vld.idx.msk [tilespmem:v15+s22+$0x0], $0xffff;
	v22 =	vmax.bf16 v22, v31  }
0x215: {  	v23 =	vmax.bf16 v23, v56;
	v17 =	vand.u32 $0xFFFF, v18;
	v54 =	vld.idx.msk [tilespmem:v13+s22+$0x0], $0xffff;
	v22 =	vmax.bf16 v22, v51  }
0x216: {  	v18 =	vand.u32 $0xFFFF, v20;
	v23 =	vmax.bf16 v23, v57;
	v31 =	vld.idx.msk [tilespmem:v16+s22+$0x0], $0xffff;
	v22 =	vmax.bf16 v22, v35  }
0x217: {  	v20 =	vand.u32 $0xFFFF, v21;
	v23 =	vmax.bf16 v23, v58;
	v51 =	vld.idx.msk [tilespmem:v14+s22+$0x0], $0xffff;
	v22 =	vmax.bf16 v22, v48  }
0x218: {  	v21 =	vand.u32 $0xFFFF, v49;
	v23 =	vmax.bf16 v23, v59;
	v57 =	vld.idx.msk [tilespmem:v19+s22+$0x0], $0xffff;
	v22 =	vmax.bf16 v22, v40  }
0x219: {  	v23 =	vmax.bf16 v23, v60;
	v59 =	vld.idx.msk [tilespmem:v26+s22+$0x0], $0xffff;
	v25 =	vmax.bf16 v22, v37;
	v22 =	vand.u32 $0xFFFF, v24  }
0x21a: {  	v24 =	vmax.bf16 v25, v38;
	v25 =	vmax.bf16 v23, v61;
	v23 =	vand.u32 $0xFFFF, v29;
	v29 =	vld [tilespmem:$0x1FF10]  }
0x21b: {  	v40 =	vld.idx.msk [tilespmem:v17+s22+$0x0], $0xffff  }
0x21c: {  	v58 =	vld.idx.msk [tilespmem:v18+s22+$0x0], $0xffff;
	v27 =	vmax.bf16 v24, v27;
	v24 =	vand.u32 $0xFFFF, v32  }
0x21d: {  	v37 =	vld.idx.msk [tilespmem:v20+s22+$0x0], $0xffff  }
0x21e: {  	v61 =	vld.idx.msk [tilespmem:v21+s22+$0x0], $0xffff;
	v25 =	vmax.bf16 v25, v62  }
0x21f: {  	v27 =	vmax.bf16 v27, v29;
	v29 =	vmax.bf16 v25, v63;
	v63 =	vld.idx.msk [tilespmem:v22+s22+$0x0], $0xffff  }
0x220: {  	v25 =	vand.u32 $0xFFFF, v50;
	v38 =	vld.idx.msk [tilespmem:v23+s22+$0x0], $0xffff;
	v60 =	vmax.bf16 v29, v27;
	v27 =	vand.u32 $0xFFFF, v30  }
0x221: {  	v29 =	vmax.bf16 v31, v40;
	v30 =	vmax.bf16 v28, v57;
	v28 =	vand.u32 $0xFFFF, v33;
	v50 =	vld.idx.msk [tilespmem:v24+s22+$0x0], $0xffff  }
0x222: {  	v62 =	vunpack.i.u.bf16.f32 v60;
	v31 =	vmax.bf16 v29, v58;
	v57 =	vmax.bf16 v30, v51;
	v30 =	vld [tilespmem:$0x1FF20]  }
0x223: {  	v29 =	vand.u32 $0xFFFF, v34;
	v58 =	vunpack.i.u.bf16.f32 v42;
	v49 =	vunpack.i.l.bf16.f32 v60;
	v60 =	vld [tilespmem:$0x1FF50]  }
0x224: {  	v37 =	vmax.bf16 v31, v37;
	v40 =	vmul.f32 v58, v0;
	v34 =	vmax.bf16 v57, v59;
	v31 =	vld [tilespmem:$0x1FF30]  }
0x225: {  	v51 =	vmul.f32 v62, v1;
	v59 =	vld [tilespmem:$0x1FF40];
	v37 =	vmax.bf16 v37, v61;
	v61 =	vunpack.i.l.bf16.f32 v42  }
0x226: {  	v49 =	vmul.f32 v49, v1;
	v37 =	vmax.bf16 v37, v63;
	v63 =	vld [tilespmem:$0x1FF60];
	v33 =	vmul.f32 v61, v0  }
0x227: {  	v48 =	vld.idx.msk [tilespmem:v25+s22+$0x0], $0xffff;
	v51 =	vadd.f32 v40, v51;
	v30 =	vand.u32 $0xFFFF, v30  }
0x228: {  	v54 =	vmax.bf16 v34, v54;
	v55 =	vld.idx.msk [tilespmem:v27+s22+$0x0], $0xffff;
	v34 =	vand.u32 $0xFFFF, v60;
	v33 =	vadd.f32 v33, v49  }
0x229: {  	v56 =	vld.idx.msk [tilespmem:v28+s22+$0x0], $0xffff;
	[tilespmem:s14+$0x190] =	vst v51;
	v31 =	vand.u32 $0xFFFF, v31  }
0x22a: {  	v62 =	vld.idx.msk [tilespmem:v29+s22+$0x0], $0xffff;
	v32 =	vand.u32 $0xFFFF, v59;
	[tilespmem:s14+$0x0] =	vst v33  }
0x22b: {  	v35 =	vand.u32 $0xFFFF, v63;
	v33 =	vld [tilespmem:$0x1FF70]  }
0x22c: {  	v53 =	vmax.bf16 v54, v53;
	v38 =	vmax.bf16 v37, v38;
	v37 =	vld.idx.msk [tilespmem:v30+s22+$0x0], $0xffff  }
0x22d: {  	v52 =	vmax.bf16 v53, v52;
	v50 =	vmax.bf16 v38, v50;
	v42 =	vld.idx.msk [tilespmem:v34+s22+$0x0], $0xffff  }
0x22e: {  	v44 =	vmax.bf16 v52, v44;
	v48 =	vmax.bf16 v50, v48;
	v38 =	vld.idx.msk [tilespmem:v31+s22+$0x0], $0xffff  }
0x22f: {  	v44 =	vmax.bf16 v44, v45;
	v48 =	vmax.bf16 v48, v55;
	v40 =	vld.idx.msk [tilespmem:v32+s22+$0x0], $0xffff  }
0x230: {  	s15 =	sadd.s32 $0x10, s5;
	v47 =	vmax.bf16 v44, v47;
	v48 =	vmax.bf16 v48, v56;
	v44 =	vld.idx.msk [tilespmem:v35+s22+$0x0], $0xffff  }
0x231: {  	s13 =	sadd.s32 $0x190, s13;
	s16 =	simm.s32 $0x10;
	s19 =	simm.s32 $0x11190;
	v48 =	vmax.bf16 v48, v62;
	v45 =	vmax.bf16 v47, v33;
	v47 =	vld [tilespmem:s15+$0xFFFFD8F0]  }
.LBB2_7:
0x232: {  	v33 =	vld [tilespmem:s19+$0xC80];
	v45 =	vmax.bf16 v45, v46;
	v46 =	vmax.bf16 v48, v37  }
0x233: {  	v37 =	vld [tilespmem:s19+$0xAF0];
	v43 =	vmax.bf16 v45, v43;
	v45 =	vmax.bf16 v46, v38  }
0x234: {  	v38 =	vld [tilespmem:s19+$0x960];
	v41 =	vmax.bf16 v43, v41;
	v43 =	vmax.bf16 v45, v40  }
0x235: {  	v40 =	vld [tilespmem:s19+$0x7D0];
	v39 =	vmax.bf16 v41, v39;
	v41 =	vmax.bf16 v43, v42  }
0x236: {  	v42 =	vld [tilespmem:s19+$0x640];
	v36 =	vmax.bf16 v39, v36;
	v39 =	vmax.bf16 v41, v44  }
0x237: {  	v44 =	vld [tilespmem:s19+$0x4B0];
	v36 =	vmax.bf16 v39, v36  }
0x238: {  	v41 =	vunpack.i.u.bf16.f32 v47;
	v43 =	vunpack.i.l.bf16.f32 v47;
	v45 =	vld [tilespmem:s19+$0x320];
	v39 =	vunpack.i.l.bf16.f32 v36  }
0x239: {  	v43 =	vmul.f32 v43, v0;
	v36 =	vunpack.i.u.bf16.f32 v36;
	v47 =	vld [tilespmem:s19+$0x190];
	v39 =	vmul.f32 v39, v1  }
0x23a: {  	v2 =	vadd.s32 $0x2710, v2;
	v41 =	vmul.f32 v41, v0;
	v36 =	vmul.f32 v36, v1;
	v48 =	vld [tilespmem:s19+$0x0]  }
0x23b: {  	v4 =	vadd.s32 $0x2710, v4;
	v49 =	vld [tilespmem:s19+$0xFFFFFE70];
	v39 =	vadd.f32 v43, v39  }
0x23c: {  	v3 =	vadd.s32 $0x2710, v3;
	s14 =	sadd.s32 $0x10, s14;
	v36 =	vadd.f32 v41, v36;
	v50 =	vld [tilespmem:s19+$0xFFFFFCE0]  }
0x23d: {  	v5 =	vadd.s32 $0x2710, v5;
	v51 =	vld [tilespmem:s19+$0xFFFFFB50];
	[tilespmem:s14+$0xFFFFFCE0] =	vst v39  }
0x23e: {  	v6 =	vadd.s32 $0x2710, v6;
	v52 =	vld [tilespmem:s19+$0xFFFFF9C0];
	[tilespmem:s14+$0xFFFFFE70] =	vst v36  }
0x23f: {  	v36 =	vadd.s32 $0x2710, v7;
	v39 =	vld.idx.msk [tilespmem:v2+s22+$0x0], $0xffff  }
0x240: {  	v2 =	vadd.s32 $0x2710, v8;
	v7 =	vld.idx.msk [tilespmem:v4+s22+$0x0], $0xffff  }
0x241: {  	v4 =	vadd.s32 $0x2710, v9;
	v8 =	vld.idx.msk [tilespmem:v3+s22+$0x0], $0xffff  }
0x242: {  	v3 =	vadd.s32 $0x2710, v10;
	v5 =	vld.idx.msk [tilespmem:v5+s22+$0x0], $0xffff  }
0x243: {  	v9 =	vadd.s32 $0x2710, v11;
	v6 =	vld.idx.msk [tilespmem:v6+s22+$0x0], $0xffff  }
0x244: {  	v10 =	vadd.s32 $0x2710, v12;
	v11 =	vld.idx.msk [tilespmem:v36+s22+$0x0], $0xffff  }
0x245: {  	v12 =	vadd.s32 $0x2710, v13;
	v2 =	vld.idx.msk [tilespmem:v2+s22+$0x0], $0xffff  }
0x246: {  	v13 =	vadd.s32 $0x2710, v26;
	v4 =	vld.idx.msk [tilespmem:v4+s22+$0x0], $0xffff  }
0x247: {  	v14 =	vadd.s32 $0x2710, v14;
	v3 =	vld.idx.msk [tilespmem:v3+s22+$0x0], $0xffff  }
0x248: {  	v15 =	vadd.s32 $0x2710, v15;
	v9 =	vld.idx.msk [tilespmem:v9+s22+$0x0], $0xffff  }
0x249: {  	v19 =	vadd.s32 $0x2710, v19;
	v10 =	vld.idx.msk [tilespmem:v10+s22+$0x0], $0xffff  }
0x24a: {  	v16 =	vadd.s32 $0x2710, v16;
	v12 =	vld.idx.msk [tilespmem:v12+s22+$0x0], $0xffff  }
0x24b: {  	v17 =	vadd.s32 $0x2710, v17;
	v13 =	vld.idx.msk [tilespmem:v13+s22+$0x0], $0xffff  }
0x24c: {  	v18 =	vadd.s32 $0x2710, v18;
	v14 =	vld.idx.msk [tilespmem:v14+s22+$0x0], $0xffff  }
0x24d: {  	v20 =	vadd.s32 $0x2710, v20;
	v15 =	vld.idx.msk [tilespmem:v15+s22+$0x0], $0xffff  }
0x24e: {  	v21 =	vadd.s32 $0x2710, v21;
	v19 =	vld.idx.msk [tilespmem:v19+s22+$0x0], $0xffff  }
0x24f: {  	v22 =	vadd.s32 $0x2710, v22;
	v16 =	vld.idx.msk [tilespmem:v16+s22+$0x0], $0xffff  }
0x250: {  	v23 =	vadd.s32 $0x2710, v23;
	v17 =	vld.idx.msk [tilespmem:v17+s22+$0x0], $0xffff  }
0x251: {  	v24 =	vadd.s32 $0x2710, v24;
	v18 =	vld.idx.msk [tilespmem:v18+s22+$0x0], $0xffff  }
0x252: {  	v25 =	vadd.s32 $0x2710, v25;
	v20 =	vld.idx.msk [tilespmem:v20+s22+$0x0], $0xffff  }
0x253: {  	v26 =	vadd.s32 $0x2710, v27;
	v21 =	vld.idx.msk [tilespmem:v21+s22+$0x0], $0xffff  }
0x254: {  	v27 =	vadd.s32 $0x2710, v28;
	v22 =	vld.idx.msk [tilespmem:v22+s22+$0x0], $0xffff  }
0x255: {  	v28 =	vadd.s32 $0x2710, v29;
	v23 =	vld.idx.msk [tilespmem:v23+s22+$0x0], $0xffff  }
0x256: {  	v16 =	vmax.bf16 v16, v17;
	v17 =	vld.idx.msk [tilespmem:v24+s22+$0x0], $0xffff;
	v24 =	vadd.s32 $0x2710, v30  }
0x257: {  	v15 =	vmax.bf16 v15, v19;
	v19 =	vadd.s32 $0x2710, v31;
	v16 =	vmax.bf16 v16, v18;
	v18 =	vld.idx.msk [tilespmem:v25+s22+$0x0], $0xffff  }
0x258: {  	v14 =	vmax.bf16 v15, v14;
	v15 =	vmax.bf16 v16, v20;
	v20 =	vadd.s32 $0x2710, v32;
	v16 =	vld.idx.msk [tilespmem:v26+s22+$0x0], $0xffff  }
0x259: {  	v13 =	vmax.bf16 v14, v13;
	v14 =	vmax.bf16 v15, v21;
	v21 =	vadd.s32 $0x2710, v34;
	v15 =	vld.idx.msk [tilespmem:v27+s22+$0x0], $0xffff  }
0x25a: {  	v12 =	vmax.bf16 v13, v12;
	v13 =	vmax.bf16 v14, v22;
	v22 =	vadd.s32 $0x2710, v35;
	v14 =	vld.idx.msk [tilespmem:v28+s22+$0x0], $0xffff  }
0x25b: {  	v10 =	vmax.bf16 v12, v10;
	v12 =	vmax.bf16 v13, v23;
	v13 =	vld.idx.msk [tilespmem:v24+s22+$0x0], $0xffff  }
0x25c: {  	v9 =	vmax.bf16 v10, v9;
	v10 =	vmax.bf16 v12, v17;
	v12 =	vld.idx.msk [tilespmem:v19+s22+$0x0], $0xffff  }
0x25d: {  	v3 =	vmax.bf16 v9, v3;
	v9 =	vmax.bf16 v10, v18;
	v10 =	vld.idx.msk [tilespmem:v20+s22+$0x0], $0xffff  }
0x25e: {  	v3 =	vmax.bf16 v3, v4;
	v4 =	vmax.bf16 v9, v16;
	v9 =	vld.idx.msk [tilespmem:v21+s22+$0x0], $0xffff  }
0x25f: {  	v3 =	vmax.bf16 v3, v2;
	v4 =	vmax.bf16 v4, v15;
	v15 =	vld.idx.msk [tilespmem:v22+s22+$0x0], $0xffff  }
0x260: {  	v2 =	vshrl.u32 v37, $0x10;
	v3 =	vmax.bf16 v3, v11;
	v11 =	vmax.bf16 v4, v14;
	v20 =	vld [tilespmem:s19+$0xFFFFF830]  }
0x261: {  	v6 =	vmax.bf16 v3, v6;
	v4 =	vshrl.u32 v38, $0x10;
	v11 =	vmax.bf16 v11, v13;
	v18 =	vld [tilespmem:s19+$0xFFFFF6A0]  }
0x262: {  	v3 =	vshrl.u32 v40, $0x10;
	v6 =	vmax.bf16 v6, v5;
	v11 =	vmax.bf16 v11, v12;
	v12 =	vld [tilespmem:s15+$0x0]  }
0x263: {  	v5 =	vshrl.u32 v42, $0x10;
	v8 =	vmax.bf16 v6, v8;
	v10 =	vmax.bf16 v11, v10;
	v16 =	vld [tilespmem:s19+$0xFFFFF380]  }
0x264: {  	v6 =	vshrl.u32 v44, $0x10;
	v8 =	vmax.bf16 v8, v7;
	v9 =	vmax.bf16 v10, v9;
	v17 =	vld [tilespmem:s19+$0xFFFFF510]  }
0x265: {  	v7 =	vshrl.u32 v45, $0x10;
	v10 =	vmax.bf16 v8, v39;
	v9 =	vmax.bf16 v9, v15;
	v36 =	vld.idx.msk [tilespmem:v2+s22+$0x0], $0xffff  }
0x266: {  	v8 =	vshrl.u32 v47, $0x10;
	v13 =	vmax.bf16 v9, v10;
	v39 =	vld.idx.msk [tilespmem:v4+s22+$0x0], $0xffff  }
0x267: {  	v9 =	vshrl.u32 v48, $0x10;
	v11 =	vunpack.i.u.bf16.f32 v13;
	v41 =	vld.idx.msk [tilespmem:v3+s22+$0x0], $0xffff;
	v14 =	vunpack.i.u.bf16.f32 v12  }
0x268: {  	v10 =	vshrl.u32 v49, $0x10;
	v15 =	vmul.f32 v11, v1;
	v43 =	vld.idx.msk [tilespmem:v5+s22+$0x0], $0xffff;
	v14 =	vmul.f32 v14, v0  }
0x269: {  	v13 =	vunpack.i.l.bf16.f32 v13;
	v11 =	vshrl.u32 v50, $0x10;
	v19 =	vunpack.i.l.bf16.f32 v12;
	v46 =	vld.idx.msk [tilespmem:v6+s22+$0x0], $0xffff  }
0x26a: {  	v12 =	vshrl.u32 v51, $0x10;
	v21 =	vmul.f32 v13, v1;
	v53 =	vld.idx.msk [tilespmem:v7+s22+$0x0], $0xffff;
	v14 =	vadd.f32 v14, v15  }
0x26b: {  	v13 =	vshrl.u32 v52, $0x10;
	v15 =	vmul.f32 v19, v0;
	v54 =	vld.idx.msk [tilespmem:v8+s22+$0x0], $0xffff  }
0x26c: {  	v26 =	vshrl.u32 v20, $0x10;
	v55 =	vld.idx.msk [tilespmem:v9+s22+$0x0], $0xffff;
	[tilespmem:s14+$0x190] =	vst v14  }
0x26d: {  	v14 =	vshrl.u32 v18, $0x10;
	v21 =	vadd.f32 v15, v21;
	v56 =	vld.idx.msk [tilespmem:v10+s22+$0x0], $0xffff  }
0x26e: {  	v15 =	vshrl.u32 v16, $0x10;
	v57 =	vld.idx.msk [tilespmem:v11+s22+$0x0], $0xffff  }
0x26f: {  	v19 =	vshrl.u32 v17, $0x10;
	v58 =	vld.idx.msk [tilespmem:v12+s22+$0x0], $0xffff;
	[tilespmem:s14+$0x0] =	vst v21  }
0x270: {  	v16 =	vand.u32 $0xFFFF, v16;
	v35 =	vld.idx.msk [tilespmem:v13+s22+$0x0], $0xffff  }
0x271: {  	v17 =	vand.u32 $0xFFFF, v17;
	v34 =	vld.idx.msk [tilespmem:v26+s22+$0x0], $0xffff  }
0x272: {  	v18 =	vand.u32 $0xFFFF, v18;
	v32 =	vld.idx.msk [tilespmem:v14+s22+$0x0], $0xffff  }
0x273: {  	v20 =	vand.u32 $0xFFFF, v20;
	v31 =	vld.idx.msk [tilespmem:v15+s22+$0x0], $0xffff  }
0x274: {  	v21 =	vand.u32 $0xFFFF, v52;
	v59 =	vld.idx.msk [tilespmem:v19+s22+$0x0], $0xffff  }
0x275: {  	v22 =	vand.u32 $0xFFFF, v51;
	v30 =	vld.idx.msk [tilespmem:v16+s22+$0x0], $0xffff  }
0x276: {  	v23 =	vand.u32 $0xFFFF, v50;
	v51 =	vld.idx.msk [tilespmem:v17+s22+$0x0], $0xffff  }
0x277: {  	v24 =	vand.u32 $0xFFFF, v49;
	v50 =	vld.idx.msk [tilespmem:v18+s22+$0x0], $0xffff  }
0x278: {  	v25 =	vand.u32 $0xFFFF, v48;
	v49 =	vld.idx.msk [tilespmem:v20+s22+$0x0], $0xffff  }
0x279: {  	v27 =	vand.u32 $0xFFFF, v47;
	v48 =	vld.idx.msk [tilespmem:v21+s22+$0x0], $0xffff  }
0x27a: {  	v28 =	vand.u32 $0xFFFF, v45;
	v47 =	vld.idx.msk [tilespmem:v22+s22+$0x0], $0xffff  }
0x27b: {  	v29 =	vand.u32 $0xFFFF, v44;
	v45 =	vld.idx.msk [tilespmem:v23+s22+$0x0], $0xffff  }
0x27c: {  	v44 =	vmax.bf16 v30, v51;
	v30 =	vand.u32 $0xFFFF, v42;
	v51 =	vld.idx.msk [tilespmem:v24+s22+$0x0], $0xffff  }
0x27d: {  	v42 =	vmax.bf16 v31, v59;
	v31 =	vand.u32 $0xFFFF, v40;
	v44 =	vmax.bf16 v44, v50;
	v50 =	vld.idx.msk [tilespmem:v25+s22+$0x0], $0xffff  }
0x27e: {  	s16 =	sadd.s32 $0x10, s16;
	v40 =	vmax.bf16 v42, v32;
	v32 =	vand.u32 $0xFFFF, v38;
	v42 =	vmax.bf16 v44, v49;
	v44 =	vld.idx.msk [tilespmem:v27+s22+$0x0], $0xffff  }
0x27f: {  	p0 =	slt.u32 s16, $0x180;
	v38 =	vmax.bf16 v40, v34;
	v34 =	vand.u32 $0xFFFF, v37;
	v40 =	vmax.bf16 v42, v48;
	v48 =	vld.idx.msk [tilespmem:v28+s22+$0x0], $0xffff  }
0x280: {  	v37 =	vmax.bf16 v38, v35;
	v35 =	vand.u32 $0xFFFF, v33;
	v38 =	vmax.bf16 v40, v47;
	v47 =	vld.idx.msk [tilespmem:v29+s22+$0x0], $0xffff  }
0x281: {  	v33 =	vmax.bf16 v37, v58;
	v38 =	vmax.bf16 v38, v45;
	v37 =	vld.idx.msk [tilespmem:v30+s22+$0x0], $0xffff  }
.Ltmp2:
0x282: {  	v33 =	vmax.bf16 v33, v57;
	v40 =	vmax.bf16 v38, v51;
	v38 =	vld.idx.msk [tilespmem:v31+s22+$0x0], $0xffff;
	(pc) =	sbr.rel @p0 .LBB2_7-.Ltmp2, $4  }
0x283: {  	v33 =	vmax.bf16 v33, v56;
	v42 =	vmax.bf16 v40, v50;
	v40 =	vld.idx.msk [tilespmem:v32+s22+$0x0], $0xffff  }
0x284: {  	v33 =	vmax.bf16 v33, v55;
	v44 =	vmax.bf16 v42, v44;
	v42 =	vld.idx.msk [tilespmem:v34+s22+$0x0], $0xffff  }
0x285: {  	s15 =	sadd.s32 $0x10, s15;
	v33 =	vmax.bf16 v33, v54;
	v48 =	vmax.bf16 v44, v48;
	v44 =	vld.idx.msk [tilespmem:v35+s22+$0x0], $0xffff  }
0x286: {  	s19 =	sadd.s32 $0x10, s19;
	v45 =	vmax.bf16 v33, v53;
	v48 =	vmax.bf16 v48, v47;
	v47 =	vld [tilespmem:s15+$0xFFFFD8F0]  }
0x287: {  	v33 =	vmax.bf16 v45, v46;
	v37 =	vmax.bf16 v48, v37  }
0x288: {  	v33 =	vmax.bf16 v33, v43;
	v37 =	vmax.bf16 v37, v38  }
0x289: {  	v33 =	vmax.bf16 v33, v41;
	v37 =	vmax.bf16 v37, v40  }
0x28a: {  	v33 =	vmax.bf16 v33, v39;
	v37 =	vmax.bf16 v37, v42  }
0x28b: {  	v33 =	vmax.bf16 v33, v36;
	v60 =	vmax.bf16 v37, v44  }
0x28c: {  	v33 =	vmax.bf16 v60, v33  }
0x28d: {  	v61 =	vunpack.i.u.bf16.f32 v47;
	v62 =	vunpack.i.l.bf16.f32 v47;
	v36 =	vunpack.i.l.bf16.f32 v33  }
0x28e: {  	v38 =	vmul.f32 v62, v0;
	v33 =	vunpack.i.u.bf16.f32 v33;
	v36 =	vmul.f32 v36, v1  }
0x28f: {  	v2 =	vadd.s32 $0x2710, v2;
	v37 =	vmul.f32 v61, v0;
	v33 =	vmul.f32 v33, v1  }
0x290: {  	v4 =	vadd.s32 $0x2710, v4;
	v36 =	vadd.f32 v38, v36  }
0x291: {  	v3 =	vadd.s32 $0x2710, v3;
	s14 =	sadd.s32 $0x10, s14;
	v33 =	vadd.f32 v37, v33  }
0x292: {  	v5 =	vadd.s32 $0x2710, v5;
	[tilespmem:s14+$0xFFFFFCE0] =	vst v36  }
0x293: {  	v6 =	vadd.s32 $0x2710, v6;
	[tilespmem:s14+$0xFFFFFE70] =	vst v33  }
0x294: {  	v7 =	vadd.s32 $0x2710, v7;
	v2 =	vld.idx.msk [tilespmem:v2+s22+$0x0], $0xffff  }
0x295: {  	v8 =	vadd.s32 $0x2710, v8;
	v4 =	vld.idx.msk [tilespmem:v4+s22+$0x0], $0xffff  }
0x296: {  	v9 =	vadd.s32 $0x2710, v9;
	v3 =	vld.idx.msk [tilespmem:v3+s22+$0x0], $0xffff  }
0x297: {  	v10 =	vadd.s32 $0x2710, v10;
	v5 =	vld.idx.msk [tilespmem:v5+s22+$0x0], $0xffff  }
0x298: {  	v11 =	vadd.s32 $0x2710, v11;
	v6 =	vld.idx.msk [tilespmem:v6+s22+$0x0], $0xffff  }
0x299: {  	v12 =	vadd.s32 $0x2710, v12;
	v7 =	vld.idx.msk [tilespmem:v7+s22+$0x0], $0xffff  }
0x29a: {  	v13 =	vadd.s32 $0x2710, v13;
	v8 =	vld.idx.msk [tilespmem:v8+s22+$0x0], $0xffff  }
0x29b: {  	v26 =	vadd.s32 $0x2710, v26;
	v9 =	vld.idx.msk [tilespmem:v9+s22+$0x0], $0xffff  }
0x29c: {  	v14 =	vadd.s32 $0x2710, v14;
	v10 =	vld.idx.msk [tilespmem:v10+s22+$0x0], $0xffff  }
0x29d: {  	v15 =	vadd.s32 $0x2710, v15;
	v11 =	vld.idx.msk [tilespmem:v11+s22+$0x0], $0xffff  }
0x29e: {  	v19 =	vadd.s32 $0x2710, v19;
	v12 =	vld.idx.msk [tilespmem:v12+s22+$0x0], $0xffff  }
0x29f: {  	v16 =	vadd.s32 $0x2710, v16;
	v13 =	vld.idx.msk [tilespmem:v13+s22+$0x0], $0xffff  }
0x2a0: {  	v17 =	vadd.s32 $0x2710, v17;
	v26 =	vld.idx.msk [tilespmem:v26+s22+$0x0], $0xffff  }
0x2a1: {  	v18 =	vadd.s32 $0x2710, v18;
	v14 =	vld.idx.msk [tilespmem:v14+s22+$0x0], $0xffff  }
0x2a2: {  	v20 =	vadd.s32 $0x2710, v20;
	v15 =	vld.idx.msk [tilespmem:v15+s22+$0x0], $0xffff  }
0x2a3: {  	v21 =	vadd.s32 $0x2710, v21;
	v19 =	vld.idx.msk [tilespmem:v19+s22+$0x0], $0xffff  }
0x2a4: {  	v22 =	vadd.s32 $0x2710, v22;
	v16 =	vld.idx.msk [tilespmem:v16+s22+$0x0], $0xffff  }
0x2a5: {  	v23 =	vadd.s32 $0x2710, v23;
	v17 =	vld.idx.msk [tilespmem:v17+s22+$0x0], $0xffff  }
0x2a6: {  	v24 =	vadd.s32 $0x2710, v24;
	v18 =	vld.idx.msk [tilespmem:v18+s22+$0x0], $0xffff  }
0x2a7: {  	v25 =	vadd.s32 $0x2710, v25;
	v20 =	vld.idx.msk [tilespmem:v20+s22+$0x0], $0xffff  }
0x2a8: {  	v27 =	vadd.s32 $0x2710, v27;
	v21 =	vld.idx.msk [tilespmem:v21+s22+$0x0], $0xffff  }
0x2a9: {  	v28 =	vadd.s32 $0x2710, v28;
	v22 =	vld.idx.msk [tilespmem:v22+s22+$0x0], $0xffff  }
0x2aa: {  	v29 =	vadd.s32 $0x2710, v29;
	v23 =	vld.idx.msk [tilespmem:v23+s22+$0x0], $0xffff;
	v16 =	vmax.bf16 v16, v17  }
0x2ab: {  	v33 =	vadd.s32 $0x2710, v30;
	v63 =	vld.idx.msk [tilespmem:v24+s22+$0x0], $0xffff;
	v15 =	vmax.bf16 v15, v19;
	v16 =	vmax.bf16 v16, v18  }
0x2ac: {  	v37 =	vadd.s32 $0x2710, v31;
	v36 =	vld.idx.msk [tilespmem:v25+s22+$0x0], $0xffff;
	v14 =	vmax.bf16 v15, v14;
	v38 =	vmax.bf16 v16, v20  }
0x2ad: {  	v40 =	vadd.s32 $0x2710, v32;
	v39 =	vld.idx.msk [tilespmem:v27+s22+$0x0], $0xffff;
	v14 =	vmax.bf16 v14, v26;
	v15 =	vmax.bf16 v38, v21  }
0x2ae: {  	v42 =	vadd.s32 $0x2710, v34;
	v41 =	vld.idx.msk [tilespmem:v28+s22+$0x0], $0xffff;
	v13 =	vmax.bf16 v14, v13;
	v43 =	vmax.bf16 v15, v22  }
0x2af: {  	v45 =	vadd.s32 $0x2710, v35;
	v44 =	vld.idx.msk [tilespmem:v29+s22+$0x0], $0xffff;
	v12 =	vmax.bf16 v13, v12;
	v46 =	vmax.bf16 v43, v23  }
0x2b0: {  	v47 =	vld.idx.msk [tilespmem:v33+s22+$0x0], $0xffff;
	v11 =	vmax.bf16 v12, v11;
	v48 =	vmax.bf16 v46, v63  }
0x2b1: {  	v49 =	vld.idx.msk [tilespmem:v37+s22+$0x0], $0xffff;
	v10 =	vmax.bf16 v11, v10;
	v50 =	vmax.bf16 v48, v36  }
0x2b2: {  	v51 =	vld.idx.msk [tilespmem:v40+s22+$0x0], $0xffff;
	v9 =	vmax.bf16 v10, v9;
	v52 =	vmax.bf16 v50, v39  }
0x2b3: {  	v53 =	vld.idx.msk [tilespmem:v42+s22+$0x0], $0xffff;
	v8 =	vmax.bf16 v9, v8;
	v54 =	vmax.bf16 v52, v41  }
0x2b4: {  	v55 =	vld.idx.msk [tilespmem:v45+s22+$0x0], $0xffff;
	v7 =	vmax.bf16 v8, v7;
	v56 =	vmax.bf16 v54, v44  }
0x2b5: {  	v6 =	vmax.bf16 v7, v6;
	v57 =	vmax.bf16 v56, v47  }
0x2b6: {  	v58 =	vld [tilespmem:s15+$0x0];
	v5 =	vmax.bf16 v6, v5;
	v59 =	vmax.bf16 v57, v49  }
0x2b7: {  	v3 =	vmax.bf16 v5, v3;
	v60 =	vmax.bf16 v59, v51  }
0x2b8: {  	v3 =	vmax.bf16 v3, v4;
	v61 =	vmax.bf16 v60, v53  }
0x2b9: {  	v2 =	vmax.bf16 v3, v2;
	v3 =	vmax.bf16 v61, v55  }
0x2ba: {  	v2 =	vmax.bf16 v3, v2  }
0x2bb: {  	v63 =	vunpack.i.l.bf16.f32 v58;
	v3 =	vunpack.i.u.bf16.f32 v58;
	v62 =	vunpack.i.u.bf16.f32 v2  }
0x2bc: {  	v3 =	vmul.f32 v3, v0;
	v2 =	vunpack.i.l.bf16.f32 v2;
	v4 =	vmul.f32 v62, v1  }
0x2bd: {  	v5 =	vmul.f32 v63, v0;
	v2 =	vmul.f32 v2, v1  }
0x2be: {  	p0 =	seq.s32 s7, $0xB;
	v3 =	vadd.f32 v3, v4  }
0x2bf: {  	s12 =	sshrl.u32 @!p0 s12, $0x3;
	v2 =	vadd.f32 v5, v2  }
0x2c0: {  	s12 =	sadd.s32 @!p0 s4, s12;
	[tilespmem:s14+$0x190] =	vst v3  }
0x2c1: {  	s12 =	sadd.s32 @!p0 $0x9F6, s12;
	s15 =	simm.s32 @!p0 $0x104F0;
	[tilespmem:s14+$0x0] =	vst v2;
	s14 =	simm.s32 @!p0 $0x0  }
0x2c2: {  	[tilespmem:s15], [sflag:$0x2] =	stream.linear.gather @!p0 [hbm4b:s12+s14], $0x1A90, $0x38;
	[tilespmem:$0x12C20] =	vst v63  }
0x2c3: {  	s14 =	sadd.s32 s3, s13  }
0x2c4: {  	s12 =	sshrl.u32 s14, $0x3  }
0x2c5: {  	s15 =	sadd.s32 s9, s13;
	s12 =	sadd.s32 s6, s12  }
0x2c6: {  	[hbm4b:s12+s2] =	stream.linear.scatter [tilespmem:s29], [sflag:$0x4], $0x190, $0x38;
	[tilespmem:$0x12C20] =	vst v63  }
0x2c7: {  	s12 =	sshrl.u32 s15, $0x3  }
0x2c8: {  	s16 =	sadd.s32 s10, s13;
	s7 =	sadd.s32 $0x1, s7;
	s12 =	sadd.s32 s6, s12  }
0x2c9: {  	[hbm4b:s12+s2] =	stream.linear.scatter [tilespmem:s30], [sflag:$0x4], $0x190, $0x38;
	[tilespmem:$0x12C20] =	vst v63  }
0x2ca: {  	p0 =	sne.s32 s7, $0xC;
	s12 =	sshrl.u32 s16, $0x3  }
.Ltmp3:
0x2cb: {  	s19 =	sadd.s32 s11, s13;
	s12 =	sadd.s32 s6, s12;
	(pc) =	sbr.rel @p0 .LBB2_4-.Ltmp3, $4  }
0x2cc: {  	[hbm4b:s12+s2] =	stream.linear.scatter [tilespmem:s31], [sflag:$0x4], $0x190, $0x38;
	[tilespmem:$0x12C20] =	vst v63  }
0x2cd: {  	s12 =	sshrl.u32 s19, $0x3  }
0x2ce: {  	s8 =	sadd.s32 $0x320, s8;
	s5 =	sadd.s32 $0x320, s5;
	s12 =	sadd.s32 s6, s12  }
0x2cf: {  	[hbm4b:s12+s2] =	stream.linear.scatter [tilespmem:s0], [sflag:$0x4], $0x190, $0x38;
	[tilespmem:$0x12C20] =	vst v63  }
0x2d0: {  	_ =	swait.ge [sflag:s21], $0x1A90  }
0x2d1: {  	[sflag:s21] =	ssyncset.done $0x0  }
0x2d2: {  	[sflag:s21] =	ssyncadd.s32 $0xFFFFE570  }
0x2d3: {  	_ =	swait.ge [sflag:s1], $0x190  }
0x2d4: {  	[sflag:s1] =	ssyncset.done $0x0  }
0x2d5: {  	[sflag:s1] =	ssyncadd.s32 $0xFFFFFE70  }
0x2d6: {  	_ =	swait.ge [sflag:s1], $0x190  }
0x2d7: {  	[sflag:s1] =	ssyncset.done $0x0  }
0x2d8: {  	[sflag:s1] =	ssyncadd.s32 $0xFFFFFE70  }
0x2d9: {  	_ =	swait.ge [sflag:s1], $0x190  }
0x2da: {  	[sflag:s1] =	ssyncset.done $0x0  }
0x2db: {  	[sflag:s1] =	ssyncadd.s32 $0xFFFFFE70  }
0x2dc: {  	_ =	swait.ge [sflag:s1], $0x190  }
0x2dd: {  	[sflag:s1] =	ssyncset.done $0x0  }
0x2de: {  	s5 =	simm.s32 $0xF6E0;
	[sflag:s1] =	ssyncadd.s32 $0xFFFFFE70  }
0x2df: {  	v2 =	vld [tilespmem:s5+$0xC80]  }
0x2e0: {  	v3 =	vld [tilespmem:s5+$0xAF0]  }
0x2e1: {  	v4 =	vld [tilespmem:s5+$0x960]  }
0x2e2: {  	v5 =	vld [tilespmem:s5+$0x7D0]  }
0x2e3: {  	v6 =	vld [tilespmem:s5+$0x640]  }
0x2e4: {  	v7 =	vld [tilespmem:s5+$0x4B0]  }
0x2e5: {  	v8 =	vld [tilespmem:s5+$0x320]  }
0x2e6: {  	v9 =	vld [tilespmem:s5+$0x190]  }
0x2e7: {  	v10 =	vld [tilespmem:s5+$0x0]  }
0x2e8: {  	v11 =	vld [tilespmem:s5+$0xFFFFFE70]  }
0x2e9: {  	v12 =	vld [tilespmem:s5+$0xFFFFFCE0]  }
0x2ea: {  	v13 =	vld [tilespmem:s5+$0xFFFFFB50]  }
0x2eb: {  	v14 =	vld [tilespmem:s5+$0xFFFFF9C0];
	v15 =	vshrl.u32 v3, $0x10  }
0x2ec: {  	v16 =	vld [tilespmem:s5+$0xFFFFF830];
	v17 =	vshrl.u32 v4, $0x10  }
0x2ed: {  	v18 =	vld [tilespmem:s5+$0xFFFFF6A0];
	v35 =	vshrl.u32 v8, $0x10  }
0x2ee: {  	v20 =	vld [tilespmem:s5+$0xFFFFF380];
	v36 =	vshrl.u32 v9, $0x10  }
0x2ef: {  	v22 =	vld [tilespmem:s5+$0xFFFFF510];
	v38 =	vshrl.u32 v10, $0x10  }
0x2f0: {  	v39 =	vshrl.u32 v11, $0x10;
	v23 =	vld.idx.msk [tilespmem:v15+s22+$0x0], $0xffff  }
0x2f1: {  	v40 =	vshrl.u32 v12, $0x10;
	v24 =	vld.idx.msk [tilespmem:v17+s22+$0x0], $0xffff  }
0x2f2: {  	v41 =	vshrl.u32 v13, $0x10;
	v29 =	vld.idx.msk [tilespmem:v35+s22+$0x0], $0xffff  }
0x2f3: {  	v42 =	vshrl.u32 v14, $0x10;
	v30 =	vld.idx.msk [tilespmem:v36+s22+$0x0], $0xffff  }
0x2f4: {  	v43 =	vshrl.u32 v16, $0x10;
	v31 =	vld.idx.msk [tilespmem:v38+s22+$0x0], $0xffff  }
0x2f5: {  	v58 =	vshrl.u32 v18, $0x10;
	v32 =	vld.idx.msk [tilespmem:v39+s22+$0x0], $0xffff  }
0x2f6: {  	v45 =	vshrl.u32 v20, $0x10;
	v33 =	vld.idx.msk [tilespmem:v40+s22+$0x0], $0xffff  }
0x2f7: {  	v46 =	vshrl.u32 v22, $0x10;
	v34 =	vld.idx.msk [tilespmem:v41+s22+$0x0], $0xffff  }
0x2f8: {  	v20 =	vand.u32 $0xFFFF, v20;
	v37 =	vld.idx.msk [tilespmem:v42+s22+$0x0], $0xffff  }
0x2f9: {  	v47 =	vand.u32 $0xFFFF, v22;
	v22 =	vld.idx.msk [tilespmem:v43+s22+$0x0], $0xffff  }
0x2fa: {  	v18 =	vand.u32 $0xFFFF, v18;
	v48 =	vld.idx.msk [tilespmem:v58+s22+$0x0], $0xffff  }
0x2fb: {  	v16 =	vand.u32 $0xFFFF, v16;
	v49 =	vld.idx.msk [tilespmem:v45+s22+$0x0], $0xffff  }
0x2fc: {  	v14 =	vand.u32 $0xFFFF, v14;
	v50 =	vld.idx.msk [tilespmem:v46+s22+$0x0], $0xffff  }
0x2fd: {  	v13 =	vand.u32 $0xFFFF, v13;
	v51 =	vld.idx.msk [tilespmem:v20+s22+$0x0], $0xffff  }
0x2fe: {  	v12 =	vand.u32 $0xFFFF, v12;
	v52 =	vld.idx.msk [tilespmem:v47+s22+$0x0], $0xffff  }
0x2ff: {  	v11 =	vand.u32 $0xFFFF, v11;
	v53 =	vld.idx.msk [tilespmem:v18+s22+$0x0], $0xffff  }
0x300: {  	v10 =	vand.u32 $0xFFFF, v10;
	v54 =	vld.idx.msk [tilespmem:v16+s22+$0x0], $0xffff  }
0x301: {  	v9 =	vand.u32 $0xFFFF, v9;
	v55 =	vld.idx.msk [tilespmem:v14+s22+$0x0], $0xffff  }
0x302: {  	v8 =	vand.u32 $0xFFFF, v8;
	v56 =	vld.idx.msk [tilespmem:v13+s22+$0x0], $0xffff  }
0x303: {  	v26 =	vshrl.u32 v7, $0x10;
	v7 =	vand.u32 $0xFFFF, v7;
	v57 =	vld.idx.msk [tilespmem:v12+s22+$0x0], $0xffff;
	v51 =	vmax.bf16 v51, v52  }
0x304: {  	v19 =	vshrl.u32 v5, $0x10;
	v59 =	vld.idx.msk [tilespmem:v11+s22+$0x0], $0xffff;
	v49 =	vmax.bf16 v49, v50;
	v60 =	vmax.bf16 v51, v53  }
0x305: {  	v21 =	vshrl.u32 v6, $0x10;
	v61 =	vld.idx.msk [tilespmem:v10+s22+$0x0], $0xffff;
	v48 =	vmax.bf16 v49, v48;
	v62 =	vmax.bf16 v60, v54  }
0x306: {  	v50 =	vld.idx.msk [tilespmem:v9+s22+$0x0], $0xffff;
	v22 =	vmax.bf16 v48, v22;
	v63 =	vmax.bf16 v62, v55  }
0x307: {  	v44 =	vld.idx.msk [tilespmem:v8+s22+$0x0], $0xffff;
	v22 =	vmax.bf16 v22, v37;
	v55 =	vmax.bf16 v63, v56  }
0x308: {  	v48 =	vld.idx.msk [tilespmem:v7+s22+$0x0], $0xffff;
	v22 =	vmax.bf16 v22, v34;
	v56 =	vmax.bf16 v55, v57  }
0x309: {  	v5 =	vand.u32 $0xFFFF, v5;
	v25 =	vld.idx.msk [tilespmem:v19+s22+$0x0], $0xffff;
	v22 =	vmax.bf16 v22, v33;
	v59 =	vmax.bf16 v56, v59  }
0x30a: {  	v4 =	vand.u32 $0xFFFF, v4;
	v27 =	vld.idx.msk [tilespmem:v21+s22+$0x0], $0xffff;
	v22 =	vmax.bf16 v22, v32;
	v61 =	vmax.bf16 v59, v61  }
0x30b: {  	s7 =	simm.s32 $0xE8D0;
	v3 =	vand.u32 $0xFFFF, v3;
	v28 =	vld.idx.msk [tilespmem:v26+s22+$0x0], $0xffff;
	v22 =	vmax.bf16 v22, v31;
	v31 =	vmax.bf16 v61, v50  }
0x30c: {  	s8 =	simm.s32 $0xF6F0;
	v6 =	vand.u32 $0xFFFF, v6;
	v53 =	vld [tilespmem:s7+$0xFFFFD8F0];
	v22 =	vmax.bf16 v22, v30;
	v30 =	vmax.bf16 v31, v44  }
0x30d: {  	v2 =	vand.u32 $0xFFFF, v2;
	v22 =	vmax.bf16 v22, v29;
	v29 =	vmax.bf16 v30, v48;
	v30 =	vld [tilespmem:s8+$0xC80]  }
0x30e: {  	v60 =	vld.idx.msk [tilespmem:v5+s22+$0x0], $0xffff  }
0x30f: {  	v62 =	vld.idx.msk [tilespmem:v4+s22+$0x0], $0xffff  }
0x310: {  	v63 =	vld.idx.msk [tilespmem:v3+s22+$0x0], $0xffff  }
0x311: {  	v57 =	vld.idx.msk [tilespmem:v6+s22+$0x0], $0xffff  }
0x312: {  	v44 =	vld.idx.msk [tilespmem:v2+s22+$0x0], $0xffff;
	[tilespmem:$0x1FEE0] =	vst v30  }
0x313: {  	v30 =	vld [tilespmem:s8+$0xAF0];
	_ =	sdelay $0x4  }
0x314: {  	v22 =	vmax.bf16 v22, v28;
	v28 =	vmax.bf16 v29, v57;
	[tilespmem:$0x1FED0] =	vst v30  }
0x315: {  	v22 =	vmax.bf16 v22, v27;
	v27 =	vmax.bf16 v28, v60;
	v28 =	vld [tilespmem:s8+$0x960];
	_ =	sdelay $0x4  }
0x316: {  	[tilespmem:$0x1FEC0] =	vst v28  }
0x317: {  	v31 =	vld [tilespmem:s8+$0x640];
	_ =	sdelay $0x2  }
0x318: {  	v22 =	vmax.bf16 v22, v25;
	v25 =	vmax.bf16 v27, v62  }
0x319: {  	v22 =	vmax.bf16 v22, v24;
	v24 =	vmax.bf16 v25, v63  }
0x31a: {  	v22 =	vmax.bf16 v22, v23;
	v23 =	vmax.bf16 v24, v44;
	v24 =	vunpack.i.u.bf16.f32 v53;
	v34 =	vld [tilespmem:s8+$0x7D0];
	[tilespmem:$0x1FEB0] =	vst v31  }
0x31b: {  	v55 =	vmul.f32 v24, v0;
	v24 =	vld [tilespmem:s8+$0xFFFFFE70];
	_ =	sdelay $0x1  }
0x31c: {  	v22 =	vmax.bf16 v23, v22;
	v50 =	vld [tilespmem:s8+$0x4B0]  }
0x31d: {  	v25 =	vunpack.i.l.bf16.f32 v53;
	v23 =	vunpack.i.l.bf16.f32 v22;
	v32 =	vld [tilespmem:s8+$0x320]  }
0x31e: {  	v54 =	vmul.f32 v25, v0;
	v23 =	vmul.f32 v23, v1;
	v33 =	vld [tilespmem:s8+$0x190]  }
0x31f: {  	v25 =	vld [tilespmem:s8+$0x0];
	[tilespmem:$0x1FE60] =	vst v24  }
0x320: {  	v37 =	vadd.f32 v54, v23;
	v23 =	vld [tilespmem:s8+$0xFFFFFCE0];
	_ =	sdelay $0x1  }
0x321: {  	v22 =	vunpack.i.u.bf16.f32 v22  }
0x322: {  	v15 =	vadd.s32 $0x2710, v15;
	v22 =	vmul.f32 v22, v1;
	_ =	sdelay $0x1  }
0x323: {  	s5 =	simm.s32 $0x122A0;
	v48 =	vadd.f32 v55, v22;
	[tilespmem:$0x1FE70] =	vst v23  }
0x324: {  	[tilespmem:s5+$0xFFFFFCE0] =	vst v37  }
0x325: {  	[tilespmem:s5+$0xFFFFFE70] =	vst v48  }
0x326: {  	v15 =	vld.idx.msk [tilespmem:v15+s22+$0x0], $0xffff  }
0x327: {  	v17 =	vadd.s32 $0x2710, v17;
	_ =	sdelay $0x2  }
0x328: {  	v24 =	vld [tilespmem:s8+$0xFFFFFB50]  }
0x329: {  	v49 =	vld [tilespmem:s8+$0xFFFFF9C0];
	[tilespmem:$0x1FEA0] =	vst v15  }
0x32a: {  	v17 =	vld.idx.msk [tilespmem:v17+s22+$0x0], $0xffff  }
0x32b: {  	v19 =	vadd.s32 $0x2710, v19;
	_ =	sdelay $0x3  }
0x32c: {  	[tilespmem:$0x1FE90] =	vst v17  }
0x32d: {  	v19 =	vld.idx.msk [tilespmem:v19+s22+$0x0], $0xffff  }
0x32e: {  	v21 =	vadd.s32 $0x2710, v21  }
0x32f: {  	v26 =	vadd.s32 $0x2710, v26  }
0x330: {  	v56 =	vadd.s32 $0x2710, v35  }
0x331: {  	v15 =	vadd.s32 $0x2710, v36  }
0x332: {  	v17 =	vadd.s32 $0x2710, v38;
	[tilespmem:$0x1FE80] =	vst v19  }
0x333: {  	v57 =	vadd.s32 $0x2710, v42;
	v38 =	vld.idx.msk [tilespmem:v21+s22+$0x0], $0xffff  }
0x334: {  	v59 =	vadd.s32 $0x2710, v46;
	v21 =	vadd.s32 $0x2710, v40;
	v40 =	vld.idx.msk [tilespmem:v26+s22+$0x0], $0xffff  }
0x335: {  	v60 =	vadd.s32 $0x2710, v47;
	v48 =	vld.idx.msk [tilespmem:v56+s22+$0x0], $0xffff  }
0x336: {  	v14 =	vadd.s32 $0x2710, v14;
	v37 =	vld.idx.msk [tilespmem:v15+s22+$0x0], $0xffff  }
0x337: {  	v13 =	vadd.s32 $0x2710, v13;
	v15 =	vadd.s32 $0x2710, v43;
	v43 =	vld.idx.msk [tilespmem:v17+s22+$0x0], $0xffff  }
0x338: {  	v12 =	vadd.s32 $0x2710, v12;
	v17 =	vadd.s32 $0x2710, v58;
	v58 =	vadd.s32 $0x2710, v45;
	v45 =	vld.idx.msk [tilespmem:v57+s22+$0x0], $0xffff  }
0x339: {  	v11 =	vadd.s32 $0x2710, v11;
	v51 =	vld.idx.msk [tilespmem:v59+s22+$0x0], $0xffff  }
0x33a: {  	v10 =	vadd.s32 $0x2710, v10;
	v47 =	vld.idx.msk [tilespmem:v60+s22+$0x0], $0xffff  }
0x33b: {  	v9 =	vadd.s32 $0x2710, v9;
	v14 =	vld.idx.msk [tilespmem:v14+s22+$0x0], $0xffff  }
0x33c: {  	v8 =	vadd.s32 $0x2710, v8;
	v52 =	vld.idx.msk [tilespmem:v13+s22+$0x0], $0xffff  }
0x33d: {  	v6 =	vadd.s32 $0x2710, v6;
	v53 =	vld.idx.msk [tilespmem:v12+s22+$0x0], $0xffff  }
0x33e: {  	v5 =	vadd.s32 $0x2710, v5;
	v54 =	vld.idx.msk [tilespmem:v11+s22+$0x0], $0xffff  }
0x33f: {  	v4 =	vadd.s32 $0x2710, v4;
	v55 =	vld.idx.msk [tilespmem:v10+s22+$0x0], $0xffff  }
0x340: {  	v3 =	vadd.s32 $0x2710, v3;
	v56 =	vld.idx.msk [tilespmem:v9+s22+$0x0], $0xffff  }
0x341: {  	v2 =	vadd.s32 $0x2710, v2;
	v57 =	vld.idx.msk [tilespmem:v8+s22+$0x0], $0xffff  }
0x342: {  	v59 =	vld.idx.msk [tilespmem:v6+s22+$0x0], $0xffff  }
0x343: {  	v19 =	vadd.s32 $0x2710, v39;
	v60 =	vld.idx.msk [tilespmem:v5+s22+$0x0], $0xffff  }
0x344: {  	v16 =	vadd.s32 $0x2710, v16;
	v61 =	vld.idx.msk [tilespmem:v4+s22+$0x0], $0xffff  }
0x345: {  	v62 =	vld.idx.msk [tilespmem:v3+s22+$0x0], $0xffff  }
0x346: {  	v63 =	vld.idx.msk [tilespmem:v2+s22+$0x0], $0xffff  }
0x347: {  	v26 =	vadd.s32 $0x2710, v41;
	v42 =	vld [tilespmem:s7+$0x0]  }
0x348: {  	v35 =	vld.idx.msk [tilespmem:v19+s22+$0x0], $0xffff  }
0x349: {  	v19 =	vld.idx.msk [tilespmem:v16+s22+$0x0], $0xffff  }
0x34a: {  	v16 =	vld [tilespmem:s8+$0xFFFFF380]  }
0x34b: {  	v20 =	vadd.s32 $0x2710, v20;
	v29 =	vld.idx.msk [tilespmem:v21+s22+$0x0], $0xffff  }
0x34c: {  	v7 =	vadd.s32 $0x2710, v7;
	v26 =	vld.idx.msk [tilespmem:v26+s22+$0x0], $0xffff  }
0x34d: {  	v18 =	vadd.s32 $0x2710, v18;
	v23 =	vld.idx.msk [tilespmem:v15+s22+$0x0], $0xffff  }
0x34e: {  	v22 =	vld.idx.msk [tilespmem:v17+s22+$0x0], $0xffff  }
0x34f: {  	v46 =	vld.idx.msk [tilespmem:v58+s22+$0x0], $0xffff  }
0x350: {  	v17 =	vld.idx.msk [tilespmem:v20+s22+$0x0], $0xffff  }
0x351: {  	v58 =	vld.idx.msk [tilespmem:v7+s22+$0x0], $0xffff;
	v7 =	vshrl.u32 v32, $0x10  }
0x352: {  	v2 =	vshrl.u32 v30, $0x10;
	v15 =	vld.idx.msk [tilespmem:v18+s22+$0x0], $0xffff  }
0x353: {  	v4 =	vshrl.u32 v28, $0x10;
	v21 =	vld [tilespmem:s8+$0xFFFFF830]  }
0x354: {  	v3 =	vshrl.u32 v34, $0x10;
	v20 =	vld [tilespmem:s8+$0xFFFFF6A0]  }
0x355: {  	v5 =	vshrl.u32 v31, $0x10;
	v18 =	vld [tilespmem:s8+$0xFFFFF510]  }
0x356: {  	v6 =	vshrl.u32 v50, $0x10;
	v12 =	vmax.bf16 v17, v47;
	v17 =	vld.idx.msk [tilespmem:v7+s22+$0x0], $0xffff  }
0x357: {  	v36 =	vld.idx.msk [tilespmem:v2+s22+$0x0], $0xffff  }
0x358: {  	v39 =	vld.idx.msk [tilespmem:v4+s22+$0x0], $0xffff  }
0x359: {  	v41 =	vld.idx.msk [tilespmem:v3+s22+$0x0], $0xffff  }
0x35a: {  	v44 =	vld.idx.msk [tilespmem:v5+s22+$0x0], $0xffff;
	v13 =	vmax.bf16 v46, v51  }
0x35b: {  	v47 =	vld.idx.msk [tilespmem:v6+s22+$0x0], $0xffff;
	[tilespmem:$0x1FEF0] =	vst v17;
	v17 =	vmax.bf16 v13, v22  }
0x35c: {  	v17 =	vmax.bf16 v17, v23  }
0x35d: {  	v17 =	vmax.bf16 v17, v45  }
0x35e: {  	v15 =	vmax.bf16 v12, v15;
	v17 =	vmax.bf16 v17, v26  }
0x35f: {  	v15 =	vmax.bf16 v15, v19;
	v22 =	vmax.bf16 v17, v29  }
0x360: {  	v15 =	vmax.bf16 v15, v14;
	v22 =	vmax.bf16 v22, v35  }
0x361: {  	v19 =	vmax.bf16 v15, v52;
	v22 =	vmax.bf16 v22, v43  }
0x362: {  	v19 =	vmax.bf16 v19, v53;
	v22 =	vmax.bf16 v22, v37  }
0x363: {  	v27 =	vld [tilespmem:$0x1FE70];
	v9 =	vshrl.u32 v25, $0x10;
	v19 =	vmax.bf16 v19, v54;
	v22 =	vmax.bf16 v22, v48  }
0x364: {  	v12 =	vshrl.u32 v24, $0x10;
	v23 =	vmax.bf16 v19, v55;
	v22 =	vmax.bf16 v22, v40  }
0x365: {  	v31 =	vmovc v25;
	v23 =	vmax.bf16 v23, v56;
	v25 =	vmax.bf16 v22, v38;
	v22 =	vand.u32 $0xFFFF, v24;
	v24 =	vld [tilespmem:$0x1FE80]  }
0x366: {  	v8 =	vshrl.u32 v33, $0x10;
	v23 =	vmax.bf16 v23, v57  }
0x367: {  	v23 =	vmax.bf16 v23, v58  }
0x368: {  	v11 =	vshrl.u32 v27, $0x10;
	v23 =	vmax.bf16 v23, v59  }
0x369: {  	v28 =	vld [tilespmem:$0x1FE60];
	v15 =	vshrl.u32 v16, $0x10;
	v16 =	vand.u32 $0xFFFF, v16;
	v23 =	vmax.bf16 v23, v60  }
0x36a: {  	v24 =	vmax.bf16 v25, v24;
	v25 =	vmax.bf16 v23, v61;
	v23 =	vand.u32 $0xFFFF, v27;
	v27 =	vld [tilespmem:$0x1FE90]  }
0x36b: {  	v51 =	vld.idx.msk [tilespmem:v8+s22+$0x0], $0xffff;
	v17 =	vand.u32 $0xFFFF, v18  }
0x36c: {  	v46 =	vld.idx.msk [tilespmem:v9+s22+$0x0], $0xffff;
	v19 =	vshrl.u32 v18, $0x10;
	v18 =	vand.u32 $0xFFFF, v20  }
0x36d: {  	v14 =	vshrl.u32 v20, $0x10;
	v52 =	vld.idx.msk [tilespmem:v11+s22+$0x0], $0xffff;
	v20 =	vand.u32 $0xFFFF, v21  }
0x36e: {  	v30 =	vmov v34;
	v34 =	vmov v32;
	v32 =	vld.idx.msk [tilespmem:v16+s22+$0x0], $0xffff  }
0x36f: {  	v10 =	vshrl.u32 v28, $0x10;
	v27 =	vmax.bf16 v24, v27;
	v24 =	vand.u32 $0xFFFF, v28;
	v28 =	vld [tilespmem:$0x1FEA0]  }
0x370: {  	v40 =	vld.idx.msk [tilespmem:v17+s22+$0x0], $0xffff  }
0x371: {  	v13 =	vshrl.u32 v49, $0x10;
	v61 =	vld.idx.msk [tilespmem:v18+s22+$0x0], $0xffff  }
0x372: {  	v37 =	vld.idx.msk [tilespmem:v20+s22+$0x0], $0xffff  }
0x373: {  	v53 =	vld.idx.msk [tilespmem:v12+s22+$0x0], $0xffff;
	v25 =	vmax.bf16 v25, v62  }
0x374: {  	v45 =	vld.idx.msk [tilespmem:v10+s22+$0x0], $0xffff;
	v29 =	vmax.bf16 v25, v63;
	v27 =	vmax.bf16 v27, v28  }
0x375: {  	v26 =	vshrl.u32 v21, $0x10;
	v56 =	vld.idx.msk [tilespmem:v15+s22+$0x0], $0xffff;
	v58 =	vmax.bf16 v29, v27;
	v29 =	vmax.bf16 v32, v40  }
0x376: {  	v21 =	vand.u32 $0xFFFF, v49;
	v54 =	vld.idx.msk [tilespmem:v13+s22+$0x0], $0xffff;
	v32 =	vmax.bf16 v29, v61  }
0x377: {  	v37 =	vmax.bf16 v32, v37;
	v32 =	vand.u32 $0xFFFF, v30;
	v30 =	vld [tilespmem:$0x1FEC0]  }
0x378: {  	v35 =	vld.idx.msk [tilespmem:v19+s22+$0x0], $0xffff  }
0x379: {  	v43 =	vld.idx.msk [tilespmem:v14+s22+$0x0], $0xffff  }
0x37a: {  	v57 =	vld.idx.msk [tilespmem:v26+s22+$0x0], $0xffff  }
0x37b: {  	v59 =	vld.idx.msk [tilespmem:v21+s22+$0x0], $0xffff;
	v25 =	vand.u32 $0xFFFF, v31  }
0x37c: {  	v27 =	vand.u32 $0xFFFF, v33;
	v33 =	vand.u32 $0xFFFF, v30;
	v30 =	vld [tilespmem:$0x1FED0]  }
0x37d: {  	v31 =	vmax.bf16 v56, v35;
	v35 =	vld.idx.msk [tilespmem:v22+s22+$0x0], $0xffff  }
0x37e: {  	v62 =	vunpack.i.u.bf16.f32 v42;
	v28 =	vand.u32 $0xFFFF, v34;
	v61 =	vmax.bf16 v31, v43;
	v31 =	vld [tilespmem:$0x1FEB0]  }
0x37f: {  	v38 =	vld.idx.msk [tilespmem:v23+s22+$0x0], $0xffff;
	v40 =	vmul.f32 v62, v0;
	v60 =	vunpack.i.u.bf16.f32 v58;
	v29 =	vand.u32 $0xFFFF, v50  }
0x380: {  	v48 =	vld.idx.msk [tilespmem:v25+s22+$0x0], $0xffff;
	v49 =	vunpack.i.l.bf16.f32 v58;
	v34 =	vmax.bf16 v61, v57;
	v50 =	vmul.f32 v60, v1  }
0x381: {  	v43 =	vld.idx.msk [tilespmem:v24+s22+$0x0], $0xffff;
	v54 =	vmax.bf16 v34, v54;
	v34 =	vand.u32 $0xFFFF, v30;
	v30 =	vunpack.i.l.bf16.f32 v42  }
0x382: {  	v62 =	vld [tilespmem:$0x1FEE0];
	v49 =	vmul.f32 v49, v1;
	v30 =	vmul.f32 v30, v0  }
0x383: {  	v37 =	vmax.bf16 v37, v59;
	v60 =	vld.idx.msk [tilespmem:v28+s22+$0x0], $0xffff;
	v50 =	vadd.f32 v40, v50;
	v31 =	vand.u32 $0xFFFF, v31  }
0x384: {  	v37 =	vmax.bf16 v37, v35;
	v63 =	vld.idx.msk [tilespmem:v27+s22+$0x0], $0xffff;
	v30 =	vadd.f32 v30, v49  }
0x385: {  	v38 =	vmax.bf16 v37, v38;
	v61 =	vld.idx.msk [tilespmem:v29+s22+$0x0], $0xffff;
	[tilespmem:s5+$0x190] =	vst v50  }
0x386: {  	v53 =	vmax.bf16 v54, v53;
	v43 =	vmax.bf16 v38, v43;
	v38 =	vld.idx.msk [tilespmem:v32+s22+$0x0], $0xffff;
	[tilespmem:s5+$0x0] =	vst v30  }
0x387: {  	v35 =	vand.u32 $0xFFFF, v62;
	v52 =	vmax.bf16 v53, v52;
	v30 =	vld [tilespmem:$0x1FEF0]  }
0x388: {  	s7 =	simm.s32 $0xE8E0;
	v45 =	vmax.bf16 v52, v45;
	v37 =	vld.idx.msk [tilespmem:v31+s22+$0x0], $0xffff  }
0x389: {  	v43 =	vmax.bf16 v43, v48;
	v45 =	vmax.bf16 v45, v46;
	v46 =	vld [tilespmem:s7+$0xFFFFD8F0]  }
0x38a: {  	v43 =	vmax.bf16 v43, v63;
	v40 =	vld.idx.msk [tilespmem:v33+s22+$0x0], $0xffff  }
0x38b: {  	v45 =	vmax.bf16 v45, v51;
	v63 =	vmax.bf16 v43, v60;
	v42 =	vld.idx.msk [tilespmem:v34+s22+$0x0], $0xffff  }
0x38c: {  	s12 =	simm.s32 $0xF700;
	s8 =	simm.s32 $0x10;
	v43 =	vld.idx.msk [tilespmem:v35+s22+$0x0], $0xffff;
	v48 =	vmax.bf16 v63, v61;
	v45 =	vmax.bf16 v45, v30  }
.LBB2_10:
0x38d: {  	v30 =	vld [tilespmem:s12+$0xC80];
	v45 =	vmax.bf16 v45, v47;
	v47 =	vmax.bf16 v48, v37  }
0x38e: {  	v37 =	vld [tilespmem:s12+$0xAF0];
	v44 =	vmax.bf16 v45, v44;
	v45 =	vmax.bf16 v47, v38  }
0x38f: {  	v38 =	vld [tilespmem:s12+$0x960];
	v41 =	vmax.bf16 v44, v41;
	v44 =	vmax.bf16 v45, v40  }
0x390: {  	v40 =	vld [tilespmem:s12+$0x7D0];
	v39 =	vmax.bf16 v41, v39;
	v41 =	vmax.bf16 v44, v42  }
0x391: {  	v42 =	vld [tilespmem:s12+$0x640];
	v36 =	vmax.bf16 v39, v36;
	v39 =	vmax.bf16 v41, v43  }
0x392: {  	v43 =	vld [tilespmem:s12+$0x4B0];
	v36 =	vmax.bf16 v39, v36  }
0x393: {  	v41 =	vunpack.i.u.bf16.f32 v46;
	v44 =	vunpack.i.l.bf16.f32 v46;
	v45 =	vld [tilespmem:s12+$0x320];
	v39 =	vunpack.i.l.bf16.f32 v36  }
0x394: {  	v44 =	vmul.f32 v44, v0;
	v36 =	vunpack.i.u.bf16.f32 v36;
	v46 =	vld [tilespmem:s12+$0x190];
	v39 =	vmul.f32 v39, v1  }
0x395: {  	v2 =	vadd.s32 $0x2710, v2;
	v41 =	vmul.f32 v41, v0;
	v36 =	vmul.f32 v36, v1;
	v48 =	vld [tilespmem:s12+$0x0]  }
0x396: {  	v4 =	vadd.s32 $0x2710, v4;
	v49 =	vld [tilespmem:s12+$0xFFFFFE70];
	v39 =	vadd.f32 v44, v39  }
0x397: {  	v3 =	vadd.s32 $0x2710, v3;
	s5 =	sadd.s32 $0x10, s5;
	v36 =	vadd.f32 v41, v36;
	v50 =	vld [tilespmem:s12+$0xFFFFFCE0]  }
0x398: {  	v5 =	vadd.s32 $0x2710, v5;
	v51 =	vld [tilespmem:s12+$0xFFFFFB50];
	[tilespmem:s5+$0xFFFFFCE0] =	vst v39  }
0x399: {  	v6 =	vadd.s32 $0x2710, v6;
	v52 =	vld [tilespmem:s12+$0xFFFFF9C0];
	[tilespmem:s5+$0xFFFFFE70] =	vst v36  }
0x39a: {  	v36 =	vadd.s32 $0x2710, v7;
	v39 =	vld.idx.msk [tilespmem:v2+s22+$0x0], $0xffff  }
0x39b: {  	v2 =	vadd.s32 $0x2710, v8;
	v7 =	vld.idx.msk [tilespmem:v4+s22+$0x0], $0xffff  }
0x39c: {  	v4 =	vadd.s32 $0x2710, v9;
	v8 =	vld.idx.msk [tilespmem:v3+s22+$0x0], $0xffff  }
0x39d: {  	v3 =	vadd.s32 $0x2710, v10;
	v5 =	vld.idx.msk [tilespmem:v5+s22+$0x0], $0xffff  }
0x39e: {  	v9 =	vadd.s32 $0x2710, v11;
	v6 =	vld.idx.msk [tilespmem:v6+s22+$0x0], $0xffff  }
0x39f: {  	v10 =	vadd.s32 $0x2710, v12;
	v11 =	vld.idx.msk [tilespmem:v36+s22+$0x0], $0xffff  }
0x3a0: {  	v12 =	vadd.s32 $0x2710, v13;
	v2 =	vld.idx.msk [tilespmem:v2+s22+$0x0], $0xffff  }
0x3a1: {  	v13 =	vadd.s32 $0x2710, v26;
	v4 =	vld.idx.msk [tilespmem:v4+s22+$0x0], $0xffff  }
0x3a2: {  	v14 =	vadd.s32 $0x2710, v14;
	v3 =	vld.idx.msk [tilespmem:v3+s22+$0x0], $0xffff  }
0x3a3: {  	v15 =	vadd.s32 $0x2710, v15;
	v9 =	vld.idx.msk [tilespmem:v9+s22+$0x0], $0xffff  }
0x3a4: {  	v19 =	vadd.s32 $0x2710, v19;
	v10 =	vld.idx.msk [tilespmem:v10+s22+$0x0], $0xffff  }
0x3a5: {  	v16 =	vadd.s32 $0x2710, v16;
	v12 =	vld.idx.msk [tilespmem:v12+s22+$0x0], $0xffff  }
0x3a6: {  	v17 =	vadd.s32 $0x2710, v17;
	v13 =	vld.idx.msk [tilespmem:v13+s22+$0x0], $0xffff  }
0x3a7: {  	v18 =	vadd.s32 $0x2710, v18;
	v14 =	vld.idx.msk [tilespmem:v14+s22+$0x0], $0xffff  }
0x3a8: {  	v20 =	vadd.s32 $0x2710, v20;
	v15 =	vld.idx.msk [tilespmem:v15+s22+$0x0], $0xffff  }
0x3a9: {  	v21 =	vadd.s32 $0x2710, v21;
	v19 =	vld.idx.msk [tilespmem:v19+s22+$0x0], $0xffff  }
0x3aa: {  	v22 =	vadd.s32 $0x2710, v22;
	v16 =	vld.idx.msk [tilespmem:v16+s22+$0x0], $0xffff  }
0x3ab: {  	v23 =	vadd.s32 $0x2710, v23;
	v17 =	vld.idx.msk [tilespmem:v17+s22+$0x0], $0xffff  }
0x3ac: {  	v24 =	vadd.s32 $0x2710, v24;
	v18 =	vld.idx.msk [tilespmem:v18+s22+$0x0], $0xffff  }
0x3ad: {  	v25 =	vadd.s32 $0x2710, v25;
	v20 =	vld.idx.msk [tilespmem:v20+s22+$0x0], $0xffff  }
0x3ae: {  	v26 =	vadd.s32 $0x2710, v27;
	v21 =	vld.idx.msk [tilespmem:v21+s22+$0x0], $0xffff  }
0x3af: {  	v27 =	vadd.s32 $0x2710, v28;
	v22 =	vld.idx.msk [tilespmem:v22+s22+$0x0], $0xffff  }
0x3b0: {  	v28 =	vadd.s32 $0x2710, v29;
	v23 =	vld.idx.msk [tilespmem:v23+s22+$0x0], $0xffff  }
0x3b1: {  	v16 =	vmax.bf16 v16, v17;
	v17 =	vld.idx.msk [tilespmem:v24+s22+$0x0], $0xffff;
	v24 =	vadd.s32 $0x2710, v31  }
0x3b2: {  	v15 =	vmax.bf16 v15, v19;
	v19 =	vadd.s32 $0x2710, v32;
	v16 =	vmax.bf16 v16, v18;
	v18 =	vld.idx.msk [tilespmem:v25+s22+$0x0], $0xffff  }
0x3b3: {  	v14 =	vmax.bf16 v15, v14;
	v15 =	vmax.bf16 v16, v20;
	v20 =	vadd.s32 $0x2710, v33;
	v16 =	vld.idx.msk [tilespmem:v26+s22+$0x0], $0xffff  }
0x3b4: {  	v13 =	vmax.bf16 v14, v13;
	v14 =	vmax.bf16 v15, v21;
	v21 =	vadd.s32 $0x2710, v34;
	v15 =	vld.idx.msk [tilespmem:v27+s22+$0x0], $0xffff  }
0x3b5: {  	v12 =	vmax.bf16 v13, v12;
	v13 =	vmax.bf16 v14, v22;
	v22 =	vadd.s32 $0x2710, v35;
	v14 =	vld.idx.msk [tilespmem:v28+s22+$0x0], $0xffff  }
0x3b6: {  	v10 =	vmax.bf16 v12, v10;
	v12 =	vmax.bf16 v13, v23;
	v13 =	vld.idx.msk [tilespmem:v24+s22+$0x0], $0xffff  }
0x3b7: {  	v9 =	vmax.bf16 v10, v9;
	v10 =	vmax.bf16 v12, v17;
	v12 =	vld.idx.msk [tilespmem:v19+s22+$0x0], $0xffff  }
0x3b8: {  	v3 =	vmax.bf16 v9, v3;
	v9 =	vmax.bf16 v10, v18;
	v10 =	vld.idx.msk [tilespmem:v20+s22+$0x0], $0xffff  }
0x3b9: {  	v3 =	vmax.bf16 v3, v4;
	v4 =	vmax.bf16 v9, v16;
	v9 =	vld.idx.msk [tilespmem:v21+s22+$0x0], $0xffff  }
0x3ba: {  	v3 =	vmax.bf16 v3, v2;
	v4 =	vmax.bf16 v4, v15;
	v15 =	vld.idx.msk [tilespmem:v22+s22+$0x0], $0xffff  }
0x3bb: {  	v2 =	vshrl.u32 v37, $0x10;
	v3 =	vmax.bf16 v3, v11;
	v11 =	vmax.bf16 v4, v14;
	v20 =	vld [tilespmem:s12+$0xFFFFF830]  }
0x3bc: {  	v6 =	vmax.bf16 v3, v6;
	v4 =	vshrl.u32 v38, $0x10;
	v11 =	vmax.bf16 v11, v13;
	v18 =	vld [tilespmem:s12+$0xFFFFF6A0]  }
0x3bd: {  	v3 =	vshrl.u32 v40, $0x10;
	v6 =	vmax.bf16 v6, v5;
	v11 =	vmax.bf16 v11, v12;
	v12 =	vld [tilespmem:s7+$0x0]  }
0x3be: {  	v5 =	vshrl.u32 v42, $0x10;
	v8 =	vmax.bf16 v6, v8;
	v10 =	vmax.bf16 v11, v10;
	v16 =	vld [tilespmem:s12+$0xFFFFF380]  }
0x3bf: {  	v6 =	vshrl.u32 v43, $0x10;
	v8 =	vmax.bf16 v8, v7;
	v9 =	vmax.bf16 v10, v9;
	v17 =	vld [tilespmem:s12+$0xFFFFF510]  }
0x3c0: {  	v7 =	vshrl.u32 v45, $0x10;
	v10 =	vmax.bf16 v8, v39;
	v9 =	vmax.bf16 v9, v15;
	v36 =	vld.idx.msk [tilespmem:v2+s22+$0x0], $0xffff  }
0x3c1: {  	v8 =	vshrl.u32 v46, $0x10;
	v13 =	vmax.bf16 v9, v10;
	v39 =	vld.idx.msk [tilespmem:v4+s22+$0x0], $0xffff  }
0x3c2: {  	v9 =	vshrl.u32 v48, $0x10;
	v11 =	vunpack.i.u.bf16.f32 v13;
	v41 =	vld.idx.msk [tilespmem:v3+s22+$0x0], $0xffff;
	v14 =	vunpack.i.u.bf16.f32 v12  }
0x3c3: {  	v10 =	vshrl.u32 v49, $0x10;
	v15 =	vmul.f32 v11, v1;
	v44 =	vld.idx.msk [tilespmem:v5+s22+$0x0], $0xffff;
	v14 =	vmul.f32 v14, v0  }
0x3c4: {  	v13 =	vunpack.i.l.bf16.f32 v13;
	v11 =	vshrl.u32 v50, $0x10;
	v19 =	vunpack.i.l.bf16.f32 v12;
	v47 =	vld.idx.msk [tilespmem:v6+s22+$0x0], $0xffff  }
0x3c5: {  	v12 =	vshrl.u32 v51, $0x10;
	v21 =	vmul.f32 v13, v1;
	v53 =	vld.idx.msk [tilespmem:v7+s22+$0x0], $0xffff;
	v14 =	vadd.f32 v14, v15  }
0x3c6: {  	v13 =	vshrl.u32 v52, $0x10;
	v15 =	vmul.f32 v19, v0;
	v54 =	vld.idx.msk [tilespmem:v8+s22+$0x0], $0xffff  }
0x3c7: {  	v26 =	vshrl.u32 v20, $0x10;
	v55 =	vld.idx.msk [tilespmem:v9+s22+$0x0], $0xffff;
	[tilespmem:s5+$0x190] =	vst v14  }
0x3c8: {  	v14 =	vshrl.u32 v18, $0x10;
	v21 =	vadd.f32 v15, v21;
	v56 =	vld.idx.msk [tilespmem:v10+s22+$0x0], $0xffff  }
0x3c9: {  	v15 =	vshrl.u32 v16, $0x10;
	v57 =	vld.idx.msk [tilespmem:v11+s22+$0x0], $0xffff  }
0x3ca: {  	v19 =	vshrl.u32 v17, $0x10;
	v58 =	vld.idx.msk [tilespmem:v12+s22+$0x0], $0xffff;
	[tilespmem:s5+$0x0] =	vst v21  }
0x3cb: {  	v16 =	vand.u32 $0xFFFF, v16;
	v35 =	vld.idx.msk [tilespmem:v13+s22+$0x0], $0xffff  }
0x3cc: {  	v17 =	vand.u32 $0xFFFF, v17;
	v34 =	vld.idx.msk [tilespmem:v26+s22+$0x0], $0xffff  }
0x3cd: {  	v18 =	vand.u32 $0xFFFF, v18;
	v33 =	vld.idx.msk [tilespmem:v14+s22+$0x0], $0xffff  }
0x3ce: {  	v20 =	vand.u32 $0xFFFF, v20;
	v32 =	vld.idx.msk [tilespmem:v15+s22+$0x0], $0xffff  }
0x3cf: {  	v21 =	vand.u32 $0xFFFF, v52;
	v59 =	vld.idx.msk [tilespmem:v19+s22+$0x0], $0xffff  }
0x3d0: {  	v22 =	vand.u32 $0xFFFF, v51;
	v31 =	vld.idx.msk [tilespmem:v16+s22+$0x0], $0xffff  }
0x3d1: {  	v23 =	vand.u32 $0xFFFF, v50;
	v51 =	vld.idx.msk [tilespmem:v17+s22+$0x0], $0xffff  }
0x3d2: {  	v24 =	vand.u32 $0xFFFF, v49;
	v50 =	vld.idx.msk [tilespmem:v18+s22+$0x0], $0xffff  }
0x3d3: {  	v25 =	vand.u32 $0xFFFF, v48;
	v49 =	vld.idx.msk [tilespmem:v20+s22+$0x0], $0xffff  }
0x3d4: {  	v27 =	vand.u32 $0xFFFF, v46;
	v48 =	vld.idx.msk [tilespmem:v21+s22+$0x0], $0xffff  }
0x3d5: {  	v28 =	vand.u32 $0xFFFF, v45;
	v46 =	vld.idx.msk [tilespmem:v22+s22+$0x0], $0xffff  }
0x3d6: {  	v29 =	vand.u32 $0xFFFF, v43;
	v45 =	vld.idx.msk [tilespmem:v23+s22+$0x0], $0xffff  }
0x3d7: {  	v43 =	vmax.bf16 v31, v51;
	v31 =	vand.u32 $0xFFFF, v42;
	v51 =	vld.idx.msk [tilespmem:v24+s22+$0x0], $0xffff  }
0x3d8: {  	v42 =	vmax.bf16 v32, v59;
	v32 =	vand.u32 $0xFFFF, v40;
	v43 =	vmax.bf16 v43, v50;
	v50 =	vld.idx.msk [tilespmem:v25+s22+$0x0], $0xffff  }
0x3d9: {  	s8 =	sadd.s32 $0x10, s8;
	v40 =	vmax.bf16 v42, v33;
	v33 =	vand.u32 $0xFFFF, v38;
	v42 =	vmax.bf16 v43, v49;
	v43 =	vld.idx.msk [tilespmem:v27+s22+$0x0], $0xffff  }
0x3da: {  	p0 =	slt.u32 s8, $0x180;
	v38 =	vmax.bf16 v40, v34;
	v34 =	vand.u32 $0xFFFF, v37;
	v40 =	vmax.bf16 v42, v48;
	v48 =	vld.idx.msk [tilespmem:v28+s22+$0x0], $0xffff  }
0x3db: {  	v37 =	vmax.bf16 v38, v35;
	v35 =	vand.u32 $0xFFFF, v30;
	v38 =	vmax.bf16 v40, v46;
	v46 =	vld.idx.msk [tilespmem:v29+s22+$0x0], $0xffff  }
0x3dc: {  	v30 =	vmax.bf16 v37, v58;
	v38 =	vmax.bf16 v38, v45;
	v37 =	vld.idx.msk [tilespmem:v31+s22+$0x0], $0xffff  }
.Ltmp4:
0x3dd: {  	v30 =	vmax.bf16 v30, v57;
	v40 =	vmax.bf16 v38, v51;
	v38 =	vld.idx.msk [tilespmem:v32+s22+$0x0], $0xffff;
	(pc) =	sbr.rel @p0 .LBB2_10-.Ltmp4, $4  }
0x3de: {  	v30 =	vmax.bf16 v30, v56;
	v42 =	vmax.bf16 v40, v50;
	v40 =	vld.idx.msk [tilespmem:v33+s22+$0x0], $0xffff  }
0x3df: {  	v30 =	vmax.bf16 v30, v55;
	v43 =	vmax.bf16 v42, v43;
	v42 =	vld.idx.msk [tilespmem:v34+s22+$0x0], $0xffff  }
0x3e0: {  	s7 =	sadd.s32 $0x10, s7;
	v30 =	vmax.bf16 v30, v54;
	v48 =	vmax.bf16 v43, v48;
	v43 =	vld.idx.msk [tilespmem:v35+s22+$0x0], $0xffff  }
0x3e1: {  	s12 =	sadd.s32 $0x10, s12;
	v45 =	vmax.bf16 v30, v53;
	v48 =	vmax.bf16 v48, v46;
	v46 =	vld [tilespmem:s7+$0xFFFFD8F0]  }
0x3e2: {  	v30 =	vmax.bf16 v45, v47;
	v37 =	vmax.bf16 v48, v37  }
0x3e3: {  	v30 =	vmax.bf16 v30, v44;
	v37 =	vmax.bf16 v37, v38  }
0x3e4: {  	v30 =	vmax.bf16 v30, v41;
	v37 =	vmax.bf16 v37, v40  }
0x3e5: {  	v30 =	vmax.bf16 v30, v39;
	v37 =	vmax.bf16 v37, v42  }
0x3e6: {  	v30 =	vmax.bf16 v30, v36;
	v58 =	vmax.bf16 v37, v43  }
0x3e7: {  	v30 =	vmax.bf16 v58, v30  }
0x3e8: {  	v59 =	vunpack.i.u.bf16.f32 v46;
	v60 =	vunpack.i.l.bf16.f32 v46;
	v36 =	vunpack.i.l.bf16.f32 v30  }
0x3e9: {  	v38 =	vmul.f32 v60, v0;
	v30 =	vunpack.i.u.bf16.f32 v30;
	v36 =	vmul.f32 v36, v1  }
0x3ea: {  	v2 =	vadd.s32 $0x2710, v2;
	v37 =	vmul.f32 v59, v0;
	v30 =	vmul.f32 v30, v1  }
0x3eb: {  	v4 =	vadd.s32 $0x2710, v4;
	v36 =	vadd.f32 v38, v36  }
0x3ec: {  	v3 =	vadd.s32 $0x2710, v3;
	s5 =	sadd.s32 $0x10, s5;
	v30 =	vadd.f32 v37, v30  }
0x3ed: {  	v5 =	vadd.s32 $0x2710, v5;
	[tilespmem:s5+$0xFFFFFCE0] =	vst v36  }
0x3ee: {  	v6 =	vadd.s32 $0x2710, v6;
	[tilespmem:s5+$0xFFFFFE70] =	vst v30  }
0x3ef: {  	v7 =	vadd.s32 $0x2710, v7;
	v2 =	vld.idx.msk [tilespmem:v2+s22+$0x0], $0xffff  }
0x3f0: {  	v8 =	vadd.s32 $0x2710, v8;
	v4 =	vld.idx.msk [tilespmem:v4+s22+$0x0], $0xffff  }
0x3f1: {  	v9 =	vadd.s32 $0x2710, v9;
	v3 =	vld.idx.msk [tilespmem:v3+s22+$0x0], $0xffff  }
0x3f2: {  	v10 =	vadd.s32 $0x2710, v10;
	v5 =	vld.idx.msk [tilespmem:v5+s22+$0x0], $0xffff  }
0x3f3: {  	v11 =	vadd.s32 $0x2710, v11;
	v6 =	vld.idx.msk [tilespmem:v6+s22+$0x0], $0xffff  }
0x3f4: {  	v12 =	vadd.s32 $0x2710, v12;
	v7 =	vld.idx.msk [tilespmem:v7+s22+$0x0], $0xffff  }
0x3f5: {  	v13 =	vadd.s32 $0x2710, v13;
	v8 =	vld.idx.msk [tilespmem:v8+s22+$0x0], $0xffff  }
0x3f6: {  	v26 =	vadd.s32 $0x2710, v26;
	v9 =	vld.idx.msk [tilespmem:v9+s22+$0x0], $0xffff  }
0x3f7: {  	v14 =	vadd.s32 $0x2710, v14;
	v10 =	vld.idx.msk [tilespmem:v10+s22+$0x0], $0xffff  }
0x3f8: {  	v15 =	vadd.s32 $0x2710, v15;
	v11 =	vld.idx.msk [tilespmem:v11+s22+$0x0], $0xffff  }
0x3f9: {  	v19 =	vadd.s32 $0x2710, v19;
	v12 =	vld.idx.msk [tilespmem:v12+s22+$0x0], $0xffff  }
0x3fa: {  	v16 =	vadd.s32 $0x2710, v16;
	v13 =	vld.idx.msk [tilespmem:v13+s22+$0x0], $0xffff  }
0x3fb: {  	v17 =	vadd.s32 $0x2710, v17;
	v26 =	vld.idx.msk [tilespmem:v26+s22+$0x0], $0xffff  }
0x3fc: {  	v18 =	vadd.s32 $0x2710, v18;
	v14 =	vld.idx.msk [tilespmem:v14+s22+$0x0], $0xffff  }
0x3fd: {  	v20 =	vadd.s32 $0x2710, v20;
	v15 =	vld.idx.msk [tilespmem:v15+s22+$0x0], $0xffff  }
0x3fe: {  	v21 =	vadd.s32 $0x2710, v21;
	v19 =	vld.idx.msk [tilespmem:v19+s22+$0x0], $0xffff  }
0x3ff: {  	v22 =	vadd.s32 $0x2710, v22;
	v16 =	vld.idx.msk [tilespmem:v16+s22+$0x0], $0xffff  }
0x400: {  	v23 =	vadd.s32 $0x2710, v23;
	v17 =	vld.idx.msk [tilespmem:v17+s22+$0x0], $0xffff  }
0x401: {  	v24 =	vadd.s32 $0x2710, v24;
	v18 =	vld.idx.msk [tilespmem:v18+s22+$0x0], $0xffff  }
0x402: {  	v25 =	vadd.s32 $0x2710, v25;
	v20 =	vld.idx.msk [tilespmem:v20+s22+$0x0], $0xffff  }
0x403: {  	v27 =	vadd.s32 $0x2710, v27;
	v21 =	vld.idx.msk [tilespmem:v21+s22+$0x0], $0xffff  }
0x404: {  	v28 =	vadd.s32 $0x2710, v28;
	v22 =	vld.idx.msk [tilespmem:v22+s22+$0x0], $0xffff  }
0x405: {  	v29 =	vadd.s32 $0x2710, v29;
	v23 =	vld.idx.msk [tilespmem:v23+s22+$0x0], $0xffff;
	v16 =	vmax.bf16 v16, v17  }
0x406: {  	v62 =	vadd.s32 $0x2710, v31;
	v61 =	vld.idx.msk [tilespmem:v24+s22+$0x0], $0xffff;
	v15 =	vmax.bf16 v15, v19;
	v16 =	vmax.bf16 v16, v18  }
0x407: {  	v30 =	vadd.s32 $0x2710, v32;
	v63 =	vld.idx.msk [tilespmem:v25+s22+$0x0], $0xffff;
	v14 =	vmax.bf16 v15, v14;
	v31 =	vmax.bf16 v16, v20  }
0x408: {  	v33 =	vadd.s32 $0x2710, v33;
	v32 =	vld.idx.msk [tilespmem:v27+s22+$0x0], $0xffff;
	v14 =	vmax.bf16 v14, v26;
	v15 =	vmax.bf16 v31, v21  }
0x409: {  	v37 =	vadd.s32 $0x2710, v34;
	v36 =	vld.idx.msk [tilespmem:v28+s22+$0x0], $0xffff;
	v13 =	vmax.bf16 v14, v13;
	v38 =	vmax.bf16 v15, v22  }
0x40a: {  	v40 =	vadd.s32 $0x2710, v35;
	v39 =	vld.idx.msk [tilespmem:v29+s22+$0x0], $0xffff;
	v12 =	vmax.bf16 v13, v12;
	v41 =	vmax.bf16 v38, v23  }
0x40b: {  	v42 =	vld.idx.msk [tilespmem:v62+s22+$0x0], $0xffff;
	v11 =	vmax.bf16 v12, v11;
	v43 =	vmax.bf16 v41, v61  }
0x40c: {  	v44 =	vld.idx.msk [tilespmem:v30+s22+$0x0], $0xffff;
	v10 =	vmax.bf16 v11, v10;
	v45 =	vmax.bf16 v43, v63  }
0x40d: {  	v46 =	vld.idx.msk [tilespmem:v33+s22+$0x0], $0xffff;
	v9 =	vmax.bf16 v10, v9;
	v47 =	vmax.bf16 v45, v32  }
0x40e: {  	v48 =	vld.idx.msk [tilespmem:v37+s22+$0x0], $0xffff;
	v8 =	vmax.bf16 v9, v8;
	v49 =	vmax.bf16 v47, v36  }
0x40f: {  	v50 =	vld.idx.msk [tilespmem:v40+s22+$0x0], $0xffff;
	v7 =	vmax.bf16 v8, v7;
	v51 =	vmax.bf16 v49, v39  }
0x410: {  	v6 =	vmax.bf16 v7, v6;
	v52 =	vmax.bf16 v51, v42  }
0x411: {  	v53 =	vld [tilespmem:s7+$0x0];
	v5 =	vmax.bf16 v6, v5;
	v54 =	vmax.bf16 v52, v44  }
0x412: {  	v3 =	vmax.bf16 v5, v3;
	v55 =	vmax.bf16 v54, v46  }
0x413: {  	v3 =	vmax.bf16 v3, v4;
	v56 =	vmax.bf16 v55, v48  }
0x414: {  	v2 =	vmax.bf16 v3, v2;
	v57 =	vmax.bf16 v56, v50  }
0x415: {  	v2 =	vmax.bf16 v57, v2  }
0x416: {  	v58 =	vunpack.i.u.bf16.f32 v53;
	v60 =	vunpack.i.l.bf16.f32 v53;
	v59 =	vunpack.i.u.bf16.f32 v2  }
0x417: {  	v3 =	vmul.f32 v58, v0;
	v2 =	vunpack.i.l.bf16.f32 v2;
	v4 =	vmul.f32 v59, v1  }
0x418: {  	v62 =	vmul.f32 v60, v0;
	v61 =	vmul.f32 v2, v1  }
0x419: {  	v63 =	vadd.f32 v3, v4  }
0x41a: {  	v0 =	vadd.f32 v62, v61  }
0x41b: {  	[tilespmem:s5+$0x190] =	vst v63  }
0x41c: {  	[tilespmem:s5+$0x0] =	vst v0  }
0x41d: {  	s5 =	rddreg [dreg:$0x6]  }
0x41e: {  	[hbm4b:s5+s2] =	stream.linear.scatter [tilespmem:s23], [sflag:$0x3], $0x190, $0x38;
	[tilespmem:$0x12C20] =	vst v63  }
0x41f: {  	s14 =	rddreg [dreg:$0x7]  }
0x420: {  	[hbm4b:s14+s2] =	stream.linear.scatter [tilespmem:s24], [sflag:$0x3], $0x190, $0x38;
	[tilespmem:$0x12C20] =	vst v63  }
0x421: {  	s15 =	rddreg [dreg:$0x8]  }
0x422: {  	[hbm4b:s15+s2] =	stream.linear.scatter [tilespmem:s25], [sflag:$0x3], $0x190, $0x38;
	[tilespmem:$0x12C20] =	vst v63  }
0x423: {  	s16 =	rddreg [dreg:$0x9]  }
0x424: {  	[hbm4b:s16+s2] =	stream.linear.scatter [tilespmem:s26], [sflag:$0x3], $0x190, $0x38;
	[tilespmem:$0x12C20] =	vst v63  }
0x425: {  	_ =	swait.ge [sflag:s1], $0x190  }
0x426: {  	[sflag:s1] =	ssyncset.done $0x0  }
0x427: {  	[sflag:s1] =	ssyncadd.s32 $0xFFFFFE70  }
0x428: {  	_ =	swait.ge [sflag:s1], $0x190  }
0x429: {  	[sflag:s1] =	ssyncset.done $0x0  }
0x42a: {  	[sflag:s1] =	ssyncadd.s32 $0xFFFFFE70  }
0x42b: {  	_ =	swait.ge [sflag:s1], $0x190  }
0x42c: {  	[sflag:s1] =	ssyncset.done $0x0  }
0x42d: {  	[sflag:s1] =	ssyncadd.s32 $0xFFFFFE70  }
0x42e: {  	_ =	swait.ge [sflag:s1], $0x190  }
0x42f: {  	[sflag:s1] =	ssyncset.done $0x0  }
0x430: {  	[sflag:s1] =	ssyncadd.s32 $0xFFFFFE70  }
0x431: {  	_ =	swait.ge [sflag:s18], $0x190  }
0x432: {  	[sflag:s18] =	ssyncset.done $0x0  }
0x433: {  	[sflag:s18] =	ssyncadd.s32 $0xFFFFFE70  }
0x434: {  	_ =	swait.ge [sflag:s18], $0x190  }
0x435: {  	[sflag:s18] =	ssyncset.done $0x0  }
0x436: {  	[sflag:s18] =	ssyncadd.s32 $0xFFFFFE70  }
0x437: {  	_ =	swait.ge [sflag:s18], $0x190  }
0x438: {  	[sflag:s18] =	ssyncset.done $0x0  }
0x439: {  	[sflag:s18] =	ssyncadd.s32 $0xFFFFFE70  }
0x43a: {  	_ =	swait.ge [sflag:s18], $0x190  }
0x43b: {  	s20 =	sadd.s32 $0x1, s20;
	s19 =	rddreg [dreg:$0xa]  }
0x43c: {  	p0 =	sne.s32 s20, s19  }
.Ltmp5:
0x43d: {  	_ = 	snop;
	(pc) =	sbr.rel @p0 .LBB2_1-.Ltmp5, $3  }
0x43e: {  	_ =	sdelay $0x1  }
0x43f: {  	[sflag:s18] =	ssyncset.done $0x0  }
0x440: {  	[sflag:s18] =	ssyncadd.s32 $0xFFFFFE70  }
0x441: {  	_ =	sfence.sel $0x180000  }
0x442: {  	[bflag:$0x0] =	sbarrier.arrive $0xFFFF  }
0x443: {  	_ =	strace $0x90000047  }
0x444: {  	s0 =	stileid.u32;
	[bflag:$0x2] =	sbarrier.arrive $0xFFFF  }
0x445: {  	p0 =	sne.s32 s0, $0x0;
	s0 =	rddreg [dreg:$0x2]  }
0x446: {  	s0 =	sadd.s32 @!p0 $0x100000, s0  }
0x447: {  	[sflag:s0] =	ssyncadd.tile.s32 @!p0 $0x1;
	_ =	shalt  }
.Lfunc_end2:
_tile_overlayer_lowered:
.L_overlay_start_2:
0x448: {  	(tag) =	ssettag $0x2  }
0x449: {  	s0 =	rddreg [dreg:$0x0];
	s2 =	stileid.u32  }
0x44a: {  	s1 =	rddreg [dreg:$0x1];
	p0 =	sne.s32 s2, $0x0  }
0x44b: {  	s3 =	rddreg [dreg:$0x2];
	[bflag:$0x3] =	sbarrier.arrive $0xFFFF;
	s2 =	simm.s32 @!p0 $0x1C05  }
0x44c: {  	[timem:s3], [sflag:s2] =	dma.local @!p0 [hbm:s0], s1  }
0x44d: {  	s0 =	simm.s32 @!p0 $0x5  }
0x44e: {  	_ =	swait.ge @!p0 [sflag:s0], s1  }
0x44f: {  	s1 =	ssub.s32 @!p0 $0x0, s1;
	[sflag:s0] =	ssyncset.done @!p0 $0x0  }
0x450: {  	[sflag:s0] =	ssyncadd.s32 @!p0 s1  }
0x451: {  	[bflag:$0x3] =	sbarrier.arrive $0xFFFF  }
0x452: {  	_ =	shalt  }

</sc_bundles>
